<compile_context>
chip_gen: v7x
topology: tpu7x:2x2x1
jax: 0.10.2.dev20260603
libtpu: 0.0.44.dev20260713+nightly
codegen_flags: <defaults>
</compile_context>

<pallas_src>
import functools

import jax
import jax.numpy as jnp
from jax import lax
from jax.experimental import pallas as pl
from jax.experimental.pallas import tpu as pltpu
from jax.experimental.pallas import tpu_sc as plsc

NC = 2
NS = 16
NW = NC * NS


def _sub_rows(n):
    rps = ((n + NS - 1) // NS + 7) // 8 * 8
    last = n - (NS - 1) * rps
    assert last > 0 and last % 8 == 0 and rps % 8 == 0
    return rps, last


@functools.lru_cache(maxsize=None)
def _make_prop(n, C, E, K):
    ew = E // NW
    nblk = ew // K
    rps, last = _sub_rows(n)

    mesh = plsc.VectorSubcoreMesh(
        core_axis_name="c", subcore_axis_name="s",
        num_cores=NC, num_subcores=NS)

    def body(g_hbm, src_hbm, dst_hbm, zero_hbm, out_hbm,
             sidx_v, didx_v, rows_v, acc_sh, sem):
        cid = lax.axis_index("c")
        sid = lax.axis_index("s")
        wid = sid * NC + cid
        r0 = sid * rps

        @pl.when(sid < NS - 1)
        def _():
            pltpu.sync_copy(zero_hbm, acc_sh.at[pl.ds(r0, rps)])

        @pl.when(sid == NS - 1)
        def _():
            pltpu.sync_copy(zero_hbm.at[pl.ds(0, last)],
                            acc_sh.at[pl.ds((NS - 1) * rps, last)])

        plsc.subcore_barrier()

        base = wid * ew

        def step(i, carry):
            off = base + i * K
            pltpu.sync_copy(src_hbm.at[pl.ds(off, K)], sidx_v)
            pltpu.sync_copy(dst_hbm.at[pl.ds(off, K)], didx_v)
            pltpu.async_copy(g_hbm.at[sidx_v], rows_v, sem).wait()
            pltpu.sync_copy(rows_v, acc_sh.at[didx_v], add=True)
            return carry

        lax.fori_loop(0, nblk, step, 0)
        plsc.subcore_barrier()

        @pl.when(sid < NS - 1)
        def _():
            pltpu.sync_copy(acc_sh.at[pl.ds(r0, rps)],
                            out_hbm.at[cid, pl.ds(r0, rps)])

        @pl.when(sid == NS - 1)
        def _():
            pltpu.sync_copy(acc_sh.at[pl.ds((NS - 1) * rps, last)],
                            out_hbm.at[cid, pl.ds((NS - 1) * rps, last)])

    return pl.kernel(
        body,
        out_type=jax.ShapeDtypeStruct((NC, n, C), jnp.float32),
        mesh=mesh,
        compiler_params=pltpu.CompilerParams(use_tc_tiling_on_sc=False),
        scratch_types=[
            pltpu.VMEM((K,), jnp.int32),
            pltpu.VMEM((K,), jnp.int32),
            pltpu.VMEM((K, C), jnp.float32),
            pltpu.VMEM_SHARED((n, C), jnp.float32),
            pltpu.SemaphoreType.DMA,
        ],
    )


def _prop(g, src, dst, zero32):
    n, d = g.shape
    outs = []
    for j in range(d // 32):
        chunk = lax.slice(g, (0, 32 * j), (n, 32 * j + 32))
        outs.append(_make_prop(n, 32, src.shape[0], 200)(
            chunk, src, dst, zero32))
    return jnp.concatenate(outs, axis=-1)


def _k1_body(deg_ref, x_ref, dis_ref, g1_ref):
    deg = deg_ref[0, :, 0:1] + deg_ref[1, :, 0:1] + 1.0
    dis = lax.rsqrt(deg)
    dis_ref[...] = dis
    g1_ref[...] = x_ref[...] * dis


def _k_l1_body(t_ref, g_ref, dis_ref, w1_ref, b1_ref, w2_ref, out_ref):
    dis = dis_ref[...]
    q = (t_ref[0] + t_ref[1] + g_ref[...]) * dis
    h = jnp.maximum(jnp.dot(q, w1_ref[...],
                            preferred_element_type=jnp.float32)
                    + b1_ref[...], 0.0)
    out_ref[...] = dis * jnp.dot(h, w2_ref[...],
                                 preferred_element_type=jnp.float32)


def _k_mid_body(t_ref, g_ref, dis_ref, b_ref, w_ref, out_ref):
    dis = dis_ref[...]
    h = jnp.maximum((t_ref[0] + t_ref[1] + g_ref[...]) * dis + b_ref[...],
                    0.0)
    out_ref[...] = dis * jnp.dot(h, w_ref[...],
                                 preferred_element_type=jnp.float32)


def _k_pool_body(t_ref, g_ref, dis_ref, b_ref, batch_ref, pool_ref):
    i = pl.program_id(0)

    @pl.when(i == 0)
    def _():
        pool_ref[...] = jnp.full_like(pool_ref, -jnp.inf)

    dis = dis_ref[...]
    h = jnp.maximum((t_ref[0] + t_ref[1] + g_ref[...]) * dis + b_ref[...],
                    0.0)
    nb = pool_ref.shape[0]
    batchv = batch_ref[...]
    rows = [jnp.max(jnp.where(batchv == g, h, -jnp.inf), axis=0,
                    keepdims=True)
            for g in range(nb)]
    pool_ref[...] = jnp.maximum(pool_ref[...],
                                jnp.concatenate(rows, axis=0))


def _k_head_body(p_ref, w1_ref, b1_ref, w2_ref, b2_ref, w3_ref, b3_ref,
                 wo_ref, bo_ref, out_ref, feat_ref):
    p = p_ref[...]
    p = jnp.where(jnp.isfinite(p), p, 0.0)
    g = jnp.maximum(jnp.dot(p, w1_ref[...],
                            preferred_element_type=jnp.float32)
                    + b1_ref[...], 0.0)
    g = jnp.maximum(jnp.dot(g, w2_ref[...],
                            preferred_element_type=jnp.float32)
                    + b2_ref[...], 0.0)
    feat = jnp.maximum(jnp.dot(g, w3_ref[...],
                               preferred_element_type=jnp.float32)
                       + b3_ref[...], 0.0)
    feat_ref[...] = feat
    out_ref[...] = jnp.dot(feat, wo_ref[...],
                           preferred_element_type=jnp.float32) + bo_ref[...]


def kernel(x, edge_index, batch, Wc1, bc1, Wc2, bc2, Wc3, bc3, Wc4, bc4,
           Wf1, bf1, Wf2, bf2, Wf3, bf3, Wo, bo):
    n = x.shape[0]
    E = edge_index.shape[1]
    src = edge_index[0]
    dst = edge_index[1]

    rps0, _ = _sub_rows(n)
    zero32 = jnp.zeros((rps0, 32), jnp.float32)

    ones_tab = jnp.ones((n, 32), jnp.float32)
    degp = _make_prop(n, 32, E, 200)(ones_tab, src, dst, zero32)

    x_pad = jnp.pad(x, ((0, 0), (0, 96 - x.shape[1])))
    W1p = jnp.pad(Wc1, ((0, 96 - Wc1.shape[0]), (0, 0)))

    RB = 2000
    grid = (n // RB,)
    seq = pltpu.CompilerParams(dimension_semantics=("arbitrary",))

    dis, g1 = pl.pallas_call(
        _k1_body,
        grid=grid,
        in_specs=[
            pl.BlockSpec((NC, RB, 32), lambda i: (0, i, 0)),
            pl.BlockSpec((RB, 96), lambda i: (i, 0)),
        ],
        out_specs=[
            pl.BlockSpec((RB, 1), lambda i: (i, 0)),
            pl.BlockSpec((RB, 96), lambda i: (i, 0)),
        ],
        out_shape=[
            jax.ShapeDtypeStruct((n, 1), jnp.float32),
            jax.ShapeDtypeStruct((n, 96), jnp.float32),
        ],
        compiler_params=seq,
    )(degp, x_pad)

    t1 = _prop(g1, src, dst, zero32)
    g2 = pl.pallas_call(
        _k_l1_body,
        grid=grid,
        in_specs=[
            pl.BlockSpec((NC, RB, 96), lambda i: (0, i, 0)),
            pl.BlockSpec((RB, 96), lambda i: (i, 0)),
            pl.BlockSpec((RB, 1), lambda i: (i, 0)),
            pl.BlockSpec((96, 256), lambda i: (0, 0)),
            pl.BlockSpec((1, 256), lambda i: (0, 0)),
            pl.BlockSpec((256, 128), lambda i: (0, 0)),
        ],
        out_specs=pl.BlockSpec((RB, 128), lambda i: (i, 0)),
        out_shape=jax.ShapeDtypeStruct((n, 128), jnp.float32),
        compiler_params=seq,
    )(t1, g1, dis, W1p, bc1.reshape(1, -1), Wc2)

    def mid(g, b, Wnext):
        t = _prop(g, src, dst, zero32)
        cin = g.shape[1]
        cout = Wnext.shape[1]
        return pl.pallas_call(
            _k_mid_body,
            grid=grid,
            in_specs=[
                pl.BlockSpec((NC, RB, cin), lambda i: (0, i, 0)),
                pl.BlockSpec((RB, cin), lambda i: (i, 0)),
                pl.BlockSpec((RB, 1), lambda i: (i, 0)),
                pl.BlockSpec((1, cin), lambda i: (0, 0)),
                pl.BlockSpec((cin, cout), lambda i: (0, 0)),
            ],
            out_specs=pl.BlockSpec((RB, cout), lambda i: (i, 0)),
            out_shape=jax.ShapeDtypeStruct((n, cout), jnp.float32),
            compiler_params=seq,
        )(t, g, dis, b.reshape(1, -1), Wnext)

    g3 = mid(g2, bc2, Wc3)
    g4 = mid(g3, bc3, Wc4)

    t4 = _prop(g4, src, dst, zero32)
    PB = 2000
    pooled = pl.pallas_call(
        _k_pool_body,
        grid=(n // PB,),
        in_specs=[
            pl.BlockSpec((NC, PB, 32), lambda i: (0, i, 0)),
            pl.BlockSpec((PB, 32), lambda i: (i, 0)),
            pl.BlockSpec((PB, 1), lambda i: (i, 0)),
            pl.BlockSpec((1, 32), lambda i: (0, 0)),
            pl.BlockSpec((PB, 1), lambda i: (i, 0)),
        ],
        out_specs=pl.BlockSpec((64, 32), lambda i: (0, 0)),
        out_shape=jax.ShapeDtypeStruct((64, 32), jnp.float32),
        compiler_params=seq,
    )(t4, g4, dis, bc4.reshape(1, -1), batch.reshape(n, 1))

    out, feat = pl.pallas_call(
        _k_head_body,
        in_specs=[pl.BlockSpec(s, lambda: (0,) * len(s)) for s in [
            (64, 32), (32, 1024), (1, 1024), (1024, 512), (1, 512),
            (512, 256), (1, 256), (256, 1), (1, 1)]],
        out_specs=[
            pl.BlockSpec((64, 1), lambda: (0, 0)),
            pl.BlockSpec((64, 256), lambda: (0, 0)),
        ],
        out_shape=[
            jax.ShapeDtypeStruct((64, 1), jnp.float32),
            jax.ShapeDtypeStruct((64, 256), jnp.float32),
        ],
    )(pooled, Wf1, bf1.reshape(1, -1), Wf2, bf2.reshape(1, -1),
      Wf3, bf3.reshape(1, -1), Wo, bo.reshape(1, -1))

    return (out, feat)

# --- scband reference (transcript-rebuilt; emitter-appended) ---
"""Pipeline reference for scband-gcnnet-37898791420554 (READ-ONLY COPY).

The authoritative reference and input builder live on the scoring server;
editing this copy changes nothing except your own understanding.
"""

import jax, jax.numpy as jnp
import numpy as np

N = 50000
E = 800000
B = 64

def _gcn_conv(x, src, dst, W, b):
    num_nodes = x.shape[0]
    loop = jnp.arange(num_nodes, dtype=src.dtype)
    s = jnp.concatenate([src, loop])
    d = jnp.concatenate([dst, loop])
    deg = jnp.zeros((num_nodes,), dtype=x.dtype).at[d].add(1.0)
    dis = jnp.where(deg > 0, 1.0 / jnp.sqrt(deg), 0.0)
    norm = dis[s] * dis[d]
    h = x @ W
    msg = h[s] * norm[:, None]
    out = jax.ops.segment_sum(msg, d, num_segments=num_nodes)
    return out + b

def setup_inputs(seed: int = 0):
    key = jax.random.key(seed)
    ks = jax.random.split(key, 24)
    def lin(k, fan_in, fan_out):
        return jax.random.normal(k, (fan_in, fan_out), dtype=jnp.float32) / np.sqrt(fan_in)
    inp = {}
    inp["x"] = jax.random.normal(ks[0], (N, 78), dtype=jnp.float32)
    inp["edge_index"] = jax.random.randint(ks[1], (2, E), 0, N, dtype=jnp.int32)
    inp["batch"] = jnp.sort(jax.random.randint(ks[2], (N,), 0, B, dtype=jnp.int32))
    cdims = [(78, 256), (256, 128), (128, 64), (64, 32)]
    for i, (fi, fo) in enumerate(cdims):
        inp["Wc%d" % (i + 1)] = lin(ks[3 + i], fi, fo)
        inp["bc%d" % (i + 1)] = jnp.zeros((fo,), dtype=jnp.float32)
    fdims = [(32, 1024), (1024, 512), (512, 256), (256, 1)]
    names = ["f1", "f2", "f3", "o"]
    for i in range(4):
        fi, fo = fdims[i]
        inp["W" + names[i]] = lin(ks[8 + i], fi, fo)
        inp["b" + names[i]] = jnp.zeros((fo,), dtype=jnp.float32)
    return inp

def reference(x, edge_index, batch, Wc1, bc1, Wc2, bc2, Wc3, bc3, Wc4, bc4, Wf1, bf1, Wf2, bf2, Wf3, bf3, Wo, bo):
    src, dst = edge_index[0], edge_index[1]
    h = jax.nn.relu(_gcn_conv(x, src, dst, Wc1, bc1))
    h = jax.nn.relu(_gcn_conv(h, src, dst, Wc2, bc2))
    h = jax.nn.relu(_gcn_conv(h, src, dst, Wc3, bc3))
    h = jax.nn.relu(_gcn_conv(h, src, dst, Wc4, bc4))
    pooled = jax.ops.segment_max(h, batch, num_segments=B)
    pooled = jnp.where(jnp.isfinite(pooled), pooled, 0.0)
    g = jax.nn.relu(pooled @ Wf1 + bf1)
    g = jax.nn.relu(g @ Wf2 + bf2)
    feat = jax.nn.relu(g @ Wf3 + bf3)
    out = feat @ Wo + bo
    return (out, feat)

if __name__ == "__main__":
    import jax
    _d = setup_inputs()
    print(jax.jit(kernel)(*tuple(_d.values())))

</pallas_src>

<mosaic_0001>
#map = affine_map<(d0, d1) -> (0, 0)>
#map1 = affine_map<(d0, d1) -> (0)>
#map2 = affine_map<(d0, d1) -> (0, 0, 0)>
module attributes {stable_mosaic.version = 14 : i64} {
  func.func @body(%arg0: i32, %arg1: i32, %arg2: memref<50000x32xf32, #tpu.memory_space<hbm>>, %arg3: memref<800000xi32, #tpu.memory_space<hbm>>, %arg4: memref<800000xi32, #tpu.memory_space<hbm>>, %arg5: memref<3128x32xf32, #tpu.memory_space<hbm>>, %arg6: memref<2x50000x32xf32, #tpu.memory_space<hbm>>, %arg7: memref<200xi32, #tpu.memory_space<vmem>>, %arg8: memref<200xi32, #tpu.memory_space<vmem>>, %arg9: memref<200x32xf32, #tpu.memory_space<vmem>>, %arg10: memref<50000x32xf32, #tpu.memory_space<vmem_shared>>, %arg11: memref<!tpu.dma_semaphore, #tpu.memory_space<semaphore_mem>>) attributes {dimension_semantics = [#tpu.dimension_semantics<core_parallel>, #tpu.dimension_semantics<subcore_parallel>], iteration_bounds = array<i64: 2, 16>, scalar_prefetch = 0 : i64, scratch_operands = 5 : i64, tpu.core_type = #tpu.core_type<sc_vector_subcore>, window_params = [{transform_indices = #map}, {transform_indices = #map1}, {transform_indices = #map1}, {transform_indices = #map}, {transform_indices = #map2}]} {
    %mul3A = arith.constant 2 : i32
    %mul3A_0 = arith.muli %arg1, %mul3A : i32
    %add3A = arith.addi %mul3A_0, %arg0 : i32
    %mul3A_1 = arith.constant 3128 : i32
    %mul3A_2 = arith.muli %arg1, %mul3A_1 : i32
    %lt3A = arith.constant 15 : i32
    %lt3A_3 = arith.cmpi slt, %arg1, %lt3A : i32
    %convert_element_type3A = arith.extui %lt3A_3 : i1 to i32
    %cond3A = arith.constant 0 : i32
    %cond3A_4 = arith.cmpi ne, %convert_element_type3A, %cond3A : i32
    scf.if %cond3A_4 {
      "tpu.region"() ({
        %run_scoped3A = tpu.sem_alloc : memref<!tpu.dma_semaphore, #tpu.memory_space<semaphore_mem>>
        %dma_start3A = arith.constant 0 : i32
        %dma_start3A_27 = tpu.memref_slice %arg10[%mul3A_2, %dma_start3A] : memref<50000x32xf32, #tpu.memory_space<vmem_shared>> -> memref<3128x32xf32, #tpu.memory_space<vmem_shared>>
        tpu.enqueue_dma source(%arg5 : memref<3128x32xf32, #tpu.memory_space<hbm>>) target(%dma_start3A_27 : memref<3128x32xf32, #tpu.memory_space<vmem_shared>>) target_semaphore(%run_scoped3A : memref<!tpu.dma_semaphore, #tpu.memory_space<semaphore_mem>>)
        %dma_wait3A = arith.constant 0 : i32
        %dma_wait3A_28 = tpu.memref_slice %arg10[%mul3A_2, %dma_wait3A] : memref<50000x32xf32, #tpu.memory_space<vmem_shared>> -> memref<3128x32xf32, #tpu.memory_space<vmem_shared>>
        tpu.wait_dma2 semaphore(%run_scoped3A : memref<!tpu.dma_semaphore, #tpu.memory_space<semaphore_mem>>) src(%arg5 : memref<3128x32xf32, #tpu.memory_space<hbm>>) dst(%dma_wait3A_28 : memref<3128x32xf32, #tpu.memory_space<vmem_shared>>)
        tpu.yield
      }) : () -> ()
    } else {
    }
    %eq3A = arith.constant 15 : i32
    %eq3A_5 = arith.cmpi eq, %arg1, %eq3A : i32
    %convert_element_type3A_6 = arith.extui %eq3A_5 : i1 to i32
    %cond3A_7 = arith.constant 0 : i32
    %cond3A_8 = arith.cmpi ne, %convert_element_type3A_6, %cond3A_7 : i32
    scf.if %cond3A_8 {
      "tpu.region"() ({
        %run_scoped3A = tpu.sem_alloc : memref<!tpu.dma_semaphore, #tpu.memory_space<semaphore_mem>>
        %dma_start3A = arith.constant 46920 : i32
        %dma_start3A_27 = arith.constant 0 : i32
        %dma_start3A_28 = tpu.memref_slice %arg10[%dma_start3A, %dma_start3A_27] : memref<50000x32xf32, #tpu.memory_space<vmem_shared>> -> memref<3080x32xf32, #tpu.memory_space<vmem_shared>>
        %dma_start3A_29 = arith.constant 0 : i32
        %dma_start3A_30 = arith.constant 0 : i32
        %dma_start3A_31 = tpu.memref_slice %arg5[%dma_start3A_29, %dma_start3A_30] : memref<3128x32xf32, #tpu.memory_space<hbm>> -> memref<3080x32xf32, #tpu.memory_space<hbm>>
        tpu.enqueue_dma source(%dma_start3A_31 : memref<3080x32xf32, #tpu.memory_space<hbm>>) target(%dma_start3A_28 : memref<3080x32xf32, #tpu.memory_space<vmem_shared>>) target_semaphore(%run_scoped3A : memref<!tpu.dma_semaphore, #tpu.memory_space<semaphore_mem>>)
        %dma_wait3A = arith.constant 46920 : i32
        %dma_wait3A_32 = arith.constant 0 : i32
        %dma_wait3A_33 = tpu.memref_slice %arg10[%dma_wait3A, %dma_wait3A_32] : memref<50000x32xf32, #tpu.memory_space<vmem_shared>> -> memref<3080x32xf32, #tpu.memory_space<vmem_shared>>
        %dma_wait3A_34 = arith.constant 0 : i32
        %dma_wait3A_35 = arith.constant 0 : i32
        %dma_wait3A_36 = tpu.memref_slice %arg5[%dma_wait3A_34, %dma_wait3A_35] : memref<3128x32xf32, #tpu.memory_space<hbm>> -> memref<3080x32xf32, #tpu.memory_space<hbm>>
        tpu.wait_dma2 semaphore(%run_scoped3A : memref<!tpu.dma_semaphore, #tpu.memory_space<semaphore_mem>>) src(%dma_wait3A_36 : memref<3080x32xf32, #tpu.memory_space<hbm>>) dst(%dma_wait3A_33 : memref<3080x32xf32, #tpu.memory_space<vmem_shared>>)
        tpu.yield
      }) : () -> ()
    } else {
    }
    %barrier3A = arith.constant 0 : index
    tpu.barrier barrier_id(%barrier3A)
    %mul3A_9 = arith.constant 25000 : i32
    %mul3A_10 = arith.muli %add3A, %mul3A_9 : i32
    %scan3A = arith.constant 0 : i32
    %scan3A_11 = arith.constant 0 : i32
    %scan3A_12 = arith.constant 125 : i32
    %scan3A_13 = arith.addi %scan3A_11, %scan3A_12 : i32
    %scan3A_14 = arith.constant 1 : i32
    scf.for %scan3A_27 = %scan3A_11 to %scan3A_13 step %scan3A_14  : i32 {
      %mul3A_28 = arith.constant 200 : i32
      %mul3A_29 = arith.muli %scan3A_27, %mul3A_28 : i32
      %add3A_30 = arith.addi %mul3A_10, %mul3A_29 : i32
      "tpu.region"() ({
        %run_scoped3A = tpu.sem_alloc : memref<!tpu.dma_semaphore, #tpu.memory_space<semaphore_mem>>
        %dma_start3A_35 = tpu.memref_slice %arg3[%add3A_30] : memref<800000xi32, #tpu.memory_space<hbm>> -> memref<200xi32, #tpu.memory_space<hbm>>
        %dma_start3A_36 = tpu.memref_slice %arg3[%add3A_30] : memref<800000xi32, #tpu.memory_space<hbm>> -> memref<200xi32, #tpu.memory_space<hbm>>
        tpu.enqueue_dma source(%dma_start3A_36 : memref<200xi32, #tpu.memory_space<hbm>>) target(%arg7 : memref<200xi32, #tpu.memory_space<vmem>>) target_semaphore(%run_scoped3A : memref<!tpu.dma_semaphore, #tpu.memory_space<semaphore_mem>>)
        %dma_wait3A_37 = tpu.memref_slice %arg3[%add3A_30] : memref<800000xi32, #tpu.memory_space<hbm>> -> memref<200xi32, #tpu.memory_space<hbm>>
        %dma_wait3A_38 = tpu.memref_slice %arg3[%add3A_30] : memref<800000xi32, #tpu.memory_space<hbm>> -> memref<200xi32, #tpu.memory_space<hbm>>
        tpu.wait_dma2 semaphore(%run_scoped3A : memref<!tpu.dma_semaphore, #tpu.memory_space<semaphore_mem>>) src(%dma_wait3A_38 : memref<200xi32, #tpu.memory_space<hbm>>) dst(%arg7 : memref<200xi32, #tpu.memory_space<vmem>>)
        tpu.yield
      }) : () -> ()
      "tpu.region"() ({
        %run_scoped3A = tpu.sem_alloc : memref<!tpu.dma_semaphore, #tpu.memory_space<semaphore_mem>>
        %dma_start3A_35 = tpu.memref_slice %arg4[%add3A_30] : memref<800000xi32, #tpu.memory_space<hbm>> -> memref<200xi32, #tpu.memory_space<hbm>>
        %dma_start3A_36 = tpu.memref_slice %arg4[%add3A_30] : memref<800000xi32, #tpu.memory_space<hbm>> -> memref<200xi32, #tpu.memory_space<hbm>>
        tpu.enqueue_dma source(%dma_start3A_36 : memref<200xi32, #tpu.memory_space<hbm>>) target(%arg8 : memref<200xi32, #tpu.memory_space<vmem>>) target_semaphore(%run_scoped3A : memref<!tpu.dma_semaphore, #tpu.memory_space<semaphore_mem>>)
        %dma_wait3A_37 = tpu.memref_slice %arg4[%add3A_30] : memref<800000xi32, #tpu.memory_space<hbm>> -> memref<200xi32, #tpu.memory_space<hbm>>
        %dma_wait3A_38 = tpu.memref_slice %arg4[%add3A_30] : memref<800000xi32, #tpu.memory_space<hbm>> -> memref<200xi32, #tpu.memory_space<hbm>>
        tpu.wait_dma2 semaphore(%run_scoped3A : memref<!tpu.dma_semaphore, #tpu.memory_space<semaphore_mem>>) src(%dma_wait3A_38 : memref<200xi32, #tpu.memory_space<hbm>>) dst(%arg8 : memref<200xi32, #tpu.memory_space<vmem>>)
        tpu.yield
      }) : () -> ()
      %dma_start3A = arith.constant 0 : i32
      %dma_start3A_31 = arith.constant 0 : i32
      %dma_start3A_32 = tpu.memref_slice %arg2[%dma_start3A, %dma_start3A_31] : memref<50000x32xf32, #tpu.memory_space<hbm>> -> memref<50000x32xf32, #tpu.memory_space<hbm>>
      tpu.enqueue_indirect_dma source(%dma_start3A_32 : memref<50000x32xf32, #tpu.memory_space<hbm>>) target(%arg9 : memref<200x32xf32, #tpu.memory_space<vmem>>) offsets(%arg7 : memref<200xi32, #tpu.memory_space<vmem>>) semaphore(%arg11 : memref<!tpu.dma_semaphore, #tpu.memory_space<semaphore_mem>>)
      %dma_wait3A = arith.constant 0 : i32
      %dma_wait3A_33 = arith.constant 0 : i32
      %dma_wait3A_34 = tpu.memref_slice %arg2[%dma_wait3A, %dma_wait3A_33] : memref<50000x32xf32, #tpu.memory_space<hbm>> -> memref<50000x32xf32, #tpu.memory_space<hbm>>
      tpu.wait_indirect_dma semaphore(%arg11 : memref<!tpu.dma_semaphore, #tpu.memory_space<semaphore_mem>>) src(%dma_wait3A_34 : memref<50000x32xf32, #tpu.memory_space<hbm>>) dst(%arg9 : memref<200x32xf32, #tpu.memory_space<vmem>>)
      "tpu.region"() ({
        %run_scoped3A = tpu.sem_alloc : memref<!tpu.dma_semaphore, #tpu.memory_space<semaphore_mem>>
        %dma_start3A_35 = arith.constant 0 : i32
        %dma_start3A_36 = arith.constant 0 : i32
        %dma_start3A_37 = tpu.memref_slice %arg10[%dma_start3A_35, %dma_start3A_36] : memref<50000x32xf32, #tpu.memory_space<vmem_shared>> -> memref<50000x32xf32, #tpu.memory_space<vmem_shared>>
        tpu.enqueue_indirect_dma source(%arg9 : memref<200x32xf32, #tpu.memory_space<vmem>>) target(%dma_start3A_37 : memref<50000x32xf32, #tpu.memory_space<vmem_shared>>) offsets(%arg8 : memref<200xi32, #tpu.memory_space<vmem>>) semaphore(%run_scoped3A : memref<!tpu.dma_semaphore, #tpu.memory_space<semaphore_mem>>) {add = true}
        %dma_wait3A_38 = arith.constant 0 : i32
        %dma_wait3A_39 = arith.constant 0 : i32
        %dma_wait3A_40 = tpu.memref_slice %arg10[%dma_wait3A_38, %dma_wait3A_39] : memref<50000x32xf32, #tpu.memory_space<vmem_shared>> -> memref<50000x32xf32, #tpu.memory_space<vmem_shared>>
        tpu.wait_indirect_dma semaphore(%run_scoped3A : memref<!tpu.dma_semaphore, #tpu.memory_space<semaphore_mem>>) src(%arg9 : memref<200x32xf32, #tpu.memory_space<vmem>>) dst(%dma_wait3A_40 : memref<50000x32xf32, #tpu.memory_space<vmem_shared>>)
        tpu.yield
      }) : () -> ()
    }
    %scan3A_15 = arith.constant 125 : i32
    %barrier3A_16 = arith.constant 0 : index
    tpu.barrier barrier_id(%barrier3A_16)
    %lt3A_17 = arith.constant 15 : i32
    %lt3A_18 = arith.cmpi slt, %arg1, %lt3A_17 : i32
    %convert_element_type3A_19 = arith.extui %lt3A_18 : i1 to i32
    %cond3A_20 = arith.constant 0 : i32
    %cond3A_21 = arith.cmpi ne, %convert_element_type3A_19, %cond3A_20 : i32
    scf.if %cond3A_21 {
      "tpu.region"() ({
        %run_scoped3A = tpu.sem_alloc : memref<!tpu.dma_semaphore, #tpu.memory_space<semaphore_mem>>
        %dma_start3A = arith.constant 0 : i32
        %dma_start3A_27 = tpu.memref_slice %arg6[%arg0, %mul3A_2, %dma_start3A] : memref<2x50000x32xf32, #tpu.memory_space<hbm>> -> memref<1x3128x32xf32, #tpu.memory_space<hbm>>
        %dma_start3A_28 = tpu.memref_squeeze %dma_start3A_27 : memref<1x3128x32xf32, #tpu.memory_space<hbm>> -> memref<3128x32xf32, #tpu.memory_space<hbm>>
        %dma_start3A_29 = arith.constant 0 : i32
        %dma_start3A_30 = tpu.memref_slice %arg10[%mul3A_2, %dma_start3A_29] : memref<50000x32xf32, #tpu.memory_space<vmem_shared>> -> memref<3128x32xf32, #tpu.memory_space<vmem_shared>>
        tpu.enqueue_dma source(%dma_start3A_30 : memref<3128x32xf32, #tpu.memory_space<vmem_shared>>) target(%dma_start3A_28 : memref<3128x32xf32, #tpu.memory_space<hbm>>) target_semaphore(%run_scoped3A : memref<!tpu.dma_semaphore, #tpu.memory_space<semaphore_mem>>)
        %dma_wait3A = arith.constant 0 : i32
        %dma_wait3A_31 = tpu.memref_slice %arg6[%arg0, %mul3A_2, %dma_wait3A] : memref<2x50000x32xf32, #tpu.memory_space<hbm>> -> memref<1x3128x32xf32, #tpu.memory_space<hbm>>
        %dma_wait3A_32 = tpu.memref_squeeze %dma_wait3A_31 : memref<1x3128x32xf32, #tpu.memory_space<hbm>> -> memref<3128x32xf32, #tpu.memory_space<hbm>>
        %dma_wait3A_33 = arith.constant 0 : i32
        %dma_wait3A_34 = tpu.memref_slice %arg10[%mul3A_2, %dma_wait3A_33] : memref<50000x32xf32, #tpu.memory_space<vmem_shared>> -> memref<3128x32xf32, #tpu.memory_space<vmem_shared>>
        tpu.wait_dma2 semaphore(%run_scoped3A : memref<!tpu.dma_semaphore, #tpu.memory_space<semaphore_mem>>) src(%dma_wait3A_34 : memref<3128x32xf32, #tpu.memory_space<vmem_shared>>) dst(%dma_wait3A_32 : memref<3128x32xf32, #tpu.memory_space<hbm>>)
        tpu.yield
      }) : () -> ()
    } else {
    }
    %eq3A_22 = arith.constant 15 : i32
    %eq3A_23 = arith.cmpi eq, %arg1, %eq3A_22 : i32
    %convert_element_type3A_24 = arith.extui %eq3A_23 : i1 to i32
    %cond3A_25 = arith.constant 0 : i32
    %cond3A_26 = arith.cmpi ne, %convert_element_type3A_24, %cond3A_25 : i32
    scf.if %cond3A_26 {
      "tpu.region"() ({
        %run_scoped3A = tpu.sem_alloc : memref<!tpu.dma_semaphore, #tpu.memory_space<semaphore_mem>>
        %dma_start3A = arith.constant 46920 : i32
        %dma_start3A_27 = arith.constant 0 : i32
        %dma_start3A_28 = tpu.memref_slice %arg6[%arg0, %dma_start3A, %dma_start3A_27] : memref<2x50000x32xf32, #tpu.memory_space<hbm>> -> memref<1x3080x32xf32, #tpu.memory_space<hbm>>
        %dma_start3A_29 = tpu.memref_squeeze %dma_start3A_28 : memref<1x3080x32xf32, #tpu.memory_space<hbm>> -> memref<3080x32xf32, #tpu.memory_space<hbm>>
        %dma_start3A_30 = arith.constant 46920 : i32
        %dma_start3A_31 = arith.constant 0 : i32
        %dma_start3A_32 = tpu.memref_slice %arg10[%dma_start3A_30, %dma_start3A_31] : memref<50000x32xf32, #tpu.memory_space<vmem_shared>> -> memref<3080x32xf32, #tpu.memory_space<vmem_shared>>
        tpu.enqueue_dma source(%dma_start3A_32 : memref<3080x32xf32, #tpu.memory_space<vmem_shared>>) target(%dma_start3A_29 : memref<3080x32xf32, #tpu.memory_space<hbm>>) target_semaphore(%run_scoped3A : memref<!tpu.dma_semaphore, #tpu.memory_space<semaphore_mem>>)
        %dma_wait3A = arith.constant 46920 : i32
        %dma_wait3A_33 = arith.constant 0 : i32
        %dma_wait3A_34 = tpu.memref_slice %arg6[%arg0, %dma_wait3A, %dma_wait3A_33] : memref<2x50000x32xf32, #tpu.memory_space<hbm>> -> memref<1x3080x32xf32, #tpu.memory_space<hbm>>
        %dma_wait3A_35 = tpu.memref_squeeze %dma_wait3A_34 : memref<1x3080x32xf32, #tpu.memory_space<hbm>> -> memref<3080x32xf32, #tpu.memory_space<hbm>>
        %dma_wait3A_36 = arith.constant 46920 : i32
        %dma_wait3A_37 = arith.constant 0 : i32
        %dma_wait3A_38 = tpu.memref_slice %arg10[%dma_wait3A_36, %dma_wait3A_37] : memref<50000x32xf32, #tpu.memory_space<vmem_shared>> -> memref<3080x32xf32, #tpu.memory_space<vmem_shared>>
        tpu.wait_dma2 semaphore(%run_scoped3A : memref<!tpu.dma_semaphore, #tpu.memory_space<semaphore_mem>>) src(%dma_wait3A_38 : memref<3080x32xf32, #tpu.memory_space<vmem_shared>>) dst(%dma_wait3A_35 : memref<3080x32xf32, #tpu.memory_space<hbm>>)
        tpu.yield
      }) : () -> ()
    } else {
    }
    return
  }
}

#map = affine_map<(d0, d1) -> (0, 0)>
#map1 = affine_map<(d0, d1) -> (0)>
#map2 = affine_map<(d0, d1) -> (0, 0, 0)>
module attributes {stable_mosaic.version = 14 : i64} {
  func.func @body(%arg0: i32, %arg1: i32, %arg2: memref<50000x32xf32, #tpu.memory_space<hbm>>, %arg3: memref<800000xi32, #tpu.memory_space<hbm>>, %arg4: memref<800000xi32, #tpu.memory_space<hbm>>, %arg5: memref<3128x32xf32, #tpu.memory_space<hbm>>, %arg6: memref<2x50000x32xf32, #tpu.memory_space<hbm>>, %arg7: memref<200xi32, #tpu.memory_space<vmem>>, %arg8: memref<200xi32, #tpu.memory_space<vmem>>, %arg9: memref<200x32xf32, #tpu.memory_space<vmem>>, %arg10: memref<50000x32xf32, #tpu.memory_space<vmem_shared>>, %arg11: memref<!tpu.dma_semaphore, #tpu.memory_space<semaphore_mem>>) attributes {dimension_semantics = [#tpu.dimension_semantics<core_parallel>, #tpu.dimension_semantics<subcore_parallel>], iteration_bounds = array<i64: 2, 16>, scalar_prefetch = 0 : i64, scratch_operands = 5 : i64, tpu.core_type = #tpu.core_type<sc_vector_subcore>, window_params = [{transform_indices = #map}, {transform_indices = #map1}, {transform_indices = #map1}, {transform_indices = #map}, {transform_indices = #map2}]} {
    %mul3A = arith.constant 2 : i32
    %mul3A_0 = arith.muli %arg1, %mul3A : i32
    %add3A = arith.addi %mul3A_0, %arg0 : i32
    %mul3A_1 = arith.constant 3128 : i32
    %mul3A_2 = arith.muli %arg1, %mul3A_1 : i32
    %lt3A = arith.constant 15 : i32
    %lt3A_3 = arith.cmpi slt, %arg1, %lt3A : i32
    %convert_element_type3A = arith.extui %lt3A_3 : i1 to i32
    %cond3A = arith.constant 0 : i32
    %cond3A_4 = arith.cmpi ne, %convert_element_type3A, %cond3A : i32
    scf.if %cond3A_4 {
      "tpu.region"() ({
        %run_scoped3A = tpu.sem_alloc : memref<!tpu.dma_semaphore, #tpu.memory_space<semaphore_mem>>
        %dma_start3A = arith.constant 0 : i32
        %dma_start3A_27 = tpu.memref_slice %arg10[%mul3A_2, %dma_start3A] : memref<50000x32xf32, #tpu.memory_space<vmem_shared>> -> memref<3128x32xf32, #tpu.memory_space<vmem_shared>>
        tpu.enqueue_dma source(%arg5 : memref<3128x32xf32, #tpu.memory_space<hbm>>) target(%dma_start3A_27 : memref<3128x32xf32, #tpu.memory_space<vmem_shared>>) target_semaphore(%run_scoped3A : memref<!tpu.dma_semaphore, #tpu.memory_space<semaphore_mem>>)
        %dma_wait3A = arith.constant 0 : i32
        %dma_wait3A_28 = tpu.memref_slice %arg10[%mul3A_2, %dma_wait3A] : memref<50000x32xf32, #tpu.memory_space<vmem_shared>> -> memref<3128x32xf32, #tpu.memory_space<vmem_shared>>
        tpu.wait_dma2 semaphore(%run_scoped3A : memref<!tpu.dma_semaphore, #tpu.memory_space<semaphore_mem>>) src(%arg5 : memref<3128x32xf32, #tpu.memory_space<hbm>>) dst(%dma_wait3A_28 : memref<3128x32xf32, #tpu.memory_space<vmem_shared>>)
        tpu.yield
      }) : () -> ()
    } else {
    }
    %eq3A = arith.constant 15 : i32
    %eq3A_5 = arith.cmpi eq, %arg1, %eq3A : i32
    %convert_element_type3A_6 = arith.extui %eq3A_5 : i1 to i32
    %cond3A_7 = arith.constant 0 : i32
    %cond3A_8 = arith.cmpi ne, %convert_element_type3A_6, %cond3A_7 : i32
    scf.if %cond3A_8 {
      "tpu.region"() ({
        %run_scoped3A = tpu.sem_alloc : memref<!tpu.dma_semaphore, #tpu.memory_space<semaphore_mem>>
        %dma_start3A = arith.constant 46920 : i32
        %dma_start3A_27 = arith.constant 0 : i32
        %dma_start3A_28 = tpu.memref_slice %arg10[%dma_start3A, %dma_start3A_27] : memref<50000x32xf32, #tpu.memory_space<vmem_shared>> -> memref<3080x32xf32, #tpu.memory_space<vmem_shared>>
        %dma_start3A_29 = arith.constant 0 : i32
        %dma_start3A_30 = arith.constant 0 : i32
        %dma_start3A_31 = tpu.memref_slice %arg5[%dma_start3A_29, %dma_start3A_30] : memref<3128x32xf32, #tpu.memory_space<hbm>> -> memref<3080x32xf32, #tpu.memory_space<hbm>>
        tpu.enqueue_dma source(%dma_start3A_31 : memref<3080x32xf32, #tpu.memory_space<hbm>>) target(%dma_start3A_28 : memref<3080x32xf32, #tpu.memory_space<vmem_shared>>) target_semaphore(%run_scoped3A : memref<!tpu.dma_semaphore, #tpu.memory_space<semaphore_mem>>)
        %dma_wait3A = arith.constant 46920 : i32
        %dma_wait3A_32 = arith.constant 0 : i32
        %dma_wait3A_33 = tpu.memref_slice %arg10[%dma_wait3A, %dma_wait3A_32] : memref<50000x32xf32, #tpu.memory_space<vmem_shared>> -> memref<3080x32xf32, #tpu.memory_space<vmem_shared>>
        %dma_wait3A_34 = arith.constant 0 : i32
        %dma_wait3A_35 = arith.constant 0 : i32
        %dma_wait3A_36 = tpu.memref_slice %arg5[%dma_wait3A_34, %dma_wait3A_35] : memref<3128x32xf32, #tpu.memory_space<hbm>> -> memref<3080x32xf32, #tpu.memory_space<hbm>>
        tpu.wait_dma2 semaphore(%run_scoped3A : memref<!tpu.dma_semaphore, #tpu.memory_space<semaphore_mem>>) src(%dma_wait3A_36 : memref<3080x32xf32, #tpu.memory_space<hbm>>) dst(%dma_wait3A_33 : memref<3080x32xf32, #tpu.memory_space<vmem_shared>>)
        tpu.yield
      }) : () -> ()
    } else {
    }
    %barrier3A = arith.constant 0 : index
    tpu.barrier barrier_id(%barrier3A)
    %mul3A_9 = arith.constant 25000 : i32
    %mul3A_10 = arith.muli %add3A, %mul3A_9 : i32
    %scan3A = arith.constant 0 : i32
    %scan3A_11 = arith.constant 0 : i32
    %scan3A_12 = arith.constant 125 : i32
    %scan3A_13 = arith.addi %scan3A_11, %scan3A_12 : i32
    %scan3A_14 = arith.constant 1 : i32
    scf.for %scan3A_27 = %scan3A_11 to %scan3A_13 step %scan3A_14  : i32 {
      %mul3A_28 = arith.constant 200 : i32
      %mul3A_29 = arith.muli %scan3A_27, %mul3A_28 : i32
      %add3A_30 = arith.addi %mul3A_10, %mul3A_29 : i32
      "tpu.region"() ({
        %run_scoped3A = tpu.sem_alloc : memref<!tpu.dma_semaphore, #tpu.memory_space<semaphore_mem>>
        %dma_start3A_35 = tpu.memref_slice %arg3[%add3A_30] : memref<800000xi32, #tpu.memory_space<hbm>> -> memref<200xi32, #tpu.memory_space<hbm>>
        %dma_start3A_36 = tpu.memref_slice %arg3[%add3A_30] : memref<800000xi32, #tpu.memory_space<hbm>> -> memref<200xi32, #tpu.memory_space<hbm>>
        tpu.enqueue_dma source(%dma_start3A_36 : memref<200xi32, #tpu.memory_space<hbm>>) target(%arg7 : memref<200xi32, #tpu.memory_space<vmem>>) target_semaphore(%run_scoped3A : memref<!tpu.dma_semaphore, #tpu.memory_space<semaphore_mem>>)
        %dma_wait3A_37 = tpu.memref_slice %arg3[%add3A_30] : memref<800000xi32, #tpu.memory_space<hbm>> -> memref<200xi32, #tpu.memory_space<hbm>>
        %dma_wait3A_38 = tpu.memref_slice %arg3[%add3A_30] : memref<800000xi32, #tpu.memory_space<hbm>> -> memref<200xi32, #tpu.memory_space<hbm>>
        tpu.wait_dma2 semaphore(%run_scoped3A : memref<!tpu.dma_semaphore, #tpu.memory_space<semaphore_mem>>) src(%dma_wait3A_38 : memref<200xi32, #tpu.memory_space<hbm>>) dst(%arg7 : memref<200xi32, #tpu.memory_space<vmem>>)
        tpu.yield
      }) : () -> ()
      "tpu.region"() ({
        %run_scoped3A = tpu.sem_alloc : memref<!tpu.dma_semaphore, #tpu.memory_space<semaphore_mem>>
        %dma_start3A_35 = tpu.memref_slice %arg4[%add3A_30] : memref<800000xi32, #tpu.memory_space<hbm>> -> memref<200xi32, #tpu.memory_space<hbm>>
        %dma_start3A_36 = tpu.memref_slice %arg4[%add3A_30] : memref<800000xi32, #tpu.memory_space<hbm>> -> memref<200xi32, #tpu.memory_space<hbm>>
        tpu.enqueue_dma source(%dma_start3A_36 : memref<200xi32, #tpu.memory_space<hbm>>) target(%arg8 : memref<200xi32, #tpu.memory_space<vmem>>) target_semaphore(%run_scoped3A : memref<!tpu.dma_semaphore, #tpu.memory_space<semaphore_mem>>)
        %dma_wait3A_37 = tpu.memref_slice %arg4[%add3A_30] : memref<800000xi32, #tpu.memory_space<hbm>> -> memref<200xi32, #tpu.memory_space<hbm>>
        %dma_wait3A_38 = tpu.memref_slice %arg4[%add3A_30] : memref<800000xi32, #tpu.memory_space<hbm>> -> memref<200xi32, #tpu.memory_space<hbm>>
        tpu.wait_dma2 semaphore(%run_scoped3A : memref<!tpu.dma_semaphore, #tpu.memory_space<semaphore_mem>>) src(%dma_wait3A_38 : memref<200xi32, #tpu.memory_space<hbm>>) dst(%arg8 : memref<200xi32, #tpu.memory_space<vmem>>)
        tpu.yield
      }) : () -> ()
      %dma_start3A = arith.constant 0 : i32
      %dma_start3A_31 = arith.constant 0 : i32
      %dma_start3A_32 = tpu.memref_slice %arg2[%dma_start3A, %dma_start3A_31] : memref<50000x32xf32, #tpu.memory_space<hbm>> -> memref<50000x32xf32, #tpu.memory_space<hbm>>
      tpu.enqueue_indirect_dma source(%dma_start3A_32 : memref<50000x32xf32, #tpu.memory_space<hbm>>) target(%arg9 : memref<200x32xf32, #tpu.memory_space<vmem>>) offsets(%arg7 : memref<200xi32, #tpu.memory_space<vmem>>) semaphore(%arg11 : memref<!tpu.dma_semaphore, #tpu.memory_space<semaphore_mem>>)
      %dma_wait3A = arith.constant 0 : i32
      %dma_wait3A_33 = arith.constant 0 : i32
      %dma_wait3A_34 = tpu.memref_slice %arg2[%dma_wait3A, %dma_wait3A_33] : memref<50000x32xf32, #tpu.memory_space<hbm>> -> memref<50000x32xf32, #tpu.memory_space<hbm>>
      tpu.wait_indirect_dma semaphore(%arg11 : memref<!tpu.dma_semaphore, #tpu.memory_space<semaphore_mem>>) src(%dma_wait3A_34 : memref<50000x32xf32, #tpu.memory_space<hbm>>) dst(%arg9 : memref<200x32xf32, #tpu.memory_space<vmem>>)
      "tpu.region"() ({
        %run_scoped3A = tpu.sem_alloc : memref<!tpu.dma_semaphore, #tpu.memory_space<semaphore_mem>>
        %dma_start3A_35 = arith.constant 0 : i32
        %dma_start3A_36 = arith.constant 0 : i32
        %dma_start3A_37 = tpu.memref_slice %arg10[%dma_start3A_35, %dma_start3A_36] : memref<50000x32xf32, #tpu.memory_space<vmem_shared>> -> memref<50000x32xf32, #tpu.memory_space<vmem_shared>>
        tpu.enqueue_indirect_dma source(%arg9 : memref<200x32xf32, #tpu.memory_space<vmem>>) target(%dma_start3A_37 : memref<50000x32xf32, #tpu.memory_space<vmem_shared>>) offsets(%arg8 : memref<200xi32, #tpu.memory_space<vmem>>) semaphore(%run_scoped3A : memref<!tpu.dma_semaphore, #tpu.memory_space<semaphore_mem>>) {add = true}
        %dma_wait3A_38 = arith.constant 0 : i32
        %dma_wait3A_39 = arith.constant 0 : i32
        %dma_wait3A_40 = tpu.memref_slice %arg10[%dma_wait3A_38, %dma_wait3A_39] : memref<50000x32xf32, #tpu.memory_space<vmem_shared>> -> memref<50000x32xf32, #tpu.memory_space<vmem_shared>>
        tpu.wait_indirect_dma semaphore(%run_scoped3A : memref<!tpu.dma_semaphore, #tpu.memory_space<semaphore_mem>>) src(%arg9 : memref<200x32xf32, #tpu.memory_space<vmem>>) dst(%dma_wait3A_40 : memref<50000x32xf32, #tpu.memory_space<vmem_shared>>)
        tpu.yield
      }) : () -> ()
    }
    %scan3A_15 = arith.constant 125 : i32
    %barrier3A_16 = arith.constant 0 : index
    tpu.barrier barrier_id(%barrier3A_16)
    %lt3A_17 = arith.constant 15 : i32
    %lt3A_18 = arith.cmpi slt, %arg1, %lt3A_17 : i32
    %convert_element_type3A_19 = arith.extui %lt3A_18 : i1 to i32
    %cond3A_20 = arith.constant 0 : i32
    %cond3A_21 = arith.cmpi ne, %convert_element_type3A_19, %cond3A_20 : i32
    scf.if %cond3A_21 {
      "tpu.region"() ({
        %run_scoped3A = tpu.sem_alloc : memref<!tpu.dma_semaphore, #tpu.memory_space<semaphore_mem>>
        %dma_start3A = arith.constant 0 : i32
        %dma_start3A_27 = tpu.memref_slice %arg6[%arg0, %mul3A_2, %dma_start3A] : memref<2x50000x32xf32, #tpu.memory_space<hbm>> -> memref<1x3128x32xf32, #tpu.memory_space<hbm>>
        %dma_start3A_28 = tpu.memref_squeeze %dma_start3A_27 : memref<1x3128x32xf32, #tpu.memory_space<hbm>> -> memref<3128x32xf32, #tpu.memory_space<hbm>>
        %dma_start3A_29 = arith.constant 0 : i32
        %dma_start3A_30 = tpu.memref_slice %arg10[%mul3A_2, %dma_start3A_29] : memref<50000x32xf32, #tpu.memory_space<vmem_shared>> -> memref<3128x32xf32, #tpu.memory_space<vmem_shared>>
        tpu.enqueue_dma source(%dma_start3A_30 : memref<3128x32xf32, #tpu.memory_space<vmem_shared>>) target(%dma_start3A_28 : memref<3128x32xf32, #tpu.memory_space<hbm>>) target_semaphore(%run_scoped3A : memref<!tpu.dma_semaphore, #tpu.memory_space<semaphore_mem>>)
        %dma_wait3A = arith.constant 0 : i32
        %dma_wait3A_31 = tpu.memref_slice %arg6[%arg0, %mul3A_2, %dma_wait3A] : memref<2x50000x32xf32, #tpu.memory_space<hbm>> -> memref<1x3128x32xf32, #tpu.memory_space<hbm>>
        %dma_wait3A_32 = tpu.memref_squeeze %dma_wait3A_31 : memref<1x3128x32xf32, #tpu.memory_space<hbm>> -> memref<3128x32xf32, #tpu.memory_space<hbm>>
        %dma_wait3A_33 = arith.constant 0 : i32
        %dma_wait3A_34 = tpu.memref_slice %arg10[%mul3A_2, %dma_wait3A_33] : memref<50000x32xf32, #tpu.memory_space<vmem_shared>> -> memref<3128x32xf32, #tpu.memory_space<vmem_shared>>
        tpu.wait_dma2 semaphore(%run_scoped3A : memref<!tpu.dma_semaphore, #tpu.memory_space<semaphore_mem>>) src(%dma_wait3A_34 : memref<3128x32xf32, #tpu.memory_space<vmem_shared>>) dst(%dma_wait3A_32 : memref<3128x32xf32, #tpu.memory_space<hbm>>)
        tpu.yield
      }) : () -> ()
    } else {
    }
    %eq3A_22 = arith.constant 15 : i32
    %eq3A_23 = arith.cmpi eq, %arg1, %eq3A_22 : i32
    %convert_element_type3A_24 = arith.extui %eq3A_23 : i1 to i32
    %cond3A_25 = arith.constant 0 : i32
    %cond3A_26 = arith.cmpi ne, %convert_element_type3A_24, %cond3A_25 : i32
    scf.if %cond3A_26 {
      "tpu.region"() ({
        %run_scoped3A = tpu.sem_alloc : memref<!tpu.dma_semaphore, #tpu.memory_space<semaphore_mem>>
        %dma_start3A = arith.constant 46920 : i32
        %dma_start3A_27 = arith.constant 0 : i32
        %dma_start3A_28 = tpu.memref_slice %arg6[%arg0, %dma_start3A, %dma_start3A_27] : memref<2x50000x32xf32, #tpu.memory_space<hbm>> -> memref<1x3080x32xf32, #tpu.memory_space<hbm>>
        %dma_start3A_29 = tpu.memref_squeeze %dma_start3A_28 : memref<1x3080x32xf32, #tpu.memory_space<hbm>> -> memref<3080x32xf32, #tpu.memory_space<hbm>>
        %dma_start3A_30 = arith.constant 46920 : i32
        %dma_start3A_31 = arith.constant 0 : i32
        %dma_start3A_32 = tpu.memref_slice %arg10[%dma_start3A_30, %dma_start3A_31] : memref<50000x32xf32, #tpu.memory_space<vmem_shared>> -> memref<3080x32xf32, #tpu.memory_space<vmem_shared>>
        tpu.enqueue_dma source(%dma_start3A_32 : memref<3080x32xf32, #tpu.memory_space<vmem_shared>>) target(%dma_start3A_29 : memref<3080x32xf32, #tpu.memory_space<hbm>>) target_semaphore(%run_scoped3A : memref<!tpu.dma_semaphore, #tpu.memory_space<semaphore_mem>>)
        %dma_wait3A = arith.constant 46920 : i32
        %dma_wait3A_33 = arith.constant 0 : i32
        %dma_wait3A_34 = tpu.memref_slice %arg6[%arg0, %dma_wait3A, %dma_wait3A_33] : memref<2x50000x32xf32, #tpu.memory_space<hbm>> -> memref<1x3080x32xf32, #tpu.memory_space<hbm>>
        %dma_wait3A_35 = tpu.memref_squeeze %dma_wait3A_34 : memref<1x3080x32xf32, #tpu.memory_space<hbm>> -> memref<3080x32xf32, #tpu.memory_space<hbm>>
        %dma_wait3A_36 = arith.constant 46920 : i32
        %dma_wait3A_37 = arith.constant 0 : i32
        %dma_wait3A_38 = tpu.memref_slice %arg10[%dma_wait3A_36, %dma_wait3A_37] : memref<50000x32xf32, #tpu.memory_space<vmem_shared>> -> memref<3080x32xf32, #tpu.memory_space<vmem_shared>>
        tpu.wait_dma2 semaphore(%run_scoped3A : memref<!tpu.dma_semaphore, #tpu.memory_space<semaphore_mem>>) src(%dma_wait3A_38 : memref<3080x32xf32, #tpu.memory_space<vmem_shared>>) dst(%dma_wait3A_35 : memref<3080x32xf32, #tpu.memory_space<hbm>>)
        tpu.yield
      }) : () -> ()
    } else {
    }
    return
  }
}

#map = affine_map<(d0, d1) -> (0, 0)>
#map1 = affine_map<(d0, d1) -> (0)>
#map2 = affine_map<(d0, d1) -> (0, 0, 0)>
module attributes {stable_mosaic.version = 14 : i64} {
  func.func @body(%arg0: i32, %arg1: i32, %arg2: memref<50000x32xf32, #tpu.memory_space<hbm>>, %arg3: memref<800000xi32, #tpu.memory_space<hbm>>, %arg4: memref<800000xi32, #tpu.memory_space<hbm>>, %arg5: memref<3128x32xf32, #tpu.memory_space<hbm>>, %arg6: memref<2x50000x32xf32, #tpu.memory_space<hbm>>, %arg7: memref<200xi32, #tpu.memory_space<vmem>>, %arg8: memref<200xi32, #tpu.memory_space<vmem>>, %arg9: memref<200x32xf32, #tpu.memory_space<vmem>>, %arg10: memref<50000x32xf32, #tpu.memory_space<vmem_shared>>, %arg11: memref<!tpu.dma_semaphore, #tpu.memory_space<semaphore_mem>>) attributes {dimension_semantics = [#tpu.dimension_semantics<core_parallel>, #tpu.dimension_semantics<subcore_parallel>], iteration_bounds = array<i64: 2, 16>, scalar_prefetch = 0 : i64, scratch_operands = 5 : i64, tpu.core_type = #tpu.core_type<sc_vector_subcore>, window_params = [{transform_indices = #map}, {transform_indices = #map1}, {transform_indices = #map1}, {transform_indices = #map}, {transform_indices = #map2}]} {
    %mul3A = arith.constant 2 : i32
    %mul3A_0 = arith.muli %arg1, %mul3A : i32
    %add3A = arith.addi %mul3A_0, %arg0 : i32
    %mul3A_1 = arith.constant 3128 : i32
    %mul3A_2 = arith.muli %arg1, %mul3A_1 : i32
    %lt3A = arith.constant 15 : i32
    %lt3A_3 = arith.cmpi slt, %arg1, %lt3A : i32
    %convert_element_type3A = arith.extui %lt3A_3 : i1 to i32
    %cond3A = arith.constant 0 : i32
    %cond3A_4 = arith.cmpi ne, %convert_element_type3A, %cond3A : i32
    scf.if %cond3A_4 {
      "tpu.region"() ({
        %run_scoped3A = tpu.sem_alloc : memref<!tpu.dma_semaphore, #tpu.memory_space<semaphore_mem>>
        %dma_start3A = arith.constant 0 : i32
        %dma_start3A_27 = tpu.memref_slice %arg10[%mul3A_2, %dma_start3A] : memref<50000x32xf32, #tpu.memory_space<vmem_shared>> -> memref<3128x32xf32, #tpu.memory_space<vmem_shared>>
        tpu.enqueue_dma source(%arg5 : memref<3128x32xf32, #tpu.memory_space<hbm>>) target(%dma_start3A_27 : memref<3128x32xf32, #tpu.memory_space<vmem_shared>>) target_semaphore(%run_scoped3A : memref<!tpu.dma_semaphore, #tpu.memory_space<semaphore_mem>>)
        %dma_wait3A = arith.constant 0 : i32
        %dma_wait3A_28 = tpu.memref_slice %arg10[%mul3A_2, %dma_wait3A] : memref<50000x32xf32, #tpu.memory_space<vmem_shared>> -> memref<3128x32xf32, #tpu.memory_space<vmem_shared>>
        tpu.wait_dma2 semaphore(%run_scoped3A : memref<!tpu.dma_semaphore, #tpu.memory_space<semaphore_mem>>) src(%arg5 : memref<3128x32xf32, #tpu.memory_space<hbm>>) dst(%dma_wait3A_28 : memref<3128x32xf32, #tpu.memory_space<vmem_shared>>)
        tpu.yield
      }) : () -> ()
    } else {
    }
    %eq3A = arith.constant 15 : i32
    %eq3A_5 = arith.cmpi eq, %arg1, %eq3A : i32
    %convert_element_type3A_6 = arith.extui %eq3A_5 : i1 to i32
    %cond3A_7 = arith.constant 0 : i32
    %cond3A_8 = arith.cmpi ne, %convert_element_type3A_6, %cond3A_7 : i32
    scf.if %cond3A_8 {
      "tpu.region"() ({
        %run_scoped3A = tpu.sem_alloc : memref<!tpu.dma_semaphore, #tpu.memory_space<semaphore_mem>>
        %dma_start3A = arith.constant 46920 : i32
        %dma_start3A_27 = arith.constant 0 : i32
        %dma_start3A_28 = tpu.memref_slice %arg10[%dma_start3A, %dma_start3A_27] : memref<50000x32xf32, #tpu.memory_space<vmem_shared>> -> memref<3080x32xf32, #tpu.memory_space<vmem_shared>>
        %dma_start3A_29 = arith.constant 0 : i32
        %dma_start3A_30 = arith.constant 0 : i32
        %dma_start3A_31 = tpu.memref_slice %arg5[%dma_start3A_29, %dma_start3A_30] : memref<3128x32xf32, #tpu.memory_space<hbm>> -> memref<3080x32xf32, #tpu.memory_space<hbm>>
        tpu.enqueue_dma source(%dma_start3A_31 : memref<3080x32xf32, #tpu.memory_space<hbm>>) target(%dma_start3A_28 : memref<3080x32xf32, #tpu.memory_space<vmem_shared>>) target_semaphore(%run_scoped3A : memref<!tpu.dma_semaphore, #tpu.memory_space<semaphore_mem>>)
        %dma_wait3A = arith.constant 46920 : i32
        %dma_wait3A_32 = arith.constant 0 : i32
        %dma_wait3A_33 = tpu.memref_slice %arg10[%dma_wait3A, %dma_wait3A_32] : memref<50000x32xf32, #tpu.memory_space<vmem_shared>> -> memref<3080x32xf32, #tpu.memory_space<vmem_shared>>
        %dma_wait3A_34 = arith.constant 0 : i32
        %dma_wait3A_35 = arith.constant 0 : i32
        %dma_wait3A_36 = tpu.memref_slice %arg5[%dma_wait3A_34, %dma_wait3A_35] : memref<3128x32xf32, #tpu.memory_space<hbm>> -> memref<3080x32xf32, #tpu.memory_space<hbm>>
        tpu.wait_dma2 semaphore(%run_scoped3A : memref<!tpu.dma_semaphore, #tpu.memory_space<semaphore_mem>>) src(%dma_wait3A_36 : memref<3080x32xf32, #tpu.memory_space<hbm>>) dst(%dma_wait3A_33 : memref<3080x32xf32, #tpu.memory_space<vmem_shared>>)
        tpu.yield
      }) : () -> ()
    } else {
    }
    %barrier3A = arith.constant 0 : index
    tpu.barrier barrier_id(%barrier3A)
    %mul3A_9 = arith.constant 25000 : i32
    %mul3A_10 = arith.muli %add3A, %mul3A_9 : i32
    %scan3A = arith.constant 0 : i32
    %scan3A_11 = arith.constant 0 : i32
    %scan3A_12 = arith.constant 125 : i32
    %scan3A_13 = arith.addi %scan3A_11, %scan3A_12 : i32
    %scan3A_14 = arith.constant 1 : i32
    scf.for %scan3A_27 = %scan3A_11 to %scan3A_13 step %scan3A_14  : i32 {
      %mul3A_28 = arith.constant 200 : i32
      %mul3A_29 = arith.muli %scan3A_27, %mul3A_28 : i32
      %add3A_30 = arith.addi %mul3A_10, %mul3A_29 : i32
      "tpu.region"() ({
        %run_scoped3A = tpu.sem_alloc : memref<!tpu.dma_semaphore, #tpu.memory_space<semaphore_mem>>
        %dma_start3A_35 = tpu.memref_slice %arg3[%add3A_30] : memref<800000xi32, #tpu.memory_space<hbm>> -> memref<200xi32, #tpu.memory_space<hbm>>
        %dma_start3A_36 = tpu.memref_slice %arg3[%add3A_30] : memref<800000xi32, #tpu.memory_space<hbm>> -> memref<200xi32, #tpu.memory_space<hbm>>
        tpu.enqueue_dma source(%dma_start3A_36 : memref<200xi32, #tpu.memory_space<hbm>>) target(%arg7 : memref<200xi32, #tpu.memory_space<vmem>>) target_semaphore(%run_scoped3A : memref<!tpu.dma_semaphore, #tpu.memory_space<semaphore_mem>>)
        %dma_wait3A_37 = tpu.memref_slice %arg3[%add3A_30] : memref<800000xi32, #tpu.memory_space<hbm>> -> memref<200xi32, #tpu.memory_space<hbm>>
        %dma_wait3A_38 = tpu.memref_slice %arg3[%add3A_30] : memref<800000xi32, #tpu.memory_space<hbm>> -> memref<200xi32, #tpu.memory_space<hbm>>
        tpu.wait_dma2 semaphore(%run_scoped3A : memref<!tpu.dma_semaphore, #tpu.memory_space<semaphore_mem>>) src(%dma_wait3A_38 : memref<200xi32, #tpu.memory_space<hbm>>) dst(%arg7 : memref<200xi32, #tpu.memory_space<vmem>>)
        tpu.yield
      }) : () -> ()
      "tpu.region"() ({
        %run_scoped3A = tpu.sem_alloc : memref<!tpu.dma_semaphore, #tpu.memory_space<semaphore_mem>>
        %dma_start3A_35 = tpu.memref_slice %arg4[%add3A_30] : memref<800000xi32, #tpu.memory_space<hbm>> -> memref<200xi32, #tpu.memory_space<hbm>>
        %dma_start3A_36 = tpu.memref_slice %arg4[%add3A_30] : memref<800000xi32, #tpu.memory_space<hbm>> -> memref<200xi32, #tpu.memory_space<hbm>>
        tpu.enqueue_dma source(%dma_start3A_36 : memref<200xi32, #tpu.memory_space<hbm>>) target(%arg8 : memref<200xi32, #tpu.memory_space<vmem>>) target_semaphore(%run_scoped3A : memref<!tpu.dma_semaphore, #tpu.memory_space<semaphore_mem>>)
        %dma_wait3A_37 = tpu.memref_slice %arg4[%add3A_30] : memref<800000xi32, #tpu.memory_space<hbm>> -> memref<200xi32, #tpu.memory_space<hbm>>
        %dma_wait3A_38 = tpu.memref_slice %arg4[%add3A_30] : memref<800000xi32, #tpu.memory_space<hbm>> -> memref<200xi32, #tpu.memory_space<hbm>>
        tpu.wait_dma2 semaphore(%run_scoped3A : memref<!tpu.dma_semaphore, #tpu.memory_space<semaphore_mem>>) src(%dma_wait3A_38 : memref<200xi32, #tpu.memory_space<hbm>>) dst(%arg8 : memref<200xi32, #tpu.memory_space<vmem>>)
        tpu.yield
      }) : () -> ()
      %dma_start3A = arith.constant 0 : i32
      %dma_start3A_31 = arith.constant 0 : i32
      %dma_start3A_32 = tpu.memref_slice %arg2[%dma_start3A, %dma_start3A_31] : memref<50000x32xf32, #tpu.memory_space<hbm>> -> memref<50000x32xf32, #tpu.memory_space<hbm>>
      tpu.enqueue_indirect_dma source(%dma_start3A_32 : memref<50000x32xf32, #tpu.memory_space<hbm>>) target(%arg9 : memref<200x32xf32, #tpu.memory_space<vmem>>) offsets(%arg7 : memref<200xi32, #tpu.memory_space<vmem>>) semaphore(%arg11 : memref<!tpu.dma_semaphore, #tpu.memory_space<semaphore_mem>>)
      %dma_wait3A = arith.constant 0 : i32
      %dma_wait3A_33 = arith.constant 0 : i32
      %dma_wait3A_34 = tpu.memref_slice %arg2[%dma_wait3A, %dma_wait3A_33] : memref<50000x32xf32, #tpu.memory_space<hbm>> -> memref<50000x32xf32, #tpu.memory_space<hbm>>
      tpu.wait_indirect_dma semaphore(%arg11 : memref<!tpu.dma_semaphore, #tpu.memory_space<semaphore_mem>>) src(%dma_wait3A_34 : memref<50000x32xf32, #tpu.memory_space<hbm>>) dst(%arg9 : memref<200x32xf32, #tpu.memory_space<vmem>>)
      "tpu.region"() ({
        %run_scoped3A = tpu.sem_alloc : memref<!tpu.dma_semaphore, #tpu.memory_space<semaphore_mem>>
        %dma_start3A_35 = arith.constant 0 : i32
        %dma_start3A_36 = arith.constant 0 : i32
        %dma_start3A_37 = tpu.memref_slice %arg10[%dma_start3A_35, %dma_start3A_36] : memref<50000x32xf32, #tpu.memory_space<vmem_shared>> -> memref<50000x32xf32, #tpu.memory_space<vmem_shared>>
        tpu.enqueue_indirect_dma source(%arg9 : memref<200x32xf32, #tpu.memory_space<vmem>>) target(%dma_start3A_37 : memref<50000x32xf32, #tpu.memory_space<vmem_shared>>) offsets(%arg8 : memref<200xi32, #tpu.memory_space<vmem>>) semaphore(%run_scoped3A : memref<!tpu.dma_semaphore, #tpu.memory_space<semaphore_mem>>) {add = true}
        %dma_wait3A_38 = arith.constant 0 : i32
        %dma_wait3A_39 = arith.constant 0 : i32
        %dma_wait3A_40 = tpu.memref_slice %arg10[%dma_wait3A_38, %dma_wait3A_39] : memref<50000x32xf32, #tpu.memory_space<vmem_shared>> -> memref<50000x32xf32, #tpu.memory_space<vmem_shared>>
        tpu.wait_indirect_dma semaphore(%run_scoped3A : memref<!tpu.dma_semaphore, #tpu.memory_space<semaphore_mem>>) src(%arg9 : memref<200x32xf32, #tpu.memory_space<vmem>>) dst(%dma_wait3A_40 : memref<50000x32xf32, #tpu.memory_space<vmem_shared>>)
        tpu.yield
      }) : () -> ()
    }
    %scan3A_15 = arith.constant 125 : i32
    %barrier3A_16 = arith.constant 0 : index
    tpu.barrier barrier_id(%barrier3A_16)
    %lt3A_17 = arith.constant 15 : i32
    %lt3A_18 = arith.cmpi slt, %arg1, %lt3A_17 : i32
    %convert_element_type3A_19 = arith.extui %lt3A_18 : i1 to i32
    %cond3A_20 = arith.constant 0 : i32
    %cond3A_21 = arith.cmpi ne, %convert_element_type3A_19, %cond3A_20 : i32
    scf.if %cond3A_21 {
      "tpu.region"() ({
        %run_scoped3A = tpu.sem_alloc : memref<!tpu.dma_semaphore, #tpu.memory_space<semaphore_mem>>
        %dma_start3A = arith.constant 0 : i32
        %dma_start3A_27 = tpu.memref_slice %arg6[%arg0, %mul3A_2, %dma_start3A] : memref<2x50000x32xf32, #tpu.memory_space<hbm>> -> memref<1x3128x32xf32, #tpu.memory_space<hbm>>
        %dma_start3A_28 = tpu.memref_squeeze %dma_start3A_27 : memref<1x3128x32xf32, #tpu.memory_space<hbm>> -> memref<3128x32xf32, #tpu.memory_space<hbm>>
        %dma_start3A_29 = arith.constant 0 : i32
        %dma_start3A_30 = tpu.memref_slice %arg10[%mul3A_2, %dma_start3A_29] : memref<50000x32xf32, #tpu.memory_space<vmem_shared>> -> memref<3128x32xf32, #tpu.memory_space<vmem_shared>>
        tpu.enqueue_dma source(%dma_start3A_30 : memref<3128x32xf32, #tpu.memory_space<vmem_shared>>) target(%dma_start3A_28 : memref<3128x32xf32, #tpu.memory_space<hbm>>) target_semaphore(%run_scoped3A : memref<!tpu.dma_semaphore, #tpu.memory_space<semaphore_mem>>)
        %dma_wait3A = arith.constant 0 : i32
        %dma_wait3A_31 = tpu.memref_slice %arg6[%arg0, %mul3A_2, %dma_wait3A] : memref<2x50000x32xf32, #tpu.memory_space<hbm>> -> memref<1x3128x32xf32, #tpu.memory_space<hbm>>
        %dma_wait3A_32 = tpu.memref_squeeze %dma_wait3A_31 : memref<1x3128x32xf32, #tpu.memory_space<hbm>> -> memref<3128x32xf32, #tpu.memory_space<hbm>>
        %dma_wait3A_33 = arith.constant 0 : i32
        %dma_wait3A_34 = tpu.memref_slice %arg10[%mul3A_2, %dma_wait3A_33] : memref<50000x32xf32, #tpu.memory_space<vmem_shared>> -> memref<3128x32xf32, #tpu.memory_space<vmem_shared>>
        tpu.wait_dma2 semaphore(%run_scoped3A : memref<!tpu.dma_semaphore, #tpu.memory_space<semaphore_mem>>) src(%dma_wait3A_34 : memref<3128x32xf32, #tpu.memory_space<vmem_shared>>) dst(%dma_wait3A_32 : memref<3128x32xf32, #tpu.memory_space<hbm>>)
        tpu.yield
      }) : () -> ()
    } else {
    }
    %eq3A_22 = arith.constant 15 : i32
    %eq3A_23 = arith.cmpi eq, %arg1, %eq3A_22 : i32
    %convert_element_type3A_24 = arith.extui %eq3A_23 : i1 to i32
    %cond3A_25 = arith.constant 0 : i32
    %cond3A_26 = arith.cmpi ne, %convert_element_type3A_24, %cond3A_25 : i32
    scf.if %cond3A_26 {
      "tpu.region"() ({
        %run_scoped3A = tpu.sem_alloc : memref<!tpu.dma_semaphore, #tpu.memory_space<semaphore_mem>>
        %dma_start3A = arith.constant 46920 : i32
        %dma_start3A_27 = arith.constant 0 : i32
        %dma_start3A_28 = tpu.memref_slice %arg6[%arg0, %dma_start3A, %dma_start3A_27] : memref<2x50000x32xf32, #tpu.memory_space<hbm>> -> memref<1x3080x32xf32, #tpu.memory_space<hbm>>
        %dma_start3A_29 = tpu.memref_squeeze %dma_start3A_28 : memref<1x3080x32xf32, #tpu.memory_space<hbm>> -> memref<3080x32xf32, #tpu.memory_space<hbm>>
        %dma_start3A_30 = arith.constant 46920 : i32
        %dma_start3A_31 = arith.constant 0 : i32
        %dma_start3A_32 = tpu.memref_slice %arg10[%dma_start3A_30, %dma_start3A_31] : memref<50000x32xf32, #tpu.memory_space<vmem_shared>> -> memref<3080x32xf32, #tpu.memory_space<vmem_shared>>
        tpu.enqueue_dma source(%dma_start3A_32 : memref<3080x32xf32, #tpu.memory_space<vmem_shared>>) target(%dma_start3A_29 : memref<3080x32xf32, #tpu.memory_space<hbm>>) target_semaphore(%run_scoped3A : memref<!tpu.dma_semaphore, #tpu.memory_space<semaphore_mem>>)
        %dma_wait3A = arith.constant 46920 : i32
        %dma_wait3A_33 = arith.constant 0 : i32
        %dma_wait3A_34 = tpu.memref_slice %arg6[%arg0, %dma_wait3A, %dma_wait3A_33] : memref<2x50000x32xf32, #tpu.memory_space<hbm>> -> memref<1x3080x32xf32, #tpu.memory_space<hbm>>
        %dma_wait3A_35 = tpu.memref_squeeze %dma_wait3A_34 : memref<1x3080x32xf32, #tpu.memory_space<hbm>> -> memref<3080x32xf32, #tpu.memory_space<hbm>>
        %dma_wait3A_36 = arith.constant 46920 : i32
        %dma_wait3A_37 = arith.constant 0 : i32
        %dma_wait3A_38 = tpu.memref_slice %arg10[%dma_wait3A_36, %dma_wait3A_37] : memref<50000x32xf32, #tpu.memory_space<vmem_shared>> -> memref<3080x32xf32, #tpu.memory_space<vmem_shared>>
        tpu.wait_dma2 semaphore(%run_scoped3A : memref<!tpu.dma_semaphore, #tpu.memory_space<semaphore_mem>>) src(%dma_wait3A_38 : memref<3080x32xf32, #tpu.memory_space<vmem_shared>>) dst(%dma_wait3A_35 : memref<3080x32xf32, #tpu.memory_space<hbm>>)
        tpu.yield
      }) : () -> ()
    } else {
    }
    return
  }
}

#map = affine_map<(d0, d1) -> (0, 0)>
#map1 = affine_map<(d0, d1) -> (0)>
#map2 = affine_map<(d0, d1) -> (0, 0, 0)>
module attributes {stable_mosaic.version = 14 : i64} {
  func.func @body(%arg0: i32, %arg1: i32, %arg2: memref<50000x32xf32, #tpu.memory_space<hbm>>, %arg3: memref<800000xi32, #tpu.memory_space<hbm>>, %arg4: memref<800000xi32, #tpu.memory_space<hbm>>, %arg5: memref<3128x32xf32, #tpu.memory_space<hbm>>, %arg6: memref<2x50000x32xf32, #tpu.memory_space<hbm>>, %arg7: memref<200xi32, #tpu.memory_space<vmem>>, %arg8: memref<200xi32, #tpu.memory_space<vmem>>, %arg9: memref<200x32xf32, #tpu.memory_space<vmem>>, %arg10: memref<50000x32xf32, #tpu.memory_space<vmem_shared>>, %arg11: memref<!tpu.dma_semaphore, #tpu.memory_space<semaphore_mem>>) attributes {dimension_semantics = [#tpu.dimension_semantics<core_parallel>, #tpu.dimension_semantics<subcore_parallel>], iteration_bounds = array<i64: 2, 16>, scalar_prefetch = 0 : i64, scratch_operands = 5 : i64, tpu.core_type = #tpu.core_type<sc_vector_subcore>, window_params = [{transform_indices = #map}, {transform_indices = #map1}, {transform_indices = #map1}, {transform_indices = #map}, {transform_indices = #map2}]} {
    %mul3A = arith.constant 2 : i32
    %mul3A_0 = arith.muli %arg1, %mul3A : i32
    %add3A = arith.addi %mul3A_0, %arg0 : i32
    %mul3A_1 = arith.constant 3128 : i32
    %mul3A_2 = arith.muli %arg1, %mul3A_1 : i32
    %lt3A = arith.constant 15 : i32
    %lt3A_3 = arith.cmpi slt, %arg1, %lt3A : i32
    %convert_element_type3A = arith.extui %lt3A_3 : i1 to i32
    %cond3A = arith.constant 0 : i32
    %cond3A_4 = arith.cmpi ne, %convert_element_type3A, %cond3A : i32
    scf.if %cond3A_4 {
      "tpu.region"() ({
        %run_scoped3A = tpu.sem_alloc : memref<!tpu.dma_semaphore, #tpu.memory_space<semaphore_mem>>
        %dma_start3A = arith.constant 0 : i32
        %dma_start3A_27 = tpu.memref_slice %arg10[%mul3A_2, %dma_start3A] : memref<50000x32xf32, #tpu.memory_space<vmem_shared>> -> memref<3128x32xf32, #tpu.memory_space<vmem_shared>>
        tpu.enqueue_dma source(%arg5 : memref<3128x32xf32, #tpu.memory_space<hbm>>) target(%dma_start3A_27 : memref<3128x32xf32, #tpu.memory_space<vmem_shared>>) target_semaphore(%run_scoped3A : memref<!tpu.dma_semaphore, #tpu.memory_space<semaphore_mem>>)
        %dma_wait3A = arith.constant 0 : i32
        %dma_wait3A_28 = tpu.memref_slice %arg10[%mul3A_2, %dma_wait3A] : memref<50000x32xf32, #tpu.memory_space<vmem_shared>> -> memref<3128x32xf32, #tpu.memory_space<vmem_shared>>
        tpu.wait_dma2 semaphore(%run_scoped3A : memref<!tpu.dma_semaphore, #tpu.memory_space<semaphore_mem>>) src(%arg5 : memref<3128x32xf32, #tpu.memory_space<hbm>>) dst(%dma_wait3A_28 : memref<3128x32xf32, #tpu.memory_space<vmem_shared>>)
        tpu.yield
      }) : () -> ()
    } else {
    }
    %eq3A = arith.constant 15 : i32
    %eq3A_5 = arith.cmpi eq, %arg1, %eq3A : i32
    %convert_element_type3A_6 = arith.extui %eq3A_5 : i1 to i32
    %cond3A_7 = arith.constant 0 : i32
    %cond3A_8 = arith.cmpi ne, %convert_element_type3A_6, %cond3A_7 : i32
    scf.if %cond3A_8 {
      "tpu.region"() ({
        %run_scoped3A = tpu.sem_alloc : memref<!tpu.dma_semaphore, #tpu.memory_space<semaphore_mem>>
        %dma_start3A = arith.constant 46920 : i32
        %dma_start3A_27 = arith.constant 0 : i32
        %dma_start3A_28 = tpu.memref_slice %arg10[%dma_start3A, %dma_start3A_27] : memref<50000x32xf32, #tpu.memory_space<vmem_shared>> -> memref<3080x32xf32, #tpu.memory_space<vmem_shared>>
        %dma_start3A_29 = arith.constant 0 : i32
        %dma_start3A_30 = arith.constant 0 : i32
        %dma_start3A_31 = tpu.memref_slice %arg5[%dma_start3A_29, %dma_start3A_30] : memref<3128x32xf32, #tpu.memory_space<hbm>> -> memref<3080x32xf32, #tpu.memory_space<hbm>>
        tpu.enqueue_dma source(%dma_start3A_31 : memref<3080x32xf32, #tpu.memory_space<hbm>>) target(%dma_start3A_28 : memref<3080x32xf32, #tpu.memory_space<vmem_shared>>) target_semaphore(%run_scoped3A : memref<!tpu.dma_semaphore, #tpu.memory_space<semaphore_mem>>)
        %dma_wait3A = arith.constant 46920 : i32
        %dma_wait3A_32 = arith.constant 0 : i32
        %dma_wait3A_33 = tpu.memref_slice %arg10[%dma_wait3A, %dma_wait3A_32] : memref<50000x32xf32, #tpu.memory_space<vmem_shared>> -> memref<3080x32xf32, #tpu.memory_space<vmem_shared>>
        %dma_wait3A_34 = arith.constant 0 : i32
        %dma_wait3A_35 = arith.constant 0 : i32
        %dma_wait3A_36 = tpu.memref_slice %arg5[%dma_wait3A_34, %dma_wait3A_35] : memref<3128x32xf32, #tpu.memory_space<hbm>> -> memref<3080x32xf32, #tpu.memory_space<hbm>>
        tpu.wait_dma2 semaphore(%run_scoped3A : memref<!tpu.dma_semaphore, #tpu.memory_space<semaphore_mem>>) src(%dma_wait3A_36 : memref<3080x32xf32, #tpu.memory_space<hbm>>) dst(%dma_wait3A_33 : memref<3080x32xf32, #tpu.memory_space<vmem_shared>>)
        tpu.yield
      }) : () -> ()
    } else {
    }
    %barrier3A = arith.constant 0 : index
    tpu.barrier barrier_id(%barrier3A)
    %mul3A_9 = arith.constant 25000 : i32
    %mul3A_10 = arith.muli %add3A, %mul3A_9 : i32
    %scan3A = arith.constant 0 : i32
    %scan3A_11 = arith.constant 0 : i32
    %scan3A_12 = arith.constant 125 : i32
    %scan3A_13 = arith.addi %scan3A_11, %scan3A_12 : i32
    %scan3A_14 = arith.constant 1 : i32
    scf.for %scan3A_27 = %scan3A_11 to %scan3A_13 step %scan3A_14  : i32 {
      %mul3A_28 = arith.constant 200 : i32
      %mul3A_29 = arith.muli %scan3A_27, %mul3A_28 : i32
      %add3A_30 = arith.addi %mul3A_10, %mul3A_29 : i32
      "tpu.region"() ({
        %run_scoped3A = tpu.sem_alloc : memref<!tpu.dma_semaphore, #tpu.memory_space<semaphore_mem>>
        %dma_start3A_35 = tpu.memref_slice %arg3[%add3A_30] : memref<800000xi32, #tpu.memory_space<hbm>> -> memref<200xi32, #tpu.memory_space<hbm>>
        %dma_start3A_36 = tpu.memref_slice %arg3[%add3A_30] : memref<800000xi32, #tpu.memory_space<hbm>> -> memref<200xi32, #tpu.memory_space<hbm>>
        tpu.enqueue_dma source(%dma_start3A_36 : memref<200xi32, #tpu.memory_space<hbm>>) target(%arg7 : memref<200xi32, #tpu.memory_space<vmem>>) target_semaphore(%run_scoped3A : memref<!tpu.dma_semaphore, #tpu.memory_space<semaphore_mem>>)
        %dma_wait3A_37 = tpu.memref_slice %arg3[%add3A_30] : memref<800000xi32, #tpu.memory_space<hbm>> -> memref<200xi32, #tpu.memory_space<hbm>>
        %dma_wait3A_38 = tpu.memref_slice %arg3[%add3A_30] : memref<800000xi32, #tpu.memory_space<hbm>> -> memref<200xi32, #tpu.memory_space<hbm>>
        tpu.wait_dma2 semaphore(%run_scoped3A : memref<!tpu.dma_semaphore, #tpu.memory_space<semaphore_mem>>) src(%dma_wait3A_38 : memref<200xi32, #tpu.memory_space<hbm>>) dst(%arg7 : memref<200xi32, #tpu.memory_space<vmem>>)
        tpu.yield
      }) : () -> ()
      "tpu.region"() ({
        %run_scoped3A = tpu.sem_alloc : memref<!tpu.dma_semaphore, #tpu.memory_space<semaphore_mem>>
        %dma_start3A_35 = tpu.memref_slice %arg4[%add3A_30] : memref<800000xi32, #tpu.memory_space<hbm>> -> memref<200xi32, #tpu.memory_space<hbm>>
        %dma_start3A_36 = tpu.memref_slice %arg4[%add3A_30] : memref<800000xi32, #tpu.memory_space<hbm>> -> memref<200xi32, #tpu.memory_space<hbm>>
        tpu.enqueue_dma source(%dma_start3A_36 : memref<200xi32, #tpu.memory_space<hbm>>) target(%arg8 : memref<200xi32, #tpu.memory_space<vmem>>) target_semaphore(%run_scoped3A : memref<!tpu.dma_semaphore, #tpu.memory_space<semaphore_mem>>)
        %dma_wait3A_37 = tpu.memref_slice %arg4[%add3A_30] : memref<800000xi32, #tpu.memory_space<hbm>> -> memref<200xi32, #tpu.memory_space<hbm>>
        %dma_wait3A_38 = tpu.memref_slice %arg4[%add3A_30] : memref<800000xi32, #tpu.memory_space<hbm>> -> memref<200xi32, #tpu.memory_space<hbm>>
        tpu.wait_dma2 semaphore(%run_scoped3A : memref<!tpu.dma_semaphore, #tpu.memory_space<semaphore_mem>>) src(%dma_wait3A_38 : memref<200xi32, #tpu.memory_space<hbm>>) dst(%arg8 : memref<200xi32, #tpu.memory_space<vmem>>)
        tpu.yield
      }) : () -> ()
      %dma_start3A = arith.constant 0 : i32
      %dma_start3A_31 = arith.constant 0 : i32
      %dma_start3A_32 = tpu.memref_slice %arg2[%dma_start3A, %dma_start3A_31] : memref<50000x32xf32, #tpu.memory_space<hbm>> -> memref<50000x32xf32, #tpu.memory_space<hbm>>
      tpu.enqueue_indirect_dma source(%dma_start3A_32 : memref<50000x32xf32, #tpu.memory_space<hbm>>) target(%arg9 : memref<200x32xf32, #tpu.memory_space<vmem>>) offsets(%arg7 : memref<200xi32, #tpu.memory_space<vmem>>) semaphore(%arg11 : memref<!tpu.dma_semaphore, #tpu.memory_space<semaphore_mem>>)
      %dma_wait3A = arith.constant 0 : i32
      %dma_wait3A_33 = arith.constant 0 : i32
      %dma_wait3A_34 = tpu.memref_slice %arg2[%dma_wait3A, %dma_wait3A_33] : memref<50000x32xf32, #tpu.memory_space<hbm>> -> memref<50000x32xf32, #tpu.memory_space<hbm>>
      tpu.wait_indirect_dma semaphore(%arg11 : memref<!tpu.dma_semaphore, #tpu.memory_space<semaphore_mem>>) src(%dma_wait3A_34 : memref<50000x32xf32, #tpu.memory_space<hbm>>) dst(%arg9 : memref<200x32xf32, #tpu.memory_space<vmem>>)
      "tpu.region"() ({
        %run_scoped3A = tpu.sem_alloc : memref<!tpu.dma_semaphore, #tpu.memory_space<semaphore_mem>>
        %dma_start3A_35 = arith.constant 0 : i32
        %dma_start3A_36 = arith.constant 0 : i32
        %dma_start3A_37 = tpu.memref_slice %arg10[%dma_start3A_35, %dma_start3A_36] : memref<50000x32xf32, #tpu.memory_space<vmem_shared>> -> memref<50000x32xf32, #tpu.memory_space<vmem_shared>>
        tpu.enqueue_indirect_dma source(%arg9 : memref<200x32xf32, #tpu.memory_space<vmem>>) target(%dma_start3A_37 : memref<50000x32xf32, #tpu.memory_space<vmem_shared>>) offsets(%arg8 : memref<200xi32, #tpu.memory_space<vmem>>) semaphore(%run_scoped3A : memref<!tpu.dma_semaphore, #tpu.memory_space<semaphore_mem>>) {add = true}
        %dma_wait3A_38 = arith.constant 0 : i32
        %dma_wait3A_39 = arith.constant 0 : i32
        %dma_wait3A_40 = tpu.memref_slice %arg10[%dma_wait3A_38, %dma_wait3A_39] : memref<50000x32xf32, #tpu.memory_space<vmem_shared>> -> memref<50000x32xf32, #tpu.memory_space<vmem_shared>>
        tpu.wait_indirect_dma semaphore(%run_scoped3A : memref<!tpu.dma_semaphore, #tpu.memory_space<semaphore_mem>>) src(%arg9 : memref<200x32xf32, #tpu.memory_space<vmem>>) dst(%dma_wait3A_40 : memref<50000x32xf32, #tpu.memory_space<vmem_shared>>)
        tpu.yield
      }) : () -> ()
    }
    %scan3A_15 = arith.constant 125 : i32
    %barrier3A_16 = arith.constant 0 : index
    tpu.barrier barrier_id(%barrier3A_16)
    %lt3A_17 = arith.constant 15 : i32
    %lt3A_18 = arith.cmpi slt, %arg1, %lt3A_17 : i32
    %convert_element_type3A_19 = arith.extui %lt3A_18 : i1 to i32
    %cond3A_20 = arith.constant 0 : i32
    %cond3A_21 = arith.cmpi ne, %convert_element_type3A_19, %cond3A_20 : i32
    scf.if %cond3A_21 {
      "tpu.region"() ({
        %run_scoped3A = tpu.sem_alloc : memref<!tpu.dma_semaphore, #tpu.memory_space<semaphore_mem>>
        %dma_start3A = arith.constant 0 : i32
        %dma_start3A_27 = tpu.memref_slice %arg6[%arg0, %mul3A_2, %dma_start3A] : memref<2x50000x32xf32, #tpu.memory_space<hbm>> -> memref<1x3128x32xf32, #tpu.memory_space<hbm>>
        %dma_start3A_28 = tpu.memref_squeeze %dma_start3A_27 : memref<1x3128x32xf32, #tpu.memory_space<hbm>> -> memref<3128x32xf32, #tpu.memory_space<hbm>>
        %dma_start3A_29 = arith.constant 0 : i32
        %dma_start3A_30 = tpu.memref_slice %arg10[%mul3A_2, %dma_start3A_29] : memref<50000x32xf32, #tpu.memory_space<vmem_shared>> -> memref<3128x32xf32, #tpu.memory_space<vmem_shared>>
        tpu.enqueue_dma source(%dma_start3A_30 : memref<3128x32xf32, #tpu.memory_space<vmem_shared>>) target(%dma_start3A_28 : memref<3128x32xf32, #tpu.memory_space<hbm>>) target_semaphore(%run_scoped3A : memref<!tpu.dma_semaphore, #tpu.memory_space<semaphore_mem>>)
        %dma_wait3A = arith.constant 0 : i32
        %dma_wait3A_31 = tpu.memref_slice %arg6[%arg0, %mul3A_2, %dma_wait3A] : memref<2x50000x32xf32, #tpu.memory_space<hbm>> -> memref<1x3128x32xf32, #tpu.memory_space<hbm>>
        %dma_wait3A_32 = tpu.memref_squeeze %dma_wait3A_31 : memref<1x3128x32xf32, #tpu.memory_space<hbm>> -> memref<3128x32xf32, #tpu.memory_space<hbm>>
        %dma_wait3A_33 = arith.constant 0 : i32
        %dma_wait3A_34 = tpu.memref_slice %arg10[%mul3A_2, %dma_wait3A_33] : memref<50000x32xf32, #tpu.memory_space<vmem_shared>> -> memref<3128x32xf32, #tpu.memory_space<vmem_shared>>
        tpu.wait_dma2 semaphore(%run_scoped3A : memref<!tpu.dma_semaphore, #tpu.memory_space<semaphore_mem>>) src(%dma_wait3A_34 : memref<3128x32xf32, #tpu.memory_space<vmem_shared>>) dst(%dma_wait3A_32 : memref<3128x32xf32, #tpu.memory_space<hbm>>)
        tpu.yield
      }) : () -> ()
    } else {
    }
    %eq3A_22 = arith.constant 15 : i32
    %eq3A_23 = arith.cmpi eq, %arg1, %eq3A_22 : i32
    %convert_element_type3A_24 = arith.extui %eq3A_23 : i1 to i32
    %cond3A_25 = arith.constant 0 : i32
    %cond3A_26 = arith.cmpi ne, %convert_element_type3A_24, %cond3A_25 : i32
    scf.if %cond3A_26 {
      "tpu.region"() ({
        %run_scoped3A = tpu.sem_alloc : memref<!tpu.dma_semaphore, #tpu.memory_space<semaphore_mem>>
        %dma_start3A = arith.constant 46920 : i32
        %dma_start3A_27 = arith.constant 0 : i32
        %dma_start3A_28 = tpu.memref_slice %arg6[%arg0, %dma_start3A, %dma_start3A_27] : memref<2x50000x32xf32, #tpu.memory_space<hbm>> -> memref<1x3080x32xf32, #tpu.memory_space<hbm>>
        %dma_start3A_29 = tpu.memref_squeeze %dma_start3A_28 : memref<1x3080x32xf32, #tpu.memory_space<hbm>> -> memref<3080x32xf32, #tpu.memory_space<hbm>>
        %dma_start3A_30 = arith.constant 46920 : i32
        %dma_start3A_31 = arith.constant 0 : i32
        %dma_start3A_32 = tpu.memref_slice %arg10[%dma_start3A_30, %dma_start3A_31] : memref<50000x32xf32, #tpu.memory_space<vmem_shared>> -> memref<3080x32xf32, #tpu.memory_space<vmem_shared>>
        tpu.enqueue_dma source(%dma_start3A_32 : memref<3080x32xf32, #tpu.memory_space<vmem_shared>>) target(%dma_start3A_29 : memref<3080x32xf32, #tpu.memory_space<hbm>>) target_semaphore(%run_scoped3A : memref<!tpu.dma_semaphore, #tpu.memory_space<semaphore_mem>>)
        %dma_wait3A = arith.constant 46920 : i32
        %dma_wait3A_33 = arith.constant 0 : i32
        %dma_wait3A_34 = tpu.memref_slice %arg6[%arg0, %dma_wait3A, %dma_wait3A_33] : memref<2x50000x32xf32, #tpu.memory_space<hbm>> -> memref<1x3080x32xf32, #tpu.memory_space<hbm>>
        %dma_wait3A_35 = tpu.memref_squeeze %dma_wait3A_34 : memref<1x3080x32xf32, #tpu.memory_space<hbm>> -> memref<3080x32xf32, #tpu.memory_space<hbm>>
        %dma_wait3A_36 = arith.constant 46920 : i32
        %dma_wait3A_37 = arith.constant 0 : i32
        %dma_wait3A_38 = tpu.memref_slice %arg10[%dma_wait3A_36, %dma_wait3A_37] : memref<50000x32xf32, #tpu.memory_space<vmem_shared>> -> memref<3080x32xf32, #tpu.memory_space<vmem_shared>>
        tpu.wait_dma2 semaphore(%run_scoped3A : memref<!tpu.dma_semaphore, #tpu.memory_space<semaphore_mem>>) src(%dma_wait3A_38 : memref<3080x32xf32, #tpu.memory_space<vmem_shared>>) dst(%dma_wait3A_35 : memref<3080x32xf32, #tpu.memory_space<hbm>>)
        tpu.yield
      }) : () -> ()
    } else {
    }
    return
  }
}

#map = affine_map<(d0, d1) -> (0, 0)>
#map1 = affine_map<(d0, d1) -> (0)>
#map2 = affine_map<(d0, d1) -> (0, 0, 0)>
module attributes {stable_mosaic.version = 14 : i64} {
  func.func @body(%arg0: i32, %arg1: i32, %arg2: memref<50000x32xf32, #tpu.memory_space<hbm>>, %arg3: memref<800000xi32, #tpu.memory_space<hbm>>, %arg4: memref<800000xi32, #tpu.memory_space<hbm>>, %arg5: memref<3128x32xf32, #tpu.memory_space<hbm>>, %arg6: memref<2x50000x32xf32, #tpu.memory_space<hbm>>, %arg7: memref<200xi32, #tpu.memory_space<vmem>>, %arg8: memref<200xi32, #tpu.memory_space<vmem>>, %arg9: memref<200x32xf32, #tpu.memory_space<vmem>>, %arg10: memref<50000x32xf32, #tpu.memory_space<vmem_shared>>, %arg11: memref<!tpu.dma_semaphore, #tpu.memory_space<semaphore_mem>>) attributes {dimension_semantics = [#tpu.dimension_semantics<core_parallel>, #tpu.dimension_semantics<subcore_parallel>], iteration_bounds = array<i64: 2, 16>, scalar_prefetch = 0 : i64, scratch_operands = 5 : i64, tpu.core_type = #tpu.core_type<sc_vector_subcore>, window_params = [{transform_indices = #map}, {transform_indices = #map1}, {transform_indices = #map1}, {transform_indices = #map}, {transform_indices = #map2}]} {
    %mul3A = arith.constant 2 : i32
    %mul3A_0 = arith.muli %arg1, %mul3A : i32
    %add3A = arith.addi %mul3A_0, %arg0 : i32
    %mul3A_1 = arith.constant 3128 : i32
    %mul3A_2 = arith.muli %arg1, %mul3A_1 : i32
    %lt3A = arith.constant 15 : i32
    %lt3A_3 = arith.cmpi slt, %arg1, %lt3A : i32
    %convert_element_type3A = arith.extui %lt3A_3 : i1 to i32
    %cond3A = arith.constant 0 : i32
    %cond3A_4 = arith.cmpi ne, %convert_element_type3A, %cond3A : i32
    scf.if %cond3A_4 {
      "tpu.region"() ({
        %run_scoped3A = tpu.sem_alloc : memref<!tpu.dma_semaphore, #tpu.memory_space<semaphore_mem>>
        %dma_start3A = arith.constant 0 : i32
        %dma_start3A_27 = tpu.memref_slice %arg10[%mul3A_2, %dma_start3A] : memref<50000x32xf32, #tpu.memory_space<vmem_shared>> -> memref<3128x32xf32, #tpu.memory_space<vmem_shared>>
        tpu.enqueue_dma source(%arg5 : memref<3128x32xf32, #tpu.memory_space<hbm>>) target(%dma_start3A_27 : memref<3128x32xf32, #tpu.memory_space<vmem_shared>>) target_semaphore(%run_scoped3A : memref<!tpu.dma_semaphore, #tpu.memory_space<semaphore_mem>>)
        %dma_wait3A = arith.constant 0 : i32
        %dma_wait3A_28 = tpu.memref_slice %arg10[%mul3A_2, %dma_wait3A] : memref<50000x32xf32, #tpu.memory_space<vmem_shared>> -> memref<3128x32xf32, #tpu.memory_space<vmem_shared>>
        tpu.wait_dma2 semaphore(%run_scoped3A : memref<!tpu.dma_semaphore, #tpu.memory_space<semaphore_mem>>) src(%arg5 : memref<3128x32xf32, #tpu.memory_space<hbm>>) dst(%dma_wait3A_28 : memref<3128x32xf32, #tpu.memory_space<vmem_shared>>)
        tpu.yield
      }) : () -> ()
    } else {
    }
    %eq3A = arith.constant 15 : i32
    %eq3A_5 = arith.cmpi eq, %arg1, %eq3A : i32
    %convert_element_type3A_6 = arith.extui %eq3A_5 : i1 to i32
    %cond3A_7 = arith.constant 0 : i32
    %cond3A_8 = arith.cmpi ne, %convert_element_type3A_6, %cond3A_7 : i32
    scf.if %cond3A_8 {
      "tpu.region"() ({
        %run_scoped3A = tpu.sem_alloc : memref<!tpu.dma_semaphore, #tpu.memory_space<semaphore_mem>>
        %dma_start3A = arith.constant 46920 : i32
        %dma_start3A_27 = arith.constant 0 : i32
        %dma_start3A_28 = tpu.memref_slice %arg10[%dma_start3A, %dma_start3A_27] : memref<50000x32xf32, #tpu.memory_space<vmem_shared>> -> memref<3080x32xf32, #tpu.memory_space<vmem_shared>>
        %dma_start3A_29 = arith.constant 0 : i32
        %dma_start3A_30 = arith.constant 0 : i32
        %dma_start3A_31 = tpu.memref_slice %arg5[%dma_start3A_29, %dma_start3A_30] : memref<3128x32xf32, #tpu.memory_space<hbm>> -> memref<3080x32xf32, #tpu.memory_space<hbm>>
        tpu.enqueue_dma source(%dma_start3A_31 : memref<3080x32xf32, #tpu.memory_space<hbm>>) target(%dma_start3A_28 : memref<3080x32xf32, #tpu.memory_space<vmem_shared>>) target_semaphore(%run_scoped3A : memref<!tpu.dma_semaphore, #tpu.memory_space<semaphore_mem>>)
        %dma_wait3A = arith.constant 46920 : i32
        %dma_wait3A_32 = arith.constant 0 : i32
        %dma_wait3A_33 = tpu.memref_slice %arg10[%dma_wait3A, %dma_wait3A_32] : memref<50000x32xf32, #tpu.memory_space<vmem_shared>> -> memref<3080x32xf32, #tpu.memory_space<vmem_shared>>
        %dma_wait3A_34 = arith.constant 0 : i32
        %dma_wait3A_35 = arith.constant 0 : i32
        %dma_wait3A_36 = tpu.memref_slice %arg5[%dma_wait3A_34, %dma_wait3A_35] : memref<3128x32xf32, #tpu.memory_space<hbm>> -> memref<3080x32xf32, #tpu.memory_space<hbm>>
        tpu.wait_dma2 semaphore(%run_scoped3A : memref<!tpu.dma_semaphore, #tpu.memory_space<semaphore_mem>>) src(%dma_wait3A_36 : memref<3080x32xf32, #tpu.memory_space<hbm>>) dst(%dma_wait3A_33 : memref<3080x32xf32, #tpu.memory_space<vmem_shared>>)
        tpu.yield
      }) : () -> ()
    } else {
    }
    %barrier3A = arith.constant 0 : index
    tpu.barrier barrier_id(%barrier3A)
    %mul3A_9 = arith.constant 25000 : i32
    %mul3A_10 = arith.muli %add3A, %mul3A_9 : i32
    %scan3A = arith.constant 0 : i32
    %scan3A_11 = arith.constant 0 : i32
    %scan3A_12 = arith.constant 125 : i32
    %scan3A_13 = arith.addi %scan3A_11, %scan3A_12 : i32
    %scan3A_14 = arith.constant 1 : i32
    scf.for %scan3A_27 = %scan3A_11 to %scan3A_13 step %scan3A_14  : i32 {
      %mul3A_28 = arith.constant 200 : i32
      %mul3A_29 = arith.muli %scan3A_27, %mul3A_28 : i32
      %add3A_30 = arith.addi %mul3A_10, %mul3A_29 : i32
      "tpu.region"() ({
        %run_scoped3A = tpu.sem_alloc : memref<!tpu.dma_semaphore, #tpu.memory_space<semaphore_mem>>
        %dma_start3A_35 = tpu.memref_slice %arg3[%add3A_30] : memref<800000xi32, #tpu.memory_space<hbm>> -> memref<200xi32, #tpu.memory_space<hbm>>
        %dma_start3A_36 = tpu.memref_slice %arg3[%add3A_30] : memref<800000xi32, #tpu.memory_space<hbm>> -> memref<200xi32, #tpu.memory_space<hbm>>
        tpu.enqueue_dma source(%dma_start3A_36 : memref<200xi32, #tpu.memory_space<hbm>>) target(%arg7 : memref<200xi32, #tpu.memory_space<vmem>>) target_semaphore(%run_scoped3A : memref<!tpu.dma_semaphore, #tpu.memory_space<semaphore_mem>>)
        %dma_wait3A_37 = tpu.memref_slice %arg3[%add3A_30] : memref<800000xi32, #tpu.memory_space<hbm>> -> memref<200xi32, #tpu.memory_space<hbm>>
        %dma_wait3A_38 = tpu.memref_slice %arg3[%add3A_30] : memref<800000xi32, #tpu.memory_space<hbm>> -> memref<200xi32, #tpu.memory_space<hbm>>
        tpu.wait_dma2 semaphore(%run_scoped3A : memref<!tpu.dma_semaphore, #tpu.memory_space<semaphore_mem>>) src(%dma_wait3A_38 : memref<200xi32, #tpu.memory_space<hbm>>) dst(%arg7 : memref<200xi32, #tpu.memory_space<vmem>>)
        tpu.yield
      }) : () -> ()
      "tpu.region"() ({
        %run_scoped3A = tpu.sem_alloc : memref<!tpu.dma_semaphore, #tpu.memory_space<semaphore_mem>>
        %dma_start3A_35 = tpu.memref_slice %arg4[%add3A_30] : memref<800000xi32, #tpu.memory_space<hbm>> -> memref<200xi32, #tpu.memory_space<hbm>>
        %dma_start3A_36 = tpu.memref_slice %arg4[%add3A_30] : memref<800000xi32, #tpu.memory_space<hbm>> -> memref<200xi32, #tpu.memory_space<hbm>>
        tpu.enqueue_dma source(%dma_start3A_36 : memref<200xi32, #tpu.memory_space<hbm>>) target(%arg8 : memref<200xi32, #tpu.memory_space<vmem>>) target_semaphore(%run_scoped3A : memref<!tpu.dma_semaphore, #tpu.memory_space<semaphore_mem>>)
        %dma_wait3A_37 = tpu.memref_slice %arg4[%add3A_30] : memref<800000xi32, #tpu.memory_space<hbm>> -> memref<200xi32, #tpu.memory_space<hbm>>
        %dma_wait3A_38 = tpu.memref_slice %arg4[%add3A_30] : memref<800000xi32, #tpu.memory_space<hbm>> -> memref<200xi32, #tpu.memory_space<hbm>>
        tpu.wait_dma2 semaphore(%run_scoped3A : memref<!tpu.dma_semaphore, #tpu.memory_space<semaphore_mem>>) src(%dma_wait3A_38 : memref<200xi32, #tpu.memory_space<hbm>>) dst(%arg8 : memref<200xi32, #tpu.memory_space<vmem>>)
        tpu.yield
      }) : () -> ()
      %dma_start3A = arith.constant 0 : i32
      %dma_start3A_31 = arith.constant 0 : i32
      %dma_start3A_32 = tpu.memref_slice %arg2[%dma_start3A, %dma_start3A_31] : memref<50000x32xf32, #tpu.memory_space<hbm>> -> memref<50000x32xf32, #tpu.memory_space<hbm>>
      tpu.enqueue_indirect_dma source(%dma_start3A_32 : memref<50000x32xf32, #tpu.memory_space<hbm>>) target(%arg9 : memref<200x32xf32, #tpu.memory_space<vmem>>) offsets(%arg7 : memref<200xi32, #tpu.memory_space<vmem>>) semaphore(%arg11 : memref<!tpu.dma_semaphore, #tpu.memory_space<semaphore_mem>>)
      %dma_wait3A = arith.constant 0 : i32
      %dma_wait3A_33 = arith.constant 0 : i32
      %dma_wait3A_34 = tpu.memref_slice %arg2[%dma_wait3A, %dma_wait3A_33] : memref<50000x32xf32, #tpu.memory_space<hbm>> -> memref<50000x32xf32, #tpu.memory_space<hbm>>
      tpu.wait_indirect_dma semaphore(%arg11 : memref<!tpu.dma_semaphore, #tpu.memory_space<semaphore_mem>>) src(%dma_wait3A_34 : memref<50000x32xf32, #tpu.memory_space<hbm>>) dst(%arg9 : memref<200x32xf32, #tpu.memory_space<vmem>>)
      "tpu.region"() ({
        %run_scoped3A = tpu.sem_alloc : memref<!tpu.dma_semaphore, #tpu.memory_space<semaphore_mem>>
        %dma_start3A_35 = arith.constant 0 : i32
        %dma_start3A_36 = arith.constant 0 : i32
        %dma_start3A_37 = tpu.memref_slice %arg10[%dma_start3A_35, %dma_start3A_36] : memref<50000x32xf32, #tpu.memory_space<vmem_shared>> -> memref<50000x32xf32, #tpu.memory_space<vmem_shared>>
        tpu.enqueue_indirect_dma source(%arg9 : memref<200x32xf32, #tpu.memory_space<vmem>>) target(%dma_start3A_37 : memref<50000x32xf32, #tpu.memory_space<vmem_shared>>) offsets(%arg8 : memref<200xi32, #tpu.memory_space<vmem>>) semaphore(%run_scoped3A : memref<!tpu.dma_semaphore, #tpu.memory_space<semaphore_mem>>) {add = true}
        %dma_wait3A_38 = arith.constant 0 : i32
        %dma_wait3A_39 = arith.constant 0 : i32
        %dma_wait3A_40 = tpu.memref_slice %arg10[%dma_wait3A_38, %dma_wait3A_39] : memref<50000x32xf32, #tpu.memory_space<vmem_shared>> -> memref<50000x32xf32, #tpu.memory_space<vmem_shared>>
        tpu.wait_indirect_dma semaphore(%run_scoped3A : memref<!tpu.dma_semaphore, #tpu.memory_space<semaphore_mem>>) src(%arg9 : memref<200x32xf32, #tpu.memory_space<vmem>>) dst(%dma_wait3A_40 : memref<50000x32xf32, #tpu.memory_space<vmem_shared>>)
        tpu.yield
      }) : () -> ()
    }
    %scan3A_15 = arith.constant 125 : i32
    %barrier3A_16 = arith.constant 0 : index
    tpu.barrier barrier_id(%barrier3A_16)
    %lt3A_17 = arith.constant 15 : i32
    %lt3A_18 = arith.cmpi slt, %arg1, %lt3A_17 : i32
    %convert_element_type3A_19 = arith.extui %lt3A_18 : i1 to i32
    %cond3A_20 = arith.constant 0 : i32
    %cond3A_21 = arith.cmpi ne, %convert_element_type3A_19, %cond3A_20 : i32
    scf.if %cond3A_21 {
      "tpu.region"() ({
        %run_scoped3A = tpu.sem_alloc : memref<!tpu.dma_semaphore, #tpu.memory_space<semaphore_mem>>
        %dma_start3A = arith.constant 0 : i32
        %dma_start3A_27 = tpu.memref_slice %arg6[%arg0, %mul3A_2, %dma_start3A] : memref<2x50000x32xf32, #tpu.memory_space<hbm>> -> memref<1x3128x32xf32, #tpu.memory_space<hbm>>
        %dma_start3A_28 = tpu.memref_squeeze %dma_start3A_27 : memref<1x3128x32xf32, #tpu.memory_space<hbm>> -> memref<3128x32xf32, #tpu.memory_space<hbm>>
        %dma_start3A_29 = arith.constant 0 : i32
        %dma_start3A_30 = tpu.memref_slice %arg10[%mul3A_2, %dma_start3A_29] : memref<50000x32xf32, #tpu.memory_space<vmem_shared>> -> memref<3128x32xf32, #tpu.memory_space<vmem_shared>>
        tpu.enqueue_dma source(%dma_start3A_30 : memref<3128x32xf32, #tpu.memory_space<vmem_shared>>) target(%dma_start3A_28 : memref<3128x32xf32, #tpu.memory_space<hbm>>) target_semaphore(%run_scoped3A : memref<!tpu.dma_semaphore, #tpu.memory_space<semaphore_mem>>)
        %dma_wait3A = arith.constant 0 : i32
        %dma_wait3A_31 = tpu.memref_slice %arg6[%arg0, %mul3A_2, %dma_wait3A] : memref<2x50000x32xf32, #tpu.memory_space<hbm>> -> memref<1x3128x32xf32, #tpu.memory_space<hbm>>
        %dma_wait3A_32 = tpu.memref_squeeze %dma_wait3A_31 : memref<1x3128x32xf32, #tpu.memory_space<hbm>> -> memref<3128x32xf32, #tpu.memory_space<hbm>>
        %dma_wait3A_33 = arith.constant 0 : i32
        %dma_wait3A_34 = tpu.memref_slice %arg10[%mul3A_2, %dma_wait3A_33] : memref<50000x32xf32, #tpu.memory_space<vmem_shared>> -> memref<3128x32xf32, #tpu.memory_space<vmem_shared>>
        tpu.wait_dma2 semaphore(%run_scoped3A : memref<!tpu.dma_semaphore, #tpu.memory_space<semaphore_mem>>) src(%dma_wait3A_34 : memref<3128x32xf32, #tpu.memory_space<vmem_shared>>) dst(%dma_wait3A_32 : memref<3128x32xf32, #tpu.memory_space<hbm>>)
        tpu.yield
      }) : () -> ()
    } else {
    }
    %eq3A_22 = arith.constant 15 : i32
    %eq3A_23 = arith.cmpi eq, %arg1, %eq3A_22 : i32
    %convert_element_type3A_24 = arith.extui %eq3A_23 : i1 to i32
    %cond3A_25 = arith.constant 0 : i32
    %cond3A_26 = arith.cmpi ne, %convert_element_type3A_24, %cond3A_25 : i32
    scf.if %cond3A_26 {
      "tpu.region"() ({
        %run_scoped3A = tpu.sem_alloc : memref<!tpu.dma_semaphore, #tpu.memory_space<semaphore_mem>>
        %dma_start3A = arith.constant 46920 : i32
        %dma_start3A_27 = arith.constant 0 : i32
        %dma_start3A_28 = tpu.memref_slice %arg6[%arg0, %dma_start3A, %dma_start3A_27] : memref<2x50000x32xf32, #tpu.memory_space<hbm>> -> memref<1x3080x32xf32, #tpu.memory_space<hbm>>
        %dma_start3A_29 = tpu.memref_squeeze %dma_start3A_28 : memref<1x3080x32xf32, #tpu.memory_space<hbm>> -> memref<3080x32xf32, #tpu.memory_space<hbm>>
        %dma_start3A_30 = arith.constant 46920 : i32
        %dma_start3A_31 = arith.constant 0 : i32
        %dma_start3A_32 = tpu.memref_slice %arg10[%dma_start3A_30, %dma_start3A_31] : memref<50000x32xf32, #tpu.memory_space<vmem_shared>> -> memref<3080x32xf32, #tpu.memory_space<vmem_shared>>
        tpu.enqueue_dma source(%dma_start3A_32 : memref<3080x32xf32, #tpu.memory_space<vmem_shared>>) target(%dma_start3A_29 : memref<3080x32xf32, #tpu.memory_space<hbm>>) target_semaphore(%run_scoped3A : memref<!tpu.dma_semaphore, #tpu.memory_space<semaphore_mem>>)
        %dma_wait3A = arith.constant 46920 : i32
        %dma_wait3A_33 = arith.constant 0 : i32
        %dma_wait3A_34 = tpu.memref_slice %arg6[%arg0, %dma_wait3A, %dma_wait3A_33] : memref<2x50000x32xf32, #tpu.memory_space<hbm>> -> memref<1x3080x32xf32, #tpu.memory_space<hbm>>
        %dma_wait3A_35 = tpu.memref_squeeze %dma_wait3A_34 : memref<1x3080x32xf32, #tpu.memory_space<hbm>> -> memref<3080x32xf32, #tpu.memory_space<hbm>>
        %dma_wait3A_36 = arith.constant 46920 : i32
        %dma_wait3A_37 = arith.constant 0 : i32
        %dma_wait3A_38 = tpu.memref_slice %arg10[%dma_wait3A_36, %dma_wait3A_37] : memref<50000x32xf32, #tpu.memory_space<vmem_shared>> -> memref<3080x32xf32, #tpu.memory_space<vmem_shared>>
        tpu.wait_dma2 semaphore(%run_scoped3A : memref<!tpu.dma_semaphore, #tpu.memory_space<semaphore_mem>>) src(%dma_wait3A_38 : memref<3080x32xf32, #tpu.memory_space<vmem_shared>>) dst(%dma_wait3A_35 : memref<3080x32xf32, #tpu.memory_space<hbm>>)
        tpu.yield
      }) : () -> ()
    } else {
    }
    return
  }
}

#map = affine_map<(d0, d1) -> (0, 0)>
#map1 = affine_map<(d0, d1) -> (0)>
#map2 = affine_map<(d0, d1) -> (0, 0, 0)>
module attributes {stable_mosaic.version = 14 : i64} {
  func.func @body(%arg0: i32, %arg1: i32, %arg2: memref<50000x32xf32, #tpu.memory_space<hbm>>, %arg3: memref<800000xi32, #tpu.memory_space<hbm>>, %arg4: memref<800000xi32, #tpu.memory_space<hbm>>, %arg5: memref<3128x32xf32, #tpu.memory_space<hbm>>, %arg6: memref<2x50000x32xf32, #tpu.memory_space<hbm>>, %arg7: memref<200xi32, #tpu.memory_space<vmem>>, %arg8: memref<200xi32, #tpu.memory_space<vmem>>, %arg9: memref<200x32xf32, #tpu.memory_space<vmem>>, %arg10: memref<50000x32xf32, #tpu.memory_space<vmem_shared>>, %arg11: memref<!tpu.dma_semaphore, #tpu.memory_space<semaphore_mem>>) attributes {dimension_semantics = [#tpu.dimension_semantics<core_parallel>, #tpu.dimension_semantics<subcore_parallel>], iteration_bounds = array<i64: 2, 16>, scalar_prefetch = 0 : i64, scratch_operands = 5 : i64, tpu.core_type = #tpu.core_type<sc_vector_subcore>, window_params = [{transform_indices = #map}, {transform_indices = #map1}, {transform_indices = #map1}, {transform_indices = #map}, {transform_indices = #map2}]} {
    %mul3A = arith.constant 2 : i32
    %mul3A_0 = arith.muli %arg1, %mul3A : i32
    %add3A = arith.addi %mul3A_0, %arg0 : i32
    %mul3A_1 = arith.constant 3128 : i32
    %mul3A_2 = arith.muli %arg1, %mul3A_1 : i32
    %lt3A = arith.constant 15 : i32
    %lt3A_3 = arith.cmpi slt, %arg1, %lt3A : i32
    %convert_element_type3A = arith.extui %lt3A_3 : i1 to i32
    %cond3A = arith.constant 0 : i32
    %cond3A_4 = arith.cmpi ne, %convert_element_type3A, %cond3A : i32
    scf.if %cond3A_4 {
      "tpu.region"() ({
        %run_scoped3A = tpu.sem_alloc : memref<!tpu.dma_semaphore, #tpu.memory_space<semaphore_mem>>
        %dma_start3A = arith.constant 0 : i32
        %dma_start3A_27 = tpu.memref_slice %arg10[%mul3A_2, %dma_start3A] : memref<50000x32xf32, #tpu.memory_space<vmem_shared>> -> memref<3128x32xf32, #tpu.memory_space<vmem_shared>>
        tpu.enqueue_dma source(%arg5 : memref<3128x32xf32, #tpu.memory_space<hbm>>) target(%dma_start3A_27 : memref<3128x32xf32, #tpu.memory_space<vmem_shared>>) target_semaphore(%run_scoped3A : memref<!tpu.dma_semaphore, #tpu.memory_space<semaphore_mem>>)
        %dma_wait3A = arith.constant 0 : i32
        %dma_wait3A_28 = tpu.memref_slice %arg10[%mul3A_2, %dma_wait3A] : memref<50000x32xf32, #tpu.memory_space<vmem_shared>> -> memref<3128x32xf32, #tpu.memory_space<vmem_shared>>
        tpu.wait_dma2 semaphore(%run_scoped3A : memref<!tpu.dma_semaphore, #tpu.memory_space<semaphore_mem>>) src(%arg5 : memref<3128x32xf32, #tpu.memory_space<hbm>>) dst(%dma_wait3A_28 : memref<3128x32xf32, #tpu.memory_space<vmem_shared>>)
        tpu.yield
      }) : () -> ()
    } else {
    }
    %eq3A = arith.constant 15 : i32
    %eq3A_5 = arith.cmpi eq, %arg1, %eq3A : i32
    %convert_element_type3A_6 = arith.extui %eq3A_5 : i1 to i32
    %cond3A_7 = arith.constant 0 : i32
    %cond3A_8 = arith.cmpi ne, %convert_element_type3A_6, %cond3A_7 : i32
    scf.if %cond3A_8 {
      "tpu.region"() ({
        %run_scoped3A = tpu.sem_alloc : memref<!tpu.dma_semaphore, #tpu.memory_space<semaphore_mem>>
        %dma_start3A = arith.constant 46920 : i32
        %dma_start3A_27 = arith.constant 0 : i32
        %dma_start3A_28 = tpu.memref_slice %arg10[%dma_start3A, %dma_start3A_27] : memref<50000x32xf32, #tpu.memory_space<vmem_shared>> -> memref<3080x32xf32, #tpu.memory_space<vmem_shared>>
        %dma_start3A_29 = arith.constant 0 : i32
        %dma_start3A_30 = arith.constant 0 : i32
        %dma_start3A_31 = tpu.memref_slice %arg5[%dma_start3A_29, %dma_start3A_30] : memref<3128x32xf32, #tpu.memory_space<hbm>> -> memref<3080x32xf32, #tpu.memory_space<hbm>>
        tpu.enqueue_dma source(%dma_start3A_31 : memref<3080x32xf32, #tpu.memory_space<hbm>>) target(%dma_start3A_28 : memref<3080x32xf32, #tpu.memory_space<vmem_shared>>) target_semaphore(%run_scoped3A : memref<!tpu.dma_semaphore, #tpu.memory_space<semaphore_mem>>)
        %dma_wait3A = arith.constant 46920 : i32
        %dma_wait3A_32 = arith.constant 0 : i32
        %dma_wait3A_33 = tpu.memref_slice %arg10[%dma_wait3A, %dma_wait3A_32] : memref<50000x32xf32, #tpu.memory_space<vmem_shared>> -> memref<3080x32xf32, #tpu.memory_space<vmem_shared>>
        %dma_wait3A_34 = arith.constant 0 : i32
        %dma_wait3A_35 = arith.constant 0 : i32
        %dma_wait3A_36 = tpu.memref_slice %arg5[%dma_wait3A_34, %dma_wait3A_35] : memref<3128x32xf32, #tpu.memory_space<hbm>> -> memref<3080x32xf32, #tpu.memory_space<hbm>>
        tpu.wait_dma2 semaphore(%run_scoped3A : memref<!tpu.dma_semaphore, #tpu.memory_space<semaphore_mem>>) src(%dma_wait3A_36 : memref<3080x32xf32, #tpu.memory_space<hbm>>) dst(%dma_wait3A_33 : memref<3080x32xf32, #tpu.memory_space<vmem_shared>>)
        tpu.yield
      }) : () -> ()
    } else {
    }
    %barrier3A = arith.constant 0 : index
    tpu.barrier barrier_id(%barrier3A)
    %mul3A_9 = arith.constant 25000 : i32
    %mul3A_10 = arith.muli %add3A, %mul3A_9 : i32
    %scan3A = arith.constant 0 : i32
    %scan3A_11 = arith.constant 0 : i32
    %scan3A_12 = arith.constant 125 : i32
    %scan3A_13 = arith.addi %scan3A_11, %scan3A_12 : i32
    %scan3A_14 = arith.constant 1 : i32
    scf.for %scan3A_27 = %scan3A_11 to %scan3A_13 step %scan3A_14  : i32 {
      %mul3A_28 = arith.constant 200 : i32
      %mul3A_29 = arith.muli %scan3A_27, %mul3A_28 : i32
      %add3A_30 = arith.addi %mul3A_10, %mul3A_29 : i32
      "tpu.region"() ({
        %run_scoped3A = tpu.sem_alloc : memref<!tpu.dma_semaphore, #tpu.memory_space<semaphore_mem>>
        %dma_start3A_35 = tpu.memref_slice %arg3[%add3A_30] : memref<800000xi32, #tpu.memory_space<hbm>> -> memref<200xi32, #tpu.memory_space<hbm>>
        %dma_start3A_36 = tpu.memref_slice %arg3[%add3A_30] : memref<800000xi32, #tpu.memory_space<hbm>> -> memref<200xi32, #tpu.memory_space<hbm>>
        tpu.enqueue_dma source(%dma_start3A_36 : memref<200xi32, #tpu.memory_space<hbm>>) target(%arg7 : memref<200xi32, #tpu.memory_space<vmem>>) target_semaphore(%run_scoped3A : memref<!tpu.dma_semaphore, #tpu.memory_space<semaphore_mem>>)
        %dma_wait3A_37 = tpu.memref_slice %arg3[%add3A_30] : memref<800000xi32, #tpu.memory_space<hbm>> -> memref<200xi32, #tpu.memory_space<hbm>>
        %dma_wait3A_38 = tpu.memref_slice %arg3[%add3A_30] : memref<800000xi32, #tpu.memory_space<hbm>> -> memref<200xi32, #tpu.memory_space<hbm>>
        tpu.wait_dma2 semaphore(%run_scoped3A : memref<!tpu.dma_semaphore, #tpu.memory_space<semaphore_mem>>) src(%dma_wait3A_38 : memref<200xi32, #tpu.memory_space<hbm>>) dst(%arg7 : memref<200xi32, #tpu.memory_space<vmem>>)
        tpu.yield
      }) : () -> ()
      "tpu.region"() ({
        %run_scoped3A = tpu.sem_alloc : memref<!tpu.dma_semaphore, #tpu.memory_space<semaphore_mem>>
        %dma_start3A_35 = tpu.memref_slice %arg4[%add3A_30] : memref<800000xi32, #tpu.memory_space<hbm>> -> memref<200xi32, #tpu.memory_space<hbm>>
        %dma_start3A_36 = tpu.memref_slice %arg4[%add3A_30] : memref<800000xi32, #tpu.memory_space<hbm>> -> memref<200xi32, #tpu.memory_space<hbm>>
        tpu.enqueue_dma source(%dma_start3A_36 : memref<200xi32, #tpu.memory_space<hbm>>) target(%arg8 : memref<200xi32, #tpu.memory_space<vmem>>) target_semaphore(%run_scoped3A : memref<!tpu.dma_semaphore, #tpu.memory_space<semaphore_mem>>)
        %dma_wait3A_37 = tpu.memref_slice %arg4[%add3A_30] : memref<800000xi32, #tpu.memory_space<hbm>> -> memref<200xi32, #tpu.memory_space<hbm>>
        %dma_wait3A_38 = tpu.memref_slice %arg4[%add3A_30] : memref<800000xi32, #tpu.memory_space<hbm>> -> memref<200xi32, #tpu.memory_space<hbm>>
        tpu.wait_dma2 semaphore(%run_scoped3A : memref<!tpu.dma_semaphore, #tpu.memory_space<semaphore_mem>>) src(%dma_wait3A_38 : memref<200xi32, #tpu.memory_space<hbm>>) dst(%arg8 : memref<200xi32, #tpu.memory_space<vmem>>)
        tpu.yield
      }) : () -> ()
      %dma_start3A = arith.constant 0 : i32
      %dma_start3A_31 = arith.constant 0 : i32
      %dma_start3A_32 = tpu.memref_slice %arg2[%dma_start3A, %dma_start3A_31] : memref<50000x32xf32, #tpu.memory_space<hbm>> -> memref<50000x32xf32, #tpu.memory_space<hbm>>
      tpu.enqueue_indirect_dma source(%dma_start3A_32 : memref<50000x32xf32, #tpu.memory_space<hbm>>) target(%arg9 : memref<200x32xf32, #tpu.memory_space<vmem>>) offsets(%arg7 : memref<200xi32, #tpu.memory_space<vmem>>) semaphore(%arg11 : memref<!tpu.dma_semaphore, #tpu.memory_space<semaphore_mem>>)
      %dma_wait3A = arith.constant 0 : i32
      %dma_wait3A_33 = arith.constant 0 : i32
      %dma_wait3A_34 = tpu.memref_slice %arg2[%dma_wait3A, %dma_wait3A_33] : memref<50000x32xf32, #tpu.memory_space<hbm>> -> memref<50000x32xf32, #tpu.memory_space<hbm>>
      tpu.wait_indirect_dma semaphore(%arg11 : memref<!tpu.dma_semaphore, #tpu.memory_space<semaphore_mem>>) src(%dma_wait3A_34 : memref<50000x32xf32, #tpu.memory_space<hbm>>) dst(%arg9 : memref<200x32xf32, #tpu.memory_space<vmem>>)
      "tpu.region"() ({
        %run_scoped3A = tpu.sem_alloc : memref<!tpu.dma_semaphore, #tpu.memory_space<semaphore_mem>>
        %dma_start3A_35 = arith.constant 0 : i32
        %dma_start3A_36 = arith.constant 0 : i32
        %dma_start3A_37 = tpu.memref_slice %arg10[%dma_start3A_35, %dma_start3A_36] : memref<50000x32xf32, #tpu.memory_space<vmem_shared>> -> memref<50000x32xf32, #tpu.memory_space<vmem_shared>>
        tpu.enqueue_indirect_dma source(%arg9 : memref<200x32xf32, #tpu.memory_space<vmem>>) target(%dma_start3A_37 : memref<50000x32xf32, #tpu.memory_space<vmem_shared>>) offsets(%arg8 : memref<200xi32, #tpu.memory_space<vmem>>) semaphore(%run_scoped3A : memref<!tpu.dma_semaphore, #tpu.memory_space<semaphore_mem>>) {add = true}
        %dma_wait3A_38 = arith.constant 0 : i32
        %dma_wait3A_39 = arith.constant 0 : i32
        %dma_wait3A_40 = tpu.memref_slice %arg10[%dma_wait3A_38, %dma_wait3A_39] : memref<50000x32xf32, #tpu.memory_space<vmem_shared>> -> memref<50000x32xf32, #tpu.memory_space<vmem_shared>>
        tpu.wait_indirect_dma semaphore(%run_scoped3A : memref<!tpu.dma_semaphore, #tpu.memory_space<semaphore_mem>>) src(%arg9 : memref<200x32xf32, #tpu.memory_space<vmem>>) dst(%dma_wait3A_40 : memref<50000x32xf32, #tpu.memory_space<vmem_shared>>)
        tpu.yield
      }) : () -> ()
    }
    %scan3A_15 = arith.constant 125 : i32
    %barrier3A_16 = arith.constant 0 : index
    tpu.barrier barrier_id(%barrier3A_16)
    %lt3A_17 = arith.constant 15 : i32
    %lt3A_18 = arith.cmpi slt, %arg1, %lt3A_17 : i32
    %convert_element_type3A_19 = arith.extui %lt3A_18 : i1 to i32
    %cond3A_20 = arith.constant 0 : i32
    %cond3A_21 = arith.cmpi ne, %convert_element_type3A_19, %cond3A_20 : i32
    scf.if %cond3A_21 {
      "tpu.region"() ({
        %run_scoped3A = tpu.sem_alloc : memref<!tpu.dma_semaphore, #tpu.memory_space<semaphore_mem>>
        %dma_start3A = arith.constant 0 : i32
        %dma_start3A_27 = tpu.memref_slice %arg6[%arg0, %mul3A_2, %dma_start3A] : memref<2x50000x32xf32, #tpu.memory_space<hbm>> -> memref<1x3128x32xf32, #tpu.memory_space<hbm>>
        %dma_start3A_28 = tpu.memref_squeeze %dma_start3A_27 : memref<1x3128x32xf32, #tpu.memory_space<hbm>> -> memref<3128x32xf32, #tpu.memory_space<hbm>>
        %dma_start3A_29 = arith.constant 0 : i32
        %dma_start3A_30 = tpu.memref_slice %arg10[%mul3A_2, %dma_start3A_29] : memref<50000x32xf32, #tpu.memory_space<vmem_shared>> -> memref<3128x32xf32, #tpu.memory_space<vmem_shared>>
        tpu.enqueue_dma source(%dma_start3A_30 : memref<3128x32xf32, #tpu.memory_space<vmem_shared>>) target(%dma_start3A_28 : memref<3128x32xf32, #tpu.memory_space<hbm>>) target_semaphore(%run_scoped3A : memref<!tpu.dma_semaphore, #tpu.memory_space<semaphore_mem>>)
        %dma_wait3A = arith.constant 0 : i32
        %dma_wait3A_31 = tpu.memref_slice %arg6[%arg0, %mul3A_2, %dma_wait3A] : memref<2x50000x32xf32, #tpu.memory_space<hbm>> -> memref<1x3128x32xf32, #tpu.memory_space<hbm>>
        %dma_wait3A_32 = tpu.memref_squeeze %dma_wait3A_31 : memref<1x3128x32xf32, #tpu.memory_space<hbm>> -> memref<3128x32xf32, #tpu.memory_space<hbm>>
        %dma_wait3A_33 = arith.constant 0 : i32
        %dma_wait3A_34 = tpu.memref_slice %arg10[%mul3A_2, %dma_wait3A_33] : memref<50000x32xf32, #tpu.memory_space<vmem_shared>> -> memref<3128x32xf32, #tpu.memory_space<vmem_shared>>
        tpu.wait_dma2 semaphore(%run_scoped3A : memref<!tpu.dma_semaphore, #tpu.memory_space<semaphore_mem>>) src(%dma_wait3A_34 : memref<3128x32xf32, #tpu.memory_space<vmem_shared>>) dst(%dma_wait3A_32 : memref<3128x32xf32, #tpu.memory_space<hbm>>)
        tpu.yield
      }) : () -> ()
    } else {
    }
    %eq3A_22 = arith.constant 15 : i32
    %eq3A_23 = arith.cmpi eq, %arg1, %eq3A_22 : i32
    %convert_element_type3A_24 = arith.extui %eq3A_23 : i1 to i32
    %cond3A_25 = arith.constant 0 : i32
    %cond3A_26 = arith.cmpi ne, %convert_element_type3A_24, %cond3A_25 : i32
    scf.if %cond3A_26 {
      "tpu.region"() ({
        %run_scoped3A = tpu.sem_alloc : memref<!tpu.dma_semaphore, #tpu.memory_space<semaphore_mem>>
        %dma_start3A = arith.constant 46920 : i32
        %dma_start3A_27 = arith.constant 0 : i32
        %dma_start3A_28 = tpu.memref_slice %arg6[%arg0, %dma_start3A, %dma_start3A_27] : memref<2x50000x32xf32, #tpu.memory_space<hbm>> -> memref<1x3080x32xf32, #tpu.memory_space<hbm>>
        %dma_start3A_29 = tpu.memref_squeeze %dma_start3A_28 : memref<1x3080x32xf32, #tpu.memory_space<hbm>> -> memref<3080x32xf32, #tpu.memory_space<hbm>>
        %dma_start3A_30 = arith.constant 46920 : i32
        %dma_start3A_31 = arith.constant 0 : i32
        %dma_start3A_32 = tpu.memref_slice %arg10[%dma_start3A_30, %dma_start3A_31] : memref<50000x32xf32, #tpu.memory_space<vmem_shared>> -> memref<3080x32xf32, #tpu.memory_space<vmem_shared>>
        tpu.enqueue_dma source(%dma_start3A_32 : memref<3080x32xf32, #tpu.memory_space<vmem_shared>>) target(%dma_start3A_29 : memref<3080x32xf32, #tpu.memory_space<hbm>>) target_semaphore(%run_scoped3A : memref<!tpu.dma_semaphore, #tpu.memory_space<semaphore_mem>>)
        %dma_wait3A = arith.constant 46920 : i32
        %dma_wait3A_33 = arith.constant 0 : i32
        %dma_wait3A_34 = tpu.memref_slice %arg6[%arg0, %dma_wait3A, %dma_wait3A_33] : memref<2x50000x32xf32, #tpu.memory_space<hbm>> -> memref<1x3080x32xf32, #tpu.memory_space<hbm>>
        %dma_wait3A_35 = tpu.memref_squeeze %dma_wait3A_34 : memref<1x3080x32xf32, #tpu.memory_space<hbm>> -> memref<3080x32xf32, #tpu.memory_space<hbm>>
        %dma_wait3A_36 = arith.constant 46920 : i32
        %dma_wait3A_37 = arith.constant 0 : i32
        %dma_wait3A_38 = tpu.memref_slice %arg10[%dma_wait3A_36, %dma_wait3A_37] : memref<50000x32xf32, #tpu.memory_space<vmem_shared>> -> memref<3080x32xf32, #tpu.memory_space<vmem_shared>>
        tpu.wait_dma2 semaphore(%run_scoped3A : memref<!tpu.dma_semaphore, #tpu.memory_space<semaphore_mem>>) src(%dma_wait3A_38 : memref<3080x32xf32, #tpu.memory_space<vmem_shared>>) dst(%dma_wait3A_35 : memref<3080x32xf32, #tpu.memory_space<hbm>>)
        tpu.yield
      }) : () -> ()
    } else {
    }
    return
  }
}

#map = affine_map<(d0, d1) -> (0, 0)>
#map1 = affine_map<(d0, d1) -> (0)>
#map2 = affine_map<(d0, d1) -> (0, 0, 0)>
module attributes {stable_mosaic.version = 14 : i64} {
  func.func @body(%arg0: i32, %arg1: i32, %arg2: memref<50000x32xf32, #tpu.memory_space<hbm>>, %arg3: memref<800000xi32, #tpu.memory_space<hbm>>, %arg4: memref<800000xi32, #tpu.memory_space<hbm>>, %arg5: memref<3128x32xf32, #tpu.memory_space<hbm>>, %arg6: memref<2x50000x32xf32, #tpu.memory_space<hbm>>, %arg7: memref<200xi32, #tpu.memory_space<vmem>>, %arg8: memref<200xi32, #tpu.memory_space<vmem>>, %arg9: memref<200x32xf32, #tpu.memory_space<vmem>>, %arg10: memref<50000x32xf32, #tpu.memory_space<vmem_shared>>, %arg11: memref<!tpu.dma_semaphore, #tpu.memory_space<semaphore_mem>>) attributes {dimension_semantics = [#tpu.dimension_semantics<core_parallel>, #tpu.dimension_semantics<subcore_parallel>], iteration_bounds = array<i64: 2, 16>, scalar_prefetch = 0 : i64, scratch_operands = 5 : i64, tpu.core_type = #tpu.core_type<sc_vector_subcore>, window_params = [{transform_indices = #map}, {transform_indices = #map1}, {transform_indices = #map1}, {transform_indices = #map}, {transform_indices = #map2}]} {
    %mul3A = arith.constant 2 : i32
    %mul3A_0 = arith.muli %arg1, %mul3A : i32
    %add3A = arith.addi %mul3A_0, %arg0 : i32
    %mul3A_1 = arith.constant 3128 : i32
    %mul3A_2 = arith.muli %arg1, %mul3A_1 : i32
    %lt3A = arith.constant 15 : i32
    %lt3A_3 = arith.cmpi slt, %arg1, %lt3A : i32
    %convert_element_type3A = arith.extui %lt3A_3 : i1 to i32
    %cond3A = arith.constant 0 : i32
    %cond3A_4 = arith.cmpi ne, %convert_element_type3A, %cond3A : i32
    scf.if %cond3A_4 {
      "tpu.region"() ({
        %run_scoped3A = tpu.sem_alloc : memref<!tpu.dma_semaphore, #tpu.memory_space<semaphore_mem>>
        %dma_start3A = arith.constant 0 : i32
        %dma_start3A_27 = tpu.memref_slice %arg10[%mul3A_2, %dma_start3A] : memref<50000x32xf32, #tpu.memory_space<vmem_shared>> -> memref<3128x32xf32, #tpu.memory_space<vmem_shared>>
        tpu.enqueue_dma source(%arg5 : memref<3128x32xf32, #tpu.memory_space<hbm>>) target(%dma_start3A_27 : memref<3128x32xf32, #tpu.memory_space<vmem_shared>>) target_semaphore(%run_scoped3A : memref<!tpu.dma_semaphore, #tpu.memory_space<semaphore_mem>>)
        %dma_wait3A = arith.constant 0 : i32
        %dma_wait3A_28 = tpu.memref_slice %arg10[%mul3A_2, %dma_wait3A] : memref<50000x32xf32, #tpu.memory_space<vmem_shared>> -> memref<3128x32xf32, #tpu.memory_space<vmem_shared>>
        tpu.wait_dma2 semaphore(%run_scoped3A : memref<!tpu.dma_semaphore, #tpu.memory_space<semaphore_mem>>) src(%arg5 : memref<3128x32xf32, #tpu.memory_space<hbm>>) dst(%dma_wait3A_28 : memref<3128x32xf32, #tpu.memory_space<vmem_shared>>)
        tpu.yield
      }) : () -> ()
    } else {
    }
    %eq3A = arith.constant 15 : i32
    %eq3A_5 = arith.cmpi eq, %arg1, %eq3A : i32
    %convert_element_type3A_6 = arith.extui %eq3A_5 : i1 to i32
    %cond3A_7 = arith.constant 0 : i32
    %cond3A_8 = arith.cmpi ne, %convert_element_type3A_6, %cond3A_7 : i32
    scf.if %cond3A_8 {
      "tpu.region"() ({
        %run_scoped3A = tpu.sem_alloc : memref<!tpu.dma_semaphore, #tpu.memory_space<semaphore_mem>>
        %dma_start3A = arith.constant 46920 : i32
        %dma_start3A_27 = arith.constant 0 : i32
        %dma_start3A_28 = tpu.memref_slice %arg10[%dma_start3A, %dma_start3A_27] : memref<50000x32xf32, #tpu.memory_space<vmem_shared>> -> memref<3080x32xf32, #tpu.memory_space<vmem_shared>>
        %dma_start3A_29 = arith.constant 0 : i32
        %dma_start3A_30 = arith.constant 0 : i32
        %dma_start3A_31 = tpu.memref_slice %arg5[%dma_start3A_29, %dma_start3A_30] : memref<3128x32xf32, #tpu.memory_space<hbm>> -> memref<3080x32xf32, #tpu.memory_space<hbm>>
        tpu.enqueue_dma source(%dma_start3A_31 : memref<3080x32xf32, #tpu.memory_space<hbm>>) target(%dma_start3A_28 : memref<3080x32xf32, #tpu.memory_space<vmem_shared>>) target_semaphore(%run_scoped3A : memref<!tpu.dma_semaphore, #tpu.memory_space<semaphore_mem>>)
        %dma_wait3A = arith.constant 46920 : i32
        %dma_wait3A_32 = arith.constant 0 : i32
        %dma_wait3A_33 = tpu.memref_slice %arg10[%dma_wait3A, %dma_wait3A_32] : memref<50000x32xf32, #tpu.memory_space<vmem_shared>> -> memref<3080x32xf32, #tpu.memory_space<vmem_shared>>
        %dma_wait3A_34 = arith.constant 0 : i32
        %dma_wait3A_35 = arith.constant 0 : i32
        %dma_wait3A_36 = tpu.memref_slice %arg5[%dma_wait3A_34, %dma_wait3A_35] : memref<3128x32xf32, #tpu.memory_space<hbm>> -> memref<3080x32xf32, #tpu.memory_space<hbm>>
        tpu.wait_dma2 semaphore(%run_scoped3A : memref<!tpu.dma_semaphore, #tpu.memory_space<semaphore_mem>>) src(%dma_wait3A_36 : memref<3080x32xf32, #tpu.memory_space<hbm>>) dst(%dma_wait3A_33 : memref<3080x32xf32, #tpu.memory_space<vmem_shared>>)
        tpu.yield
      }) : () -> ()
    } else {
    }
    %barrier3A = arith.constant 0 : index
    tpu.barrier barrier_id(%barrier3A)
    %mul3A_9 = arith.constant 25000 : i32
    %mul3A_10 = arith.muli %add3A, %mul3A_9 : i32
    %scan3A = arith.constant 0 : i32
    %scan3A_11 = arith.constant 0 : i32
    %scan3A_12 = arith.constant 125 : i32
    %scan3A_13 = arith.addi %scan3A_11, %scan3A_12 : i32
    %scan3A_14 = arith.constant 1 : i32
    scf.for %scan3A_27 = %scan3A_11 to %scan3A_13 step %scan3A_14  : i32 {
      %mul3A_28 = arith.constant 200 : i32
      %mul3A_29 = arith.muli %scan3A_27, %mul3A_28 : i32
      %add3A_30 = arith.addi %mul3A_10, %mul3A_29 : i32
      "tpu.region"() ({
        %run_scoped3A = tpu.sem_alloc : memref<!tpu.dma_semaphore, #tpu.memory_space<semaphore_mem>>
        %dma_start3A_35 = tpu.memref_slice %arg3[%add3A_30] : memref<800000xi32, #tpu.memory_space<hbm>> -> memref<200xi32, #tpu.memory_space<hbm>>
        %dma_start3A_36 = tpu.memref_slice %arg3[%add3A_30] : memref<800000xi32, #tpu.memory_space<hbm>> -> memref<200xi32, #tpu.memory_space<hbm>>
        tpu.enqueue_dma source(%dma_start3A_36 : memref<200xi32, #tpu.memory_space<hbm>>) target(%arg7 : memref<200xi32, #tpu.memory_space<vmem>>) target_semaphore(%run_scoped3A : memref<!tpu.dma_semaphore, #tpu.memory_space<semaphore_mem>>)
        %dma_wait3A_37 = tpu.memref_slice %arg3[%add3A_30] : memref<800000xi32, #tpu.memory_space<hbm>> -> memref<200xi32, #tpu.memory_space<hbm>>
        %dma_wait3A_38 = tpu.memref_slice %arg3[%add3A_30] : memref<800000xi32, #tpu.memory_space<hbm>> -> memref<200xi32, #tpu.memory_space<hbm>>
        tpu.wait_dma2 semaphore(%run_scoped3A : memref<!tpu.dma_semaphore, #tpu.memory_space<semaphore_mem>>) src(%dma_wait3A_38 : memref<200xi32, #tpu.memory_space<hbm>>) dst(%arg7 : memref<200xi32, #tpu.memory_space<vmem>>)
        tpu.yield
      }) : () -> ()
      "tpu.region"() ({
        %run_scoped3A = tpu.sem_alloc : memref<!tpu.dma_semaphore, #tpu.memory_space<semaphore_mem>>
        %dma_start3A_35 = tpu.memref_slice %arg4[%add3A_30] : memref<800000xi32, #tpu.memory_space<hbm>> -> memref<200xi32, #tpu.memory_space<hbm>>
        %dma_start3A_36 = tpu.memref_slice %arg4[%add3A_30] : memref<800000xi32, #tpu.memory_space<hbm>> -> memref<200xi32, #tpu.memory_space<hbm>>
        tpu.enqueue_dma source(%dma_start3A_36 : memref<200xi32, #tpu.memory_space<hbm>>) target(%arg8 : memref<200xi32, #tpu.memory_space<vmem>>) target_semaphore(%run_scoped3A : memref<!tpu.dma_semaphore, #tpu.memory_space<semaphore_mem>>)
        %dma_wait3A_37 = tpu.memref_slice %arg4[%add3A_30] : memref<800000xi32, #tpu.memory_space<hbm>> -> memref<200xi32, #tpu.memory_space<hbm>>
        %dma_wait3A_38 = tpu.memref_slice %arg4[%add3A_30] : memref<800000xi32, #tpu.memory_space<hbm>> -> memref<200xi32, #tpu.memory_space<hbm>>
        tpu.wait_dma2 semaphore(%run_scoped3A : memref<!tpu.dma_semaphore, #tpu.memory_space<semaphore_mem>>) src(%dma_wait3A_38 : memref<200xi32, #tpu.memory_space<hbm>>) dst(%arg8 : memref<200xi32, #tpu.memory_space<vmem>>)
        tpu.yield
      }) : () -> ()
      %dma_start3A = arith.constant 0 : i32
      %dma_start3A_31 = arith.constant 0 : i32
      %dma_start3A_32 = tpu.memref_slice %arg2[%dma_start3A, %dma_start3A_31] : memref<50000x32xf32, #tpu.memory_space<hbm>> -> memref<50000x32xf32, #tpu.memory_space<hbm>>
      tpu.enqueue_indirect_dma source(%dma_start3A_32 : memref<50000x32xf32, #tpu.memory_space<hbm>>) target(%arg9 : memref<200x32xf32, #tpu.memory_space<vmem>>) offsets(%arg7 : memref<200xi32, #tpu.memory_space<vmem>>) semaphore(%arg11 : memref<!tpu.dma_semaphore, #tpu.memory_space<semaphore_mem>>)
      %dma_wait3A = arith.constant 0 : i32
      %dma_wait3A_33 = arith.constant 0 : i32
      %dma_wait3A_34 = tpu.memref_slice %arg2[%dma_wait3A, %dma_wait3A_33] : memref<50000x32xf32, #tpu.memory_space<hbm>> -> memref<50000x32xf32, #tpu.memory_space<hbm>>
      tpu.wait_indirect_dma semaphore(%arg11 : memref<!tpu.dma_semaphore, #tpu.memory_space<semaphore_mem>>) src(%dma_wait3A_34 : memref<50000x32xf32, #tpu.memory_space<hbm>>) dst(%arg9 : memref<200x32xf32, #tpu.memory_space<vmem>>)
      "tpu.region"() ({
        %run_scoped3A = tpu.sem_alloc : memref<!tpu.dma_semaphore, #tpu.memory_space<semaphore_mem>>
        %dma_start3A_35 = arith.constant 0 : i32
        %dma_start3A_36 = arith.constant 0 : i32
        %dma_start3A_37 = tpu.memref_slice %arg10[%dma_start3A_35, %dma_start3A_36] : memref<50000x32xf32, #tpu.memory_space<vmem_shared>> -> memref<50000x32xf32, #tpu.memory_space<vmem_shared>>
        tpu.enqueue_indirect_dma source(%arg9 : memref<200x32xf32, #tpu.memory_space<vmem>>) target(%dma_start3A_37 : memref<50000x32xf32, #tpu.memory_space<vmem_shared>>) offsets(%arg8 : memref<200xi32, #tpu.memory_space<vmem>>) semaphore(%run_scoped3A : memref<!tpu.dma_semaphore, #tpu.memory_space<semaphore_mem>>) {add = true}
        %dma_wait3A_38 = arith.constant 0 : i32
        %dma_wait3A_39 = arith.constant 0 : i32
        %dma_wait3A_40 = tpu.memref_slice %arg10[%dma_wait3A_38, %dma_wait3A_39] : memref<50000x32xf32, #tpu.memory_space<vmem_shared>> -> memref<50000x32xf32, #tpu.memory_space<vmem_shared>>
        tpu.wait_indirect_dma semaphore(%run_scoped3A : memref<!tpu.dma_semaphore, #tpu.memory_space<semaphore_mem>>) src(%arg9 : memref<200x32xf32, #tpu.memory_space<vmem>>) dst(%dma_wait3A_40 : memref<50000x32xf32, #tpu.memory_space<vmem_shared>>)
        tpu.yield
      }) : () -> ()
    }
    %scan3A_15 = arith.constant 125 : i32
    %barrier3A_16 = arith.constant 0 : index
    tpu.barrier barrier_id(%barrier3A_16)
    %lt3A_17 = arith.constant 15 : i32
    %lt3A_18 = arith.cmpi slt, %arg1, %lt3A_17 : i32
    %convert_element_type3A_19 = arith.extui %lt3A_18 : i1 to i32
    %cond3A_20 = arith.constant 0 : i32
    %cond3A_21 = arith.cmpi ne, %convert_element_type3A_19, %cond3A_20 : i32
    scf.if %cond3A_21 {
      "tpu.region"() ({
        %run_scoped3A = tpu.sem_alloc : memref<!tpu.dma_semaphore, #tpu.memory_space<semaphore_mem>>
        %dma_start3A = arith.constant 0 : i32
        %dma_start3A_27 = tpu.memref_slice %arg6[%arg0, %mul3A_2, %dma_start3A] : memref<2x50000x32xf32, #tpu.memory_space<hbm>> -> memref<1x3128x32xf32, #tpu.memory_space<hbm>>
        %dma_start3A_28 = tpu.memref_squeeze %dma_start3A_27 : memref<1x3128x32xf32, #tpu.memory_space<hbm>> -> memref<3128x32xf32, #tpu.memory_space<hbm>>
        %dma_start3A_29 = arith.constant 0 : i32
        %dma_start3A_30 = tpu.memref_slice %arg10[%mul3A_2, %dma_start3A_29] : memref<50000x32xf32, #tpu.memory_space<vmem_shared>> -> memref<3128x32xf32, #tpu.memory_space<vmem_shared>>
        tpu.enqueue_dma source(%dma_start3A_30 : memref<3128x32xf32, #tpu.memory_space<vmem_shared>>) target(%dma_start3A_28 : memref<3128x32xf32, #tpu.memory_space<hbm>>) target_semaphore(%run_scoped3A : memref<!tpu.dma_semaphore, #tpu.memory_space<semaphore_mem>>)
        %dma_wait3A = arith.constant 0 : i32
        %dma_wait3A_31 = tpu.memref_slice %arg6[%arg0, %mul3A_2, %dma_wait3A] : memref<2x50000x32xf32, #tpu.memory_space<hbm>> -> memref<1x3128x32xf32, #tpu.memory_space<hbm>>
        %dma_wait3A_32 = tpu.memref_squeeze %dma_wait3A_31 : memref<1x3128x32xf32, #tpu.memory_space<hbm>> -> memref<3128x32xf32, #tpu.memory_space<hbm>>
        %dma_wait3A_33 = arith.constant 0 : i32
        %dma_wait3A_34 = tpu.memref_slice %arg10[%mul3A_2, %dma_wait3A_33] : memref<50000x32xf32, #tpu.memory_space<vmem_shared>> -> memref<3128x32xf32, #tpu.memory_space<vmem_shared>>
        tpu.wait_dma2 semaphore(%run_scoped3A : memref<!tpu.dma_semaphore, #tpu.memory_space<semaphore_mem>>) src(%dma_wait3A_34 : memref<3128x32xf32, #tpu.memory_space<vmem_shared>>) dst(%dma_wait3A_32 : memref<3128x32xf32, #tpu.memory_space<hbm>>)
        tpu.yield
      }) : () -> ()
    } else {
    }
    %eq3A_22 = arith.constant 15 : i32
    %eq3A_23 = arith.cmpi eq, %arg1, %eq3A_22 : i32
    %convert_element_type3A_24 = arith.extui %eq3A_23 : i1 to i32
    %cond3A_25 = arith.constant 0 : i32
    %cond3A_26 = arith.cmpi ne, %convert_element_type3A_24, %cond3A_25 : i32
    scf.if %cond3A_26 {
      "tpu.region"() ({
        %run_scoped3A = tpu.sem_alloc : memref<!tpu.dma_semaphore, #tpu.memory_space<semaphore_mem>>
        %dma_start3A = arith.constant 46920 : i32
        %dma_start3A_27 = arith.constant 0 : i32
        %dma_start3A_28 = tpu.memref_slice %arg6[%arg0, %dma_start3A, %dma_start3A_27] : memref<2x50000x32xf32, #tpu.memory_space<hbm>> -> memref<1x3080x32xf32, #tpu.memory_space<hbm>>
        %dma_start3A_29 = tpu.memref_squeeze %dma_start3A_28 : memref<1x3080x32xf32, #tpu.memory_space<hbm>> -> memref<3080x32xf32, #tpu.memory_space<hbm>>
        %dma_start3A_30 = arith.constant 46920 : i32
        %dma_start3A_31 = arith.constant 0 : i32
        %dma_start3A_32 = tpu.memref_slice %arg10[%dma_start3A_30, %dma_start3A_31] : memref<50000x32xf32, #tpu.memory_space<vmem_shared>> -> memref<3080x32xf32, #tpu.memory_space<vmem_shared>>
        tpu.enqueue_dma source(%dma_start3A_32 : memref<3080x32xf32, #tpu.memory_space<vmem_shared>>) target(%dma_start3A_29 : memref<3080x32xf32, #tpu.memory_space<hbm>>) target_semaphore(%run_scoped3A : memref<!tpu.dma_semaphore, #tpu.memory_space<semaphore_mem>>)
        %dma_wait3A = arith.constant 46920 : i32
        %dma_wait3A_33 = arith.constant 0 : i32
        %dma_wait3A_34 = tpu.memref_slice %arg6[%arg0, %dma_wait3A, %dma_wait3A_33] : memref<2x50000x32xf32, #tpu.memory_space<hbm>> -> memref<1x3080x32xf32, #tpu.memory_space<hbm>>
        %dma_wait3A_35 = tpu.memref_squeeze %dma_wait3A_34 : memref<1x3080x32xf32, #tpu.memory_space<hbm>> -> memref<3080x32xf32, #tpu.memory_space<hbm>>
        %dma_wait3A_36 = arith.constant 46920 : i32
        %dma_wait3A_37 = arith.constant 0 : i32
        %dma_wait3A_38 = tpu.memref_slice %arg10[%dma_wait3A_36, %dma_wait3A_37] : memref<50000x32xf32, #tpu.memory_space<vmem_shared>> -> memref<3080x32xf32, #tpu.memory_space<vmem_shared>>
        tpu.wait_dma2 semaphore(%run_scoped3A : memref<!tpu.dma_semaphore, #tpu.memory_space<semaphore_mem>>) src(%dma_wait3A_38 : memref<3080x32xf32, #tpu.memory_space<vmem_shared>>) dst(%dma_wait3A_35 : memref<3080x32xf32, #tpu.memory_space<hbm>>)
        tpu.yield
      }) : () -> ()
    } else {
    }
    return
  }
}

#map = affine_map<(d0, d1) -> (0, 0)>
#map1 = affine_map<(d0, d1) -> (0)>
#map2 = affine_map<(d0, d1) -> (0, 0, 0)>
module attributes {stable_mosaic.version = 14 : i64} {
  func.func @body(%arg0: i32, %arg1: i32, %arg2: memref<50000x32xf32, #tpu.memory_space<hbm>>, %arg3: memref<800000xi32, #tpu.memory_space<hbm>>, %arg4: memref<800000xi32, #tpu.memory_space<hbm>>, %arg5: memref<3128x32xf32, #tpu.memory_space<hbm>>, %arg6: memref<2x50000x32xf32, #tpu.memory_space<hbm>>, %arg7: memref<200xi32, #tpu.memory_space<vmem>>, %arg8: memref<200xi32, #tpu.memory_space<vmem>>, %arg9: memref<200x32xf32, #tpu.memory_space<vmem>>, %arg10: memref<50000x32xf32, #tpu.memory_space<vmem_shared>>, %arg11: memref<!tpu.dma_semaphore, #tpu.memory_space<semaphore_mem>>) attributes {dimension_semantics = [#tpu.dimension_semantics<core_parallel>, #tpu.dimension_semantics<subcore_parallel>], iteration_bounds = array<i64: 2, 16>, scalar_prefetch = 0 : i64, scratch_operands = 5 : i64, tpu.core_type = #tpu.core_type<sc_vector_subcore>, window_params = [{transform_indices = #map}, {transform_indices = #map1}, {transform_indices = #map1}, {transform_indices = #map}, {transform_indices = #map2}]} {
    %mul3A = arith.constant 2 : i32
    %mul3A_0 = arith.muli %arg1, %mul3A : i32
    %add3A = arith.addi %mul3A_0, %arg0 : i32
    %mul3A_1 = arith.constant 3128 : i32
    %mul3A_2 = arith.muli %arg1, %mul3A_1 : i32
    %lt3A = arith.constant 15 : i32
    %lt3A_3 = arith.cmpi slt, %arg1, %lt3A : i32
    %convert_element_type3A = arith.extui %lt3A_3 : i1 to i32
    %cond3A = arith.constant 0 : i32
    %cond3A_4 = arith.cmpi ne, %convert_element_type3A, %cond3A : i32
    scf.if %cond3A_4 {
      "tpu.region"() ({
        %run_scoped3A = tpu.sem_alloc : memref<!tpu.dma_semaphore, #tpu.memory_space<semaphore_mem>>
        %dma_start3A = arith.constant 0 : i32
        %dma_start3A_27 = tpu.memref_slice %arg10[%mul3A_2, %dma_start3A] : memref<50000x32xf32, #tpu.memory_space<vmem_shared>> -> memref<3128x32xf32, #tpu.memory_space<vmem_shared>>
        tpu.enqueue_dma source(%arg5 : memref<3128x32xf32, #tpu.memory_space<hbm>>) target(%dma_start3A_27 : memref<3128x32xf32, #tpu.memory_space<vmem_shared>>) target_semaphore(%run_scoped3A : memref<!tpu.dma_semaphore, #tpu.memory_space<semaphore_mem>>)
        %dma_wait3A = arith.constant 0 : i32
        %dma_wait3A_28 = tpu.memref_slice %arg10[%mul3A_2, %dma_wait3A] : memref<50000x32xf32, #tpu.memory_space<vmem_shared>> -> memref<3128x32xf32, #tpu.memory_space<vmem_shared>>
        tpu.wait_dma2 semaphore(%run_scoped3A : memref<!tpu.dma_semaphore, #tpu.memory_space<semaphore_mem>>) src(%arg5 : memref<3128x32xf32, #tpu.memory_space<hbm>>) dst(%dma_wait3A_28 : memref<3128x32xf32, #tpu.memory_space<vmem_shared>>)
        tpu.yield
      }) : () -> ()
    } else {
    }
    %eq3A = arith.constant 15 : i32
    %eq3A_5 = arith.cmpi eq, %arg1, %eq3A : i32
    %convert_element_type3A_6 = arith.extui %eq3A_5 : i1 to i32
    %cond3A_7 = arith.constant 0 : i32
    %cond3A_8 = arith.cmpi ne, %convert_element_type3A_6, %cond3A_7 : i32
    scf.if %cond3A_8 {
      "tpu.region"() ({
        %run_scoped3A = tpu.sem_alloc : memref<!tpu.dma_semaphore, #tpu.memory_space<semaphore_mem>>
        %dma_start3A = arith.constant 46920 : i32
        %dma_start3A_27 = arith.constant 0 : i32
        %dma_start3A_28 = tpu.memref_slice %arg10[%dma_start3A, %dma_start3A_27] : memref<50000x32xf32, #tpu.memory_space<vmem_shared>> -> memref<3080x32xf32, #tpu.memory_space<vmem_shared>>
        %dma_start3A_29 = arith.constant 0 : i32
        %dma_start3A_30 = arith.constant 0 : i32
        %dma_start3A_31 = tpu.memref_slice %arg5[%dma_start3A_29, %dma_start3A_30] : memref<3128x32xf32, #tpu.memory_space<hbm>> -> memref<3080x32xf32, #tpu.memory_space<hbm>>
        tpu.enqueue_dma source(%dma_start3A_31 : memref<3080x32xf32, #tpu.memory_space<hbm>>) target(%dma_start3A_28 : memref<3080x32xf32, #tpu.memory_space<vmem_shared>>) target_semaphore(%run_scoped3A : memref<!tpu.dma_semaphore, #tpu.memory_space<semaphore_mem>>)
        %dma_wait3A = arith.constant 46920 : i32
        %dma_wait3A_32 = arith.constant 0 : i32
        %dma_wait3A_33 = tpu.memref_slice %arg10[%dma_wait3A, %dma_wait3A_32] : memref<50000x32xf32, #tpu.memory_space<vmem_shared>> -> memref<3080x32xf32, #tpu.memory_space<vmem_shared>>
        %dma_wait3A_34 = arith.constant 0 : i32
        %dma_wait3A_35 = arith.constant 0 : i32
        %dma_wait3A_36 = tpu.memref_slice %arg5[%dma_wait3A_34, %dma_wait3A_35] : memref<3128x32xf32, #tpu.memory_space<hbm>> -> memref<3080x32xf32, #tpu.memory_space<hbm>>
        tpu.wait_dma2 semaphore(%run_scoped3A : memref<!tpu.dma_semaphore, #tpu.memory_space<semaphore_mem>>) src(%dma_wait3A_36 : memref<3080x32xf32, #tpu.memory_space<hbm>>) dst(%dma_wait3A_33 : memref<3080x32xf32, #tpu.memory_space<vmem_shared>>)
        tpu.yield
      }) : () -> ()
    } else {
    }
    %barrier3A = arith.constant 0 : index
    tpu.barrier barrier_id(%barrier3A)
    %mul3A_9 = arith.constant 25000 : i32
    %mul3A_10 = arith.muli %add3A, %mul3A_9 : i32
    %scan3A = arith.constant 0 : i32
    %scan3A_11 = arith.constant 0 : i32
    %scan3A_12 = arith.constant 125 : i32
    %scan3A_13 = arith.addi %scan3A_11, %scan3A_12 : i32
    %scan3A_14 = arith.constant 1 : i32
    scf.for %scan3A_27 = %scan3A_11 to %scan3A_13 step %scan3A_14  : i32 {
      %mul3A_28 = arith.constant 200 : i32
      %mul3A_29 = arith.muli %scan3A_27, %mul3A_28 : i32
      %add3A_30 = arith.addi %mul3A_10, %mul3A_29 : i32
      "tpu.region"() ({
        %run_scoped3A = tpu.sem_alloc : memref<!tpu.dma_semaphore, #tpu.memory_space<semaphore_mem>>
        %dma_start3A_35 = tpu.memref_slice %arg3[%add3A_30] : memref<800000xi32, #tpu.memory_space<hbm>> -> memref<200xi32, #tpu.memory_space<hbm>>
        %dma_start3A_36 = tpu.memref_slice %arg3[%add3A_30] : memref<800000xi32, #tpu.memory_space<hbm>> -> memref<200xi32, #tpu.memory_space<hbm>>
        tpu.enqueue_dma source(%dma_start3A_36 : memref<200xi32, #tpu.memory_space<hbm>>) target(%arg7 : memref<200xi32, #tpu.memory_space<vmem>>) target_semaphore(%run_scoped3A : memref<!tpu.dma_semaphore, #tpu.memory_space<semaphore_mem>>)
        %dma_wait3A_37 = tpu.memref_slice %arg3[%add3A_30] : memref<800000xi32, #tpu.memory_space<hbm>> -> memref<200xi32, #tpu.memory_space<hbm>>
        %dma_wait3A_38 = tpu.memref_slice %arg3[%add3A_30] : memref<800000xi32, #tpu.memory_space<hbm>> -> memref<200xi32, #tpu.memory_space<hbm>>
        tpu.wait_dma2 semaphore(%run_scoped3A : memref<!tpu.dma_semaphore, #tpu.memory_space<semaphore_mem>>) src(%dma_wait3A_38 : memref<200xi32, #tpu.memory_space<hbm>>) dst(%arg7 : memref<200xi32, #tpu.memory_space<vmem>>)
        tpu.yield
      }) : () -> ()
      "tpu.region"() ({
        %run_scoped3A = tpu.sem_alloc : memref<!tpu.dma_semaphore, #tpu.memory_space<semaphore_mem>>
        %dma_start3A_35 = tpu.memref_slice %arg4[%add3A_30] : memref<800000xi32, #tpu.memory_space<hbm>> -> memref<200xi32, #tpu.memory_space<hbm>>
        %dma_start3A_36 = tpu.memref_slice %arg4[%add3A_30] : memref<800000xi32, #tpu.memory_space<hbm>> -> memref<200xi32, #tpu.memory_space<hbm>>
        tpu.enqueue_dma source(%dma_start3A_36 : memref<200xi32, #tpu.memory_space<hbm>>) target(%arg8 : memref<200xi32, #tpu.memory_space<vmem>>) target_semaphore(%run_scoped3A : memref<!tpu.dma_semaphore, #tpu.memory_space<semaphore_mem>>)
        %dma_wait3A_37 = tpu.memref_slice %arg4[%add3A_30] : memref<800000xi32, #tpu.memory_space<hbm>> -> memref<200xi32, #tpu.memory_space<hbm>>
        %dma_wait3A_38 = tpu.memref_slice %arg4[%add3A_30] : memref<800000xi32, #tpu.memory_space<hbm>> -> memref<200xi32, #tpu.memory_space<hbm>>
        tpu.wait_dma2 semaphore(%run_scoped3A : memref<!tpu.dma_semaphore, #tpu.memory_space<semaphore_mem>>) src(%dma_wait3A_38 : memref<200xi32, #tpu.memory_space<hbm>>) dst(%arg8 : memref<200xi32, #tpu.memory_space<vmem>>)
        tpu.yield
      }) : () -> ()
      %dma_start3A = arith.constant 0 : i32
      %dma_start3A_31 = arith.constant 0 : i32
      %dma_start3A_32 = tpu.memref_slice %arg2[%dma_start3A, %dma_start3A_31] : memref<50000x32xf32, #tpu.memory_space<hbm>> -> memref<50000x32xf32, #tpu.memory_space<hbm>>
      tpu.enqueue_indirect_dma source(%dma_start3A_32 : memref<50000x32xf32, #tpu.memory_space<hbm>>) target(%arg9 : memref<200x32xf32, #tpu.memory_space<vmem>>) offsets(%arg7 : memref<200xi32, #tpu.memory_space<vmem>>) semaphore(%arg11 : memref<!tpu.dma_semaphore, #tpu.memory_space<semaphore_mem>>)
      %dma_wait3A = arith.constant 0 : i32
      %dma_wait3A_33 = arith.constant 0 : i32
      %dma_wait3A_34 = tpu.memref_slice %arg2[%dma_wait3A, %dma_wait3A_33] : memref<50000x32xf32, #tpu.memory_space<hbm>> -> memref<50000x32xf32, #tpu.memory_space<hbm>>
      tpu.wait_indirect_dma semaphore(%arg11 : memref<!tpu.dma_semaphore, #tpu.memory_space<semaphore_mem>>) src(%dma_wait3A_34 : memref<50000x32xf32, #tpu.memory_space<hbm>>) dst(%arg9 : memref<200x32xf32, #tpu.memory_space<vmem>>)
      "tpu.region"() ({
        %run_scoped3A = tpu.sem_alloc : memref<!tpu.dma_semaphore, #tpu.memory_space<semaphore_mem>>
        %dma_start3A_35 = arith.constant 0 : i32
        %dma_start3A_36 = arith.constant 0 : i32
        %dma_start3A_37 = tpu.memref_slice %arg10[%dma_start3A_35, %dma_start3A_36] : memref<50000x32xf32, #tpu.memory_space<vmem_shared>> -> memref<50000x32xf32, #tpu.memory_space<vmem_shared>>
        tpu.enqueue_indirect_dma source(%arg9 : memref<200x32xf32, #tpu.memory_space<vmem>>) target(%dma_start3A_37 : memref<50000x32xf32, #tpu.memory_space<vmem_shared>>) offsets(%arg8 : memref<200xi32, #tpu.memory_space<vmem>>) semaphore(%run_scoped3A : memref<!tpu.dma_semaphore, #tpu.memory_space<semaphore_mem>>) {add = true}
        %dma_wait3A_38 = arith.constant 0 : i32
        %dma_wait3A_39 = arith.constant 0 : i32
        %dma_wait3A_40 = tpu.memref_slice %arg10[%dma_wait3A_38, %dma_wait3A_39] : memref<50000x32xf32, #tpu.memory_space<vmem_shared>> -> memref<50000x32xf32, #tpu.memory_space<vmem_shared>>
        tpu.wait_indirect_dma semaphore(%run_scoped3A : memref<!tpu.dma_semaphore, #tpu.memory_space<semaphore_mem>>) src(%arg9 : memref<200x32xf32, #tpu.memory_space<vmem>>) dst(%dma_wait3A_40 : memref<50000x32xf32, #tpu.memory_space<vmem_shared>>)
        tpu.yield
      }) : () -> ()
    }
    %scan3A_15 = arith.constant 125 : i32
    %barrier3A_16 = arith.constant 0 : index
    tpu.barrier barrier_id(%barrier3A_16)
    %lt3A_17 = arith.constant 15 : i32
    %lt3A_18 = arith.cmpi slt, %arg1, %lt3A_17 : i32
    %convert_element_type3A_19 = arith.extui %lt3A_18 : i1 to i32
    %cond3A_20 = arith.constant 0 : i32
    %cond3A_21 = arith.cmpi ne, %convert_element_type3A_19, %cond3A_20 : i32
    scf.if %cond3A_21 {
      "tpu.region"() ({
        %run_scoped3A = tpu.sem_alloc : memref<!tpu.dma_semaphore, #tpu.memory_space<semaphore_mem>>
        %dma_start3A = arith.constant 0 : i32
        %dma_start3A_27 = tpu.memref_slice %arg6[%arg0, %mul3A_2, %dma_start3A] : memref<2x50000x32xf32, #tpu.memory_space<hbm>> -> memref<1x3128x32xf32, #tpu.memory_space<hbm>>
        %dma_start3A_28 = tpu.memref_squeeze %dma_start3A_27 : memref<1x3128x32xf32, #tpu.memory_space<hbm>> -> memref<3128x32xf32, #tpu.memory_space<hbm>>
        %dma_start3A_29 = arith.constant 0 : i32
        %dma_start3A_30 = tpu.memref_slice %arg10[%mul3A_2, %dma_start3A_29] : memref<50000x32xf32, #tpu.memory_space<vmem_shared>> -> memref<3128x32xf32, #tpu.memory_space<vmem_shared>>
        tpu.enqueue_dma source(%dma_start3A_30 : memref<3128x32xf32, #tpu.memory_space<vmem_shared>>) target(%dma_start3A_28 : memref<3128x32xf32, #tpu.memory_space<hbm>>) target_semaphore(%run_scoped3A : memref<!tpu.dma_semaphore, #tpu.memory_space<semaphore_mem>>)
        %dma_wait3A = arith.constant 0 : i32
        %dma_wait3A_31 = tpu.memref_slice %arg6[%arg0, %mul3A_2, %dma_wait3A] : memref<2x50000x32xf32, #tpu.memory_space<hbm>> -> memref<1x3128x32xf32, #tpu.memory_space<hbm>>
        %dma_wait3A_32 = tpu.memref_squeeze %dma_wait3A_31 : memref<1x3128x32xf32, #tpu.memory_space<hbm>> -> memref<3128x32xf32, #tpu.memory_space<hbm>>
        %dma_wait3A_33 = arith.constant 0 : i32
        %dma_wait3A_34 = tpu.memref_slice %arg10[%mul3A_2, %dma_wait3A_33] : memref<50000x32xf32, #tpu.memory_space<vmem_shared>> -> memref<3128x32xf32, #tpu.memory_space<vmem_shared>>
        tpu.wait_dma2 semaphore(%run_scoped3A : memref<!tpu.dma_semaphore, #tpu.memory_space<semaphore_mem>>) src(%dma_wait3A_34 : memref<3128x32xf32, #tpu.memory_space<vmem_shared>>) dst(%dma_wait3A_32 : memref<3128x32xf32, #tpu.memory_space<hbm>>)
        tpu.yield
      }) : () -> ()
    } else {
    }
    %eq3A_22 = arith.constant 15 : i32
    %eq3A_23 = arith.cmpi eq, %arg1, %eq3A_22 : i32
    %convert_element_type3A_24 = arith.extui %eq3A_23 : i1 to i32
    %cond3A_25 = arith.constant 0 : i32
    %cond3A_26 = arith.cmpi ne, %convert_element_type3A_24, %cond3A_25 : i32
    scf.if %cond3A_26 {
      "tpu.region"() ({
        %run_scoped3A = tpu.sem_alloc : memref<!tpu.dma_semaphore, #tpu.memory_space<semaphore_mem>>
        %dma_start3A = arith.constant 46920 : i32
        %dma_start3A_27 = arith.constant 0 : i32
        %dma_start3A_28 = tpu.memref_slice %arg6[%arg0, %dma_start3A, %dma_start3A_27] : memref<2x50000x32xf32, #tpu.memory_space<hbm>> -> memref<1x3080x32xf32, #tpu.memory_space<hbm>>
        %dma_start3A_29 = tpu.memref_squeeze %dma_start3A_28 : memref<1x3080x32xf32, #tpu.memory_space<hbm>> -> memref<3080x32xf32, #tpu.memory_space<hbm>>
        %dma_start3A_30 = arith.constant 46920 : i32
        %dma_start3A_31 = arith.constant 0 : i32
        %dma_start3A_32 = tpu.memref_slice %arg10[%dma_start3A_30, %dma_start3A_31] : memref<50000x32xf32, #tpu.memory_space<vmem_shared>> -> memref<3080x32xf32, #tpu.memory_space<vmem_shared>>
        tpu.enqueue_dma source(%dma_start3A_32 : memref<3080x32xf32, #tpu.memory_space<vmem_shared>>) target(%dma_start3A_29 : memref<3080x32xf32, #tpu.memory_space<hbm>>) target_semaphore(%run_scoped3A : memref<!tpu.dma_semaphore, #tpu.memory_space<semaphore_mem>>)
        %dma_wait3A = arith.constant 46920 : i32
        %dma_wait3A_33 = arith.constant 0 : i32
        %dma_wait3A_34 = tpu.memref_slice %arg6[%arg0, %dma_wait3A, %dma_wait3A_33] : memref<2x50000x32xf32, #tpu.memory_space<hbm>> -> memref<1x3080x32xf32, #tpu.memory_space<hbm>>
        %dma_wait3A_35 = tpu.memref_squeeze %dma_wait3A_34 : memref<1x3080x32xf32, #tpu.memory_space<hbm>> -> memref<3080x32xf32, #tpu.memory_space<hbm>>
        %dma_wait3A_36 = arith.constant 46920 : i32
        %dma_wait3A_37 = arith.constant 0 : i32
        %dma_wait3A_38 = tpu.memref_slice %arg10[%dma_wait3A_36, %dma_wait3A_37] : memref<50000x32xf32, #tpu.memory_space<vmem_shared>> -> memref<3080x32xf32, #tpu.memory_space<vmem_shared>>
        tpu.wait_dma2 semaphore(%run_scoped3A : memref<!tpu.dma_semaphore, #tpu.memory_space<semaphore_mem>>) src(%dma_wait3A_38 : memref<3080x32xf32, #tpu.memory_space<vmem_shared>>) dst(%dma_wait3A_35 : memref<3080x32xf32, #tpu.memory_space<hbm>>)
        tpu.yield
      }) : () -> ()
    } else {
    }
    return
  }
}

#map = affine_map<(d0, d1) -> (0, 0)>
#map1 = affine_map<(d0, d1) -> (0)>
#map2 = affine_map<(d0, d1) -> (0, 0, 0)>
module attributes {stable_mosaic.version = 14 : i64} {
  func.func @body(%arg0: i32, %arg1: i32, %arg2: memref<50000x32xf32, #tpu.memory_space<hbm>>, %arg3: memref<800000xi32, #tpu.memory_space<hbm>>, %arg4: memref<800000xi32, #tpu.memory_space<hbm>>, %arg5: memref<3128x32xf32, #tpu.memory_space<hbm>>, %arg6: memref<2x50000x32xf32, #tpu.memory_space<hbm>>, %arg7: memref<200xi32, #tpu.memory_space<vmem>>, %arg8: memref<200xi32, #tpu.memory_space<vmem>>, %arg9: memref<200x32xf32, #tpu.memory_space<vmem>>, %arg10: memref<50000x32xf32, #tpu.memory_space<vmem_shared>>, %arg11: memref<!tpu.dma_semaphore, #tpu.memory_space<semaphore_mem>>) attributes {dimension_semantics = [#tpu.dimension_semantics<core_parallel>, #tpu.dimension_semantics<subcore_parallel>], iteration_bounds = array<i64: 2, 16>, scalar_prefetch = 0 : i64, scratch_operands = 5 : i64, tpu.core_type = #tpu.core_type<sc_vector_subcore>, window_params = [{transform_indices = #map}, {transform_indices = #map1}, {transform_indices = #map1}, {transform_indices = #map}, {transform_indices = #map2}]} {
    %mul3A = arith.constant 2 : i32
    %mul3A_0 = arith.muli %arg1, %mul3A : i32
    %add3A = arith.addi %mul3A_0, %arg0 : i32
    %mul3A_1 = arith.constant 3128 : i32
    %mul3A_2 = arith.muli %arg1, %mul3A_1 : i32
    %lt3A = arith.constant 15 : i32
    %lt3A_3 = arith.cmpi slt, %arg1, %lt3A : i32
    %convert_element_type3A = arith.extui %lt3A_3 : i1 to i32
    %cond3A = arith.constant 0 : i32
    %cond3A_4 = arith.cmpi ne, %convert_element_type3A, %cond3A : i32
    scf.if %cond3A_4 {
      "tpu.region"() ({
        %run_scoped3A = tpu.sem_alloc : memref<!tpu.dma_semaphore, #tpu.memory_space<semaphore_mem>>
        %dma_start3A = arith.constant 0 : i32
        %dma_start3A_27 = tpu.memref_slice %arg10[%mul3A_2, %dma_start3A] : memref<50000x32xf32, #tpu.memory_space<vmem_shared>> -> memref<3128x32xf32, #tpu.memory_space<vmem_shared>>
        tpu.enqueue_dma source(%arg5 : memref<3128x32xf32, #tpu.memory_space<hbm>>) target(%dma_start3A_27 : memref<3128x32xf32, #tpu.memory_space<vmem_shared>>) target_semaphore(%run_scoped3A : memref<!tpu.dma_semaphore, #tpu.memory_space<semaphore_mem>>)
        %dma_wait3A = arith.constant 0 : i32
        %dma_wait3A_28 = tpu.memref_slice %arg10[%mul3A_2, %dma_wait3A] : memref<50000x32xf32, #tpu.memory_space<vmem_shared>> -> memref<3128x32xf32, #tpu.memory_space<vmem_shared>>
        tpu.wait_dma2 semaphore(%run_scoped3A : memref<!tpu.dma_semaphore, #tpu.memory_space<semaphore_mem>>) src(%arg5 : memref<3128x32xf32, #tpu.memory_space<hbm>>) dst(%dma_wait3A_28 : memref<3128x32xf32, #tpu.memory_space<vmem_shared>>)
        tpu.yield
      }) : () -> ()
    } else {
    }
    %eq3A = arith.constant 15 : i32
    %eq3A_5 = arith.cmpi eq, %arg1, %eq3A : i32
    %convert_element_type3A_6 = arith.extui %eq3A_5 : i1 to i32
    %cond3A_7 = arith.constant 0 : i32
    %cond3A_8 = arith.cmpi ne, %convert_element_type3A_6, %cond3A_7 : i32
    scf.if %cond3A_8 {
      "tpu.region"() ({
        %run_scoped3A = tpu.sem_alloc : memref<!tpu.dma_semaphore, #tpu.memory_space<semaphore_mem>>
        %dma_start3A = arith.constant 46920 : i32
        %dma_start3A_27 = arith.constant 0 : i32
        %dma_start3A_28 = tpu.memref_slice %arg10[%dma_start3A, %dma_start3A_27] : memref<50000x32xf32, #tpu.memory_space<vmem_shared>> -> memref<3080x32xf32, #tpu.memory_space<vmem_shared>>
        %dma_start3A_29 = arith.constant 0 : i32
        %dma_start3A_30 = arith.constant 0 : i32
        %dma_start3A_31 = tpu.memref_slice %arg5[%dma_start3A_29, %dma_start3A_30] : memref<3128x32xf32, #tpu.memory_space<hbm>> -> memref<3080x32xf32, #tpu.memory_space<hbm>>
        tpu.enqueue_dma source(%dma_start3A_31 : memref<3080x32xf32, #tpu.memory_space<hbm>>) target(%dma_start3A_28 : memref<3080x32xf32, #tpu.memory_space<vmem_shared>>) target_semaphore(%run_scoped3A : memref<!tpu.dma_semaphore, #tpu.memory_space<semaphore_mem>>)
        %dma_wait3A = arith.constant 46920 : i32
        %dma_wait3A_32 = arith.constant 0 : i32
        %dma_wait3A_33 = tpu.memref_slice %arg10[%dma_wait3A, %dma_wait3A_32] : memref<50000x32xf32, #tpu.memory_space<vmem_shared>> -> memref<3080x32xf32, #tpu.memory_space<vmem_shared>>
        %dma_wait3A_34 = arith.constant 0 : i32
        %dma_wait3A_35 = arith.constant 0 : i32
        %dma_wait3A_36 = tpu.memref_slice %arg5[%dma_wait3A_34, %dma_wait3A_35] : memref<3128x32xf32, #tpu.memory_space<hbm>> -> memref<3080x32xf32, #tpu.memory_space<hbm>>
        tpu.wait_dma2 semaphore(%run_scoped3A : memref<!tpu.dma_semaphore, #tpu.memory_space<semaphore_mem>>) src(%dma_wait3A_36 : memref<3080x32xf32, #tpu.memory_space<hbm>>) dst(%dma_wait3A_33 : memref<3080x32xf32, #tpu.memory_space<vmem_shared>>)
        tpu.yield
      }) : () -> ()
    } else {
    }
    %barrier3A = arith.constant 0 : index
    tpu.barrier barrier_id(%barrier3A)
    %mul3A_9 = arith.constant 25000 : i32
    %mul3A_10 = arith.muli %add3A, %mul3A_9 : i32
    %scan3A = arith.constant 0 : i32
    %scan3A_11 = arith.constant 0 : i32
    %scan3A_12 = arith.constant 125 : i32
    %scan3A_13 = arith.addi %scan3A_11, %scan3A_12 : i32
    %scan3A_14 = arith.constant 1 : i32
    scf.for %scan3A_27 = %scan3A_11 to %scan3A_13 step %scan3A_14  : i32 {
      %mul3A_28 = arith.constant 200 : i32
      %mul3A_29 = arith.muli %scan3A_27, %mul3A_28 : i32
      %add3A_30 = arith.addi %mul3A_10, %mul3A_29 : i32
      "tpu.region"() ({
        %run_scoped3A = tpu.sem_alloc : memref<!tpu.dma_semaphore, #tpu.memory_space<semaphore_mem>>
        %dma_start3A_35 = tpu.memref_slice %arg3[%add3A_30] : memref<800000xi32, #tpu.memory_space<hbm>> -> memref<200xi32, #tpu.memory_space<hbm>>
        %dma_start3A_36 = tpu.memref_slice %arg3[%add3A_30] : memref<800000xi32, #tpu.memory_space<hbm>> -> memref<200xi32, #tpu.memory_space<hbm>>
        tpu.enqueue_dma source(%dma_start3A_36 : memref<200xi32, #tpu.memory_space<hbm>>) target(%arg7 : memref<200xi32, #tpu.memory_space<vmem>>) target_semaphore(%run_scoped3A : memref<!tpu.dma_semaphore, #tpu.memory_space<semaphore_mem>>)
        %dma_wait3A_37 = tpu.memref_slice %arg3[%add3A_30] : memref<800000xi32, #tpu.memory_space<hbm>> -> memref<200xi32, #tpu.memory_space<hbm>>
        %dma_wait3A_38 = tpu.memref_slice %arg3[%add3A_30] : memref<800000xi32, #tpu.memory_space<hbm>> -> memref<200xi32, #tpu.memory_space<hbm>>
        tpu.wait_dma2 semaphore(%run_scoped3A : memref<!tpu.dma_semaphore, #tpu.memory_space<semaphore_mem>>) src(%dma_wait3A_38 : memref<200xi32, #tpu.memory_space<hbm>>) dst(%arg7 : memref<200xi32, #tpu.memory_space<vmem>>)
        tpu.yield
      }) : () -> ()
      "tpu.region"() ({
        %run_scoped3A = tpu.sem_alloc : memref<!tpu.dma_semaphore, #tpu.memory_space<semaphore_mem>>
        %dma_start3A_35 = tpu.memref_slice %arg4[%add3A_30] : memref<800000xi32, #tpu.memory_space<hbm>> -> memref<200xi32, #tpu.memory_space<hbm>>
        %dma_start3A_36 = tpu.memref_slice %arg4[%add3A_30] : memref<800000xi32, #tpu.memory_space<hbm>> -> memref<200xi32, #tpu.memory_space<hbm>>
        tpu.enqueue_dma source(%dma_start3A_36 : memref<200xi32, #tpu.memory_space<hbm>>) target(%arg8 : memref<200xi32, #tpu.memory_space<vmem>>) target_semaphore(%run_scoped3A : memref<!tpu.dma_semaphore, #tpu.memory_space<semaphore_mem>>)
        %dma_wait3A_37 = tpu.memref_slice %arg4[%add3A_30] : memref<800000xi32, #tpu.memory_space<hbm>> -> memref<200xi32, #tpu.memory_space<hbm>>
        %dma_wait3A_38 = tpu.memref_slice %arg4[%add3A_30] : memref<800000xi32, #tpu.memory_space<hbm>> -> memref<200xi32, #tpu.memory_space<hbm>>
        tpu.wait_dma2 semaphore(%run_scoped3A : memref<!tpu.dma_semaphore, #tpu.memory_space<semaphore_mem>>) src(%dma_wait3A_38 : memref<200xi32, #tpu.memory_space<hbm>>) dst(%arg8 : memref<200xi32, #tpu.memory_space<vmem>>)
        tpu.yield
      }) : () -> ()
      %dma_start3A = arith.constant 0 : i32
      %dma_start3A_31 = arith.constant 0 : i32
      %dma_start3A_32 = tpu.memref_slice %arg2[%dma_start3A, %dma_start3A_31] : memref<50000x32xf32, #tpu.memory_space<hbm>> -> memref<50000x32xf32, #tpu.memory_space<hbm>>
      tpu.enqueue_indirect_dma source(%dma_start3A_32 : memref<50000x32xf32, #tpu.memory_space<hbm>>) target(%arg9 : memref<200x32xf32, #tpu.memory_space<vmem>>) offsets(%arg7 : memref<200xi32, #tpu.memory_space<vmem>>) semaphore(%arg11 : memref<!tpu.dma_semaphore, #tpu.memory_space<semaphore_mem>>)
      %dma_wait3A = arith.constant 0 : i32
      %dma_wait3A_33 = arith.constant 0 : i32
      %dma_wait3A_34 = tpu.memref_slice %arg2[%dma_wait3A, %dma_wait3A_33] : memref<50000x32xf32, #tpu.memory_space<hbm>> -> memref<50000x32xf32, #tpu.memory_space<hbm>>
      tpu.wait_indirect_dma semaphore(%arg11 : memref<!tpu.dma_semaphore, #tpu.memory_space<semaphore_mem>>) src(%dma_wait3A_34 : memref<50000x32xf32, #tpu.memory_space<hbm>>) dst(%arg9 : memref<200x32xf32, #tpu.memory_space<vmem>>)
      "tpu.region"() ({
        %run_scoped3A = tpu.sem_alloc : memref<!tpu.dma_semaphore, #tpu.memory_space<semaphore_mem>>
        %dma_start3A_35 = arith.constant 0 : i32
        %dma_start3A_36 = arith.constant 0 : i32
        %dma_start3A_37 = tpu.memref_slice %arg10[%dma_start3A_35, %dma_start3A_36] : memref<50000x32xf32, #tpu.memory_space<vmem_shared>> -> memref<50000x32xf32, #tpu.memory_space<vmem_shared>>
        tpu.enqueue_indirect_dma source(%arg9 : memref<200x32xf32, #tpu.memory_space<vmem>>) target(%dma_start3A_37 : memref<50000x32xf32, #tpu.memory_space<vmem_shared>>) offsets(%arg8 : memref<200xi32, #tpu.memory_space<vmem>>) semaphore(%run_scoped3A : memref<!tpu.dma_semaphore, #tpu.memory_space<semaphore_mem>>) {add = true}
        %dma_wait3A_38 = arith.constant 0 : i32
        %dma_wait3A_39 = arith.constant 0 : i32
        %dma_wait3A_40 = tpu.memref_slice %arg10[%dma_wait3A_38, %dma_wait3A_39] : memref<50000x32xf32, #tpu.memory_space<vmem_shared>> -> memref<50000x32xf32, #tpu.memory_space<vmem_shared>>
        tpu.wait_indirect_dma semaphore(%run_scoped3A : memref<!tpu.dma_semaphore, #tpu.memory_space<semaphore_mem>>) src(%arg9 : memref<200x32xf32, #tpu.memory_space<vmem>>) dst(%dma_wait3A_40 : memref<50000x32xf32, #tpu.memory_space<vmem_shared>>)
        tpu.yield
      }) : () -> ()
    }
    %scan3A_15 = arith.constant 125 : i32
    %barrier3A_16 = arith.constant 0 : index
    tpu.barrier barrier_id(%barrier3A_16)
    %lt3A_17 = arith.constant 15 : i32
    %lt3A_18 = arith.cmpi slt, %arg1, %lt3A_17 : i32
    %convert_element_type3A_19 = arith.extui %lt3A_18 : i1 to i32
    %cond3A_20 = arith.constant 0 : i32
    %cond3A_21 = arith.cmpi ne, %convert_element_type3A_19, %cond3A_20 : i32
    scf.if %cond3A_21 {
      "tpu.region"() ({
        %run_scoped3A = tpu.sem_alloc : memref<!tpu.dma_semaphore, #tpu.memory_space<semaphore_mem>>
        %dma_start3A = arith.constant 0 : i32
        %dma_start3A_27 = tpu.memref_slice %arg6[%arg0, %mul3A_2, %dma_start3A] : memref<2x50000x32xf32, #tpu.memory_space<hbm>> -> memref<1x3128x32xf32, #tpu.memory_space<hbm>>
        %dma_start3A_28 = tpu.memref_squeeze %dma_start3A_27 : memref<1x3128x32xf32, #tpu.memory_space<hbm>> -> memref<3128x32xf32, #tpu.memory_space<hbm>>
        %dma_start3A_29 = arith.constant 0 : i32
        %dma_start3A_30 = tpu.memref_slice %arg10[%mul3A_2, %dma_start3A_29] : memref<50000x32xf32, #tpu.memory_space<vmem_shared>> -> memref<3128x32xf32, #tpu.memory_space<vmem_shared>>
        tpu.enqueue_dma source(%dma_start3A_30 : memref<3128x32xf32, #tpu.memory_space<vmem_shared>>) target(%dma_start3A_28 : memref<3128x32xf32, #tpu.memory_space<hbm>>) target_semaphore(%run_scoped3A : memref<!tpu.dma_semaphore, #tpu.memory_space<semaphore_mem>>)
        %dma_wait3A = arith.constant 0 : i32
        %dma_wait3A_31 = tpu.memref_slice %arg6[%arg0, %mul3A_2, %dma_wait3A] : memref<2x50000x32xf32, #tpu.memory_space<hbm>> -> memref<1x3128x32xf32, #tpu.memory_space<hbm>>
        %dma_wait3A_32 = tpu.memref_squeeze %dma_wait3A_31 : memref<1x3128x32xf32, #tpu.memory_space<hbm>> -> memref<3128x32xf32, #tpu.memory_space<hbm>>
        %dma_wait3A_33 = arith.constant 0 : i32
        %dma_wait3A_34 = tpu.memref_slice %arg10[%mul3A_2, %dma_wait3A_33] : memref<50000x32xf32, #tpu.memory_space<vmem_shared>> -> memref<3128x32xf32, #tpu.memory_space<vmem_shared>>
        tpu.wait_dma2 semaphore(%run_scoped3A : memref<!tpu.dma_semaphore, #tpu.memory_space<semaphore_mem>>) src(%dma_wait3A_34 : memref<3128x32xf32, #tpu.memory_space<vmem_shared>>) dst(%dma_wait3A_32 : memref<3128x32xf32, #tpu.memory_space<hbm>>)
        tpu.yield
      }) : () -> ()
    } else {
    }
    %eq3A_22 = arith.constant 15 : i32
    %eq3A_23 = arith.cmpi eq, %arg1, %eq3A_22 : i32
    %convert_element_type3A_24 = arith.extui %eq3A_23 : i1 to i32
    %cond3A_25 = arith.constant 0 : i32
    %cond3A_26 = arith.cmpi ne, %convert_element_type3A_24, %cond3A_25 : i32
    scf.if %cond3A_26 {
      "tpu.region"() ({
        %run_scoped3A = tpu.sem_alloc : memref<!tpu.dma_semaphore, #tpu.memory_space<semaphore_mem>>
        %dma_start3A = arith.constant 46920 : i32
        %dma_start3A_27 = arith.constant 0 : i32
        %dma_start3A_28 = tpu.memref_slice %arg6[%arg0, %dma_start3A, %dma_start3A_27] : memref<2x50000x32xf32, #tpu.memory_space<hbm>> -> memref<1x3080x32xf32, #tpu.memory_space<hbm>>
        %dma_start3A_29 = tpu.memref_squeeze %dma_start3A_28 : memref<1x3080x32xf32, #tpu.memory_space<hbm>> -> memref<3080x32xf32, #tpu.memory_space<hbm>>
        %dma_start3A_30 = arith.constant 46920 : i32
        %dma_start3A_31 = arith.constant 0 : i32
        %dma_start3A_32 = tpu.memref_slice %arg10[%dma_start3A_30, %dma_start3A_31] : memref<50000x32xf32, #tpu.memory_space<vmem_shared>> -> memref<3080x32xf32, #tpu.memory_space<vmem_shared>>
        tpu.enqueue_dma source(%dma_start3A_32 : memref<3080x32xf32, #tpu.memory_space<vmem_shared>>) target(%dma_start3A_29 : memref<3080x32xf32, #tpu.memory_space<hbm>>) target_semaphore(%run_scoped3A : memref<!tpu.dma_semaphore, #tpu.memory_space<semaphore_mem>>)
        %dma_wait3A = arith.constant 46920 : i32
        %dma_wait3A_33 = arith.constant 0 : i32
        %dma_wait3A_34 = tpu.memref_slice %arg6[%arg0, %dma_wait3A, %dma_wait3A_33] : memref<2x50000x32xf32, #tpu.memory_space<hbm>> -> memref<1x3080x32xf32, #tpu.memory_space<hbm>>
        %dma_wait3A_35 = tpu.memref_squeeze %dma_wait3A_34 : memref<1x3080x32xf32, #tpu.memory_space<hbm>> -> memref<3080x32xf32, #tpu.memory_space<hbm>>
        %dma_wait3A_36 = arith.constant 46920 : i32
        %dma_wait3A_37 = arith.constant 0 : i32
        %dma_wait3A_38 = tpu.memref_slice %arg10[%dma_wait3A_36, %dma_wait3A_37] : memref<50000x32xf32, #tpu.memory_space<vmem_shared>> -> memref<3080x32xf32, #tpu.memory_space<vmem_shared>>
        tpu.wait_dma2 semaphore(%run_scoped3A : memref<!tpu.dma_semaphore, #tpu.memory_space<semaphore_mem>>) src(%dma_wait3A_38 : memref<3080x32xf32, #tpu.memory_space<vmem_shared>>) dst(%dma_wait3A_35 : memref<3080x32xf32, #tpu.memory_space<hbm>>)
        tpu.yield
      }) : () -> ()
    } else {
    }
    return
  }
}

#map = affine_map<(d0, d1) -> (0, 0)>
#map1 = affine_map<(d0, d1) -> (0)>
#map2 = affine_map<(d0, d1) -> (0, 0, 0)>
module attributes {stable_mosaic.version = 14 : i64} {
  func.func @body(%arg0: i32, %arg1: i32, %arg2: memref<50000x32xf32, #tpu.memory_space<hbm>>, %arg3: memref<800000xi32, #tpu.memory_space<hbm>>, %arg4: memref<800000xi32, #tpu.memory_space<hbm>>, %arg5: memref<3128x32xf32, #tpu.memory_space<hbm>>, %arg6: memref<2x50000x32xf32, #tpu.memory_space<hbm>>, %arg7: memref<200xi32, #tpu.memory_space<vmem>>, %arg8: memref<200xi32, #tpu.memory_space<vmem>>, %arg9: memref<200x32xf32, #tpu.memory_space<vmem>>, %arg10: memref<50000x32xf32, #tpu.memory_space<vmem_shared>>, %arg11: memref<!tpu.dma_semaphore, #tpu.memory_space<semaphore_mem>>) attributes {dimension_semantics = [#tpu.dimension_semantics<core_parallel>, #tpu.dimension_semantics<subcore_parallel>], iteration_bounds = array<i64: 2, 16>, scalar_prefetch = 0 : i64, scratch_operands = 5 : i64, tpu.core_type = #tpu.core_type<sc_vector_subcore>, window_params = [{transform_indices = #map}, {transform_indices = #map1}, {transform_indices = #map1}, {transform_indices = #map}, {transform_indices = #map2}]} {
    %mul3A = arith.constant 2 : i32
    %mul3A_0 = arith.muli %arg1, %mul3A : i32
    %add3A = arith.addi %mul3A_0, %arg0 : i32
    %mul3A_1 = arith.constant 3128 : i32
    %mul3A_2 = arith.muli %arg1, %mul3A_1 : i32
    %lt3A = arith.constant 15 : i32
    %lt3A_3 = arith.cmpi slt, %arg1, %lt3A : i32
    %convert_element_type3A = arith.extui %lt3A_3 : i1 to i32
    %cond3A = arith.constant 0 : i32
    %cond3A_4 = arith.cmpi ne, %convert_element_type3A, %cond3A : i32
    scf.if %cond3A_4 {
      "tpu.region"() ({
        %run_scoped3A = tpu.sem_alloc : memref<!tpu.dma_semaphore, #tpu.memory_space<semaphore_mem>>
        %dma_start3A = arith.constant 0 : i32
        %dma_start3A_27 = tpu.memref_slice %arg10[%mul3A_2, %dma_start3A] : memref<50000x32xf32, #tpu.memory_space<vmem_shared>> -> memref<3128x32xf32, #tpu.memory_space<vmem_shared>>
        tpu.enqueue_dma source(%arg5 : memref<3128x32xf32, #tpu.memory_space<hbm>>) target(%dma_start3A_27 : memref<3128x32xf32, #tpu.memory_space<vmem_shared>>) target_semaphore(%run_scoped3A : memref<!tpu.dma_semaphore, #tpu.memory_space<semaphore_mem>>)
        %dma_wait3A = arith.constant 0 : i32
        %dma_wait3A_28 = tpu.memref_slice %arg10[%mul3A_2, %dma_wait3A] : memref<50000x32xf32, #tpu.memory_space<vmem_shared>> -> memref<3128x32xf32, #tpu.memory_space<vmem_shared>>
        tpu.wait_dma2 semaphore(%run_scoped3A : memref<!tpu.dma_semaphore, #tpu.memory_space<semaphore_mem>>) src(%arg5 : memref<3128x32xf32, #tpu.memory_space<hbm>>) dst(%dma_wait3A_28 : memref<3128x32xf32, #tpu.memory_space<vmem_shared>>)
        tpu.yield
      }) : () -> ()
    } else {
    }
    %eq3A = arith.constant 15 : i32
    %eq3A_5 = arith.cmpi eq, %arg1, %eq3A : i32
    %convert_element_type3A_6 = arith.extui %eq3A_5 : i1 to i32
    %cond3A_7 = arith.constant 0 : i32
    %cond3A_8 = arith.cmpi ne, %convert_element_type3A_6, %cond3A_7 : i32
    scf.if %cond3A_8 {
      "tpu.region"() ({
        %run_scoped3A = tpu.sem_alloc : memref<!tpu.dma_semaphore, #tpu.memory_space<semaphore_mem>>
        %dma_start3A = arith.constant 46920 : i32
        %dma_start3A_27 = arith.constant 0 : i32
        %dma_start3A_28 = tpu.memref_slice %arg10[%dma_start3A, %dma_start3A_27] : memref<50000x32xf32, #tpu.memory_space<vmem_shared>> -> memref<3080x32xf32, #tpu.memory_space<vmem_shared>>
        %dma_start3A_29 = arith.constant 0 : i32
        %dma_start3A_30 = arith.constant 0 : i32
        %dma_start3A_31 = tpu.memref_slice %arg5[%dma_start3A_29, %dma_start3A_30] : memref<3128x32xf32, #tpu.memory_space<hbm>> -> memref<3080x32xf32, #tpu.memory_space<hbm>>
        tpu.enqueue_dma source(%dma_start3A_31 : memref<3080x32xf32, #tpu.memory_space<hbm>>) target(%dma_start3A_28 : memref<3080x32xf32, #tpu.memory_space<vmem_shared>>) target_semaphore(%run_scoped3A : memref<!tpu.dma_semaphore, #tpu.memory_space<semaphore_mem>>)
        %dma_wait3A = arith.constant 46920 : i32
        %dma_wait3A_32 = arith.constant 0 : i32
        %dma_wait3A_33 = tpu.memref_slice %arg10[%dma_wait3A, %dma_wait3A_32] : memref<50000x32xf32, #tpu.memory_space<vmem_shared>> -> memref<3080x32xf32, #tpu.memory_space<vmem_shared>>
        %dma_wait3A_34 = arith.constant 0 : i32
        %dma_wait3A_35 = arith.constant 0 : i32
        %dma_wait3A_36 = tpu.memref_slice %arg5[%dma_wait3A_34, %dma_wait3A_35] : memref<3128x32xf32, #tpu.memory_space<hbm>> -> memref<3080x32xf32, #tpu.memory_space<hbm>>
        tpu.wait_dma2 semaphore(%run_scoped3A : memref<!tpu.dma_semaphore, #tpu.memory_space<semaphore_mem>>) src(%dma_wait3A_36 : memref<3080x32xf32, #tpu.memory_space<hbm>>) dst(%dma_wait3A_33 : memref<3080x32xf32, #tpu.memory_space<vmem_shared>>)
        tpu.yield
      }) : () -> ()
    } else {
    }
    %barrier3A = arith.constant 0 : index
    tpu.barrier barrier_id(%barrier3A)
    %mul3A_9 = arith.constant 25000 : i32
    %mul3A_10 = arith.muli %add3A, %mul3A_9 : i32
    %scan3A = arith.constant 0 : i32
    %scan3A_11 = arith.constant 0 : i32
    %scan3A_12 = arith.constant 125 : i32
    %scan3A_13 = arith.addi %scan3A_11, %scan3A_12 : i32
    %scan3A_14 = arith.constant 1 : i32
    scf.for %scan3A_27 = %scan3A_11 to %scan3A_13 step %scan3A_14  : i32 {
      %mul3A_28 = arith.constant 200 : i32
      %mul3A_29 = arith.muli %scan3A_27, %mul3A_28 : i32
      %add3A_30 = arith.addi %mul3A_10, %mul3A_29 : i32
      "tpu.region"() ({
        %run_scoped3A = tpu.sem_alloc : memref<!tpu.dma_semaphore, #tpu.memory_space<semaphore_mem>>
        %dma_start3A_35 = tpu.memref_slice %arg3[%add3A_30] : memref<800000xi32, #tpu.memory_space<hbm>> -> memref<200xi32, #tpu.memory_space<hbm>>
        %dma_start3A_36 = tpu.memref_slice %arg3[%add3A_30] : memref<800000xi32, #tpu.memory_space<hbm>> -> memref<200xi32, #tpu.memory_space<hbm>>
        tpu.enqueue_dma source(%dma_start3A_36 : memref<200xi32, #tpu.memory_space<hbm>>) target(%arg7 : memref<200xi32, #tpu.memory_space<vmem>>) target_semaphore(%run_scoped3A : memref<!tpu.dma_semaphore, #tpu.memory_space<semaphore_mem>>)
        %dma_wait3A_37 = tpu.memref_slice %arg3[%add3A_30] : memref<800000xi32, #tpu.memory_space<hbm>> -> memref<200xi32, #tpu.memory_space<hbm>>
        %dma_wait3A_38 = tpu.memref_slice %arg3[%add3A_30] : memref<800000xi32, #tpu.memory_space<hbm>> -> memref<200xi32, #tpu.memory_space<hbm>>
        tpu.wait_dma2 semaphore(%run_scoped3A : memref<!tpu.dma_semaphore, #tpu.memory_space<semaphore_mem>>) src(%dma_wait3A_38 : memref<200xi32, #tpu.memory_space<hbm>>) dst(%arg7 : memref<200xi32, #tpu.memory_space<vmem>>)
        tpu.yield
      }) : () -> ()
      "tpu.region"() ({
        %run_scoped3A = tpu.sem_alloc : memref<!tpu.dma_semaphore, #tpu.memory_space<semaphore_mem>>
        %dma_start3A_35 = tpu.memref_slice %arg4[%add3A_30] : memref<800000xi32, #tpu.memory_space<hbm>> -> memref<200xi32, #tpu.memory_space<hbm>>
        %dma_start3A_36 = tpu.memref_slice %arg4[%add3A_30] : memref<800000xi32, #tpu.memory_space<hbm>> -> memref<200xi32, #tpu.memory_space<hbm>>
        tpu.enqueue_dma source(%dma_start3A_36 : memref<200xi32, #tpu.memory_space<hbm>>) target(%arg8 : memref<200xi32, #tpu.memory_space<vmem>>) target_semaphore(%run_scoped3A : memref<!tpu.dma_semaphore, #tpu.memory_space<semaphore_mem>>)
        %dma_wait3A_37 = tpu.memref_slice %arg4[%add3A_30] : memref<800000xi32, #tpu.memory_space<hbm>> -> memref<200xi32, #tpu.memory_space<hbm>>
        %dma_wait3A_38 = tpu.memref_slice %arg4[%add3A_30] : memref<800000xi32, #tpu.memory_space<hbm>> -> memref<200xi32, #tpu.memory_space<hbm>>
        tpu.wait_dma2 semaphore(%run_scoped3A : memref<!tpu.dma_semaphore, #tpu.memory_space<semaphore_mem>>) src(%dma_wait3A_38 : memref<200xi32, #tpu.memory_space<hbm>>) dst(%arg8 : memref<200xi32, #tpu.memory_space<vmem>>)
        tpu.yield
      }) : () -> ()
      %dma_start3A = arith.constant 0 : i32
      %dma_start3A_31 = arith.constant 0 : i32
      %dma_start3A_32 = tpu.memref_slice %arg2[%dma_start3A, %dma_start3A_31] : memref<50000x32xf32, #tpu.memory_space<hbm>> -> memref<50000x32xf32, #tpu.memory_space<hbm>>
      tpu.enqueue_indirect_dma source(%dma_start3A_32 : memref<50000x32xf32, #tpu.memory_space<hbm>>) target(%arg9 : memref<200x32xf32, #tpu.memory_space<vmem>>) offsets(%arg7 : memref<200xi32, #tpu.memory_space<vmem>>) semaphore(%arg11 : memref<!tpu.dma_semaphore, #tpu.memory_space<semaphore_mem>>)
      %dma_wait3A = arith.constant 0 : i32
      %dma_wait3A_33 = arith.constant 0 : i32
      %dma_wait3A_34 = tpu.memref_slice %arg2[%dma_wait3A, %dma_wait3A_33] : memref<50000x32xf32, #tpu.memory_space<hbm>> -> memref<50000x32xf32, #tpu.memory_space<hbm>>
      tpu.wait_indirect_dma semaphore(%arg11 : memref<!tpu.dma_semaphore, #tpu.memory_space<semaphore_mem>>) src(%dma_wait3A_34 : memref<50000x32xf32, #tpu.memory_space<hbm>>) dst(%arg9 : memref<200x32xf32, #tpu.memory_space<vmem>>)
      "tpu.region"() ({
        %run_scoped3A = tpu.sem_alloc : memref<!tpu.dma_semaphore, #tpu.memory_space<semaphore_mem>>
        %dma_start3A_35 = arith.constant 0 : i32
        %dma_start3A_36 = arith.constant 0 : i32
        %dma_start3A_37 = tpu.memref_slice %arg10[%dma_start3A_35, %dma_start3A_36] : memref<50000x32xf32, #tpu.memory_space<vmem_shared>> -> memref<50000x32xf32, #tpu.memory_space<vmem_shared>>
        tpu.enqueue_indirect_dma source(%arg9 : memref<200x32xf32, #tpu.memory_space<vmem>>) target(%dma_start3A_37 : memref<50000x32xf32, #tpu.memory_space<vmem_shared>>) offsets(%arg8 : memref<200xi32, #tpu.memory_space<vmem>>) semaphore(%run_scoped3A : memref<!tpu.dma_semaphore, #tpu.memory_space<semaphore_mem>>) {add = true}
        %dma_wait3A_38 = arith.constant 0 : i32
        %dma_wait3A_39 = arith.constant 0 : i32
        %dma_wait3A_40 = tpu.memref_slice %arg10[%dma_wait3A_38, %dma_wait3A_39] : memref<50000x32xf32, #tpu.memory_space<vmem_shared>> -> memref<50000x32xf32, #tpu.memory_space<vmem_shared>>
        tpu.wait_indirect_dma semaphore(%run_scoped3A : memref<!tpu.dma_semaphore, #tpu.memory_space<semaphore_mem>>) src(%arg9 : memref<200x32xf32, #tpu.memory_space<vmem>>) dst(%dma_wait3A_40 : memref<50000x32xf32, #tpu.memory_space<vmem_shared>>)
        tpu.yield
      }) : () -> ()
    }
    %scan3A_15 = arith.constant 125 : i32
    %barrier3A_16 = arith.constant 0 : index
    tpu.barrier barrier_id(%barrier3A_16)
    %lt3A_17 = arith.constant 15 : i32
    %lt3A_18 = arith.cmpi slt, %arg1, %lt3A_17 : i32
    %convert_element_type3A_19 = arith.extui %lt3A_18 : i1 to i32
    %cond3A_20 = arith.constant 0 : i32
    %cond3A_21 = arith.cmpi ne, %convert_element_type3A_19, %cond3A_20 : i32
    scf.if %cond3A_21 {
      "tpu.region"() ({
        %run_scoped3A = tpu.sem_alloc : memref<!tpu.dma_semaphore, #tpu.memory_space<semaphore_mem>>
        %dma_start3A = arith.constant 0 : i32
        %dma_start3A_27 = tpu.memref_slice %arg6[%arg0, %mul3A_2, %dma_start3A] : memref<2x50000x32xf32, #tpu.memory_space<hbm>> -> memref<1x3128x32xf32, #tpu.memory_space<hbm>>
        %dma_start3A_28 = tpu.memref_squeeze %dma_start3A_27 : memref<1x3128x32xf32, #tpu.memory_space<hbm>> -> memref<3128x32xf32, #tpu.memory_space<hbm>>
        %dma_start3A_29 = arith.constant 0 : i32
        %dma_start3A_30 = tpu.memref_slice %arg10[%mul3A_2, %dma_start3A_29] : memref<50000x32xf32, #tpu.memory_space<vmem_shared>> -> memref<3128x32xf32, #tpu.memory_space<vmem_shared>>
        tpu.enqueue_dma source(%dma_start3A_30 : memref<3128x32xf32, #tpu.memory_space<vmem_shared>>) target(%dma_start3A_28 : memref<3128x32xf32, #tpu.memory_space<hbm>>) target_semaphore(%run_scoped3A : memref<!tpu.dma_semaphore, #tpu.memory_space<semaphore_mem>>)
        %dma_wait3A = arith.constant 0 : i32
        %dma_wait3A_31 = tpu.memref_slice %arg6[%arg0, %mul3A_2, %dma_wait3A] : memref<2x50000x32xf32, #tpu.memory_space<hbm>> -> memref<1x3128x32xf32, #tpu.memory_space<hbm>>
        %dma_wait3A_32 = tpu.memref_squeeze %dma_wait3A_31 : memref<1x3128x32xf32, #tpu.memory_space<hbm>> -> memref<3128x32xf32, #tpu.memory_space<hbm>>
        %dma_wait3A_33 = arith.constant 0 : i32
        %dma_wait3A_34 = tpu.memref_slice %arg10[%mul3A_2, %dma_wait3A_33] : memref<50000x32xf32, #tpu.memory_space<vmem_shared>> -> memref<3128x32xf32, #tpu.memory_space<vmem_shared>>
        tpu.wait_dma2 semaphore(%run_scoped3A : memref<!tpu.dma_semaphore, #tpu.memory_space<semaphore_mem>>) src(%dma_wait3A_34 : memref<3128x32xf32, #tpu.memory_space<vmem_shared>>) dst(%dma_wait3A_32 : memref<3128x32xf32, #tpu.memory_space<hbm>>)
        tpu.yield
      }) : () -> ()
    } else {
    }
    %eq3A_22 = arith.constant 15 : i32
    %eq3A_23 = arith.cmpi eq, %arg1, %eq3A_22 : i32
    %convert_element_type3A_24 = arith.extui %eq3A_23 : i1 to i32
    %cond3A_25 = arith.constant 0 : i32
    %cond3A_26 = arith.cmpi ne, %convert_element_type3A_24, %cond3A_25 : i32
    scf.if %cond3A_26 {
      "tpu.region"() ({
        %run_scoped3A = tpu.sem_alloc : memref<!tpu.dma_semaphore, #tpu.memory_space<semaphore_mem>>
        %dma_start3A = arith.constant 46920 : i32
        %dma_start3A_27 = arith.constant 0 : i32
        %dma_start3A_28 = tpu.memref_slice %arg6[%arg0, %dma_start3A, %dma_start3A_27] : memref<2x50000x32xf32, #tpu.memory_space<hbm>> -> memref<1x3080x32xf32, #tpu.memory_space<hbm>>
        %dma_start3A_29 = tpu.memref_squeeze %dma_start3A_28 : memref<1x3080x32xf32, #tpu.memory_space<hbm>> -> memref<3080x32xf32, #tpu.memory_space<hbm>>
        %dma_start3A_30 = arith.constant 46920 : i32
        %dma_start3A_31 = arith.constant 0 : i32
        %dma_start3A_32 = tpu.memref_slice %arg10[%dma_start3A_30, %dma_start3A_31] : memref<50000x32xf32, #tpu.memory_space<vmem_shared>> -> memref<3080x32xf32, #tpu.memory_space<vmem_shared>>
        tpu.enqueue_dma source(%dma_start3A_32 : memref<3080x32xf32, #tpu.memory_space<vmem_shared>>) target(%dma_start3A_29 : memref<3080x32xf32, #tpu.memory_space<hbm>>) target_semaphore(%run_scoped3A : memref<!tpu.dma_semaphore, #tpu.memory_space<semaphore_mem>>)
        %dma_wait3A = arith.constant 46920 : i32
        %dma_wait3A_33 = arith.constant 0 : i32
        %dma_wait3A_34 = tpu.memref_slice %arg6[%arg0, %dma_wait3A, %dma_wait3A_33] : memref<2x50000x32xf32, #tpu.memory_space<hbm>> -> memref<1x3080x32xf32, #tpu.memory_space<hbm>>
        %dma_wait3A_35 = tpu.memref_squeeze %dma_wait3A_34 : memref<1x3080x32xf32, #tpu.memory_space<hbm>> -> memref<3080x32xf32, #tpu.memory_space<hbm>>
        %dma_wait3A_36 = arith.constant 46920 : i32
        %dma_wait3A_37 = arith.constant 0 : i32
        %dma_wait3A_38 = tpu.memref_slice %arg10[%dma_wait3A_36, %dma_wait3A_37] : memref<50000x32xf32, #tpu.memory_space<vmem_shared>> -> memref<3080x32xf32, #tpu.memory_space<vmem_shared>>
        tpu.wait_dma2 semaphore(%run_scoped3A : memref<!tpu.dma_semaphore, #tpu.memory_space<semaphore_mem>>) src(%dma_wait3A_38 : memref<3080x32xf32, #tpu.memory_space<vmem_shared>>) dst(%dma_wait3A_35 : memref<3080x32xf32, #tpu.memory_space<hbm>>)
        tpu.yield
      }) : () -> ()
    } else {
    }
    return
  }
}

#map = affine_map<(d0, d1) -> (0, 0)>
#map1 = affine_map<(d0, d1) -> (0)>
#map2 = affine_map<(d0, d1) -> (0, 0, 0)>
module attributes {stable_mosaic.version = 14 : i64} {
  func.func @body(%arg0: i32, %arg1: i32, %arg2: memref<50000x32xf32, #tpu.memory_space<hbm>>, %arg3: memref<800000xi32, #tpu.memory_space<hbm>>, %arg4: memref<800000xi32, #tpu.memory_space<hbm>>, %arg5: memref<3128x32xf32, #tpu.memory_space<hbm>>, %arg6: memref<2x50000x32xf32, #tpu.memory_space<hbm>>, %arg7: memref<200xi32, #tpu.memory_space<vmem>>, %arg8: memref<200xi32, #tpu.memory_space<vmem>>, %arg9: memref<200x32xf32, #tpu.memory_space<vmem>>, %arg10: memref<50000x32xf32, #tpu.memory_space<vmem_shared>>, %arg11: memref<!tpu.dma_semaphore, #tpu.memory_space<semaphore_mem>>) attributes {dimension_semantics = [#tpu.dimension_semantics<core_parallel>, #tpu.dimension_semantics<subcore_parallel>], iteration_bounds = array<i64: 2, 16>, scalar_prefetch = 0 : i64, scratch_operands = 5 : i64, tpu.core_type = #tpu.core_type<sc_vector_subcore>, window_params = [{transform_indices = #map}, {transform_indices = #map1}, {transform_indices = #map1}, {transform_indices = #map}, {transform_indices = #map2}]} {
    %mul3A = arith.constant 2 : i32
    %mul3A_0 = arith.muli %arg1, %mul3A : i32
    %add3A = arith.addi %mul3A_0, %arg0 : i32
    %mul3A_1 = arith.constant 3128 : i32
    %mul3A_2 = arith.muli %arg1, %mul3A_1 : i32
    %lt3A = arith.constant 15 : i32
    %lt3A_3 = arith.cmpi slt, %arg1, %lt3A : i32
    %convert_element_type3A = arith.extui %lt3A_3 : i1 to i32
    %cond3A = arith.constant 0 : i32
    %cond3A_4 = arith.cmpi ne, %convert_element_type3A, %cond3A : i32
    scf.if %cond3A_4 {
      "tpu.region"() ({
        %run_scoped3A = tpu.sem_alloc : memref<!tpu.dma_semaphore, #tpu.memory_space<semaphore_mem>>
        %dma_start3A = arith.constant 0 : i32
        %dma_start3A_27 = tpu.memref_slice %arg10[%mul3A_2, %dma_start3A] : memref<50000x32xf32, #tpu.memory_space<vmem_shared>> -> memref<3128x32xf32, #tpu.memory_space<vmem_shared>>
        tpu.enqueue_dma source(%arg5 : memref<3128x32xf32, #tpu.memory_space<hbm>>) target(%dma_start3A_27 : memref<3128x32xf32, #tpu.memory_space<vmem_shared>>) target_semaphore(%run_scoped3A : memref<!tpu.dma_semaphore, #tpu.memory_space<semaphore_mem>>)
        %dma_wait3A = arith.constant 0 : i32
        %dma_wait3A_28 = tpu.memref_slice %arg10[%mul3A_2, %dma_wait3A] : memref<50000x32xf32, #tpu.memory_space<vmem_shared>> -> memref<3128x32xf32, #tpu.memory_space<vmem_shared>>
        tpu.wait_dma2 semaphore(%run_scoped3A : memref<!tpu.dma_semaphore, #tpu.memory_space<semaphore_mem>>) src(%arg5 : memref<3128x32xf32, #tpu.memory_space<hbm>>) dst(%dma_wait3A_28 : memref<3128x32xf32, #tpu.memory_space<vmem_shared>>)
        tpu.yield
      }) : () -> ()
    } else {
    }
    %eq3A = arith.constant 15 : i32
    %eq3A_5 = arith.cmpi eq, %arg1, %eq3A : i32
    %convert_element_type3A_6 = arith.extui %eq3A_5 : i1 to i32
    %cond3A_7 = arith.constant 0 : i32
    %cond3A_8 = arith.cmpi ne, %convert_element_type3A_6, %cond3A_7 : i32
    scf.if %cond3A_8 {
      "tpu.region"() ({
        %run_scoped3A = tpu.sem_alloc : memref<!tpu.dma_semaphore, #tpu.memory_space<semaphore_mem>>
        %dma_start3A = arith.constant 46920 : i32
        %dma_start3A_27 = arith.constant 0 : i32
        %dma_start3A_28 = tpu.memref_slice %arg10[%dma_start3A, %dma_start3A_27] : memref<50000x32xf32, #tpu.memory_space<vmem_shared>> -> memref<3080x32xf32, #tpu.memory_space<vmem_shared>>
        %dma_start3A_29 = arith.constant 0 : i32
        %dma_start3A_30 = arith.constant 0 : i32
        %dma_start3A_31 = tpu.memref_slice %arg5[%dma_start3A_29, %dma_start3A_30] : memref<3128x32xf32, #tpu.memory_space<hbm>> -> memref<3080x32xf32, #tpu.memory_space<hbm>>
        tpu.enqueue_dma source(%dma_start3A_31 : memref<3080x32xf32, #tpu.memory_space<hbm>>) target(%dma_start3A_28 : memref<3080x32xf32, #tpu.memory_space<vmem_shared>>) target_semaphore(%run_scoped3A : memref<!tpu.dma_semaphore, #tpu.memory_space<semaphore_mem>>)
        %dma_wait3A = arith.constant 46920 : i32
        %dma_wait3A_32 = arith.constant 0 : i32
        %dma_wait3A_33 = tpu.memref_slice %arg10[%dma_wait3A, %dma_wait3A_32] : memref<50000x32xf32, #tpu.memory_space<vmem_shared>> -> memref<3080x32xf32, #tpu.memory_space<vmem_shared>>
        %dma_wait3A_34 = arith.constant 0 : i32
        %dma_wait3A_35 = arith.constant 0 : i32
        %dma_wait3A_36 = tpu.memref_slice %arg5[%dma_wait3A_34, %dma_wait3A_35] : memref<3128x32xf32, #tpu.memory_space<hbm>> -> memref<3080x32xf32, #tpu.memory_space<hbm>>
        tpu.wait_dma2 semaphore(%run_scoped3A : memref<!tpu.dma_semaphore, #tpu.memory_space<semaphore_mem>>) src(%dma_wait3A_36 : memref<3080x32xf32, #tpu.memory_space<hbm>>) dst(%dma_wait3A_33 : memref<3080x32xf32, #tpu.memory_space<vmem_shared>>)
        tpu.yield
      }) : () -> ()
    } else {
    }
    %barrier3A = arith.constant 0 : index
    tpu.barrier barrier_id(%barrier3A)
    %mul3A_9 = arith.constant 25000 : i32
    %mul3A_10 = arith.muli %add3A, %mul3A_9 : i32
    %scan3A = arith.constant 0 : i32
    %scan3A_11 = arith.constant 0 : i32
    %scan3A_12 = arith.constant 125 : i32
    %scan3A_13 = arith.addi %scan3A_11, %scan3A_12 : i32
    %scan3A_14 = arith.constant 1 : i32
    scf.for %scan3A_27 = %scan3A_11 to %scan3A_13 step %scan3A_14  : i32 {
      %mul3A_28 = arith.constant 200 : i32
      %mul3A_29 = arith.muli %scan3A_27, %mul3A_28 : i32
      %add3A_30 = arith.addi %mul3A_10, %mul3A_29 : i32
      "tpu.region"() ({
        %run_scoped3A = tpu.sem_alloc : memref<!tpu.dma_semaphore, #tpu.memory_space<semaphore_mem>>
        %dma_start3A_35 = tpu.memref_slice %arg3[%add3A_30] : memref<800000xi32, #tpu.memory_space<hbm>> -> memref<200xi32, #tpu.memory_space<hbm>>
        %dma_start3A_36 = tpu.memref_slice %arg3[%add3A_30] : memref<800000xi32, #tpu.memory_space<hbm>> -> memref<200xi32, #tpu.memory_space<hbm>>
        tpu.enqueue_dma source(%dma_start3A_36 : memref<200xi32, #tpu.memory_space<hbm>>) target(%arg7 : memref<200xi32, #tpu.memory_space<vmem>>) target_semaphore(%run_scoped3A : memref<!tpu.dma_semaphore, #tpu.memory_space<semaphore_mem>>)
        %dma_wait3A_37 = tpu.memref_slice %arg3[%add3A_30] : memref<800000xi32, #tpu.memory_space<hbm>> -> memref<200xi32, #tpu.memory_space<hbm>>
        %dma_wait3A_38 = tpu.memref_slice %arg3[%add3A_30] : memref<800000xi32, #tpu.memory_space<hbm>> -> memref<200xi32, #tpu.memory_space<hbm>>
        tpu.wait_dma2 semaphore(%run_scoped3A : memref<!tpu.dma_semaphore, #tpu.memory_space<semaphore_mem>>) src(%dma_wait3A_38 : memref<200xi32, #tpu.memory_space<hbm>>) dst(%arg7 : memref<200xi32, #tpu.memory_space<vmem>>)
        tpu.yield
      }) : () -> ()
      "tpu.region"() ({
        %run_scoped3A = tpu.sem_alloc : memref<!tpu.dma_semaphore, #tpu.memory_space<semaphore_mem>>
        %dma_start3A_35 = tpu.memref_slice %arg4[%add3A_30] : memref<800000xi32, #tpu.memory_space<hbm>> -> memref<200xi32, #tpu.memory_space<hbm>>
        %dma_start3A_36 = tpu.memref_slice %arg4[%add3A_30] : memref<800000xi32, #tpu.memory_space<hbm>> -> memref<200xi32, #tpu.memory_space<hbm>>
        tpu.enqueue_dma source(%dma_start3A_36 : memref<200xi32, #tpu.memory_space<hbm>>) target(%arg8 : memref<200xi32, #tpu.memory_space<vmem>>) target_semaphore(%run_scoped3A : memref<!tpu.dma_semaphore, #tpu.memory_space<semaphore_mem>>)
        %dma_wait3A_37 = tpu.memref_slice %arg4[%add3A_30] : memref<800000xi32, #tpu.memory_space<hbm>> -> memref<200xi32, #tpu.memory_space<hbm>>
        %dma_wait3A_38 = tpu.memref_slice %arg4[%add3A_30] : memref<800000xi32, #tpu.memory_space<hbm>> -> memref<200xi32, #tpu.memory_space<hbm>>
        tpu.wait_dma2 semaphore(%run_scoped3A : memref<!tpu.dma_semaphore, #tpu.memory_space<semaphore_mem>>) src(%dma_wait3A_38 : memref<200xi32, #tpu.memory_space<hbm>>) dst(%arg8 : memref<200xi32, #tpu.memory_space<vmem>>)
        tpu.yield
      }) : () -> ()
      %dma_start3A = arith.constant 0 : i32
      %dma_start3A_31 = arith.constant 0 : i32
      %dma_start3A_32 = tpu.memref_slice %arg2[%dma_start3A, %dma_start3A_31] : memref<50000x32xf32, #tpu.memory_space<hbm>> -> memref<50000x32xf32, #tpu.memory_space<hbm>>
      tpu.enqueue_indirect_dma source(%dma_start3A_32 : memref<50000x32xf32, #tpu.memory_space<hbm>>) target(%arg9 : memref<200x32xf32, #tpu.memory_space<vmem>>) offsets(%arg7 : memref<200xi32, #tpu.memory_space<vmem>>) semaphore(%arg11 : memref<!tpu.dma_semaphore, #tpu.memory_space<semaphore_mem>>)
      %dma_wait3A = arith.constant 0 : i32
      %dma_wait3A_33 = arith.constant 0 : i32
      %dma_wait3A_34 = tpu.memref_slice %arg2[%dma_wait3A, %dma_wait3A_33] : memref<50000x32xf32, #tpu.memory_space<hbm>> -> memref<50000x32xf32, #tpu.memory_space<hbm>>
      tpu.wait_indirect_dma semaphore(%arg11 : memref<!tpu.dma_semaphore, #tpu.memory_space<semaphore_mem>>) src(%dma_wait3A_34 : memref<50000x32xf32, #tpu.memory_space<hbm>>) dst(%arg9 : memref<200x32xf32, #tpu.memory_space<vmem>>)
      "tpu.region"() ({
        %run_scoped3A = tpu.sem_alloc : memref<!tpu.dma_semaphore, #tpu.memory_space<semaphore_mem>>
        %dma_start3A_35 = arith.constant 0 : i32
        %dma_start3A_36 = arith.constant 0 : i32
        %dma_start3A_37 = tpu.memref_slice %arg10[%dma_start3A_35, %dma_start3A_36] : memref<50000x32xf32, #tpu.memory_space<vmem_shared>> -> memref<50000x32xf32, #tpu.memory_space<vmem_shared>>
        tpu.enqueue_indirect_dma source(%arg9 : memref<200x32xf32, #tpu.memory_space<vmem>>) target(%dma_start3A_37 : memref<50000x32xf32, #tpu.memory_space<vmem_shared>>) offsets(%arg8 : memref<200xi32, #tpu.memory_space<vmem>>) semaphore(%run_scoped3A : memref<!tpu.dma_semaphore, #tpu.memory_space<semaphore_mem>>) {add = true}
        %dma_wait3A_38 = arith.constant 0 : i32
        %dma_wait3A_39 = arith.constant 0 : i32
        %dma_wait3A_40 = tpu.memref_slice %arg10[%dma_wait3A_38, %dma_wait3A_39] : memref<50000x32xf32, #tpu.memory_space<vmem_shared>> -> memref<50000x32xf32, #tpu.memory_space<vmem_shared>>
        tpu.wait_indirect_dma semaphore(%run_scoped3A : memref<!tpu.dma_semaphore, #tpu.memory_space<semaphore_mem>>) src(%arg9 : memref<200x32xf32, #tpu.memory_space<vmem>>) dst(%dma_wait3A_40 : memref<50000x32xf32, #tpu.memory_space<vmem_shared>>)
        tpu.yield
      }) : () -> ()
    }
    %scan3A_15 = arith.constant 125 : i32
    %barrier3A_16 = arith.constant 0 : index
    tpu.barrier barrier_id(%barrier3A_16)
    %lt3A_17 = arith.constant 15 : i32
    %lt3A_18 = arith.cmpi slt, %arg1, %lt3A_17 : i32
    %convert_element_type3A_19 = arith.extui %lt3A_18 : i1 to i32
    %cond3A_20 = arith.constant 0 : i32
    %cond3A_21 = arith.cmpi ne, %convert_element_type3A_19, %cond3A_20 : i32
    scf.if %cond3A_21 {
      "tpu.region"() ({
        %run_scoped3A = tpu.sem_alloc : memref<!tpu.dma_semaphore, #tpu.memory_space<semaphore_mem>>
        %dma_start3A = arith.constant 0 : i32
        %dma_start3A_27 = tpu.memref_slice %arg6[%arg0, %mul3A_2, %dma_start3A] : memref<2x50000x32xf32, #tpu.memory_space<hbm>> -> memref<1x3128x32xf32, #tpu.memory_space<hbm>>
        %dma_start3A_28 = tpu.memref_squeeze %dma_start3A_27 : memref<1x3128x32xf32, #tpu.memory_space<hbm>> -> memref<3128x32xf32, #tpu.memory_space<hbm>>
        %dma_start3A_29 = arith.constant 0 : i32
        %dma_start3A_30 = tpu.memref_slice %arg10[%mul3A_2, %dma_start3A_29] : memref<50000x32xf32, #tpu.memory_space<vmem_shared>> -> memref<3128x32xf32, #tpu.memory_space<vmem_shared>>
        tpu.enqueue_dma source(%dma_start3A_30 : memref<3128x32xf32, #tpu.memory_space<vmem_shared>>) target(%dma_start3A_28 : memref<3128x32xf32, #tpu.memory_space<hbm>>) target_semaphore(%run_scoped3A : memref<!tpu.dma_semaphore, #tpu.memory_space<semaphore_mem>>)
        %dma_wait3A = arith.constant 0 : i32
        %dma_wait3A_31 = tpu.memref_slice %arg6[%arg0, %mul3A_2, %dma_wait3A] : memref<2x50000x32xf32, #tpu.memory_space<hbm>> -> memref<1x3128x32xf32, #tpu.memory_space<hbm>>
        %dma_wait3A_32 = tpu.memref_squeeze %dma_wait3A_31 : memref<1x3128x32xf32, #tpu.memory_space<hbm>> -> memref<3128x32xf32, #tpu.memory_space<hbm>>
        %dma_wait3A_33 = arith.constant 0 : i32
        %dma_wait3A_34 = tpu.memref_slice %arg10[%mul3A_2, %dma_wait3A_33] : memref<50000x32xf32, #tpu.memory_space<vmem_shared>> -> memref<3128x32xf32, #tpu.memory_space<vmem_shared>>
        tpu.wait_dma2 semaphore(%run_scoped3A : memref<!tpu.dma_semaphore, #tpu.memory_space<semaphore_mem>>) src(%dma_wait3A_34 : memref<3128x32xf32, #tpu.memory_space<vmem_shared>>) dst(%dma_wait3A_32 : memref<3128x32xf32, #tpu.memory_space<hbm>>)
        tpu.yield
      }) : () -> ()
    } else {
    }
    %eq3A_22 = arith.constant 15 : i32
    %eq3A_23 = arith.cmpi eq, %arg1, %eq3A_22 : i32
    %convert_element_type3A_24 = arith.extui %eq3A_23 : i1 to i32
    %cond3A_25 = arith.constant 0 : i32
    %cond3A_26 = arith.cmpi ne, %convert_element_type3A_24, %cond3A_25 : i32
    scf.if %cond3A_26 {
      "tpu.region"() ({
        %run_scoped3A = tpu.sem_alloc : memref<!tpu.dma_semaphore, #tpu.memory_space<semaphore_mem>>
        %dma_start3A = arith.constant 46920 : i32
        %dma_start3A_27 = arith.constant 0 : i32
        %dma_start3A_28 = tpu.memref_slice %arg6[%arg0, %dma_start3A, %dma_start3A_27] : memref<2x50000x32xf32, #tpu.memory_space<hbm>> -> memref<1x3080x32xf32, #tpu.memory_space<hbm>>
        %dma_start3A_29 = tpu.memref_squeeze %dma_start3A_28 : memref<1x3080x32xf32, #tpu.memory_space<hbm>> -> memref<3080x32xf32, #tpu.memory_space<hbm>>
        %dma_start3A_30 = arith.constant 46920 : i32
        %dma_start3A_31 = arith.constant 0 : i32
        %dma_start3A_32 = tpu.memref_slice %arg10[%dma_start3A_30, %dma_start3A_31] : memref<50000x32xf32, #tpu.memory_space<vmem_shared>> -> memref<3080x32xf32, #tpu.memory_space<vmem_shared>>
        tpu.enqueue_dma source(%dma_start3A_32 : memref<3080x32xf32, #tpu.memory_space<vmem_shared>>) target(%dma_start3A_29 : memref<3080x32xf32, #tpu.memory_space<hbm>>) target_semaphore(%run_scoped3A : memref<!tpu.dma_semaphore, #tpu.memory_space<semaphore_mem>>)
        %dma_wait3A = arith.constant 46920 : i32
        %dma_wait3A_33 = arith.constant 0 : i32
        %dma_wait3A_34 = tpu.memref_slice %arg6[%arg0, %dma_wait3A, %dma_wait3A_33] : memref<2x50000x32xf32, #tpu.memory_space<hbm>> -> memref<1x3080x32xf32, #tpu.memory_space<hbm>>
        %dma_wait3A_35 = tpu.memref_squeeze %dma_wait3A_34 : memref<1x3080x32xf32, #tpu.memory_space<hbm>> -> memref<3080x32xf32, #tpu.memory_space<hbm>>
        %dma_wait3A_36 = arith.constant 46920 : i32
        %dma_wait3A_37 = arith.constant 0 : i32
        %dma_wait3A_38 = tpu.memref_slice %arg10[%dma_wait3A_36, %dma_wait3A_37] : memref<50000x32xf32, #tpu.memory_space<vmem_shared>> -> memref<3080x32xf32, #tpu.memory_space<vmem_shared>>
        tpu.wait_dma2 semaphore(%run_scoped3A : memref<!tpu.dma_semaphore, #tpu.memory_space<semaphore_mem>>) src(%dma_wait3A_38 : memref<3080x32xf32, #tpu.memory_space<vmem_shared>>) dst(%dma_wait3A_35 : memref<3080x32xf32, #tpu.memory_space<hbm>>)
        tpu.yield
      }) : () -> ()
    } else {
    }
    return
  }
}

module attributes {stable_mosaic.version = 14 : i64} {
  func.func @_k1_body(%arg0: i32, %arg1: memref<2x2000x32xf32, #tpu.memory_space<vmem>>, %arg2: memref<2000x96xf32, #tpu.memory_space<vmem>>, %arg3: memref<2000x1xf32, #tpu.memory_space<vmem>>, %arg4: memref<2000x96xf32, #tpu.memory_space<vmem>>) attributes {dimension_semantics = [#tpu.dimension_semantics<arbitrary>], iteration_bounds = array<i64: 25>, scalar_prefetch = 0 : i64, scratch_operands = 0 : i64, tpu.core_type = #tpu.core_type<tc>, window_params = [{transform_indices = @transform_0, window_bounds = array<i64: 2, 2000, 32>}, {transform_indices = @transform_1, window_bounds = array<i64: 2000, 96>}, {transform_indices = @transform_2, window_bounds = array<i64: 2000, 1>}, {transform_indices = @transform_3, window_bounds = array<i64: 2000, 96>}]} {
    %get3A = arith.constant 0 : index
    %get3A_0 = arith.constant 0 : index
    %get3A_1 = arith.constant 0 : index
    %get3A_2 = vector.load %arg1[%get3A, %get3A_0, %get3A_1] : memref<2x2000x32xf32, #tpu.memory_space<vmem>>, vector<1x2000x1xf32>
    %get3A_3 = vector.shape_cast %get3A_2 : vector<1x2000x1xf32> to vector<2000x1xf32>
    %get3A_4 = arith.constant 1 : index
    %get3A_5 = arith.constant 0 : index
    %get3A_6 = arith.constant 0 : index
    %get3A_7 = vector.load %arg1[%get3A_4, %get3A_5, %get3A_6] : memref<2x2000x32xf32, #tpu.memory_space<vmem>>, vector<1x2000x1xf32>
    %get3A_8 = vector.shape_cast %get3A_7 : vector<1x2000x1xf32> to vector<2000x1xf32>
    %add3A = arith.addf %get3A_3, %get3A_8 : vector<2000x1xf32>
    %add3A_9 = arith.constant 1.000000e+00 : f32
    %add3A_10 = vector.broadcast %add3A_9 : f32 to vector<2000x1xf32>
    %add3A_11 = arith.addf %add3A, %add3A_10 : vector<2000x1xf32>
    %rsqrt3A = math.rsqrt %add3A_11 : vector<2000x1xf32>
    %swap3A = arith.constant 0 : index
    %swap3A_12 = arith.constant 0 : index
    %swap3A_13 = vector.load %arg3[%swap3A, %swap3A_12] : memref<2000x1xf32, #tpu.memory_space<vmem>>, vector<2000x1xf32>
    tpu.vector_store %arg3[%swap3A, %swap3A_12], %rsqrt3A {strides = array<i32>} : memref<2000x1xf32, #tpu.memory_space<vmem>>, vector<2000x1xf32>,
    %get3A_14 = arith.constant 0 : index
    %get3A_15 = arith.constant 0 : index
    %get3A_16 = vector.load %arg2[%get3A_14, %get3A_15] : memref<2000x96xf32, #tpu.memory_space<vmem>>, vector<2000x96xf32>
    %mul3A = vector.broadcast %rsqrt3A : vector<2000x1xf32> to vector<2000x96xf32>
    %mul3A_17 = arith.mulf %get3A_16, %mul3A : vector<2000x96xf32>
    %swap3A_18 = arith.constant 0 : index
    %swap3A_19 = arith.constant 0 : index
    %swap3A_20 = vector.load %arg4[%swap3A_18, %swap3A_19] : memref<2000x96xf32, #tpu.memory_space<vmem>>, vector<2000x96xf32>
    tpu.vector_store %arg4[%swap3A_18, %swap3A_19], %mul3A_17 {strides = array<i32>} : memref<2000x96xf32, #tpu.memory_space<vmem>>, vector<2000x96xf32>,
    return
  }
  func.func @transform_0(%arg0: i32) -> (i32, i32, i32) {
    %c0_i32 = arith.constant 0 : i32
    %c0_i32_0 = arith.constant 0 : i32
    %c0_i32_1 = arith.constant 0 : i32
    return %c0_i32, %arg0, %c0_i32_0 : i32, i32, i32
  }
  func.func @transform_1(%arg0: i32) -> (i32, i32) {
    %c0_i32 = arith.constant 0 : i32
    %c0_i32_0 = arith.constant 0 : i32
    return %arg0, %c0_i32 : i32, i32
  }
  func.func @transform_2(%arg0: i32) -> (i32, i32) {
    %c0_i32 = arith.constant 0 : i32
    %c0_i32_0 = arith.constant 0 : i32
    return %arg0, %c0_i32 : i32, i32
  }
  func.func @transform_3(%arg0: i32) -> (i32, i32) {
    %c0_i32 = arith.constant 0 : i32
    %c0_i32_0 = arith.constant 0 : i32
    return %arg0, %c0_i32 : i32, i32
  }
}

module attributes {stable_mosaic.version = 14 : i64} {
  func.func @_k_l1_body(%arg0: i32, %arg1: memref<2x2000x96xf32, #tpu.memory_space<vmem>>, %arg2: memref<2000x96xf32, #tpu.memory_space<vmem>>, %arg3: memref<2000x1xf32, #tpu.memory_space<vmem>>, %arg4: memref<96x256xf32, #tpu.memory_space<vmem>>, %arg5: memref<1x256xf32, #tpu.memory_space<vmem>>, %arg6: memref<256x128xf32, #tpu.memory_space<vmem>>, %arg7: memref<2000x128xf32, #tpu.memory_space<vmem>>) attributes {dimension_semantics = [#tpu.dimension_semantics<arbitrary>], iteration_bounds = array<i64: 25>, scalar_prefetch = 0 : i64, scratch_operands = 0 : i64, tpu.core_type = #tpu.core_type<tc>, window_params = [{transform_indices = @transform_0, window_bounds = array<i64: 2, 2000, 96>}, {transform_indices = @transform_1, window_bounds = array<i64: 2000, 96>}, {transform_indices = @transform_2, window_bounds = array<i64: 2000, 1>}, {pipeline_mode = #tpu.pipeline_mode<synchronous>, transform_indices = @transform_3, window_bounds = array<i64: 96, 256>}, {pipeline_mode = #tpu.pipeline_mode<synchronous>, transform_indices = @transform_4, window_bounds = array<i64: 1, 256>}, {pipeline_mode = #tpu.pipeline_mode<synchronous>, transform_indices = @transform_5, window_bounds = array<i64: 256, 128>}, {transform_indices = @transform_6, window_bounds = array<i64: 2000, 128>}]} {
    %get3A = arith.constant 0 : index
    %get3A_0 = arith.constant 0 : index
    %get3A_1 = vector.load %arg3[%get3A, %get3A_0] : memref<2000x1xf32, #tpu.memory_space<vmem>>, vector<2000x1xf32>
    %get3A_2 = arith.constant 0 : index
    %get3A_3 = arith.constant 0 : index
    %get3A_4 = arith.constant 0 : index
    %get3A_5 = vector.load %arg1[%get3A_2, %get3A_3, %get3A_4] : memref<2x2000x96xf32, #tpu.memory_space<vmem>>, vector<1x2000x96xf32>
    %get3A_6 = vector.shape_cast %get3A_5 : vector<1x2000x96xf32> to vector<2000x96xf32>
    %get3A_7 = arith.constant 1 : index
    %get3A_8 = arith.constant 0 : index
    %get3A_9 = arith.constant 0 : index
    %get3A_10 = vector.load %arg1[%get3A_7, %get3A_8, %get3A_9] : memref<2x2000x96xf32, #tpu.memory_space<vmem>>, vector<1x2000x96xf32>
    %get3A_11 = vector.shape_cast %get3A_10 : vector<1x2000x96xf32> to vector<2000x96xf32>
    %add3A = arith.addf %get3A_6, %get3A_11 : vector<2000x96xf32>
    %get3A_12 = arith.constant 0 : index
    %get3A_13 = arith.constant 0 : index
    %get3A_14 = vector.load %arg2[%get3A_12, %get3A_13] : memref<2000x96xf32, #tpu.memory_space<vmem>>, vector<2000x96xf32>
    %add3A_15 = arith.addf %add3A, %get3A_14 : vector<2000x96xf32>
    %mul3A = vector.broadcast %get3A_1 : vector<2000x1xf32> to vector<2000x96xf32>
    %mul3A_16 = arith.mulf %add3A_15, %mul3A : vector<2000x96xf32>
    %get3A_17 = arith.constant 0 : index
    %get3A_18 = arith.constant 0 : index
    %get3A_19 = vector.load %arg4[%get3A_17, %get3A_18] : memref<96x256xf32, #tpu.memory_space<vmem>>, vector<96x256xf32>
    %dot_general3A = arith.constant dense<0.000000e+00> : vector<2000x256xf32>
    %dot_general3A_20 = tpu.matmul %mul3A_16, %get3A_19, %dot_general3A {dimension_numbers = #tpu.dot_dimension_numbers<[1], [0], [0], [1], [0, 0, 1, 1], [], []>, transpose_lhs_hint = false} : vector<2000x96xf32>, vector<96x256xf32>, vector<2000x256xf32> -> vector<2000x256xf32>
    %get3A_21 = arith.constant 0 : index
    %get3A_22 = arith.constant 0 : index
    %get3A_23 = vector.load %arg5[%get3A_21, %get3A_22] : memref<1x256xf32, #tpu.memory_space<vmem>>, vector<1x256xf32>
    %add3A_24 = vector.broadcast %get3A_23 : vector<1x256xf32> to vector<2000x256xf32>
    %add3A_25 = arith.addf %dot_general3A_20, %add3A_24 : vector<2000x256xf32>
    %max3A = arith.constant 0.000000e+00 : f32
    %max3A_26 = vector.broadcast %max3A : f32 to vector<2000x256xf32>
    %max3A_27 = arith.maximumf %add3A_25, %max3A_26 : vector<2000x256xf32>
    %get3A_28 = arith.constant 0 : index
    %get3A_29 = arith.constant 0 : index
    %get3A_30 = vector.load %arg6[%get3A_28, %get3A_29] : memref<256x128xf32, #tpu.memory_space<vmem>>, vector<256x128xf32>
    %dot_general3A_31 = arith.constant dense<0.000000e+00> : vector<2000x128xf32>
    %dot_general3A_32 = tpu.matmul %max3A_27, %get3A_30, %dot_general3A_31 {dimension_numbers = #tpu.dot_dimension_numbers<[1], [0], [0], [1], [0, 0, 1, 1], [], []>, transpose_lhs_hint = false} : vector<2000x256xf32>, vector<256x128xf32>, vector<2000x128xf32> -> vector<2000x128xf32>
    %mul3A_33 = vector.broadcast %get3A_1 : vector<2000x1xf32> to vector<2000x128xf32>
    %mul3A_34 = arith.mulf %mul3A_33, %dot_general3A_32 : vector<2000x128xf32>
    %swap3A = arith.constant 0 : index
    %swap3A_35 = arith.constant 0 : index
    %swap3A_36 = vector.load %arg7[%swap3A, %swap3A_35] : memref<2000x128xf32, #tpu.memory_space<vmem>>, vector<2000x128xf32>
    tpu.vector_store %arg7[%swap3A, %swap3A_35], %mul3A_34 {strides = array<i32>} : memref<2000x128xf32, #tpu.memory_space<vmem>>, vector<2000x128xf32>,
    return
  }
  func.func @transform_0(%arg0: i32) -> (i32, i32, i32) {
    %c0_i32 = arith.constant 0 : i32
    %c0_i32_0 = arith.constant 0 : i32
    %c0_i32_1 = arith.constant 0 : i32
    return %c0_i32, %arg0, %c0_i32_0 : i32, i32, i32
  }
  func.func @transform_1(%arg0: i32) -> (i32, i32) {
    %c0_i32 = arith.constant 0 : i32
    %c0_i32_0 = arith.constant 0 : i32
    return %arg0, %c0_i32 : i32, i32
  }
  func.func @transform_2(%arg0: i32) -> (i32, i32) {
    %c0_i32 = arith.constant 0 : i32
    %c0_i32_0 = arith.constant 0 : i32
    return %arg0, %c0_i32 : i32, i32
  }
  func.func @transform_3(%arg0: i32) -> (i32, i32) {
    %c0_i32 = arith.constant 0 : i32
    %c0_i32_0 = arith.constant 0 : i32
    %c0_i32_1 = arith.constant 0 : i32
    return %c0_i32, %c0_i32_0 : i32, i32
  }
  func.func @transform_4(%arg0: i32) -> (i32, i32) {
    %c0_i32 = arith.constant 0 : i32
    %c0_i32_0 = arith.constant 0 : i32
    %c0_i32_1 = arith.constant 0 : i32
    return %c0_i32, %c0_i32_0 : i32, i32
  }
  func.func @transform_5(%arg0: i32) -> (i32, i32) {
    %c0_i32 = arith.constant 0 : i32
    %c0_i32_0 = arith.constant 0 : i32
    %c0_i32_1 = arith.constant 0 : i32
    return %c0_i32, %c0_i32_0 : i32, i32
  }
  func.func @transform_6(%arg0: i32) -> (i32, i32) {
    %c0_i32 = arith.constant 0 : i32
    %c0_i32_0 = arith.constant 0 : i32
    return %arg0, %c0_i32 : i32, i32
  }
}

module attributes {stable_mosaic.version = 14 : i64} {
  func.func @_k_mid_body(%arg0: i32, %arg1: memref<2x2000x128xf32, #tpu.memory_space<vmem>>, %arg2: memref<2000x128xf32, #tpu.memory_space<vmem>>, %arg3: memref<2000x1xf32, #tpu.memory_space<vmem>>, %arg4: memref<1x128xf32, #tpu.memory_space<vmem>>, %arg5: memref<128x64xf32, #tpu.memory_space<vmem>>, %arg6: memref<2000x64xf32, #tpu.memory_space<vmem>>) attributes {dimension_semantics = [#tpu.dimension_semantics<arbitrary>], iteration_bounds = array<i64: 25>, scalar_prefetch = 0 : i64, scratch_operands = 0 : i64, tpu.core_type = #tpu.core_type<tc>, window_params = [{transform_indices = @transform_0, window_bounds = array<i64: 2, 2000, 128>}, {transform_indices = @transform_1, window_bounds = array<i64: 2000, 128>}, {transform_indices = @transform_2, window_bounds = array<i64: 2000, 1>}, {pipeline_mode = #tpu.pipeline_mode<synchronous>, transform_indices = @transform_3, window_bounds = array<i64: 1, 128>}, {pipeline_mode = #tpu.pipeline_mode<synchronous>, transform_indices = @transform_4, window_bounds = array<i64: 128, 64>}, {transform_indices = @transform_5, window_bounds = array<i64: 2000, 64>}]} {
    %get3A = arith.constant 0 : index
    %get3A_0 = arith.constant 0 : index
    %get3A_1 = vector.load %arg3[%get3A, %get3A_0] : memref<2000x1xf32, #tpu.memory_space<vmem>>, vector<2000x1xf32>
    %get3A_2 = arith.constant 0 : index
    %get3A_3 = arith.constant 0 : index
    %get3A_4 = arith.constant 0 : index
    %get3A_5 = vector.load %arg1[%get3A_2, %get3A_3, %get3A_4] : memref<2x2000x128xf32, #tpu.memory_space<vmem>>, vector<1x2000x128xf32>
    %get3A_6 = vector.shape_cast %get3A_5 : vector<1x2000x128xf32> to vector<2000x128xf32>
    %get3A_7 = arith.constant 1 : index
    %get3A_8 = arith.constant 0 : index
    %get3A_9 = arith.constant 0 : index
    %get3A_10 = vector.load %arg1[%get3A_7, %get3A_8, %get3A_9] : memref<2x2000x128xf32, #tpu.memory_space<vmem>>, vector<1x2000x128xf32>
    %get3A_11 = vector.shape_cast %get3A_10 : vector<1x2000x128xf32> to vector<2000x128xf32>
    %add3A = arith.addf %get3A_6, %get3A_11 : vector<2000x128xf32>
    %get3A_12 = arith.constant 0 : index
    %get3A_13 = arith.constant 0 : index
    %get3A_14 = vector.load %arg2[%get3A_12, %get3A_13] : memref<2000x128xf32, #tpu.memory_space<vmem>>, vector<2000x128xf32>
    %add3A_15 = arith.addf %add3A, %get3A_14 : vector<2000x128xf32>
    %mul3A = vector.broadcast %get3A_1 : vector<2000x1xf32> to vector<2000x128xf32>
    %mul3A_16 = arith.mulf %add3A_15, %mul3A : vector<2000x128xf32>
    %get3A_17 = arith.constant 0 : index
    %get3A_18 = arith.constant 0 : index
    %get3A_19 = vector.load %arg4[%get3A_17, %get3A_18] : memref<1x128xf32, #tpu.memory_space<vmem>>, vector<1x128xf32>
    %add3A_20 = vector.broadcast %get3A_19 : vector<1x128xf32> to vector<2000x128xf32>
    %add3A_21 = arith.addf %mul3A_16, %add3A_20 : vector<2000x128xf32>
    %max3A = arith.constant 0.000000e+00 : f32
    %max3A_22 = vector.broadcast %max3A : f32 to vector<2000x128xf32>
    %max3A_23 = arith.maximumf %add3A_21, %max3A_22 : vector<2000x128xf32>
    %get3A_24 = arith.constant 0 : index
    %get3A_25 = arith.constant 0 : index
    %get3A_26 = vector.load %arg5[%get3A_24, %get3A_25] : memref<128x64xf32, #tpu.memory_space<vmem>>, vector<128x64xf32>
    %dot_general3A = arith.constant dense<0.000000e+00> : vector<2000x64xf32>
    %dot_general3A_27 = tpu.matmul %max3A_23, %get3A_26, %dot_general3A {dimension_numbers = #tpu.dot_dimension_numbers<[1], [0], [0], [1], [0, 0, 1, 1], [], []>, transpose_lhs_hint = false} : vector<2000x128xf32>, vector<128x64xf32>, vector<2000x64xf32> -> vector<2000x64xf32>
    %mul3A_28 = vector.broadcast %get3A_1 : vector<2000x1xf32> to vector<2000x64xf32>
    %mul3A_29 = arith.mulf %mul3A_28, %dot_general3A_27 : vector<2000x64xf32>
    %swap3A = arith.constant 0 : index
    %swap3A_30 = arith.constant 0 : index
    %swap3A_31 = vector.load %arg6[%swap3A, %swap3A_30] : memref<2000x64xf32, #tpu.memory_space<vmem>>, vector<2000x64xf32>
    tpu.vector_store %arg6[%swap3A, %swap3A_30], %mul3A_29 {strides = array<i32>} : memref<2000x64xf32, #tpu.memory_space<vmem>>, vector<2000x64xf32>,
    return
  }
  func.func @transform_0(%arg0: i32) -> (i32, i32, i32) {
    %c0_i32 = arith.constant 0 : i32
    %c0_i32_0 = arith.constant 0 : i32
    %c0_i32_1 = arith.constant 0 : i32
    return %c0_i32, %arg0, %c0_i32_0 : i32, i32, i32
  }
  func.func @transform_1(%arg0: i32) -> (i32, i32) {
    %c0_i32 = arith.constant 0 : i32
    %c0_i32_0 = arith.constant 0 : i32
    return %arg0, %c0_i32 : i32, i32
  }
  func.func @transform_2(%arg0: i32) -> (i32, i32) {
    %c0_i32 = arith.constant 0 : i32
    %c0_i32_0 = arith.constant 0 : i32
    return %arg0, %c0_i32 : i32, i32
  }
  func.func @transform_3(%arg0: i32) -> (i32, i32) {
    %c0_i32 = arith.constant 0 : i32
    %c0_i32_0 = arith.constant 0 : i32
    %c0_i32_1 = arith.constant 0 : i32
    return %c0_i32, %c0_i32_0 : i32, i32
  }
  func.func @transform_4(%arg0: i32) -> (i32, i32) {
    %c0_i32 = arith.constant 0 : i32
    %c0_i32_0 = arith.constant 0 : i32
    %c0_i32_1 = arith.constant 0 : i32
    return %c0_i32, %c0_i32_0 : i32, i32
  }
  func.func @transform_5(%arg0: i32) -> (i32, i32) {
    %c0_i32 = arith.constant 0 : i32
    %c0_i32_0 = arith.constant 0 : i32
    return %arg0, %c0_i32 : i32, i32
  }
}

module attributes {stable_mosaic.version = 14 : i64} {
  func.func @_k_mid_body(%arg0: i32, %arg1: memref<2x2000x64xf32, #tpu.memory_space<vmem>>, %arg2: memref<2000x64xf32, #tpu.memory_space<vmem>>, %arg3: memref<2000x1xf32, #tpu.memory_space<vmem>>, %arg4: memref<1x64xf32, #tpu.memory_space<vmem>>, %arg5: memref<64x32xf32, #tpu.memory_space<vmem>>, %arg6: memref<2000x32xf32, #tpu.memory_space<vmem>>) attributes {dimension_semantics = [#tpu.dimension_semantics<arbitrary>], iteration_bounds = array<i64: 25>, scalar_prefetch = 0 : i64, scratch_operands = 0 : i64, tpu.core_type = #tpu.core_type<tc>, window_params = [{transform_indices = @transform_0, window_bounds = array<i64: 2, 2000, 64>}, {transform_indices = @transform_1, window_bounds = array<i64: 2000, 64>}, {transform_indices = @transform_2, window_bounds = array<i64: 2000, 1>}, {pipeline_mode = #tpu.pipeline_mode<synchronous>, transform_indices = @transform_3, window_bounds = array<i64: 1, 64>}, {pipeline_mode = #tpu.pipeline_mode<synchronous>, transform_indices = @transform_4, window_bounds = array<i64: 64, 32>}, {transform_indices = @transform_5, window_bounds = array<i64: 2000, 32>}]} {
    %get3A = arith.constant 0 : index
    %get3A_0 = arith.constant 0 : index
    %get3A_1 = vector.load %arg3[%get3A, %get3A_0] : memref<2000x1xf32, #tpu.memory_space<vmem>>, vector<2000x1xf32>
    %get3A_2 = arith.constant 0 : index
    %get3A_3 = arith.constant 0 : index
    %get3A_4 = arith.constant 0 : index
    %get3A_5 = vector.load %arg1[%get3A_2, %get3A_3, %get3A_4] : memref<2x2000x64xf32, #tpu.memory_space<vmem>>, vector<1x2000x64xf32>
    %get3A_6 = vector.shape_cast %get3A_5 : vector<1x2000x64xf32> to vector<2000x64xf32>
    %get3A_7 = arith.constant 1 : index
    %get3A_8 = arith.constant 0 : index
    %get3A_9 = arith.constant 0 : index
    %get3A_10 = vector.load %arg1[%get3A_7, %get3A_8, %get3A_9] : memref<2x2000x64xf32, #tpu.memory_space<vmem>>, vector<1x2000x64xf32>
    %get3A_11 = vector.shape_cast %get3A_10 : vector<1x2000x64xf32> to vector<2000x64xf32>
    %add3A = arith.addf %get3A_6, %get3A_11 : vector<2000x64xf32>
    %get3A_12 = arith.constant 0 : index
    %get3A_13 = arith.constant 0 : index
    %get3A_14 = vector.load %arg2[%get3A_12, %get3A_13] : memref<2000x64xf32, #tpu.memory_space<vmem>>, vector<2000x64xf32>
    %add3A_15 = arith.addf %add3A, %get3A_14 : vector<2000x64xf32>
    %mul3A = vector.broadcast %get3A_1 : vector<2000x1xf32> to vector<2000x64xf32>
    %mul3A_16 = arith.mulf %add3A_15, %mul3A : vector<2000x64xf32>
    %get3A_17 = arith.constant 0 : index
    %get3A_18 = arith.constant 0 : index
    %get3A_19 = vector.load %arg4[%get3A_17, %get3A_18] : memref<1x64xf32, #tpu.memory_space<vmem>>, vector<1x64xf32>
    %add3A_20 = vector.broadcast %get3A_19 : vector<1x64xf32> to vector<2000x64xf32>
    %add3A_21 = arith.addf %mul3A_16, %add3A_20 : vector<2000x64xf32>
    %max3A = arith.constant 0.000000e+00 : f32
    %max3A_22 = vector.broadcast %max3A : f32 to vector<2000x64xf32>
    %max3A_23 = arith.maximumf %add3A_21, %max3A_22 : vector<2000x64xf32>
    %get3A_24 = arith.constant 0 : index
    %get3A_25 = arith.constant 0 : index
    %get3A_26 = vector.load %arg5[%get3A_24, %get3A_25] : memref<64x32xf32, #tpu.memory_space<vmem>>, vector<64x32xf32>
    %dot_general3A = arith.constant dense<0.000000e+00> : vector<2000x32xf32>
    %dot_general3A_27 = tpu.matmul %max3A_23, %get3A_26, %dot_general3A {dimension_numbers = #tpu.dot_dimension_numbers<[1], [0], [0], [1], [0, 0, 1, 1], [], []>, transpose_lhs_hint = false} : vector<2000x64xf32>, vector<64x32xf32>, vector<2000x32xf32> -> vector<2000x32xf32>
    %mul3A_28 = vector.broadcast %get3A_1 : vector<2000x1xf32> to vector<2000x32xf32>
    %mul3A_29 = arith.mulf %mul3A_28, %dot_general3A_27 : vector<2000x32xf32>
    %swap3A = arith.constant 0 : index
    %swap3A_30 = arith.constant 0 : index
    %swap3A_31 = vector.load %arg6[%swap3A, %swap3A_30] : memref<2000x32xf32, #tpu.memory_space<vmem>>, vector<2000x32xf32>
    tpu.vector_store %arg6[%swap3A, %swap3A_30], %mul3A_29 {strides = array<i32>} : memref<2000x32xf32, #tpu.memory_space<vmem>>, vector<2000x32xf32>,
    return
  }
  func.func @transform_0(%arg0: i32) -> (i32, i32, i32) {
    %c0_i32 = arith.constant 0 : i32
    %c0_i32_0 = arith.constant 0 : i32
    %c0_i32_1 = arith.constant 0 : i32
    return %c0_i32, %arg0, %c0_i32_0 : i32, i32, i32
  }
  func.func @transform_1(%arg0: i32) -> (i32, i32) {
    %c0_i32 = arith.constant 0 : i32
    %c0_i32_0 = arith.constant 0 : i32
    return %arg0, %c0_i32 : i32, i32
  }
  func.func @transform_2(%arg0: i32) -> (i32, i32) {
    %c0_i32 = arith.constant 0 : i32
    %c0_i32_0 = arith.constant 0 : i32
    return %arg0, %c0_i32 : i32, i32
  }
  func.func @transform_3(%arg0: i32) -> (i32, i32) {
    %c0_i32 = arith.constant 0 : i32
    %c0_i32_0 = arith.constant 0 : i32
    %c0_i32_1 = arith.constant 0 : i32
    return %c0_i32, %c0_i32_0 : i32, i32
  }
  func.func @transform_4(%arg0: i32) -> (i32, i32) {
    %c0_i32 = arith.constant 0 : i32
    %c0_i32_0 = arith.constant 0 : i32
    %c0_i32_1 = arith.constant 0 : i32
    return %c0_i32, %c0_i32_0 : i32, i32
  }
  func.func @transform_5(%arg0: i32) -> (i32, i32) {
    %c0_i32 = arith.constant 0 : i32
    %c0_i32_0 = arith.constant 0 : i32
    return %arg0, %c0_i32 : i32, i32
  }
}

module attributes {stable_mosaic.version = 14 : i64} {
  func.func @_k_pool_body(%arg0: i32, %arg1: memref<2x2000x32xf32, #tpu.memory_space<vmem>>, %arg2: memref<2000x32xf32, #tpu.memory_space<vmem>>, %arg3: memref<2000x1xf32, #tpu.memory_space<vmem>>, %arg4: memref<1x32xf32, #tpu.memory_space<vmem>>, %arg5: memref<2000x1xi32, #tpu.memory_space<vmem>>, %arg6: memref<64x32xf32, #tpu.memory_space<vmem>>) attributes {dimension_semantics = [#tpu.dimension_semantics<arbitrary>], iteration_bounds = array<i64: 25>, scalar_prefetch = 0 : i64, scratch_operands = 0 : i64, tpu.core_type = #tpu.core_type<tc>, window_params = [{transform_indices = @transform_0, window_bounds = array<i64: 2, 2000, 32>}, {transform_indices = @transform_1, window_bounds = array<i64: 2000, 32>}, {transform_indices = @transform_2, window_bounds = array<i64: 2000, 1>}, {pipeline_mode = #tpu.pipeline_mode<synchronous>, transform_indices = @transform_3, window_bounds = array<i64: 1, 32>}, {transform_indices = @transform_4, window_bounds = array<i64: 2000, 1>}, {pipeline_mode = #tpu.pipeline_mode<synchronous>, transform_indices = @transform_5, window_bounds = array<i64: 64, 32>}]} {
    %eq3A = arith.constant 0 : i32
    %eq3A_0 = arith.cmpi eq, %arg0, %eq3A : i32
    %convert_element_type3A = arith.extui %eq3A_0 : i1 to i32
    %cond3A = arith.constant 0 : i32
    %cond3A_1 = arith.cmpi ne, %convert_element_type3A, %cond3A : i32
    scf.if %cond3A_1 {
      %broadcast_in_dim3A_735 = arith.constant 0xFF800000 : f32
      %broadcast_in_dim3A_736 = vector.broadcast %broadcast_in_dim3A_735 : f32 to vector<64x32xf32>
      %swap3A_737 = arith.constant 0 : index
      %swap3A_738 = arith.constant 0 : index
      %swap3A_739 = vector.load %arg6[%swap3A_737, %swap3A_738] : memref<64x32xf32, #tpu.memory_space<vmem>>, vector<64x32xf32>
      tpu.vector_store %arg6[%swap3A_737, %swap3A_738], %broadcast_in_dim3A_736 {strides = array<i32>} : memref<64x32xf32, #tpu.memory_space<vmem>>, vector<64x32xf32>,
    } else {
    }
    %get3A = arith.constant 0 : index
    %get3A_2 = arith.constant 0 : index
    %get3A_3 = vector.load %arg3[%get3A, %get3A_2] : memref<2000x1xf32, #tpu.memory_space<vmem>>, vector<2000x1xf32>
    %get3A_4 = arith.constant 0 : index
    %get3A_5 = arith.constant 0 : index
    %get3A_6 = arith.constant 0 : index
    %get3A_7 = vector.load %arg1[%get3A_4, %get3A_5, %get3A_6] : memref<2x2000x32xf32, #tpu.memory_space<vmem>>, vector<1x2000x32xf32>
    %get3A_8 = vector.shape_cast %get3A_7 : vector<1x2000x32xf32> to vector<2000x32xf32>
    %get3A_9 = arith.constant 1 : index
    %get3A_10 = arith.constant 0 : index
    %get3A_11 = arith.constant 0 : index
    %get3A_12 = vector.load %arg1[%get3A_9, %get3A_10, %get3A_11] : memref<2x2000x32xf32, #tpu.memory_space<vmem>>, vector<1x2000x32xf32>
    %get3A_13 = vector.shape_cast %get3A_12 : vector<1x2000x32xf32> to vector<2000x32xf32>
    %add3A = arith.addf %get3A_8, %get3A_13 : vector<2000x32xf32>
    %get3A_14 = arith.constant 0 : index
    %get3A_15 = arith.constant 0 : index
    %get3A_16 = vector.load %arg2[%get3A_14, %get3A_15] : memref<2000x32xf32, #tpu.memory_space<vmem>>, vector<2000x32xf32>
    %add3A_17 = arith.addf %add3A, %get3A_16 : vector<2000x32xf32>
    %mul3A = vector.broadcast %get3A_3 : vector<2000x1xf32> to vector<2000x32xf32>
    %mul3A_18 = arith.mulf %add3A_17, %mul3A : vector<2000x32xf32>
    %get3A_19 = arith.constant 0 : index
    %get3A_20 = arith.constant 0 : index
    %get3A_21 = vector.load %arg4[%get3A_19, %get3A_20] : memref<1x32xf32, #tpu.memory_space<vmem>>, vector<1x32xf32>
    %add3A_22 = vector.broadcast %get3A_21 : vector<1x32xf32> to vector<2000x32xf32>
    %add3A_23 = arith.addf %mul3A_18, %add3A_22 : vector<2000x32xf32>
    %max3A = arith.constant 0.000000e+00 : f32
    %max3A_24 = vector.broadcast %max3A : f32 to vector<2000x32xf32>
    %max3A_25 = arith.maximumf %add3A_23, %max3A_24 : vector<2000x32xf32>
    %get3A_26 = arith.constant 0 : index
    %get3A_27 = arith.constant 0 : index
    %get3A_28 = vector.load %arg5[%get3A_26, %get3A_27] : memref<2000x1xi32, #tpu.memory_space<vmem>>, vector<2000x1xi32>
    %eq3A_29 = arith.constant 0 : i32
    %eq3A_30 = vector.broadcast %eq3A_29 : i32 to vector<2000x1xi32>
    %eq3A_31 = arith.cmpi eq, %get3A_28, %eq3A_30 : vector<2000x1xi32>
    %jit3A = arith.constant 0xFF800000 : f32
    %broadcast_in_dim3A = vector.shape_cast %eq3A_31 : vector<2000x1xi1> to vector<2000x1xi1>
    %broadcast_in_dim3A_32 = vector.broadcast %broadcast_in_dim3A : vector<2000x1xi1> to vector<2000x32xi1>
    %broadcast_in_dim3A_33 = vector.broadcast %jit3A : f32 to vector<2000x32xf32>
    %select_n3A = arith.select %broadcast_in_dim3A_32, %max3A_25, %broadcast_in_dim3A_33 : vector<2000x32xi1>, vector<2000x32xf32>
    %reduce_max3A = arith.constant dense<0xFF800000> : vector<32xf32>
    %reduce_max3A_34 = vector.multi_reduction <maximumf>, %select_n3A, %reduce_max3A [0] : vector<2000x32xf32> to vector<32xf32>
    %broadcast_in_dim3A_35 = vector.shape_cast %reduce_max3A_34 : vector<32xf32> to vector<1x32xf32>
    %eq3A_36 = arith.constant 1 : i32
    %eq3A_37 = vector.broadcast %eq3A_36 : i32 to vector<2000x1xi32>
    %eq3A_38 = arith.cmpi eq, %get3A_28, %eq3A_37 : vector<2000x1xi32>
    %jit3A_39 = arith.constant 0xFF800000 : f32
    %broadcast_in_dim3A_40 = vector.shape_cast %eq3A_38 : vector<2000x1xi1> to vector<2000x1xi1>
    %broadcast_in_dim3A_41 = vector.broadcast %broadcast_in_dim3A_40 : vector<2000x1xi1> to vector<2000x32xi1>
    %broadcast_in_dim3A_42 = vector.broadcast %jit3A_39 : f32 to vector<2000x32xf32>
    %select_n3A_43 = arith.select %broadcast_in_dim3A_41, %max3A_25, %broadcast_in_dim3A_42 : vector<2000x32xi1>, vector<2000x32xf32>
    %reduce_max3A_44 = arith.constant dense<0xFF800000> : vector<32xf32>
    %reduce_max3A_45 = vector.multi_reduction <maximumf>, %select_n3A_43, %reduce_max3A_44 [0] : vector<2000x32xf32> to vector<32xf32>
    %broadcast_in_dim3A_46 = vector.shape_cast %reduce_max3A_45 : vector<32xf32> to vector<1x32xf32>
    %eq3A_47 = arith.constant 2 : i32
    %eq3A_48 = vector.broadcast %eq3A_47 : i32 to vector<2000x1xi32>
    %eq3A_49 = arith.cmpi eq, %get3A_28, %eq3A_48 : vector<2000x1xi32>
    %jit3A_50 = arith.constant 0xFF800000 : f32
    %broadcast_in_dim3A_51 = vector.shape_cast %eq3A_49 : vector<2000x1xi1> to vector<2000x1xi1>
    %broadcast_in_dim3A_52 = vector.broadcast %broadcast_in_dim3A_51 : vector<2000x1xi1> to vector<2000x32xi1>
    %broadcast_in_dim3A_53 = vector.broadcast %jit3A_50 : f32 to vector<2000x32xf32>
    %select_n3A_54 = arith.select %broadcast_in_dim3A_52, %max3A_25, %broadcast_in_dim3A_53 : vector<2000x32xi1>, vector<2000x32xf32>
    %reduce_max3A_55 = arith.constant dense<0xFF800000> : vector<32xf32>
    %reduce_max3A_56 = vector.multi_reduction <maximumf>, %select_n3A_54, %reduce_max3A_55 [0] : vector<2000x32xf32> to vector<32xf32>
    %broadcast_in_dim3A_57 = vector.shape_cast %reduce_max3A_56 : vector<32xf32> to vector<1x32xf32>
    %eq3A_58 = arith.constant 3 : i32
    %eq3A_59 = vector.broadcast %eq3A_58 : i32 to vector<2000x1xi32>
    %eq3A_60 = arith.cmpi eq, %get3A_28, %eq3A_59 : vector<2000x1xi32>
    %jit3A_61 = arith.constant 0xFF800000 : f32
    %broadcast_in_dim3A_62 = vector.shape_cast %eq3A_60 : vector<2000x1xi1> to vector<2000x1xi1>
    %broadcast_in_dim3A_63 = vector.broadcast %broadcast_in_dim3A_62 : vector<2000x1xi1> to vector<2000x32xi1>
    %broadcast_in_dim3A_64 = vector.broadcast %jit3A_61 : f32 to vector<2000x32xf32>
    %select_n3A_65 = arith.select %broadcast_in_dim3A_63, %max3A_25, %broadcast_in_dim3A_64 : vector<2000x32xi1>, vector<2000x32xf32>
    %reduce_max3A_66 = arith.constant dense<0xFF800000> : vector<32xf32>
    %reduce_max3A_67 = vector.multi_reduction <maximumf>, %select_n3A_65, %reduce_max3A_66 [0] : vector<2000x32xf32> to vector<32xf32>
    %broadcast_in_dim3A_68 = vector.shape_cast %reduce_max3A_67 : vector<32xf32> to vector<1x32xf32>
    %eq3A_69 = arith.constant 4 : i32
    %eq3A_70 = vector.broadcast %eq3A_69 : i32 to vector<2000x1xi32>
    %eq3A_71 = arith.cmpi eq, %get3A_28, %eq3A_70 : vector<2000x1xi32>
    %jit3A_72 = arith.constant 0xFF800000 : f32
    %broadcast_in_dim3A_73 = vector.shape_cast %eq3A_71 : vector<2000x1xi1> to vector<2000x1xi1>
    %broadcast_in_dim3A_74 = vector.broadcast %broadcast_in_dim3A_73 : vector<2000x1xi1> to vector<2000x32xi1>
    %broadcast_in_dim3A_75 = vector.broadcast %jit3A_72 : f32 to vector<2000x32xf32>
    %select_n3A_76 = arith.select %broadcast_in_dim3A_74, %max3A_25, %broadcast_in_dim3A_75 : vector<2000x32xi1>, vector<2000x32xf32>
    %reduce_max3A_77 = arith.constant dense<0xFF800000> : vector<32xf32>
    %reduce_max3A_78 = vector.multi_reduction <maximumf>, %select_n3A_76, %reduce_max3A_77 [0] : vector<2000x32xf32> to vector<32xf32>
    %broadcast_in_dim3A_79 = vector.shape_cast %reduce_max3A_78 : vector<32xf32> to vector<1x32xf32>
    %eq3A_80 = arith.constant 5 : i32
    %eq3A_81 = vector.broadcast %eq3A_80 : i32 to vector<2000x1xi32>
    %eq3A_82 = arith.cmpi eq, %get3A_28, %eq3A_81 : vector<2000x1xi32>
    %jit3A_83 = arith.constant 0xFF800000 : f32
    %broadcast_in_dim3A_84 = vector.shape_cast %eq3A_82 : vector<2000x1xi1> to vector<2000x1xi1>
    %broadcast_in_dim3A_85 = vector.broadcast %broadcast_in_dim3A_84 : vector<2000x1xi1> to vector<2000x32xi1>
    %broadcast_in_dim3A_86 = vector.broadcast %jit3A_83 : f32 to vector<2000x32xf32>
    %select_n3A_87 = arith.select %broadcast_in_dim3A_85, %max3A_25, %broadcast_in_dim3A_86 : vector<2000x32xi1>, vector<2000x32xf32>
    %reduce_max3A_88 = arith.constant dense<0xFF800000> : vector<32xf32>
    %reduce_max3A_89 = vector.multi_reduction <maximumf>, %select_n3A_87, %reduce_max3A_88 [0] : vector<2000x32xf32> to vector<32xf32>
    %broadcast_in_dim3A_90 = vector.shape_cast %reduce_max3A_89 : vector<32xf32> to vector<1x32xf32>
    %eq3A_91 = arith.constant 6 : i32
    %eq3A_92 = vector.broadcast %eq3A_91 : i32 to vector<2000x1xi32>
    %eq3A_93 = arith.cmpi eq, %get3A_28, %eq3A_92 : vector<2000x1xi32>
    %jit3A_94 = arith.constant 0xFF800000 : f32
    %broadcast_in_dim3A_95 = vector.shape_cast %eq3A_93 : vector<2000x1xi1> to vector<2000x1xi1>
    %broadcast_in_dim3A_96 = vector.broadcast %broadcast_in_dim3A_95 : vector<2000x1xi1> to vector<2000x32xi1>
    %broadcast_in_dim3A_97 = vector.broadcast %jit3A_94 : f32 to vector<2000x32xf32>
    %select_n3A_98 = arith.select %broadcast_in_dim3A_96, %max3A_25, %broadcast_in_dim3A_97 : vector<2000x32xi1>, vector<2000x32xf32>
    %reduce_max3A_99 = arith.constant dense<0xFF800000> : vector<32xf32>
    %reduce_max3A_100 = vector.multi_reduction <maximumf>, %select_n3A_98, %reduce_max3A_99 [0] : vector<2000x32xf32> to vector<32xf32>
    %broadcast_in_dim3A_101 = vector.shape_cast %reduce_max3A_100 : vector<32xf32> to vector<1x32xf32>
    %eq3A_102 = arith.constant 7 : i32
    %eq3A_103 = vector.broadcast %eq3A_102 : i32 to vector<2000x1xi32>
    %eq3A_104 = arith.cmpi eq, %get3A_28, %eq3A_103 : vector<2000x1xi32>
    %jit3A_105 = arith.constant 0xFF800000 : f32
    %broadcast_in_dim3A_106 = vector.shape_cast %eq3A_104 : vector<2000x1xi1> to vector<2000x1xi1>
    %broadcast_in_dim3A_107 = vector.broadcast %broadcast_in_dim3A_106 : vector<2000x1xi1> to vector<2000x32xi1>
    %broadcast_in_dim3A_108 = vector.broadcast %jit3A_105 : f32 to vector<2000x32xf32>
    %select_n3A_109 = arith.select %broadcast_in_dim3A_107, %max3A_25, %broadcast_in_dim3A_108 : vector<2000x32xi1>, vector<2000x32xf32>
    %reduce_max3A_110 = arith.constant dense<0xFF800000> : vector<32xf32>
    %reduce_max3A_111 = vector.multi_reduction <maximumf>, %select_n3A_109, %reduce_max3A_110 [0] : vector<2000x32xf32> to vector<32xf32>
    %broadcast_in_dim3A_112 = vector.shape_cast %reduce_max3A_111 : vector<32xf32> to vector<1x32xf32>
    %eq3A_113 = arith.constant 8 : i32
    %eq3A_114 = vector.broadcast %eq3A_113 : i32 to vector<2000x1xi32>
    %eq3A_115 = arith.cmpi eq, %get3A_28, %eq3A_114 : vector<2000x1xi32>
    %jit3A_116 = arith.constant 0xFF800000 : f32
    %broadcast_in_dim3A_117 = vector.shape_cast %eq3A_115 : vector<2000x1xi1> to vector<2000x1xi1>
    %broadcast_in_dim3A_118 = vector.broadcast %broadcast_in_dim3A_117 : vector<2000x1xi1> to vector<2000x32xi1>
    %broadcast_in_dim3A_119 = vector.broadcast %jit3A_116 : f32 to vector<2000x32xf32>
    %select_n3A_120 = arith.select %broadcast_in_dim3A_118, %max3A_25, %broadcast_in_dim3A_119 : vector<2000x32xi1>, vector<2000x32xf32>
    %reduce_max3A_121 = arith.constant dense<0xFF800000> : vector<32xf32>
    %reduce_max3A_122 = vector.multi_reduction <maximumf>, %select_n3A_120, %reduce_max3A_121 [0] : vector<2000x32xf32> to vector<32xf32>
    %broadcast_in_dim3A_123 = vector.shape_cast %reduce_max3A_122 : vector<32xf32> to vector<1x32xf32>
    %eq3A_124 = arith.constant 9 : i32
    %eq3A_125 = vector.broadcast %eq3A_124 : i32 to vector<2000x1xi32>
    %eq3A_126 = arith.cmpi eq, %get3A_28, %eq3A_125 : vector<2000x1xi32>
    %jit3A_127 = arith.constant 0xFF800000 : f32
    %broadcast_in_dim3A_128 = vector.shape_cast %eq3A_126 : vector<2000x1xi1> to vector<2000x1xi1>
    %broadcast_in_dim3A_129 = vector.broadcast %broadcast_in_dim3A_128 : vector<2000x1xi1> to vector<2000x32xi1>
    %broadcast_in_dim3A_130 = vector.broadcast %jit3A_127 : f32 to vector<2000x32xf32>
    %select_n3A_131 = arith.select %broadcast_in_dim3A_129, %max3A_25, %broadcast_in_dim3A_130 : vector<2000x32xi1>, vector<2000x32xf32>
    %reduce_max3A_132 = arith.constant dense<0xFF800000> : vector<32xf32>
    %reduce_max3A_133 = vector.multi_reduction <maximumf>, %select_n3A_131, %reduce_max3A_132 [0] : vector<2000x32xf32> to vector<32xf32>
    %broadcast_in_dim3A_134 = vector.shape_cast %reduce_max3A_133 : vector<32xf32> to vector<1x32xf32>
    %eq3A_135 = arith.constant 10 : i32
    %eq3A_136 = vector.broadcast %eq3A_135 : i32 to vector<2000x1xi32>
    %eq3A_137 = arith.cmpi eq, %get3A_28, %eq3A_136 : vector<2000x1xi32>
    %jit3A_138 = arith.constant 0xFF800000 : f32
    %broadcast_in_dim3A_139 = vector.shape_cast %eq3A_137 : vector<2000x1xi1> to vector<2000x1xi1>
    %broadcast_in_dim3A_140 = vector.broadcast %broadcast_in_dim3A_139 : vector<2000x1xi1> to vector<2000x32xi1>
    %broadcast_in_dim3A_141 = vector.broadcast %jit3A_138 : f32 to vector<2000x32xf32>
    %select_n3A_142 = arith.select %broadcast_in_dim3A_140, %max3A_25, %broadcast_in_dim3A_141 : vector<2000x32xi1>, vector<2000x32xf32>
    %reduce_max3A_143 = arith.constant dense<0xFF800000> : vector<32xf32>
    %reduce_max3A_144 = vector.multi_reduction <maximumf>, %select_n3A_142, %reduce_max3A_143 [0] : vector<2000x32xf32> to vector<32xf32>
    %broadcast_in_dim3A_145 = vector.shape_cast %reduce_max3A_144 : vector<32xf32> to vector<1x32xf32>
    %eq3A_146 = arith.constant 11 : i32
    %eq3A_147 = vector.broadcast %eq3A_146 : i32 to vector<2000x1xi32>
    %eq3A_148 = arith.cmpi eq, %get3A_28, %eq3A_147 : vector<2000x1xi32>
    %jit3A_149 = arith.constant 0xFF800000 : f32
    %broadcast_in_dim3A_150 = vector.shape_cast %eq3A_148 : vector<2000x1xi1> to vector<2000x1xi1>
    %broadcast_in_dim3A_151 = vector.broadcast %broadcast_in_dim3A_150 : vector<2000x1xi1> to vector<2000x32xi1>
    %broadcast_in_dim3A_152 = vector.broadcast %jit3A_149 : f32 to vector<2000x32xf32>
    %select_n3A_153 = arith.select %broadcast_in_dim3A_151, %max3A_25, %broadcast_in_dim3A_152 : vector<2000x32xi1>, vector<2000x32xf32>
    %reduce_max3A_154 = arith.constant dense<0xFF800000> : vector<32xf32>
    %reduce_max3A_155 = vector.multi_reduction <maximumf>, %select_n3A_153, %reduce_max3A_154 [0] : vector<2000x32xf32> to vector<32xf32>
    %broadcast_in_dim3A_156 = vector.shape_cast %reduce_max3A_155 : vector<32xf32> to vector<1x32xf32>
    %eq3A_157 = arith.constant 12 : i32
    %eq3A_158 = vector.broadcast %eq3A_157 : i32 to vector<2000x1xi32>
    %eq3A_159 = arith.cmpi eq, %get3A_28, %eq3A_158 : vector<2000x1xi32>
    %jit3A_160 = arith.constant 0xFF800000 : f32
    %broadcast_in_dim3A_161 = vector.shape_cast %eq3A_159 : vector<2000x1xi1> to vector<2000x1xi1>
    %broadcast_in_dim3A_162 = vector.broadcast %broadcast_in_dim3A_161 : vector<2000x1xi1> to vector<2000x32xi1>
    %broadcast_in_dim3A_163 = vector.broadcast %jit3A_160 : f32 to vector<2000x32xf32>
    %select_n3A_164 = arith.select %broadcast_in_dim3A_162, %max3A_25, %broadcast_in_dim3A_163 : vector<2000x32xi1>, vector<2000x32xf32>
    %reduce_max3A_165 = arith.constant dense<0xFF800000> : vector<32xf32>
    %reduce_max3A_166 = vector.multi_reduction <maximumf>, %select_n3A_164, %reduce_max3A_165 [0] : vector<2000x32xf32> to vector<32xf32>
    %broadcast_in_dim3A_167 = vector.shape_cast %reduce_max3A_166 : vector<32xf32> to vector<1x32xf32>
    %eq3A_168 = arith.constant 13 : i32
    %eq3A_169 = vector.broadcast %eq3A_168 : i32 to vector<2000x1xi32>
    %eq3A_170 = arith.cmpi eq, %get3A_28, %eq3A_169 : vector<2000x1xi32>
    %jit3A_171 = arith.constant 0xFF800000 : f32
    %broadcast_in_dim3A_172 = vector.shape_cast %eq3A_170 : vector<2000x1xi1> to vector<2000x1xi1>
    %broadcast_in_dim3A_173 = vector.broadcast %broadcast_in_dim3A_172 : vector<2000x1xi1> to vector<2000x32xi1>
    %broadcast_in_dim3A_174 = vector.broadcast %jit3A_171 : f32 to vector<2000x32xf32>
    %select_n3A_175 = arith.select %broadcast_in_dim3A_173, %max3A_25, %broadcast_in_dim3A_174 : vector<2000x32xi1>, vector<2000x32xf32>
    %reduce_max3A_176 = arith.constant dense<0xFF800000> : vector<32xf32>
    %reduce_max3A_177 = vector.multi_reduction <maximumf>, %select_n3A_175, %reduce_max3A_176 [0] : vector<2000x32xf32> to vector<32xf32>
    %broadcast_in_dim3A_178 = vector.shape_cast %reduce_max3A_177 : vector<32xf32> to vector<1x32xf32>
    %eq3A_179 = arith.constant 14 : i32
    %eq3A_180 = vector.broadcast %eq3A_179 : i32 to vector<2000x1xi32>
    %eq3A_181 = arith.cmpi eq, %get3A_28, %eq3A_180 : vector<2000x1xi32>
    %jit3A_182 = arith.constant 0xFF800000 : f32
    %broadcast_in_dim3A_183 = vector.shape_cast %eq3A_181 : vector<2000x1xi1> to vector<2000x1xi1>
    %broadcast_in_dim3A_184 = vector.broadcast %broadcast_in_dim3A_183 : vector<2000x1xi1> to vector<2000x32xi1>
    %broadcast_in_dim3A_185 = vector.broadcast %jit3A_182 : f32 to vector<2000x32xf32>
    %select_n3A_186 = arith.select %broadcast_in_dim3A_184, %max3A_25, %broadcast_in_dim3A_185 : vector<2000x32xi1>, vector<2000x32xf32>
    %reduce_max3A_187 = arith.constant dense<0xFF800000> : vector<32xf32>
    %reduce_max3A_188 = vector.multi_reduction <maximumf>, %select_n3A_186, %reduce_max3A_187 [0] : vector<2000x32xf32> to vector<32xf32>
    %broadcast_in_dim3A_189 = vector.shape_cast %reduce_max3A_188 : vector<32xf32> to vector<1x32xf32>
    %eq3A_190 = arith.constant 15 : i32
    %eq3A_191 = vector.broadcast %eq3A_190 : i32 to vector<2000x1xi32>
    %eq3A_192 = arith.cmpi eq, %get3A_28, %eq3A_191 : vector<2000x1xi32>
    %jit3A_193 = arith.constant 0xFF800000 : f32
    %broadcast_in_dim3A_194 = vector.shape_cast %eq3A_192 : vector<2000x1xi1> to vector<2000x1xi1>
    %broadcast_in_dim3A_195 = vector.broadcast %broadcast_in_dim3A_194 : vector<2000x1xi1> to vector<2000x32xi1>
    %broadcast_in_dim3A_196 = vector.broadcast %jit3A_193 : f32 to vector<2000x32xf32>
    %select_n3A_197 = arith.select %broadcast_in_dim3A_195, %max3A_25, %broadcast_in_dim3A_196 : vector<2000x32xi1>, vector<2000x32xf32>
    %reduce_max3A_198 = arith.constant dense<0xFF800000> : vector<32xf32>
    %reduce_max3A_199 = vector.multi_reduction <maximumf>, %select_n3A_197, %reduce_max3A_198 [0] : vector<2000x32xf32> to vector<32xf32>
    %broadcast_in_dim3A_200 = vector.shape_cast %reduce_max3A_199 : vector<32xf32> to vector<1x32xf32>
    %eq3A_201 = arith.constant 16 : i32
    %eq3A_202 = vector.broadcast %eq3A_201 : i32 to vector<2000x1xi32>
    %eq3A_203 = arith.cmpi eq, %get3A_28, %eq3A_202 : vector<2000x1xi32>
    %jit3A_204 = arith.constant 0xFF800000 : f32
    %broadcast_in_dim3A_205 = vector.shape_cast %eq3A_203 : vector<2000x1xi1> to vector<2000x1xi1>
    %broadcast_in_dim3A_206 = vector.broadcast %broadcast_in_dim3A_205 : vector<2000x1xi1> to vector<2000x32xi1>
    %broadcast_in_dim3A_207 = vector.broadcast %jit3A_204 : f32 to vector<2000x32xf32>
    %select_n3A_208 = arith.select %broadcast_in_dim3A_206, %max3A_25, %broadcast_in_dim3A_207 : vector<2000x32xi1>, vector<2000x32xf32>
    %reduce_max3A_209 = arith.constant dense<0xFF800000> : vector<32xf32>
    %reduce_max3A_210 = vector.multi_reduction <maximumf>, %select_n3A_208, %reduce_max3A_209 [0] : vector<2000x32xf32> to vector<32xf32>
    %broadcast_in_dim3A_211 = vector.shape_cast %reduce_max3A_210 : vector<32xf32> to vector<1x32xf32>
    %eq3A_212 = arith.constant 17 : i32
    %eq3A_213 = vector.broadcast %eq3A_212 : i32 to vector<2000x1xi32>
    %eq3A_214 = arith.cmpi eq, %get3A_28, %eq3A_213 : vector<2000x1xi32>
    %jit3A_215 = arith.constant 0xFF800000 : f32
    %broadcast_in_dim3A_216 = vector.shape_cast %eq3A_214 : vector<2000x1xi1> to vector<2000x1xi1>
    %broadcast_in_dim3A_217 = vector.broadcast %broadcast_in_dim3A_216 : vector<2000x1xi1> to vector<2000x32xi1>
    %broadcast_in_dim3A_218 = vector.broadcast %jit3A_215 : f32 to vector<2000x32xf32>
    %select_n3A_219 = arith.select %broadcast_in_dim3A_217, %max3A_25, %broadcast_in_dim3A_218 : vector<2000x32xi1>, vector<2000x32xf32>
    %reduce_max3A_220 = arith.constant dense<0xFF800000> : vector<32xf32>
    %reduce_max3A_221 = vector.multi_reduction <maximumf>, %select_n3A_219, %reduce_max3A_220 [0] : vector<2000x32xf32> to vector<32xf32>
    %broadcast_in_dim3A_222 = vector.shape_cast %reduce_max3A_221 : vector<32xf32> to vector<1x32xf32>
    %eq3A_223 = arith.constant 18 : i32
    %eq3A_224 = vector.broadcast %eq3A_223 : i32 to vector<2000x1xi32>
    %eq3A_225 = arith.cmpi eq, %get3A_28, %eq3A_224 : vector<2000x1xi32>
    %jit3A_226 = arith.constant 0xFF800000 : f32
    %broadcast_in_dim3A_227 = vector.shape_cast %eq3A_225 : vector<2000x1xi1> to vector<2000x1xi1>
    %broadcast_in_dim3A_228 = vector.broadcast %broadcast_in_dim3A_227 : vector<2000x1xi1> to vector<2000x32xi1>
    %broadcast_in_dim3A_229 = vector.broadcast %jit3A_226 : f32 to vector<2000x32xf32>
    %select_n3A_230 = arith.select %broadcast_in_dim3A_228, %max3A_25, %broadcast_in_dim3A_229 : vector<2000x32xi1>, vector<2000x32xf32>
    %reduce_max3A_231 = arith.constant dense<0xFF800000> : vector<32xf32>
    %reduce_max3A_232 = vector.multi_reduction <maximumf>, %select_n3A_230, %reduce_max3A_231 [0] : vector<2000x32xf32> to vector<32xf32>
    %broadcast_in_dim3A_233 = vector.shape_cast %reduce_max3A_232 : vector<32xf32> to vector<1x32xf32>
    %eq3A_234 = arith.constant 19 : i32
    %eq3A_235 = vector.broadcast %eq3A_234 : i32 to vector<2000x1xi32>
    %eq3A_236 = arith.cmpi eq, %get3A_28, %eq3A_235 : vector<2000x1xi32>
    %jit3A_237 = arith.constant 0xFF800000 : f32
    %broadcast_in_dim3A_238 = vector.shape_cast %eq3A_236 : vector<2000x1xi1> to vector<2000x1xi1>
    %broadcast_in_dim3A_239 = vector.broadcast %broadcast_in_dim3A_238 : vector<2000x1xi1> to vector<2000x32xi1>
    %broadcast_in_dim3A_240 = vector.broadcast %jit3A_237 : f32 to vector<2000x32xf32>
    %select_n3A_241 = arith.select %broadcast_in_dim3A_239, %max3A_25, %broadcast_in_dim3A_240 : vector<2000x32xi1>, vector<2000x32xf32>
    %reduce_max3A_242 = arith.constant dense<0xFF800000> : vector<32xf32>
    %reduce_max3A_243 = vector.multi_reduction <maximumf>, %select_n3A_241, %reduce_max3A_242 [0] : vector<2000x32xf32> to vector<32xf32>
    %broadcast_in_dim3A_244 = vector.shape_cast %reduce_max3A_243 : vector<32xf32> to vector<1x32xf32>
    %eq3A_245 = arith.constant 20 : i32
    %eq3A_246 = vector.broadcast %eq3A_245 : i32 to vector<2000x1xi32>
    %eq3A_247 = arith.cmpi eq, %get3A_28, %eq3A_246 : vector<2000x1xi32>
    %jit3A_248 = arith.constant 0xFF800000 : f32
    %broadcast_in_dim3A_249 = vector.shape_cast %eq3A_247 : vector<2000x1xi1> to vector<2000x1xi1>
    %broadcast_in_dim3A_250 = vector.broadcast %broadcast_in_dim3A_249 : vector<2000x1xi1> to vector<2000x32xi1>
    %broadcast_in_dim3A_251 = vector.broadcast %jit3A_248 : f32 to vector<2000x32xf32>
    %select_n3A_252 = arith.select %broadcast_in_dim3A_250, %max3A_25, %broadcast_in_dim3A_251 : vector<2000x32xi1>, vector<2000x32xf32>
    %reduce_max3A_253 = arith.constant dense<0xFF800000> : vector<32xf32>
    %reduce_max3A_254 = vector.multi_reduction <maximumf>, %select_n3A_252, %reduce_max3A_253 [0] : vector<2000x32xf32> to vector<32xf32>
    %broadcast_in_dim3A_255 = vector.shape_cast %reduce_max3A_254 : vector<32xf32> to vector<1x32xf32>
    %eq3A_256 = arith.constant 21 : i32
    %eq3A_257 = vector.broadcast %eq3A_256 : i32 to vector<2000x1xi32>
    %eq3A_258 = arith.cmpi eq, %get3A_28, %eq3A_257 : vector<2000x1xi32>
    %jit3A_259 = arith.constant 0xFF800000 : f32
    %broadcast_in_dim3A_260 = vector.shape_cast %eq3A_258 : vector<2000x1xi1> to vector<2000x1xi1>
    %broadcast_in_dim3A_261 = vector.broadcast %broadcast_in_dim3A_260 : vector<2000x1xi1> to vector<2000x32xi1>
    %broadcast_in_dim3A_262 = vector.broadcast %jit3A_259 : f32 to vector<2000x32xf32>
    %select_n3A_263 = arith.select %broadcast_in_dim3A_261, %max3A_25, %broadcast_in_dim3A_262 : vector<2000x32xi1>, vector<2000x32xf32>
    %reduce_max3A_264 = arith.constant dense<0xFF800000> : vector<32xf32>
    %reduce_max3A_265 = vector.multi_reduction <maximumf>, %select_n3A_263, %reduce_max3A_264 [0] : vector<2000x32xf32> to vector<32xf32>
    %broadcast_in_dim3A_266 = vector.shape_cast %reduce_max3A_265 : vector<32xf32> to vector<1x32xf32>
    %eq3A_267 = arith.constant 22 : i32
    %eq3A_268 = vector.broadcast %eq3A_267 : i32 to vector<2000x1xi32>
    %eq3A_269 = arith.cmpi eq, %get3A_28, %eq3A_268 : vector<2000x1xi32>
    %jit3A_270 = arith.constant 0xFF800000 : f32
    %broadcast_in_dim3A_271 = vector.shape_cast %eq3A_269 : vector<2000x1xi1> to vector<2000x1xi1>
    %broadcast_in_dim3A_272 = vector.broadcast %broadcast_in_dim3A_271 : vector<2000x1xi1> to vector<2000x32xi1>
    %broadcast_in_dim3A_273 = vector.broadcast %jit3A_270 : f32 to vector<2000x32xf32>
    %select_n3A_274 = arith.select %broadcast_in_dim3A_272, %max3A_25, %broadcast_in_dim3A_273 : vector<2000x32xi1>, vector<2000x32xf32>
    %reduce_max3A_275 = arith.constant dense<0xFF800000> : vector<32xf32>
    %reduce_max3A_276 = vector.multi_reduction <maximumf>, %select_n3A_274, %reduce_max3A_275 [0] : vector<2000x32xf32> to vector<32xf32>
    %broadcast_in_dim3A_277 = vector.shape_cast %reduce_max3A_276 : vector<32xf32> to vector<1x32xf32>
    %eq3A_278 = arith.constant 23 : i32
    %eq3A_279 = vector.broadcast %eq3A_278 : i32 to vector<2000x1xi32>
    %eq3A_280 = arith.cmpi eq, %get3A_28, %eq3A_279 : vector<2000x1xi32>
    %jit3A_281 = arith.constant 0xFF800000 : f32
    %broadcast_in_dim3A_282 = vector.shape_cast %eq3A_280 : vector<2000x1xi1> to vector<2000x1xi1>
    %broadcast_in_dim3A_283 = vector.broadcast %broadcast_in_dim3A_282 : vector<2000x1xi1> to vector<2000x32xi1>
    %broadcast_in_dim3A_284 = vector.broadcast %jit3A_281 : f32 to vector<2000x32xf32>
    %select_n3A_285 = arith.select %broadcast_in_dim3A_283, %max3A_25, %broadcast_in_dim3A_284 : vector<2000x32xi1>, vector<2000x32xf32>
    %reduce_max3A_286 = arith.constant dense<0xFF800000> : vector<32xf32>
    %reduce_max3A_287 = vector.multi_reduction <maximumf>, %select_n3A_285, %reduce_max3A_286 [0] : vector<2000x32xf32> to vector<32xf32>
    %broadcast_in_dim3A_288 = vector.shape_cast %reduce_max3A_287 : vector<32xf32> to vector<1x32xf32>
    %eq3A_289 = arith.constant 24 : i32
    %eq3A_290 = vector.broadcast %eq3A_289 : i32 to vector<2000x1xi32>
    %eq3A_291 = arith.cmpi eq, %get3A_28, %eq3A_290 : vector<2000x1xi32>
    %jit3A_292 = arith.constant 0xFF800000 : f32
    %broadcast_in_dim3A_293 = vector.shape_cast %eq3A_291 : vector<2000x1xi1> to vector<2000x1xi1>
    %broadcast_in_dim3A_294 = vector.broadcast %broadcast_in_dim3A_293 : vector<2000x1xi1> to vector<2000x32xi1>
    %broadcast_in_dim3A_295 = vector.broadcast %jit3A_292 : f32 to vector<2000x32xf32>
    %select_n3A_296 = arith.select %broadcast_in_dim3A_294, %max3A_25, %broadcast_in_dim3A_295 : vector<2000x32xi1>, vector<2000x32xf32>
    %reduce_max3A_297 = arith.constant dense<0xFF800000> : vector<32xf32>
    %reduce_max3A_298 = vector.multi_reduction <maximumf>, %select_n3A_296, %reduce_max3A_297 [0] : vector<2000x32xf32> to vector<32xf32>
    %broadcast_in_dim3A_299 = vector.shape_cast %reduce_max3A_298 : vector<32xf32> to vector<1x32xf32>
    %eq3A_300 = arith.constant 25 : i32
    %eq3A_301 = vector.broadcast %eq3A_300 : i32 to vector<2000x1xi32>
    %eq3A_302 = arith.cmpi eq, %get3A_28, %eq3A_301 : vector<2000x1xi32>
    %jit3A_303 = arith.constant 0xFF800000 : f32
    %broadcast_in_dim3A_304 = vector.shape_cast %eq3A_302 : vector<2000x1xi1> to vector<2000x1xi1>
    %broadcast_in_dim3A_305 = vector.broadcast %broadcast_in_dim3A_304 : vector<2000x1xi1> to vector<2000x32xi1>
    %broadcast_in_dim3A_306 = vector.broadcast %jit3A_303 : f32 to vector<2000x32xf32>
    %select_n3A_307 = arith.select %broadcast_in_dim3A_305, %max3A_25, %broadcast_in_dim3A_306 : vector<2000x32xi1>, vector<2000x32xf32>
    %reduce_max3A_308 = arith.constant dense<0xFF800000> : vector<32xf32>
    %reduce_max3A_309 = vector.multi_reduction <maximumf>, %select_n3A_307, %reduce_max3A_308 [0] : vector<2000x32xf32> to vector<32xf32>
    %broadcast_in_dim3A_310 = vector.shape_cast %reduce_max3A_309 : vector<32xf32> to vector<1x32xf32>
    %eq3A_311 = arith.constant 26 : i32
    %eq3A_312 = vector.broadcast %eq3A_311 : i32 to vector<2000x1xi32>
    %eq3A_313 = arith.cmpi eq, %get3A_28, %eq3A_312 : vector<2000x1xi32>
    %jit3A_314 = arith.constant 0xFF800000 : f32
    %broadcast_in_dim3A_315 = vector.shape_cast %eq3A_313 : vector<2000x1xi1> to vector<2000x1xi1>
    %broadcast_in_dim3A_316 = vector.broadcast %broadcast_in_dim3A_315 : vector<2000x1xi1> to vector<2000x32xi1>
    %broadcast_in_dim3A_317 = vector.broadcast %jit3A_314 : f32 to vector<2000x32xf32>
    %select_n3A_318 = arith.select %broadcast_in_dim3A_316, %max3A_25, %broadcast_in_dim3A_317 : vector<2000x32xi1>, vector<2000x32xf32>
    %reduce_max3A_319 = arith.constant dense<0xFF800000> : vector<32xf32>
    %reduce_max3A_320 = vector.multi_reduction <maximumf>, %select_n3A_318, %reduce_max3A_319 [0] : vector<2000x32xf32> to vector<32xf32>
    %broadcast_in_dim3A_321 = vector.shape_cast %reduce_max3A_320 : vector<32xf32> to vector<1x32xf32>
    %eq3A_322 = arith.constant 27 : i32
    %eq3A_323 = vector.broadcast %eq3A_322 : i32 to vector<2000x1xi32>
    %eq3A_324 = arith.cmpi eq, %get3A_28, %eq3A_323 : vector<2000x1xi32>
    %jit3A_325 = arith.constant 0xFF800000 : f32
    %broadcast_in_dim3A_326 = vector.shape_cast %eq3A_324 : vector<2000x1xi1> to vector<2000x1xi1>
    %broadcast_in_dim3A_327 = vector.broadcast %broadcast_in_dim3A_326 : vector<2000x1xi1> to vector<2000x32xi1>
    %broadcast_in_dim3A_328 = vector.broadcast %jit3A_325 : f32 to vector<2000x32xf32>
    %select_n3A_329 = arith.select %broadcast_in_dim3A_327, %max3A_25, %broadcast_in_dim3A_328 : vector<2000x32xi1>, vector<2000x32xf32>
    %reduce_max3A_330 = arith.constant dense<0xFF800000> : vector<32xf32>
    %reduce_max3A_331 = vector.multi_reduction <maximumf>, %select_n3A_329, %reduce_max3A_330 [0] : vector<2000x32xf32> to vector<32xf32>
    %broadcast_in_dim3A_332 = vector.shape_cast %reduce_max3A_331 : vector<32xf32> to vector<1x32xf32>
    %eq3A_333 = arith.constant 28 : i32
    %eq3A_334 = vector.broadcast %eq3A_333 : i32 to vector<2000x1xi32>
    %eq3A_335 = arith.cmpi eq, %get3A_28, %eq3A_334 : vector<2000x1xi32>
    %jit3A_336 = arith.constant 0xFF800000 : f32
    %broadcast_in_dim3A_337 = vector.shape_cast %eq3A_335 : vector<2000x1xi1> to vector<2000x1xi1>
    %broadcast_in_dim3A_338 = vector.broadcast %broadcast_in_dim3A_337 : vector<2000x1xi1> to vector<2000x32xi1>
    %broadcast_in_dim3A_339 = vector.broadcast %jit3A_336 : f32 to vector<2000x32xf32>
    %select_n3A_340 = arith.select %broadcast_in_dim3A_338, %max3A_25, %broadcast_in_dim3A_339 : vector<2000x32xi1>, vector<2000x32xf32>
    %reduce_max3A_341 = arith.constant dense<0xFF800000> : vector<32xf32>
    %reduce_max3A_342 = vector.multi_reduction <maximumf>, %select_n3A_340, %reduce_max3A_341 [0] : vector<2000x32xf32> to vector<32xf32>
    %broadcast_in_dim3A_343 = vector.shape_cast %reduce_max3A_342 : vector<32xf32> to vector<1x32xf32>
    %eq3A_344 = arith.constant 29 : i32
    %eq3A_345 = vector.broadcast %eq3A_344 : i32 to vector<2000x1xi32>
    %eq3A_346 = arith.cmpi eq, %get3A_28, %eq3A_345 : vector<2000x1xi32>
    %jit3A_347 = arith.constant 0xFF800000 : f32
    %broadcast_in_dim3A_348 = vector.shape_cast %eq3A_346 : vector<2000x1xi1> to vector<2000x1xi1>
    %broadcast_in_dim3A_349 = vector.broadcast %broadcast_in_dim3A_348 : vector<2000x1xi1> to vector<2000x32xi1>
    %broadcast_in_dim3A_350 = vector.broadcast %jit3A_347 : f32 to vector<2000x32xf32>
    %select_n3A_351 = arith.select %broadcast_in_dim3A_349, %max3A_25, %broadcast_in_dim3A_350 : vector<2000x32xi1>, vector<2000x32xf32>
    %reduce_max3A_352 = arith.constant dense<0xFF800000> : vector<32xf32>
    %reduce_max3A_353 = vector.multi_reduction <maximumf>, %select_n3A_351, %reduce_max3A_352 [0] : vector<2000x32xf32> to vector<32xf32>
    %broadcast_in_dim3A_354 = vector.shape_cast %reduce_max3A_353 : vector<32xf32> to vector<1x32xf32>
    %eq3A_355 = arith.constant 30 : i32
    %eq3A_356 = vector.broadcast %eq3A_355 : i32 to vector<2000x1xi32>
    %eq3A_357 = arith.cmpi eq, %get3A_28, %eq3A_356 : vector<2000x1xi32>
    %jit3A_358 = arith.constant 0xFF800000 : f32
    %broadcast_in_dim3A_359 = vector.shape_cast %eq3A_357 : vector<2000x1xi1> to vector<2000x1xi1>
    %broadcast_in_dim3A_360 = vector.broadcast %broadcast_in_dim3A_359 : vector<2000x1xi1> to vector<2000x32xi1>
    %broadcast_in_dim3A_361 = vector.broadcast %jit3A_358 : f32 to vector<2000x32xf32>
    %select_n3A_362 = arith.select %broadcast_in_dim3A_360, %max3A_25, %broadcast_in_dim3A_361 : vector<2000x32xi1>, vector<2000x32xf32>
    %reduce_max3A_363 = arith.constant dense<0xFF800000> : vector<32xf32>
    %reduce_max3A_364 = vector.multi_reduction <maximumf>, %select_n3A_362, %reduce_max3A_363 [0] : vector<2000x32xf32> to vector<32xf32>
    %broadcast_in_dim3A_365 = vector.shape_cast %reduce_max3A_364 : vector<32xf32> to vector<1x32xf32>
    %eq3A_366 = arith.constant 31 : i32
    %eq3A_367 = vector.broadcast %eq3A_366 : i32 to vector<2000x1xi32>
    %eq3A_368 = arith.cmpi eq, %get3A_28, %eq3A_367 : vector<2000x1xi32>
    %jit3A_369 = arith.constant 0xFF800000 : f32
    %broadcast_in_dim3A_370 = vector.shape_cast %eq3A_368 : vector<2000x1xi1> to vector<2000x1xi1>
    %broadcast_in_dim3A_371 = vector.broadcast %broadcast_in_dim3A_370 : vector<2000x1xi1> to vector<2000x32xi1>
    %broadcast_in_dim3A_372 = vector.broadcast %jit3A_369 : f32 to vector<2000x32xf32>
    %select_n3A_373 = arith.select %broadcast_in_dim3A_371, %max3A_25, %broadcast_in_dim3A_372 : vector<2000x32xi1>, vector<2000x32xf32>
    %reduce_max3A_374 = arith.constant dense<0xFF800000> : vector<32xf32>
    %reduce_max3A_375 = vector.multi_reduction <maximumf>, %select_n3A_373, %reduce_max3A_374 [0] : vector<2000x32xf32> to vector<32xf32>
    %broadcast_in_dim3A_376 = vector.shape_cast %reduce_max3A_375 : vector<32xf32> to vector<1x32xf32>
    %eq3A_377 = arith.constant 32 : i32
    %eq3A_378 = vector.broadcast %eq3A_377 : i32 to vector<2000x1xi32>
    %eq3A_379 = arith.cmpi eq, %get3A_28, %eq3A_378 : vector<2000x1xi32>
    %jit3A_380 = arith.constant 0xFF800000 : f32
    %broadcast_in_dim3A_381 = vector.shape_cast %eq3A_379 : vector<2000x1xi1> to vector<2000x1xi1>
    %broadcast_in_dim3A_382 = vector.broadcast %broadcast_in_dim3A_381 : vector<2000x1xi1> to vector<2000x32xi1>
    %broadcast_in_dim3A_383 = vector.broadcast %jit3A_380 : f32 to vector<2000x32xf32>
    %select_n3A_384 = arith.select %broadcast_in_dim3A_382, %max3A_25, %broadcast_in_dim3A_383 : vector<2000x32xi1>, vector<2000x32xf32>
    %reduce_max3A_385 = arith.constant dense<0xFF800000> : vector<32xf32>
    %reduce_max3A_386 = vector.multi_reduction <maximumf>, %select_n3A_384, %reduce_max3A_385 [0] : vector<2000x32xf32> to vector<32xf32>
    %broadcast_in_dim3A_387 = vector.shape_cast %reduce_max3A_386 : vector<32xf32> to vector<1x32xf32>
    %eq3A_388 = arith.constant 33 : i32
    %eq3A_389 = vector.broadcast %eq3A_388 : i32 to vector<2000x1xi32>
    %eq3A_390 = arith.cmpi eq, %get3A_28, %eq3A_389 : vector<2000x1xi32>
    %jit3A_391 = arith.constant 0xFF800000 : f32
    %broadcast_in_dim3A_392 = vector.shape_cast %eq3A_390 : vector<2000x1xi1> to vector<2000x1xi1>
    %broadcast_in_dim3A_393 = vector.broadcast %broadcast_in_dim3A_392 : vector<2000x1xi1> to vector<2000x32xi1>
    %broadcast_in_dim3A_394 = vector.broadcast %jit3A_391 : f32 to vector<2000x32xf32>
    %select_n3A_395 = arith.select %broadcast_in_dim3A_393, %max3A_25, %broadcast_in_dim3A_394 : vector<2000x32xi1>, vector<2000x32xf32>
    %reduce_max3A_396 = arith.constant dense<0xFF800000> : vector<32xf32>
    %reduce_max3A_397 = vector.multi_reduction <maximumf>, %select_n3A_395, %reduce_max3A_396 [0] : vector<2000x32xf32> to vector<32xf32>
    %broadcast_in_dim3A_398 = vector.shape_cast %reduce_max3A_397 : vector<32xf32> to vector<1x32xf32>
    %eq3A_399 = arith.constant 34 : i32
    %eq3A_400 = vector.broadcast %eq3A_399 : i32 to vector<2000x1xi32>
    %eq3A_401 = arith.cmpi eq, %get3A_28, %eq3A_400 : vector<2000x1xi32>
    %jit3A_402 = arith.constant 0xFF800000 : f32
    %broadcast_in_dim3A_403 = vector.shape_cast %eq3A_401 : vector<2000x1xi1> to vector<2000x1xi1>
    %broadcast_in_dim3A_404 = vector.broadcast %broadcast_in_dim3A_403 : vector<2000x1xi1> to vector<2000x32xi1>
    %broadcast_in_dim3A_405 = vector.broadcast %jit3A_402 : f32 to vector<2000x32xf32>
    %select_n3A_406 = arith.select %broadcast_in_dim3A_404, %max3A_25, %broadcast_in_dim3A_405 : vector<2000x32xi1>, vector<2000x32xf32>
    %reduce_max3A_407 = arith.constant dense<0xFF800000> : vector<32xf32>
    %reduce_max3A_408 = vector.multi_reduction <maximumf>, %select_n3A_406, %reduce_max3A_407 [0] : vector<2000x32xf32> to vector<32xf32>
    %broadcast_in_dim3A_409 = vector.shape_cast %reduce_max3A_408 : vector<32xf32> to vector<1x32xf32>
    %eq3A_410 = arith.constant 35 : i32
    %eq3A_411 = vector.broadcast %eq3A_410 : i32 to vector<2000x1xi32>
    %eq3A_412 = arith.cmpi eq, %get3A_28, %eq3A_411 : vector<2000x1xi32>
    %jit3A_413 = arith.constant 0xFF800000 : f32
    %broadcast_in_dim3A_414 = vector.shape_cast %eq3A_412 : vector<2000x1xi1> to vector<2000x1xi1>
    %broadcast_in_dim3A_415 = vector.broadcast %broadcast_in_dim3A_414 : vector<2000x1xi1> to vector<2000x32xi1>
    %broadcast_in_dim3A_416 = vector.broadcast %jit3A_413 : f32 to vector<2000x32xf32>
    %select_n3A_417 = arith.select %broadcast_in_dim3A_415, %max3A_25, %broadcast_in_dim3A_416 : vector<2000x32xi1>, vector<2000x32xf32>
    %reduce_max3A_418 = arith.constant dense<0xFF800000> : vector<32xf32>
    %reduce_max3A_419 = vector.multi_reduction <maximumf>, %select_n3A_417, %reduce_max3A_418 [0] : vector<2000x32xf32> to vector<32xf32>
    %broadcast_in_dim3A_420 = vector.shape_cast %reduce_max3A_419 : vector<32xf32> to vector<1x32xf32>
    %eq3A_421 = arith.constant 36 : i32
    %eq3A_422 = vector.broadcast %eq3A_421 : i32 to vector<2000x1xi32>
    %eq3A_423 = arith.cmpi eq, %get3A_28, %eq3A_422 : vector<2000x1xi32>
    %jit3A_424 = arith.constant 0xFF800000 : f32
    %broadcast_in_dim3A_425 = vector.shape_cast %eq3A_423 : vector<2000x1xi1> to vector<2000x1xi1>
    %broadcast_in_dim3A_426 = vector.broadcast %broadcast_in_dim3A_425 : vector<2000x1xi1> to vector<2000x32xi1>
    %broadcast_in_dim3A_427 = vector.broadcast %jit3A_424 : f32 to vector<2000x32xf32>
    %select_n3A_428 = arith.select %broadcast_in_dim3A_426, %max3A_25, %broadcast_in_dim3A_427 : vector<2000x32xi1>, vector<2000x32xf32>
    %reduce_max3A_429 = arith.constant dense<0xFF800000> : vector<32xf32>
    %reduce_max3A_430 = vector.multi_reduction <maximumf>, %select_n3A_428, %reduce_max3A_429 [0] : vector<2000x32xf32> to vector<32xf32>
    %broadcast_in_dim3A_431 = vector.shape_cast %reduce_max3A_430 : vector<32xf32> to vector<1x32xf32>
    %eq3A_432 = arith.constant 37 : i32
    %eq3A_433 = vector.broadcast %eq3A_432 : i32 to vector<2000x1xi32>
    %eq3A_434 = arith.cmpi eq, %get3A_28, %eq3A_433 : vector<2000x1xi32>
    %jit3A_435 = arith.constant 0xFF800000 : f32
    %broadcast_in_dim3A_436 = vector.shape_cast %eq3A_434 : vector<2000x1xi1> to vector<2000x1xi1>
    %broadcast_in_dim3A_437 = vector.broadcast %broadcast_in_dim3A_436 : vector<2000x1xi1> to vector<2000x32xi1>
    %broadcast_in_dim3A_438 = vector.broadcast %jit3A_435 : f32 to vector<2000x32xf32>
    %select_n3A_439 = arith.select %broadcast_in_dim3A_437, %max3A_25, %broadcast_in_dim3A_438 : vector<2000x32xi1>, vector<2000x32xf32>
    %reduce_max3A_440 = arith.constant dense<0xFF800000> : vector<32xf32>
    %reduce_max3A_441 = vector.multi_reduction <maximumf>, %select_n3A_439, %reduce_max3A_440 [0] : vector<2000x32xf32> to vector<32xf32>
    %broadcast_in_dim3A_442 = vector.shape_cast %reduce_max3A_441 : vector<32xf32> to vector<1x32xf32>
    %eq3A_443 = arith.constant 38 : i32
    %eq3A_444 = vector.broadcast %eq3A_443 : i32 to vector<2000x1xi32>
    %eq3A_445 = arith.cmpi eq, %get3A_28, %eq3A_444 : vector<2000x1xi32>
    %jit3A_446 = arith.constant 0xFF800000 : f32
    %broadcast_in_dim3A_447 = vector.shape_cast %eq3A_445 : vector<2000x1xi1> to vector<2000x1xi1>
    %broadcast_in_dim3A_448 = vector.broadcast %broadcast_in_dim3A_447 : vector<2000x1xi1> to vector<2000x32xi1>
    %broadcast_in_dim3A_449 = vector.broadcast %jit3A_446 : f32 to vector<2000x32xf32>
    %select_n3A_450 = arith.select %broadcast_in_dim3A_448, %max3A_25, %broadcast_in_dim3A_449 : vector<2000x32xi1>, vector<2000x32xf32>
    %reduce_max3A_451 = arith.constant dense<0xFF800000> : vector<32xf32>
    %reduce_max3A_452 = vector.multi_reduction <maximumf>, %select_n3A_450, %reduce_max3A_451 [0] : vector<2000x32xf32> to vector<32xf32>
    %broadcast_in_dim3A_453 = vector.shape_cast %reduce_max3A_452 : vector<32xf32> to vector<1x32xf32>
    %eq3A_454 = arith.constant 39 : i32
    %eq3A_455 = vector.broadcast %eq3A_454 : i32 to vector<2000x1xi32>
    %eq3A_456 = arith.cmpi eq, %get3A_28, %eq3A_455 : vector<2000x1xi32>
    %jit3A_457 = arith.constant 0xFF800000 : f32
    %broadcast_in_dim3A_458 = vector.shape_cast %eq3A_456 : vector<2000x1xi1> to vector<2000x1xi1>
    %broadcast_in_dim3A_459 = vector.broadcast %broadcast_in_dim3A_458 : vector<2000x1xi1> to vector<2000x32xi1>
    %broadcast_in_dim3A_460 = vector.broadcast %jit3A_457 : f32 to vector<2000x32xf32>
    %select_n3A_461 = arith.select %broadcast_in_dim3A_459, %max3A_25, %broadcast_in_dim3A_460 : vector<2000x32xi1>, vector<2000x32xf32>
    %reduce_max3A_462 = arith.constant dense<0xFF800000> : vector<32xf32>
    %reduce_max3A_463 = vector.multi_reduction <maximumf>, %select_n3A_461, %reduce_max3A_462 [0] : vector<2000x32xf32> to vector<32xf32>
    %broadcast_in_dim3A_464 = vector.shape_cast %reduce_max3A_463 : vector<32xf32> to vector<1x32xf32>
    %eq3A_465 = arith.constant 40 : i32
    %eq3A_466 = vector.broadcast %eq3A_465 : i32 to vector<2000x1xi32>
    %eq3A_467 = arith.cmpi eq, %get3A_28, %eq3A_466 : vector<2000x1xi32>
    %jit3A_468 = arith.constant 0xFF800000 : f32
    %broadcast_in_dim3A_469 = vector.shape_cast %eq3A_467 : vector<2000x1xi1> to vector<2000x1xi1>
    %broadcast_in_dim3A_470 = vector.broadcast %broadcast_in_dim3A_469 : vector<2000x1xi1> to vector<2000x32xi1>
    %broadcast_in_dim3A_471 = vector.broadcast %jit3A_468 : f32 to vector<2000x32xf32>
    %select_n3A_472 = arith.select %broadcast_in_dim3A_470, %max3A_25, %broadcast_in_dim3A_471 : vector<2000x32xi1>, vector<2000x32xf32>
    %reduce_max3A_473 = arith.constant dense<0xFF800000> : vector<32xf32>
    %reduce_max3A_474 = vector.multi_reduction <maximumf>, %select_n3A_472, %reduce_max3A_473 [0] : vector<2000x32xf32> to vector<32xf32>
    %broadcast_in_dim3A_475 = vector.shape_cast %reduce_max3A_474 : vector<32xf32> to vector<1x32xf32>
    %eq3A_476 = arith.constant 41 : i32
    %eq3A_477 = vector.broadcast %eq3A_476 : i32 to vector<2000x1xi32>
    %eq3A_478 = arith.cmpi eq, %get3A_28, %eq3A_477 : vector<2000x1xi32>
    %jit3A_479 = arith.constant 0xFF800000 : f32
    %broadcast_in_dim3A_480 = vector.shape_cast %eq3A_478 : vector<2000x1xi1> to vector<2000x1xi1>
    %broadcast_in_dim3A_481 = vector.broadcast %broadcast_in_dim3A_480 : vector<2000x1xi1> to vector<2000x32xi1>
    %broadcast_in_dim3A_482 = vector.broadcast %jit3A_479 : f32 to vector<2000x32xf32>
    %select_n3A_483 = arith.select %broadcast_in_dim3A_481, %max3A_25, %broadcast_in_dim3A_482 : vector<2000x32xi1>, vector<2000x32xf32>
    %reduce_max3A_484 = arith.constant dense<0xFF800000> : vector<32xf32>
    %reduce_max3A_485 = vector.multi_reduction <maximumf>, %select_n3A_483, %reduce_max3A_484 [0] : vector<2000x32xf32> to vector<32xf32>
    %broadcast_in_dim3A_486 = vector.shape_cast %reduce_max3A_485 : vector<32xf32> to vector<1x32xf32>
    %eq3A_487 = arith.constant 42 : i32
    %eq3A_488 = vector.broadcast %eq3A_487 : i32 to vector<2000x1xi32>
    %eq3A_489 = arith.cmpi eq, %get3A_28, %eq3A_488 : vector<2000x1xi32>
    %jit3A_490 = arith.constant 0xFF800000 : f32
    %broadcast_in_dim3A_491 = vector.shape_cast %eq3A_489 : vector<2000x1xi1> to vector<2000x1xi1>
    %broadcast_in_dim3A_492 = vector.broadcast %broadcast_in_dim3A_491 : vector<2000x1xi1> to vector<2000x32xi1>
    %broadcast_in_dim3A_493 = vector.broadcast %jit3A_490 : f32 to vector<2000x32xf32>
    %select_n3A_494 = arith.select %broadcast_in_dim3A_492, %max3A_25, %broadcast_in_dim3A_493 : vector<2000x32xi1>, vector<2000x32xf32>
    %reduce_max3A_495 = arith.constant dense<0xFF800000> : vector<32xf32>
    %reduce_max3A_496 = vector.multi_reduction <maximumf>, %select_n3A_494, %reduce_max3A_495 [0] : vector<2000x32xf32> to vector<32xf32>
    %broadcast_in_dim3A_497 = vector.shape_cast %reduce_max3A_496 : vector<32xf32> to vector<1x32xf32>
    %eq3A_498 = arith.constant 43 : i32
    %eq3A_499 = vector.broadcast %eq3A_498 : i32 to vector<2000x1xi32>
    %eq3A_500 = arith.cmpi eq, %get3A_28, %eq3A_499 : vector<2000x1xi32>
    %jit3A_501 = arith.constant 0xFF800000 : f32
    %broadcast_in_dim3A_502 = vector.shape_cast %eq3A_500 : vector<2000x1xi1> to vector<2000x1xi1>
    %broadcast_in_dim3A_503 = vector.broadcast %broadcast_in_dim3A_502 : vector<2000x1xi1> to vector<2000x32xi1>
    %broadcast_in_dim3A_504 = vector.broadcast %jit3A_501 : f32 to vector<2000x32xf32>
    %select_n3A_505 = arith.select %broadcast_in_dim3A_503, %max3A_25, %broadcast_in_dim3A_504 : vector<2000x32xi1>, vector<2000x32xf32>
    %reduce_max3A_506 = arith.constant dense<0xFF800000> : vector<32xf32>
    %reduce_max3A_507 = vector.multi_reduction <maximumf>, %select_n3A_505, %reduce_max3A_506 [0] : vector<2000x32xf32> to vector<32xf32>
    %broadcast_in_dim3A_508 = vector.shape_cast %reduce_max3A_507 : vector<32xf32> to vector<1x32xf32>
    %eq3A_509 = arith.constant 44 : i32
    %eq3A_510 = vector.broadcast %eq3A_509 : i32 to vector<2000x1xi32>
    %eq3A_511 = arith.cmpi eq, %get3A_28, %eq3A_510 : vector<2000x1xi32>
    %jit3A_512 = arith.constant 0xFF800000 : f32
    %broadcast_in_dim3A_513 = vector.shape_cast %eq3A_511 : vector<2000x1xi1> to vector<2000x1xi1>
    %broadcast_in_dim3A_514 = vector.broadcast %broadcast_in_dim3A_513 : vector<2000x1xi1> to vector<2000x32xi1>
    %broadcast_in_dim3A_515 = vector.broadcast %jit3A_512 : f32 to vector<2000x32xf32>
    %select_n3A_516 = arith.select %broadcast_in_dim3A_514, %max3A_25, %broadcast_in_dim3A_515 : vector<2000x32xi1>, vector<2000x32xf32>
    %reduce_max3A_517 = arith.constant dense<0xFF800000> : vector<32xf32>
    %reduce_max3A_518 = vector.multi_reduction <maximumf>, %select_n3A_516, %reduce_max3A_517 [0] : vector<2000x32xf32> to vector<32xf32>
    %broadcast_in_dim3A_519 = vector.shape_cast %reduce_max3A_518 : vector<32xf32> to vector<1x32xf32>
    %eq3A_520 = arith.constant 45 : i32
    %eq3A_521 = vector.broadcast %eq3A_520 : i32 to vector<2000x1xi32>
    %eq3A_522 = arith.cmpi eq, %get3A_28, %eq3A_521 : vector<2000x1xi32>
    %jit3A_523 = arith.constant 0xFF800000 : f32
    %broadcast_in_dim3A_524 = vector.shape_cast %eq3A_522 : vector<2000x1xi1> to vector<2000x1xi1>
    %broadcast_in_dim3A_525 = vector.broadcast %broadcast_in_dim3A_524 : vector<2000x1xi1> to vector<2000x32xi1>
    %broadcast_in_dim3A_526 = vector.broadcast %jit3A_523 : f32 to vector<2000x32xf32>
    %select_n3A_527 = arith.select %broadcast_in_dim3A_525, %max3A_25, %broadcast_in_dim3A_526 : vector<2000x32xi1>, vector<2000x32xf32>
    %reduce_max3A_528 = arith.constant dense<0xFF800000> : vector<32xf32>
    %reduce_max3A_529 = vector.multi_reduction <maximumf>, %select_n3A_527, %reduce_max3A_528 [0] : vector<2000x32xf32> to vector<32xf32>
    %broadcast_in_dim3A_530 = vector.shape_cast %reduce_max3A_529 : vector<32xf32> to vector<1x32xf32>
    %eq3A_531 = arith.constant 46 : i32
    %eq3A_532 = vector.broadcast %eq3A_531 : i32 to vector<2000x1xi32>
    %eq3A_533 = arith.cmpi eq, %get3A_28, %eq3A_532 : vector<2000x1xi32>
    %jit3A_534 = arith.constant 0xFF800000 : f32
    %broadcast_in_dim3A_535 = vector.shape_cast %eq3A_533 : vector<2000x1xi1> to vector<2000x1xi1>
    %broadcast_in_dim3A_536 = vector.broadcast %broadcast_in_dim3A_535 : vector<2000x1xi1> to vector<2000x32xi1>
    %broadcast_in_dim3A_537 = vector.broadcast %jit3A_534 : f32 to vector<2000x32xf32>
    %select_n3A_538 = arith.select %broadcast_in_dim3A_536, %max3A_25, %broadcast_in_dim3A_537 : vector<2000x32xi1>, vector<2000x32xf32>
    %reduce_max3A_539 = arith.constant dense<0xFF800000> : vector<32xf32>
    %reduce_max3A_540 = vector.multi_reduction <maximumf>, %select_n3A_538, %reduce_max3A_539 [0] : vector<2000x32xf32> to vector<32xf32>
    %broadcast_in_dim3A_541 = vector.shape_cast %reduce_max3A_540 : vector<32xf32> to vector<1x32xf32>
    %eq3A_542 = arith.constant 47 : i32
    %eq3A_543 = vector.broadcast %eq3A_542 : i32 to vector<2000x1xi32>
    %eq3A_544 = arith.cmpi eq, %get3A_28, %eq3A_543 : vector<2000x1xi32>
    %jit3A_545 = arith.constant 0xFF800000 : f32
    %broadcast_in_dim3A_546 = vector.shape_cast %eq3A_544 : vector<2000x1xi1> to vector<2000x1xi1>
    %broadcast_in_dim3A_547 = vector.broadcast %broadcast_in_dim3A_546 : vector<2000x1xi1> to vector<2000x32xi1>
    %broadcast_in_dim3A_548 = vector.broadcast %jit3A_545 : f32 to vector<2000x32xf32>
    %select_n3A_549 = arith.select %broadcast_in_dim3A_547, %max3A_25, %broadcast_in_dim3A_548 : vector<2000x32xi1>, vector<2000x32xf32>
    %reduce_max3A_550 = arith.constant dense<0xFF800000> : vector<32xf32>
    %reduce_max3A_551 = vector.multi_reduction <maximumf>, %select_n3A_549, %reduce_max3A_550 [0] : vector<2000x32xf32> to vector<32xf32>
    %broadcast_in_dim3A_552 = vector.shape_cast %reduce_max3A_551 : vector<32xf32> to vector<1x32xf32>
    %eq3A_553 = arith.constant 48 : i32
    %eq3A_554 = vector.broadcast %eq3A_553 : i32 to vector<2000x1xi32>
    %eq3A_555 = arith.cmpi eq, %get3A_28, %eq3A_554 : vector<2000x1xi32>
    %jit3A_556 = arith.constant 0xFF800000 : f32
    %broadcast_in_dim3A_557 = vector.shape_cast %eq3A_555 : vector<2000x1xi1> to vector<2000x1xi1>
    %broadcast_in_dim3A_558 = vector.broadcast %broadcast_in_dim3A_557 : vector<2000x1xi1> to vector<2000x32xi1>
    %broadcast_in_dim3A_559 = vector.broadcast %jit3A_556 : f32 to vector<2000x32xf32>
    %select_n3A_560 = arith.select %broadcast_in_dim3A_558, %max3A_25, %broadcast_in_dim3A_559 : vector<2000x32xi1>, vector<2000x32xf32>
    %reduce_max3A_561 = arith.constant dense<0xFF800000> : vector<32xf32>
    %reduce_max3A_562 = vector.multi_reduction <maximumf>, %select_n3A_560, %reduce_max3A_561 [0] : vector<2000x32xf32> to vector<32xf32>
    %broadcast_in_dim3A_563 = vector.shape_cast %reduce_max3A_562 : vector<32xf32> to vector<1x32xf32>
    %eq3A_564 = arith.constant 49 : i32
    %eq3A_565 = vector.broadcast %eq3A_564 : i32 to vector<2000x1xi32>
    %eq3A_566 = arith.cmpi eq, %get3A_28, %eq3A_565 : vector<2000x1xi32>
    %jit3A_567 = arith.constant 0xFF800000 : f32
    %broadcast_in_dim3A_568 = vector.shape_cast %eq3A_566 : vector<2000x1xi1> to vector<2000x1xi1>
    %broadcast_in_dim3A_569 = vector.broadcast %broadcast_in_dim3A_568 : vector<2000x1xi1> to vector<2000x32xi1>
    %broadcast_in_dim3A_570 = vector.broadcast %jit3A_567 : f32 to vector<2000x32xf32>
    %select_n3A_571 = arith.select %broadcast_in_dim3A_569, %max3A_25, %broadcast_in_dim3A_570 : vector<2000x32xi1>, vector<2000x32xf32>
    %reduce_max3A_572 = arith.constant dense<0xFF800000> : vector<32xf32>
    %reduce_max3A_573 = vector.multi_reduction <maximumf>, %select_n3A_571, %reduce_max3A_572 [0] : vector<2000x32xf32> to vector<32xf32>
    %broadcast_in_dim3A_574 = vector.shape_cast %reduce_max3A_573 : vector<32xf32> to vector<1x32xf32>
    %eq3A_575 = arith.constant 50 : i32
    %eq3A_576 = vector.broadcast %eq3A_575 : i32 to vector<2000x1xi32>
    %eq3A_577 = arith.cmpi eq, %get3A_28, %eq3A_576 : vector<2000x1xi32>
    %jit3A_578 = arith.constant 0xFF800000 : f32
    %broadcast_in_dim3A_579 = vector.shape_cast %eq3A_577 : vector<2000x1xi1> to vector<2000x1xi1>
    %broadcast_in_dim3A_580 = vector.broadcast %broadcast_in_dim3A_579 : vector<2000x1xi1> to vector<2000x32xi1>
    %broadcast_in_dim3A_581 = vector.broadcast %jit3A_578 : f32 to vector<2000x32xf32>
    %select_n3A_582 = arith.select %broadcast_in_dim3A_580, %max3A_25, %broadcast_in_dim3A_581 : vector<2000x32xi1>, vector<2000x32xf32>
    %reduce_max3A_583 = arith.constant dense<0xFF800000> : vector<32xf32>
    %reduce_max3A_584 = vector.multi_reduction <maximumf>, %select_n3A_582, %reduce_max3A_583 [0] : vector<2000x32xf32> to vector<32xf32>
    %broadcast_in_dim3A_585 = vector.shape_cast %reduce_max3A_584 : vector<32xf32> to vector<1x32xf32>
    %eq3A_586 = arith.constant 51 : i32
    %eq3A_587 = vector.broadcast %eq3A_586 : i32 to vector<2000x1xi32>
    %eq3A_588 = arith.cmpi eq, %get3A_28, %eq3A_587 : vector<2000x1xi32>
    %jit3A_589 = arith.constant 0xFF800000 : f32
    %broadcast_in_dim3A_590 = vector.shape_cast %eq3A_588 : vector<2000x1xi1> to vector<2000x1xi1>
    %broadcast_in_dim3A_591 = vector.broadcast %broadcast_in_dim3A_590 : vector<2000x1xi1> to vector<2000x32xi1>
    %broadcast_in_dim3A_592 = vector.broadcast %jit3A_589 : f32 to vector<2000x32xf32>
    %select_n3A_593 = arith.select %broadcast_in_dim3A_591, %max3A_25, %broadcast_in_dim3A_592 : vector<2000x32xi1>, vector<2000x32xf32>
    %reduce_max3A_594 = arith.constant dense<0xFF800000> : vector<32xf32>
    %reduce_max3A_595 = vector.multi_reduction <maximumf>, %select_n3A_593, %reduce_max3A_594 [0] : vector<2000x32xf32> to vector<32xf32>
    %broadcast_in_dim3A_596 = vector.shape_cast %reduce_max3A_595 : vector<32xf32> to vector<1x32xf32>
    %eq3A_597 = arith.constant 52 : i32
    %eq3A_598 = vector.broadcast %eq3A_597 : i32 to vector<2000x1xi32>
    %eq3A_599 = arith.cmpi eq, %get3A_28, %eq3A_598 : vector<2000x1xi32>
    %jit3A_600 = arith.constant 0xFF800000 : f32
    %broadcast_in_dim3A_601 = vector.shape_cast %eq3A_599 : vector<2000x1xi1> to vector<2000x1xi1>
    %broadcast_in_dim3A_602 = vector.broadcast %broadcast_in_dim3A_601 : vector<2000x1xi1> to vector<2000x32xi1>
    %broadcast_in_dim3A_603 = vector.broadcast %jit3A_600 : f32 to vector<2000x32xf32>
    %select_n3A_604 = arith.select %broadcast_in_dim3A_602, %max3A_25, %broadcast_in_dim3A_603 : vector<2000x32xi1>, vector<2000x32xf32>
    %reduce_max3A_605 = arith.constant dense<0xFF800000> : vector<32xf32>
    %reduce_max3A_606 = vector.multi_reduction <maximumf>, %select_n3A_604, %reduce_max3A_605 [0] : vector<2000x32xf32> to vector<32xf32>
    %broadcast_in_dim3A_607 = vector.shape_cast %reduce_max3A_606 : vector<32xf32> to vector<1x32xf32>
    %eq3A_608 = arith.constant 53 : i32
    %eq3A_609 = vector.broadcast %eq3A_608 : i32 to vector<2000x1xi32>
    %eq3A_610 = arith.cmpi eq, %get3A_28, %eq3A_609 : vector<2000x1xi32>
    %jit3A_611 = arith.constant 0xFF800000 : f32
    %broadcast_in_dim3A_612 = vector.shape_cast %eq3A_610 : vector<2000x1xi1> to vector<2000x1xi1>
    %broadcast_in_dim3A_613 = vector.broadcast %broadcast_in_dim3A_612 : vector<2000x1xi1> to vector<2000x32xi1>
    %broadcast_in_dim3A_614 = vector.broadcast %jit3A_611 : f32 to vector<2000x32xf32>
    %select_n3A_615 = arith.select %broadcast_in_dim3A_613, %max3A_25, %broadcast_in_dim3A_614 : vector<2000x32xi1>, vector<2000x32xf32>
    %reduce_max3A_616 = arith.constant dense<0xFF800000> : vector<32xf32>
    %reduce_max3A_617 = vector.multi_reduction <maximumf>, %select_n3A_615, %reduce_max3A_616 [0] : vector<2000x32xf32> to vector<32xf32>
    %broadcast_in_dim3A_618 = vector.shape_cast %reduce_max3A_617 : vector<32xf32> to vector<1x32xf32>
    %eq3A_619 = arith.constant 54 : i32
    %eq3A_620 = vector.broadcast %eq3A_619 : i32 to vector<2000x1xi32>
    %eq3A_621 = arith.cmpi eq, %get3A_28, %eq3A_620 : vector<2000x1xi32>
    %jit3A_622 = arith.constant 0xFF800000 : f32
    %broadcast_in_dim3A_623 = vector.shape_cast %eq3A_621 : vector<2000x1xi1> to vector<2000x1xi1>
    %broadcast_in_dim3A_624 = vector.broadcast %broadcast_in_dim3A_623 : vector<2000x1xi1> to vector<2000x32xi1>
    %broadcast_in_dim3A_625 = vector.broadcast %jit3A_622 : f32 to vector<2000x32xf32>
    %select_n3A_626 = arith.select %broadcast_in_dim3A_624, %max3A_25, %broadcast_in_dim3A_625 : vector<2000x32xi1>, vector<2000x32xf32>
    %reduce_max3A_627 = arith.constant dense<0xFF800000> : vector<32xf32>
    %reduce_max3A_628 = vector.multi_reduction <maximumf>, %select_n3A_626, %reduce_max3A_627 [0] : vector<2000x32xf32> to vector<32xf32>
    %broadcast_in_dim3A_629 = vector.shape_cast %reduce_max3A_628 : vector<32xf32> to vector<1x32xf32>
    %eq3A_630 = arith.constant 55 : i32
    %eq3A_631 = vector.broadcast %eq3A_630 : i32 to vector<2000x1xi32>
    %eq3A_632 = arith.cmpi eq, %get3A_28, %eq3A_631 : vector<2000x1xi32>
    %jit3A_633 = arith.constant 0xFF800000 : f32
    %broadcast_in_dim3A_634 = vector.shape_cast %eq3A_632 : vector<2000x1xi1> to vector<2000x1xi1>
    %broadcast_in_dim3A_635 = vector.broadcast %broadcast_in_dim3A_634 : vector<2000x1xi1> to vector<2000x32xi1>
    %broadcast_in_dim3A_636 = vector.broadcast %jit3A_633 : f32 to vector<2000x32xf32>
    %select_n3A_637 = arith.select %broadcast_in_dim3A_635, %max3A_25, %broadcast_in_dim3A_636 : vector<2000x32xi1>, vector<2000x32xf32>
    %reduce_max3A_638 = arith.constant dense<0xFF800000> : vector<32xf32>
    %reduce_max3A_639 = vector.multi_reduction <maximumf>, %select_n3A_637, %reduce_max3A_638 [0] : vector<2000x32xf32> to vector<32xf32>
    %broadcast_in_dim3A_640 = vector.shape_cast %reduce_max3A_639 : vector<32xf32> to vector<1x32xf32>
    %eq3A_641 = arith.constant 56 : i32
    %eq3A_642 = vector.broadcast %eq3A_641 : i32 to vector<2000x1xi32>
    %eq3A_643 = arith.cmpi eq, %get3A_28, %eq3A_642 : vector<2000x1xi32>
    %jit3A_644 = arith.constant 0xFF800000 : f32
    %broadcast_in_dim3A_645 = vector.shape_cast %eq3A_643 : vector<2000x1xi1> to vector<2000x1xi1>
    %broadcast_in_dim3A_646 = vector.broadcast %broadcast_in_dim3A_645 : vector<2000x1xi1> to vector<2000x32xi1>
    %broadcast_in_dim3A_647 = vector.broadcast %jit3A_644 : f32 to vector<2000x32xf32>
    %select_n3A_648 = arith.select %broadcast_in_dim3A_646, %max3A_25, %broadcast_in_dim3A_647 : vector<2000x32xi1>, vector<2000x32xf32>
    %reduce_max3A_649 = arith.constant dense<0xFF800000> : vector<32xf32>
    %reduce_max3A_650 = vector.multi_reduction <maximumf>, %select_n3A_648, %reduce_max3A_649 [0] : vector<2000x32xf32> to vector<32xf32>
    %broadcast_in_dim3A_651 = vector.shape_cast %reduce_max3A_650 : vector<32xf32> to vector<1x32xf32>
    %eq3A_652 = arith.constant 57 : i32
    %eq3A_653 = vector.broadcast %eq3A_652 : i32 to vector<2000x1xi32>
    %eq3A_654 = arith.cmpi eq, %get3A_28, %eq3A_653 : vector<2000x1xi32>
    %jit3A_655 = arith.constant 0xFF800000 : f32
    %broadcast_in_dim3A_656 = vector.shape_cast %eq3A_654 : vector<2000x1xi1> to vector<2000x1xi1>
    %broadcast_in_dim3A_657 = vector.broadcast %broadcast_in_dim3A_656 : vector<2000x1xi1> to vector<2000x32xi1>
    %broadcast_in_dim3A_658 = vector.broadcast %jit3A_655 : f32 to vector<2000x32xf32>
    %select_n3A_659 = arith.select %broadcast_in_dim3A_657, %max3A_25, %broadcast_in_dim3A_658 : vector<2000x32xi1>, vector<2000x32xf32>
    %reduce_max3A_660 = arith.constant dense<0xFF800000> : vector<32xf32>
    %reduce_max3A_661 = vector.multi_reduction <maximumf>, %select_n3A_659, %reduce_max3A_660 [0] : vector<2000x32xf32> to vector<32xf32>
    %broadcast_in_dim3A_662 = vector.shape_cast %reduce_max3A_661 : vector<32xf32> to vector<1x32xf32>
    %eq3A_663 = arith.constant 58 : i32
    %eq3A_664 = vector.broadcast %eq3A_663 : i32 to vector<2000x1xi32>
    %eq3A_665 = arith.cmpi eq, %get3A_28, %eq3A_664 : vector<2000x1xi32>
    %jit3A_666 = arith.constant 0xFF800000 : f32
    %broadcast_in_dim3A_667 = vector.shape_cast %eq3A_665 : vector<2000x1xi1> to vector<2000x1xi1>
    %broadcast_in_dim3A_668 = vector.broadcast %broadcast_in_dim3A_667 : vector<2000x1xi1> to vector<2000x32xi1>
    %broadcast_in_dim3A_669 = vector.broadcast %jit3A_666 : f32 to vector<2000x32xf32>
    %select_n3A_670 = arith.select %broadcast_in_dim3A_668, %max3A_25, %broadcast_in_dim3A_669 : vector<2000x32xi1>, vector<2000x32xf32>
    %reduce_max3A_671 = arith.constant dense<0xFF800000> : vector<32xf32>
    %reduce_max3A_672 = vector.multi_reduction <maximumf>, %select_n3A_670, %reduce_max3A_671 [0] : vector<2000x32xf32> to vector<32xf32>
    %broadcast_in_dim3A_673 = vector.shape_cast %reduce_max3A_672 : vector<32xf32> to vector<1x32xf32>
    %eq3A_674 = arith.constant 59 : i32
    %eq3A_675 = vector.broadcast %eq3A_674 : i32 to vector<2000x1xi32>
    %eq3A_676 = arith.cmpi eq, %get3A_28, %eq3A_675 : vector<2000x1xi32>
    %jit3A_677 = arith.constant 0xFF800000 : f32
    %broadcast_in_dim3A_678 = vector.shape_cast %eq3A_676 : vector<2000x1xi1> to vector<2000x1xi1>
    %broadcast_in_dim3A_679 = vector.broadcast %broadcast_in_dim3A_678 : vector<2000x1xi1> to vector<2000x32xi1>
    %broadcast_in_dim3A_680 = vector.broadcast %jit3A_677 : f32 to vector<2000x32xf32>
    %select_n3A_681 = arith.select %broadcast_in_dim3A_679, %max3A_25, %broadcast_in_dim3A_680 : vector<2000x32xi1>, vector<2000x32xf32>
    %reduce_max3A_682 = arith.constant dense<0xFF800000> : vector<32xf32>
    %reduce_max3A_683 = vector.multi_reduction <maximumf>, %select_n3A_681, %reduce_max3A_682 [0] : vector<2000x32xf32> to vector<32xf32>
    %broadcast_in_dim3A_684 = vector.shape_cast %reduce_max3A_683 : vector<32xf32> to vector<1x32xf32>
    %eq3A_685 = arith.constant 60 : i32
    %eq3A_686 = vector.broadcast %eq3A_685 : i32 to vector<2000x1xi32>
    %eq3A_687 = arith.cmpi eq, %get3A_28, %eq3A_686 : vector<2000x1xi32>
    %jit3A_688 = arith.constant 0xFF800000 : f32
    %broadcast_in_dim3A_689 = vector.shape_cast %eq3A_687 : vector<2000x1xi1> to vector<2000x1xi1>
    %broadcast_in_dim3A_690 = vector.broadcast %broadcast_in_dim3A_689 : vector<2000x1xi1> to vector<2000x32xi1>
    %broadcast_in_dim3A_691 = vector.broadcast %jit3A_688 : f32 to vector<2000x32xf32>
    %select_n3A_692 = arith.select %broadcast_in_dim3A_690, %max3A_25, %broadcast_in_dim3A_691 : vector<2000x32xi1>, vector<2000x32xf32>
    %reduce_max3A_693 = arith.constant dense<0xFF800000> : vector<32xf32>
    %reduce_max3A_694 = vector.multi_reduction <maximumf>, %select_n3A_692, %reduce_max3A_693 [0] : vector<2000x32xf32> to vector<32xf32>
    %broadcast_in_dim3A_695 = vector.shape_cast %reduce_max3A_694 : vector<32xf32> to vector<1x32xf32>
    %eq3A_696 = arith.constant 61 : i32
    %eq3A_697 = vector.broadcast %eq3A_696 : i32 to vector<2000x1xi32>
    %eq3A_698 = arith.cmpi eq, %get3A_28, %eq3A_697 : vector<2000x1xi32>
    %jit3A_699 = arith.constant 0xFF800000 : f32
    %broadcast_in_dim3A_700 = vector.shape_cast %eq3A_698 : vector<2000x1xi1> to vector<2000x1xi1>
    %broadcast_in_dim3A_701 = vector.broadcast %broadcast_in_dim3A_700 : vector<2000x1xi1> to vector<2000x32xi1>
    %broadcast_in_dim3A_702 = vector.broadcast %jit3A_699 : f32 to vector<2000x32xf32>
    %select_n3A_703 = arith.select %broadcast_in_dim3A_701, %max3A_25, %broadcast_in_dim3A_702 : vector<2000x32xi1>, vector<2000x32xf32>
    %reduce_max3A_704 = arith.constant dense<0xFF800000> : vector<32xf32>
    %reduce_max3A_705 = vector.multi_reduction <maximumf>, %select_n3A_703, %reduce_max3A_704 [0] : vector<2000x32xf32> to vector<32xf32>
    %broadcast_in_dim3A_706 = vector.shape_cast %reduce_max3A_705 : vector<32xf32> to vector<1x32xf32>
    %eq3A_707 = arith.constant 62 : i32
    %eq3A_708 = vector.broadcast %eq3A_707 : i32 to vector<2000x1xi32>
    %eq3A_709 = arith.cmpi eq, %get3A_28, %eq3A_708 : vector<2000x1xi32>
    %jit3A_710 = arith.constant 0xFF800000 : f32
    %broadcast_in_dim3A_711 = vector.shape_cast %eq3A_709 : vector<2000x1xi1> to vector<2000x1xi1>
    %broadcast_in_dim3A_712 = vector.broadcast %broadcast_in_dim3A_711 : vector<2000x1xi1> to vector<2000x32xi1>
    %broadcast_in_dim3A_713 = vector.broadcast %jit3A_710 : f32 to vector<2000x32xf32>
    %select_n3A_714 = arith.select %broadcast_in_dim3A_712, %max3A_25, %broadcast_in_dim3A_713 : vector<2000x32xi1>, vector<2000x32xf32>
    %reduce_max3A_715 = arith.constant dense<0xFF800000> : vector<32xf32>
    %reduce_max3A_716 = vector.multi_reduction <maximumf>, %select_n3A_714, %reduce_max3A_715 [0] : vector<2000x32xf32> to vector<32xf32>
    %broadcast_in_dim3A_717 = vector.shape_cast %reduce_max3A_716 : vector<32xf32> to vector<1x32xf32>
    %eq3A_718 = arith.constant 63 : i32
    %eq3A_719 = vector.broadcast %eq3A_718 : i32 to vector<2000x1xi32>
    %eq3A_720 = arith.cmpi eq, %get3A_28, %eq3A_719 : vector<2000x1xi32>
    %jit3A_721 = arith.constant 0xFF800000 : f32
    %broadcast_in_dim3A_722 = vector.shape_cast %eq3A_720 : vector<2000x1xi1> to vector<2000x1xi1>
    %broadcast_in_dim3A_723 = vector.broadcast %broadcast_in_dim3A_722 : vector<2000x1xi1> to vector<2000x32xi1>
    %broadcast_in_dim3A_724 = vector.broadcast %jit3A_721 : f32 to vector<2000x32xf32>
    %select_n3A_725 = arith.select %broadcast_in_dim3A_723, %max3A_25, %broadcast_in_dim3A_724 : vector<2000x32xi1>, vector<2000x32xf32>
    %reduce_max3A_726 = arith.constant dense<0xFF800000> : vector<32xf32>
    %reduce_max3A_727 = vector.multi_reduction <maximumf>, %select_n3A_725, %reduce_max3A_726 [0] : vector<2000x32xf32> to vector<32xf32>
    %broadcast_in_dim3A_728 = vector.shape_cast %reduce_max3A_727 : vector<32xf32> to vector<1x32xf32>
    %get3A_729 = arith.constant 0 : index
    %get3A_730 = arith.constant 0 : index
    %get3A_731 = vector.load %arg6[%get3A_729, %get3A_730] : memref<64x32xf32, #tpu.memory_space<vmem>>, vector<64x32xf32>
    %concatenate3A = tpu.concatenate %broadcast_in_dim3A_35, %broadcast_in_dim3A_46, %broadcast_in_dim3A_57, %broadcast_in_dim3A_68, %broadcast_in_dim3A_79, %broadcast_in_dim3A_90, %broadcast_in_dim3A_101, %broadcast_in_dim3A_112, %broadcast_in_dim3A_123, %broadcast_in_dim3A_134, %broadcast_in_dim3A_145, %broadcast_in_dim3A_156, %broadcast_in_dim3A_167, %broadcast_in_dim3A_178, %broadcast_in_dim3A_189, %broadcast_in_dim3A_200, %broadcast_in_dim3A_211, %broadcast_in_dim3A_222, %broadcast_in_dim3A_233, %broadcast_in_dim3A_244, %broadcast_in_dim3A_255, %broadcast_in_dim3A_266, %broadcast_in_dim3A_277, %broadcast_in_dim3A_288, %broadcast_in_dim3A_299, %broadcast_in_dim3A_310, %broadcast_in_dim3A_321, %broadcast_in_dim3A_332, %broadcast_in_dim3A_343, %broadcast_in_dim3A_354, %broadcast_in_dim3A_365, %broadcast_in_dim3A_376, %broadcast_in_dim3A_387, %broadcast_in_dim3A_398, %broadcast_in_dim3A_409, %broadcast_in_dim3A_420, %broadcast_in_dim3A_431, %broadcast_in_dim3A_442, %broadcast_in_dim3A_453, %broadcast_in_dim3A_464, %broadcast_in_dim3A_475, %broadcast_in_dim3A_486, %broadcast_in_dim3A_497, %broadcast_in_dim3A_508, %broadcast_in_dim3A_519, %broadcast_in_dim3A_530, %broadcast_in_dim3A_541, %broadcast_in_dim3A_552, %broadcast_in_dim3A_563, %broadcast_in_dim3A_574, %broadcast_in_dim3A_585, %broadcast_in_dim3A_596, %broadcast_in_dim3A_607, %broadcast_in_dim3A_618, %broadcast_in_dim3A_629, %broadcast_in_dim3A_640, %broadcast_in_dim3A_651, %broadcast_in_dim3A_662, %broadcast_in_dim3A_673, %broadcast_in_dim3A_684, %broadcast_in_dim3A_695, %broadcast_in_dim3A_706, %broadcast_in_dim3A_717, %broadcast_in_dim3A_728 in 0 : vector<1x32xf32>, vector<1x32xf32>, vector<1x32xf32>, vector<1x32xf32>, vector<1x32xf32>, vector<1x32xf32>, vector<1x32xf32>, vector<1x32xf32>, vector<1x32xf32>, vector<1x32xf32>, vector<1x32xf32>, vector<1x32xf32>, vector<1x32xf32>, vector<1x32xf32>, vector<1x32xf32>, vector<1x32xf32>, vector<1x32xf32>, vector<1x32xf32>, vector<1x32xf32>, vector<1x32xf32>, vector<1x32xf32>, vector<1x32xf32>, vector<1x32xf32>, vector<1x32xf32>, vector<1x32xf32>, vector<1x32xf32>, vector<1x32xf32>, vector<1x32xf32>, vector<1x32xf32>, vector<1x32xf32>, vector<1x32xf32>, vector<1x32xf32>, vector<1x32xf32>, vector<1x32xf32>, vector<1x32xf32>, vector<1x32xf32>, vector<1x32xf32>, vector<1x32xf32>, vector<1x32xf32>, vector<1x32xf32>, vector<1x32xf32>, vector<1x32xf32>, vector<1x32xf32>, vector<1x32xf32>, vector<1x32xf32>, vector<1x32xf32>, vector<1x32xf32>, vector<1x32xf32>, vector<1x32xf32>, vector<1x32xf32>, vector<1x32xf32>, vector<1x32xf32>, vector<1x32xf32>, vector<1x32xf32>, vector<1x32xf32>, vector<1x32xf32>, vector<1x32xf32>, vector<1x32xf32>, vector<1x32xf32>, vector<1x32xf32>, vector<1x32xf32>, vector<1x32xf32>, vector<1x32xf32>, vector<1x32xf32> -> vector<64x32xf32>
    %max3A_732 = arith.maximumf %get3A_731, %concatenate3A : vector<64x32xf32>
    %swap3A = arith.constant 0 : index
    %swap3A_733 = arith.constant 0 : index
    %swap3A_734 = vector.load %arg6[%swap3A, %swap3A_733] : memref<64x32xf32, #tpu.memory_space<vmem>>, vector<64x32xf32>
    tpu.vector_store %arg6[%swap3A, %swap3A_733], %max3A_732 {strides = array<i32>} : memref<64x32xf32, #tpu.memory_space<vmem>>, vector<64x32xf32>,
    return
  }
  func.func @transform_0(%arg0: i32) -> (i32, i32, i32) {
    %c0_i32 = arith.constant 0 : i32
    %c0_i32_0 = arith.constant 0 : i32
    %c0_i32_1 = arith.constant 0 : i32
    return %c0_i32, %arg0, %c0_i32_0 : i32, i32, i32
  }
  func.func @transform_1(%arg0: i32) -> (i32, i32) {
    %c0_i32 = arith.constant 0 : i32
    %c0_i32_0 = arith.constant 0 : i32
    return %arg0, %c0_i32 : i32, i32
  }
  func.func @transform_2(%arg0: i32) -> (i32, i32) {
    %c0_i32 = arith.constant 0 : i32
    %c0_i32_0 = arith.constant 0 : i32
    return %arg0, %c0_i32 : i32, i32
  }
  func.func @transform_3(%arg0: i32) -> (i32, i32) {
    %c0_i32 = arith.constant 0 : i32
    %c0_i32_0 = arith.constant 0 : i32
    %c0_i32_1 = arith.constant 0 : i32
    return %c0_i32, %c0_i32_0 : i32, i32
  }
  func.func @transform_4(%arg0: i32) -> (i32, i32) {
    %c0_i32 = arith.constant 0 : i32
    %c0_i32_0 = arith.constant 0 : i32
    return %arg0, %c0_i32 : i32, i32
  }
  func.func @transform_5(%arg0: i32) -> (i32, i32) {
    %c0_i32 = arith.constant 0 : i32
    %c0_i32_0 = arith.constant 0 : i32
    %c0_i32_1 = arith.constant 0 : i32
    return %c0_i32, %c0_i32_0 : i32, i32
  }
}

module attributes {stable_mosaic.version = 14 : i64} {
  func.func @_k_head_body(%arg0: memref<64x32xf32, #tpu.memory_space<vmem>>, %arg1: memref<32x1024xf32, #tpu.memory_space<vmem>>, %arg2: memref<1x1024xf32, #tpu.memory_space<vmem>>, %arg3: memref<1024x512xf32, #tpu.memory_space<vmem>>, %arg4: memref<1x512xf32, #tpu.memory_space<vmem>>, %arg5: memref<512x256xf32, #tpu.memory_space<vmem>>, %arg6: memref<1x256xf32, #tpu.memory_space<vmem>>, %arg7: memref<256x1xf32, #tpu.memory_space<vmem>>, %arg8: memref<1x1xf32, #tpu.memory_space<vmem>>, %arg9: memref<64x1xf32, #tpu.memory_space<vmem>>, %arg10: memref<64x256xf32, #tpu.memory_space<vmem>>) attributes {dimension_semantics = [], scalar_prefetch = 0 : i64, scratch_operands = 0 : i64, tpu.core_type = #tpu.core_type<tc>} {
    %get3A = arith.constant 0 : index
    %get3A_0 = arith.constant 0 : index
    %get3A_1 = vector.load %arg0[%get3A, %get3A_0] : memref<64x32xf32, #tpu.memory_space<vmem>>, vector<64x32xf32>
    %is_finite3A = tpu.weird %get3A_1 : vector<64x32xf32> -> vector<64x32xi1>
    %is_finite3A_2 = arith.constant dense<true> : vector<64x32xi1>
    %is_finite3A_3 = arith.xori %is_finite3A, %is_finite3A_2 : vector<64x32xi1>
    %jit3A = arith.constant 0.000000e+00 : f32
    %broadcast_in_dim3A = vector.broadcast %jit3A : f32 to vector<64x32xf32>
    %select_n3A = arith.select %is_finite3A_3, %get3A_1, %broadcast_in_dim3A : vector<64x32xi1>, vector<64x32xf32>
    %get3A_4 = arith.constant 0 : index
    %get3A_5 = arith.constant 0 : index
    %get3A_6 = vector.load %arg1[%get3A_4, %get3A_5] : memref<32x1024xf32, #tpu.memory_space<vmem>>, vector<32x1024xf32>
    %dot_general3A = arith.constant dense<0.000000e+00> : vector<64x1024xf32>
    %dot_general3A_7 = tpu.matmul %select_n3A, %get3A_6, %dot_general3A {dimension_numbers = #tpu.dot_dimension_numbers<[1], [0], [0], [1], [0, 0, 1, 1], [], []>, transpose_lhs_hint = false} : vector<64x32xf32>, vector<32x1024xf32>, vector<64x1024xf32> -> vector<64x1024xf32>
    %get3A_8 = arith.constant 0 : index
    %get3A_9 = arith.constant 0 : index
    %get3A_10 = vector.load %arg2[%get3A_8, %get3A_9] : memref<1x1024xf32, #tpu.memory_space<vmem>>, vector<1x1024xf32>
    %add3A = vector.broadcast %get3A_10 : vector<1x1024xf32> to vector<64x1024xf32>
    %add3A_11 = arith.addf %dot_general3A_7, %add3A : vector<64x1024xf32>
    %max3A = arith.constant 0.000000e+00 : f32
    %max3A_12 = vector.broadcast %max3A : f32 to vector<64x1024xf32>
    %max3A_13 = arith.maximumf %add3A_11, %max3A_12 : vector<64x1024xf32>
    %get3A_14 = arith.constant 0 : index
    %get3A_15 = arith.constant 0 : index
    %get3A_16 = vector.load %arg3[%get3A_14, %get3A_15] : memref<1024x512xf32, #tpu.memory_space<vmem>>, vector<1024x512xf32>
    %dot_general3A_17 = arith.constant dense<0.000000e+00> : vector<64x512xf32>
    %dot_general3A_18 = tpu.matmul %max3A_13, %get3A_16, %dot_general3A_17 {dimension_numbers = #tpu.dot_dimension_numbers<[1], [0], [0], [1], [0, 0, 1, 1], [], []>, transpose_lhs_hint = false} : vector<64x1024xf32>, vector<1024x512xf32>, vector<64x512xf32> -> vector<64x512xf32>
    %get3A_19 = arith.constant 0 : index
    %get3A_20 = arith.constant 0 : index
    %get3A_21 = vector.load %arg4[%get3A_19, %get3A_20] : memref<1x512xf32, #tpu.memory_space<vmem>>, vector<1x512xf32>
    %add3A_22 = vector.broadcast %get3A_21 : vector<1x512xf32> to vector<64x512xf32>
    %add3A_23 = arith.addf %dot_general3A_18, %add3A_22 : vector<64x512xf32>
    %max3A_24 = arith.constant 0.000000e+00 : f32
    %max3A_25 = vector.broadcast %max3A_24 : f32 to vector<64x512xf32>
    %max3A_26 = arith.maximumf %add3A_23, %max3A_25 : vector<64x512xf32>
    %get3A_27 = arith.constant 0 : index
    %get3A_28 = arith.constant 0 : index
    %get3A_29 = vector.load %arg5[%get3A_27, %get3A_28] : memref<512x256xf32, #tpu.memory_space<vmem>>, vector<512x256xf32>
    %dot_general3A_30 = arith.constant dense<0.000000e+00> : vector<64x256xf32>
    %dot_general3A_31 = tpu.matmul %max3A_26, %get3A_29, %dot_general3A_30 {dimension_numbers = #tpu.dot_dimension_numbers<[1], [0], [0], [1], [0, 0, 1, 1], [], []>, transpose_lhs_hint = false} : vector<64x512xf32>, vector<512x256xf32>, vector<64x256xf32> -> vector<64x256xf32>
    %get3A_32 = arith.constant 0 : index
    %get3A_33 = arith.constant 0 : index
    %get3A_34 = vector.load %arg6[%get3A_32, %get3A_33] : memref<1x256xf32, #tpu.memory_space<vmem>>, vector<1x256xf32>
    %add3A_35 = vector.broadcast %get3A_34 : vector<1x256xf32> to vector<64x256xf32>
    %add3A_36 = arith.addf %dot_general3A_31, %add3A_35 : vector<64x256xf32>
    %max3A_37 = arith.constant 0.000000e+00 : f32
    %max3A_38 = vector.broadcast %max3A_37 : f32 to vector<64x256xf32>
    %max3A_39 = arith.maximumf %add3A_36, %max3A_38 : vector<64x256xf32>
    %swap3A = arith.constant 0 : index
    %swap3A_40 = arith.constant 0 : index
    %swap3A_41 = vector.load %arg10[%swap3A, %swap3A_40] : memref<64x256xf32, #tpu.memory_space<vmem>>, vector<64x256xf32>
    tpu.vector_store %arg10[%swap3A, %swap3A_40], %max3A_39 {strides = array<i32>} : memref<64x256xf32, #tpu.memory_space<vmem>>, vector<64x256xf32>,
    %get3A_42 = arith.constant 0 : index
    %get3A_43 = arith.constant 0 : index
    %get3A_44 = vector.load %arg7[%get3A_42, %get3A_43] : memref<256x1xf32, #tpu.memory_space<vmem>>, vector<256x1xf32>
    %dot_general3A_45 = arith.constant dense<0.000000e+00> : vector<64x1xf32>
    %dot_general3A_46 = tpu.matmul %max3A_39, %get3A_44, %dot_general3A_45 {dimension_numbers = #tpu.dot_dimension_numbers<[1], [0], [0], [1], [0, 0, 1, 1], [], []>, transpose_lhs_hint = false} : vector<64x256xf32>, vector<256x1xf32>, vector<64x1xf32> -> vector<64x1xf32>
    %get3A_47 = arith.constant 0 : index
    %get3A_48 = arith.constant 0 : index
    %get3A_49 = vector.load %arg8[%get3A_47, %get3A_48] : memref<1x1xf32, #tpu.memory_space<vmem>>, vector<1x1xf32>
    %add3A_50 = vector.broadcast %get3A_49 : vector<1x1xf32> to vector<64x1xf32>
    %add3A_51 = arith.addf %dot_general3A_46, %add3A_50 : vector<64x1xf32>
    %swap3A_52 = arith.constant 0 : index
    %swap3A_53 = arith.constant 0 : index
    %swap3A_54 = vector.load %arg9[%swap3A_52, %swap3A_53] : memref<64x1xf32, #tpu.memory_space<vmem>>, vector<64x1xf32>
    tpu.vector_store %arg9[%swap3A_52, %swap3A_53], %add3A_51 {strides = array<i32>} : memref<64x1xf32, #tpu.memory_space<vmem>>, vector<64x1xf32>,
    return
  }
}

</mosaic_0001>

<sc_bundles>
// kernel: kernel.19.cloned.1.call-start
scs
__scs_entry_jumppad:
0x0: {  	(pc) =	sbr.rel $0x88, $3  }
0x1: {  	(tag) =	ssettag $0x0;
	lr =	simm.s32 $0x1  }
0x2: {  	[smem:$0x3F8E] =	sst lr;
	_ =	strace $0xD0000000  }
0x3: {  	_ = 	snop  }
0x4: {  	_ = 	snop  }
0x5: {  	_ = 	snop  }
0x6: {  	_ = 	snop  }
0x7: {  	_ = 	snop  }
__scs_overlays_trampoline_lowered:
0x8: {  	[smem:$0x3F9D] =	sst s0  }
0x9: {  	[smem:$0x3F9E] =	sst s1  }
0xa: {  	[smem:$0x3F9F] =	sst s2  }
0xb: {  	[smem:$0x3FA0] =	sst s3  }
0xc: {  	[smem:$0x3FA1] =	sst s4  }
0xd: {  	[smem:$0x3FA2] =	sst s5  }
0xe: {  	[smem:$0x3FA3] =	sst s6  }
0xf: {  	[smem:$0x3FA4] =	sst s7  }
0x10: {  	[smem:$0x3FA5] =	sst s8  }
0x11: {  	[smem:$0x3FA6] =	sst s9;
	s0 =	simm.s32 @!p0 $0x0  }
0x12: {  	s1 =	sld [smem:$0x3F8C];
	s0 =	simm.s32 @p0 $0x1  }
0x13: {  	[smem:$0x3FA7] =	sst s0;
	s0 =	simm.s32 @!p1 $0x0  }
0x14: {  	s2 =	sld [smem:$0x3F8B];
	s0 =	simm.s32 @p1 $0x1  }
0x15: {  	[smem:$0x3FA8] =	sst s0;
	s0 =	simm.s32 @!p2 $0x0  }
0x16: {  	s3 =	sld [smem:$0x3FDB];
	s0 =	simm.s32 @p2 $0x1  }
0x17: {  	s4 =	simm.s32 $0x1BF5;
	[smem:$0x3FAA] =	sst s0  }
0x18: {  	s0 =	sld [smem:$0x3F8D];
	_ =	swait.ge [sflag:s4], $0x0  }
0x19: {  	s7 =	sld [smem:$0x3F8E]  }
0x1a: {  	s8 =	sadd.s32 $0xFFFFE003, lr  }
0x1b: {  	s9 =	sadd.s32 $0xFFFFFEF7, lr;
	s5 =	simm.s32 $0xFFFFFFFF;
	p2 =	slt.u32 s8, $0xFFFFF086  }
0x1c: {  	p1 =	slt.u32 s9, $0xF7A;
	s5 =	simm.s32 @!p2 $0x0  }
0x1d: {  	s5 =	simm.s32 @p1 $0x1;
	p0 =	seq.s32 s7, s2  }
0x1e: {  	s7 =	smul.u32 @!p0 $0xF7A, s2;
	p2 =	seq.s32 @!p0 s5, $0x0  }
0x1f: {  	s9 =	smul.u32 $0xF7A, s1;
	s8 =	simm.s32 @!p0 $0x1BF5;
	p2 =	por !p2, p0  }
0x20: {  	[sflag:s8] =	ssyncset.s32 @!p0 $0xFFFFF086;
	s6 =	sadd.s32 @!p0 s3, s7;
	s7 =	simm.s32 @!p0 $0x108  }
0x21: {  	s3 =	sadd.s32 s3, s9;
	s6 =	sadd.s32 @!p0 $0x88, s6;
	s7 =	simm.s32 @p2 $0x1082  }
0x22: {  	[simem:s7], [sflag:s8] =	dma.local @!p0 [hbm:s6], $0xF7A  }
0x23: {  	s9 =	sor.u32 $0xD0000000, s2;
	s6 =	simm.s32 $0x108;
	_ =	swait.ge @!p0 [sflag:s8], $0x0  }
0x24: {  	s3 =	sadd.s32 $0x88, s3;
	s6 =	simm.s32 @!p1 $0x1082;
	[sflag:s4] =	ssyncset.s32 $0xFFFFF086  }
0x25: {  	[simem:s6], [sflag:s4] =	dma.local [hbm:s3], $0xF7A  }
0x26: {  	[smem:$0x3F8E] =	sst s1;
	(tag) =	ssettag s2;
	_ =	strace s9  }
0x27: {  	s1 =	sld [smem:$0x3F9E]  }
0x28: {  	s2 =	sld [smem:$0x3F9F]  }
0x29: {  	s4 =	sld [smem:$0x3FA1]  }
0x2a: {  	p0 =	seq.s32 s5, $0x0;
	s5 =	sld [smem:$0x3FA2]  }
0x2b: {  	s6 =	sld [smem:$0x3FA3]  }
0x2c: {  	s7 =	sld [smem:$0x3FA4]  }
0x2d: {  	s3 =	simm.s32 $0x108;
	s8 =	sld [smem:$0x3FA5]  }
0x2e: {  	s3 =	simm.s32 @!p0 $0x1082;
	s9 =	sld [smem:$0x3FA6]  }
0x2f: {  	lr =	sadd.s32 s0, s3;
	s0 =	sld [smem:$0x3F9D]  }
0x30: {  	s3 =	sld [smem:$0x3FA0]  }
0x31: {  	[smem:$0x3FA9] =	sst s10  }
0x32: {  	s10 =	sld [smem:$0x3FA7];
	_ =	sdelay $0x3  }
0x33: {  	p0 =	seq.s32 s10, $0x1;
	s10 =	sld [smem:$0x3FA9];
	_ =	sdelay $0x3  }
0x34: {  	[smem:$0x3FA9] =	sst s10  }
0x35: {  	s10 =	sld [smem:$0x3FA8];
	_ =	sdelay $0x3  }
0x36: {  	p1 =	seq.s32 s10, $0x1;
	s10 =	sld [smem:$0x3FA9];
	_ =	sdelay $0x3  }
0x37: {  	[smem:$0x3FA9] =	sst s10  }
0x38: {  	s10 =	sld [smem:$0x3FAA]  }
0x39: {  	_ = 	snop;
	(pc) =	sbr.ind lr, $3  }
0x3a: {  	_ = 	snop  }
0x3b: {  	_ = 	snop  }
0x3c: {  	p2 =	seq.s32 s10, $0x1;
	s10 =	sld [smem:$0x3FA9]  }
0x3d: {  	_ =	shalt  }
0x3e: {  	_ =	shalt  }
0x3f: {  	_ =	shalt  }
0x40: {  	_ =	shalt  }
0x41: {  	_ =	shalt  }
0x42: {  	_ =	shalt  }
0x43: {  	_ =	shalt  }
0x44: {  	_ =	shalt  }
0x45: {  	_ =	shalt  }
0x46: {  	_ =	shalt  }
0x47: {  	_ =	shalt  }
0x48: {  	_ =	shalt  }
0x49: {  	_ =	shalt  }
0x4a: {  	_ =	shalt  }
0x4b: {  	_ =	shalt  }
0x4c: {  	_ =	shalt  }
0x4d: {  	_ =	shalt  }
0x4e: {  	_ =	shalt  }
0x4f: {  	_ =	shalt  }
0x50: {  	_ =	shalt  }
0x51: {  	_ =	shalt  }
0x52: {  	_ =	shalt  }
0x53: {  	_ =	shalt  }
0x54: {  	_ =	shalt  }
0x55: {  	_ =	shalt  }
0x56: {  	_ =	shalt  }
0x57: {  	_ =	shalt  }
0x58: {  	_ =	shalt  }
0x59: {  	_ =	shalt  }
0x5a: {  	_ =	shalt  }
0x5b: {  	_ =	shalt  }
0x5c: {  	_ =	shalt  }
0x5d: {  	_ =	shalt  }
0x5e: {  	_ =	shalt  }
0x5f: {  	_ =	shalt  }
0x60: {  	_ =	shalt  }
0x61: {  	_ =	shalt  }
0x62: {  	_ =	shalt  }
0x63: {  	_ =	shalt  }
0x64: {  	_ =	shalt  }
0x65: {  	_ =	shalt  }
0x66: {  	_ =	shalt  }
0x67: {  	_ =	shalt  }
0x68: {  	_ =	shalt  }
0x69: {  	_ =	shalt  }
0x6a: {  	_ =	shalt  }
0x6b: {  	_ =	shalt  }
0x6c: {  	_ =	shalt  }
0x6d: {  	_ =	shalt  }
0x6e: {  	_ =	shalt  }
0x6f: {  	_ =	shalt  }
0x70: {  	_ =	shalt  }
0x71: {  	_ =	shalt  }
0x72: {  	_ =	shalt  }
0x73: {  	_ =	shalt  }
0x74: {  	_ =	shalt  }
0x75: {  	_ =	shalt  }
0x76: {  	_ =	shalt  }
0x77: {  	_ =	shalt  }
0x78: {  	_ =	shalt  }
0x79: {  	_ =	shalt  }
0x7a: {  	_ =	shalt  }
0x7b: {  	_ =	shalt  }
0x7c: {  	_ =	shalt  }
0x7d: {  	_ =	shalt  }
0x7e: {  	_ =	shalt  }
0x7f: {  	_ =	shalt  }
0x80: {  	_ =	shalt  }
0x81: {  	_ =	shalt  }
0x82: {  	_ =	shalt  }
0x83: {  	_ =	shalt  }
0x84: {  	_ =	shalt  }
0x85: {  	_ =	shalt  }
0x86: {  	_ =	shalt  }
0x87: {  	_ =	shalt  }
.Lfunc_end0:
.L_simem_size_0:
called_computation_lowered:
.L_overlay_start_0:
0x88: {  	s2 =	sld [smem:$0x3FD9]  }
0x89: {  	s3 =	sld [smem:$0x3FFE];
	_ =	sdelay $0x1  }
0x8a: {  	s1 =	srdreg.scid  }
0x8b: {  	s0 =	sand.u32 $0x1, s1  }
0x8c: {  	s16 =	sshll.u32 s0, $0xA;
	s2 =	sadd.s32 s3, s2  }
0x8d: {  	s2 =	sadd.s32 s2, s16  }
0x8e: {  	[smem:$0x3FB5] =	sst s2  }
0x8f: {  	_ = 	snop  }
0x90: {  	(tm) =	ssettm $0x1  }
0x91: {  	s17 =	sld [smem:$0x3FFB];
	_ =	sdelay $0x3  }
0x92: {  	_ =	strace s17  }
0x93: {  	s2 =	sld [smem:$0x3FFC];
	_ =	sdelay $0x3  }
0x94: {  	_ =	strace s2  }
0x95: {  	s2 =	sld [smem:$0x3FFD];
	_ =	sdelay $0x3  }
0x96: {  	_ =	strace s2  }
0x97: {  	_ =	strace $0x8FFFFFFF  }
0x98: {  	s18 =	sld [smem:$0x3FDB];
	_ =	sdelay $0x1  }
0x99: {  	s19 =	simm.s32 $_scs_section_size  }
0x9a: {  	s4 =	simm.s32 $_size__tile_overlayer_lowered;
	s5 =	simm.s32 $_tile_overlayer_lowered  }
0x9b: {  	s22 =	simm.s32 $0x1BFF;
	s21 =	sshll.u32 s5, $0x1;
	s2 =	sadd.s32 s19, s18  }
0x9c: {  	s6 =	simm.s32 $0x0;
	s20 =	sshll.u32 s4, $0x1;
	s4 =	sadd.s32 s21, s2  }
0x9d: {  	[timem:s6], [sflag:s22] =	dma.local [hbm:s4], s20  }
0x9e: {  	_ =	swait.ge [sflag:s22], s20  }
0x9f: {  	s3 =	ssub.s32 $0x0, s20;
	[sflag:s22] =	ssyncset.done $0x0  }
0xa0: {  	[sflag:s22] =	ssyncadd.s32 s3;
	_ =	sdelay $0x1  }
0xa1: {  	s23 =	simm.s32 $0x1B8B  }
0xa2: {  	_ =	swait.ge [sflag:s23], $0x1  }
0xa3: {  	[sflag:s23] =	ssyncset.done $0x0  }
0xa4: {  	s25 =	simm.s32 $0x1B8E;
	s24 =	sld [smem:$0x3FFE];
	[sflag:s23] =	ssyncadd.s32 $0xFFFFFFFF  }
0xa5: {  	s26 =	simm.s32 $execute0_lowered;
	[smem:$0x3FD2] =	sst s25  }
0xa6: {  	s4 =	sshll.u32 s26, $0x1;
	_ =	strace $0x80000046;
	[dreg:$0x1] =	wrdreg $0xFFFFFFFF  }
0xa7: {  	s28 =	simm.s32 $_size_execute0_lowered;
	s2 =	sadd.s32 s2, s4;
	[dreg:$0x0] =	wrdreg $0x0  }
0xa8: {  	s4 =	sshll.u32 s28, $0x1;
	[dreg:$0x2] =	wrdreg s2  }
0xa9: {  	[dreg:$0x3] =	wrdreg s4  }
0xaa: {  	[dreg:$0x4] =	wrdreg $0xC0  }
0xab: {  	_ =	task [dreg:s6], $0x5FFFF  }
0xac: {  	[dreg:$0x1] =	wrdreg $0xFFFFFFFF  }
0xad: {  	[dreg:$0x0] =	wrdreg $0x60  }
0xae: {  	[dreg:$0x2] =	wrdreg s24  }
0xaf: {  	[dreg:$0x3] =	wrdreg $0x1A900  }
0xb0: {  	[dreg:$0x4] =	wrdreg $0x9  }
0xb1: {  	_ =	task.clear_ibuf [dreg:s6], $0x5FFFF;
	_ =	strace $0x90000046  }
0xb2: {  	s29 =	simm.s32 $0x9;
	_ =	strace $0x80000048  }
0xb3: {  	_ =	swait.ge [sflag:s29], $0x1  }
0xb4: {  	[sflag:s29] =	ssyncadd.s32 $0xFFFFFFFF  }
0xb5: {  	_ =	strace $0x90000048  }
0xb6: {  	_ =	sfence  }
0xb7: {  	s30 =	sld [smem:$0x0];
	_ =	sdelay $0x2  }
0xb8: {  	s31 =	sshll.u32 s1, $0xD;
	s1 =	sshrl.u32 s1, $0x2  }
0xb9: {  	s3 =	sand.u32 $0x4000, s31;
	s1 =	sadd.s32 s1, s30  }
0xba: {  	s0 =	sor.u32 s3, s0;
	s1 =	sshll.u32 s1, $0x11  }
0xbb: {  	s0 =	sor.u32 s1, s0  }
0xbc: {  	s0 =	sadd.s32 $0x8F2B, s0  }
0xbd: {  	[sflag:s0] =	ssyncadd.remote.s32 $0x1  }
0xbe: {  	_ =	sfence.sel $0xFFFF  }
0xbf: {  	[dreg:$0x0] =	wrdreg $0xFFFFFFFF;
	(pc) =	sbr.abs _section_cstart, $3  }
0xc0: {  	[dreg:$0x1] =	wrdreg $0xFFFFFFFF  }
0xc1: {  	_ =	task.clear_ibuf [dreg:s6], $0x2FFFF;
	_ =	strace $0x9FFFFFFF  }
0xc2: {  	(tm) =	ssettm $0x7FFFFFFF  }
0xc3: {  	_ =	shalt  }
tec
execute0_lowered:
.L_overlay_start_1:
0x0: {  	(tag) =	ssettag $0x1  }
0x1: {  	s1 =	srdreg.scid;
	s6 =	rddreg [dreg:$0x0]  }
0x2: {  	s0 =	stileid.u32;
	s2 =	rddreg [dreg:$0x1];
	s3 =	simm.s32 $0x0  }
0x3: {  	s16 =	simm.s32 $0x190;
	s17 =	simm.s32 $0x1;
	s4 =	smul.u32 $0xC350, s0  }
0x4: {  	s7 =	sand.u32 $0x1, s1;
	s1 =	rddreg [dreg:$0x2];
	s8 =	smul.u32 $0x61C00, s0  }
0x5: {  	s19 =	simm.s32 $0x0;
	[smem:$0x7FF] =	sst s3;
	s11 =	smul.u32 $0x18700, s0  }
0x6: {  	s12 =	sadd.s32 $0x69E00, s6;
	s15 =	sadd.s32 $0x16E900, s2;
	s5 =	smul.u32 $0x61A8, s7  }
0x7: {  	p0 =	seq.s32 s0, $0xF;
	s9 =	smul.u32 $0x186A00, s7;
	s7 =	ssub.s32 $0x2, s7  }
0x8: {  	_ =	strace $0x80000047;
	s29 =	sshrl.u32 s7, $0x1;
	s8 =	sshrl.u32 s8, $0x2  }
0x9: {  	s18 =	sadd.s32 s11, s2;
	s4 =	sadd.s32 s5, s4;
	s13 =	ssub.s32 s7, s29  }
0xa: {  	s14 =	sadd.s32 s8, s2;
	s30 =	sadd.s32 s11, s9;
	s31 =	sshrl.u32 s9, $0x3  }
0xb: {  	s11 =	sshrl.u32 @p0 s15, $0x3;
	s15 =	simm.s32 $0xC8;
	s18 =	sshrl.u32 @!p0 s18, $0x3  }
0xc: {  	s5 =	sshrl.u32 s4, $0x3;
	s4 =	sadd.s32 $0x39000, s6;
	s7 =	sadd.s32 s12, s31  }
0xd: {  	s8 =	smax.u32 s13, $0x1;
	s13 =	sshrl.u32 @!p0 s14, $0x3;
	s14 =	simm.s32 $0x2  }
0xe: {  	s10 =	sadd.s32 s5, s6;
	s5 =	sadd.s32 $0x35E00, s6;
	s6 =	sshrl.u32 s30, $0x3  }
0xf: {  	s7 =	sadd.s32 $0x2DD20, s7;
	s6 =	sadd.s32 s12, s6;
	s12 =	sshll.u32 @!p0 s0, $0x6  }
0x10: {  	s9 =	sadd.s32 $0x4E00, s10;
	s10 =	sadd.s32 $0x1D600, s10;
	s12 =	sor.u32 @!p0 $0x1C02, s12  }
.LBB2_1:
0x11: {  	s20 =	simm.s32 @p0 $0x1FC2  }
0x12: {  	[spmem:s11], [sflag:s20] =	dma.local @p0 [hbm:s5], $0x3020  }
0x13: {  	s20 =	simm.s32 @p0 $0x2  }
0x14: {  	_ =	swait.ge @p0 [sflag:s20], $0x3020  }
0x15: {  	[sflag:s20] =	ssyncset.done @p0 $0x0  }
0x16: {  	[sflag:s20] =	ssyncadd.s32 @p0 $0xFFFFCFE0;
	s20 =	simm.s32 @!p0 $0x2  }
0x17: {  	[spmem:s13], [sflag:s12] =	dma.local @!p0 [hbm:s5], $0x30E0  }
0x18: {  	_ =	swait.ge @!p0 [sflag:s20], $0x30E0  }
0x19: {  	[sflag:s20] =	ssyncset.done @!p0 $0x0  }
0x1a: {  	[sflag:s20] =	ssyncadd.s32 @!p0 $0xFFFFCF20  }
0x1b: {  	s30 =	sadd.s32 $0x0, s10;
	[bflag:$0x0] =	sbarrier.arrive $0xFFFF  }
0x1c: {  	[tilespmem:s3], [sflag:$0x2] =	stream.linear.gather [hbm4b:s30+s3], $0xC8, $0x38;
	[tilespmem:$0x1A130] =	vst v63  }
0x1d: {  	_ =	swait.ge [sflag:s14], $0xC8  }
0x1e: {  	[sflag:s14] =	ssyncset.done $0x0  }
0x1f: {  	s31 =	sadd.s32 $0x0, s9;
	[sflag:s14] =	ssyncadd.s32 $0xFFFFFF38  }
0x20: {  	[tilespmem:s15], [sflag:$0x2] =	stream.linear.gather [hbm4b:s31+s3], $0xC8, $0x38;
	[tilespmem:$0x1A130] =	vst v63  }
0x21: {  	_ =	swait.ge [sflag:s14], $0xC8  }
0x22: {  	[sflag:s14] =	ssyncset.done $0x0  }
0x23: {  	[sflag:s14] =	ssyncadd.s32 $0xFFFFFF38  }
0x24: {  	[tilespmem:s16], [sflag:$0x1] =	stream.indirect.gather [hbm4b:s4+s15], $0x20, s3, s15, $0xb8;
	[tilespmem:$0x1A130] =	vst v63  }
0x25: {  	_ =	swait.ge [sflag:s17], $0x1900  }
0x26: {  	[sflag:s17] =	ssyncset.done $0x0  }
0x27: {  	[sflag:s17] =	ssyncadd.s32 $0xFFFFE700  }
0x28: {  	[spmem:s2] =	stream.indirect.scatter.add.f32 [tilespmem:s16], [sflag:$0x2], $0x20, s15, s15, $0xb8;
	[tilespmem:$0x1A130] =	vst v63  }
0x29: {  	_ =	swait.ge [sflag:s14], $0x1900  }
0x2a: {  	s21 =	simm.s32 $0x32;
	s20 =	simm.s32 $0x19;
	[sflag:s14] =	ssyncset.done $0x0  }
.LBB2_2:
0x2b: {  	s22 =	sadd.s32 s20, s10  }
0x2c: {  	[sflag:s14] =	ssyncadd.s32 $0xFFFFE700;
	s23 =	smov.u32 s21;
	s24 =	sadd.s32 $0x19, s21  }
0x2d: {  	[tilespmem:s3], [sflag:$0x2] =	stream.linear.gather [hbm4b:s22+s3], $0xC8, $0x38;
	[tilespmem:$0x1A130] =	vst v63  }
0x2e: {  	p1 =	sne.s32 s21, $0xC1C;
	_ =	swait.ge [sflag:s14], $0xC8  }
0x2f: {  	[sflag:s14] =	ssyncset.done $0x0  }
0x30: {  	s21 =	sadd.s32 s20, s9;
	s20 =	smov.u32 s23;
	[sflag:s14] =	ssyncadd.s32 $0xFFFFFF38  }
0x31: {  	[tilespmem:s15], [sflag:$0x2] =	stream.linear.gather [hbm4b:s21+s3], $0xC8, $0x38;
	[tilespmem:$0x1A130] =	vst v63  }
0x32: {  	_ =	swait.ge [sflag:s14], $0xC8  }
0x33: {  	[sflag:s14] =	ssyncset.done $0x0  }
0x34: {  	[sflag:s14] =	ssyncadd.s32 $0xFFFFFF38  }
0x35: {  	[tilespmem:s16], [sflag:$0x1] =	stream.indirect.gather [hbm4b:s4+s15], $0x20, s3, s15, $0xb8;
	[tilespmem:$0x1A130] =	vst v63  }
0x36: {  	_ =	swait.ge [sflag:s17], $0x1900  }
.Ltmp0:
0x37: {  	[sflag:s17] =	ssyncset.done $0x0;
	(pc) =	sbr.rel @p1 .LBB2_2-.Ltmp0, $4  }
0x38: {  	[sflag:s17] =	ssyncadd.s32 $0xFFFFE700  }
0x39: {  	[spmem:s2] =	stream.indirect.scatter.add.f32 [tilespmem:s16], [sflag:$0x2], $0x20, s15, s15, $0xb8;
	[tilespmem:$0x1A130] =	vst v63  }
0x3a: {  	_ =	swait.ge [sflag:s14], $0x1900  }
0x3b: {  	s21 =	smov.u32 s24;
	[sflag:s14] =	ssyncset.done $0x0  }
0x3c: {  	s21 =	sadd.s32 s20, s10;
	[sflag:s14] =	ssyncadd.s32 $0xFFFFE700  }
0x3d: {  	[tilespmem:s3], [sflag:$0x2] =	stream.linear.gather [hbm4b:s21+s3], $0xC8, $0x38;
	[tilespmem:$0x1A130] =	vst v63  }
0x3e: {  	_ =	swait.ge [sflag:s14], $0xC8  }
0x3f: {  	[sflag:s14] =	ssyncset.done $0x0  }
0x40: {  	s31 =	sadd.s32 s20, s9;
	[sflag:s14] =	ssyncadd.s32 $0xFFFFFF38  }
0x41: {  	[tilespmem:s15], [sflag:$0x2] =	stream.linear.gather [hbm4b:s31+s3], $0xC8, $0x38;
	[tilespmem:$0x1A130] =	vst v63  }
0x42: {  	_ =	swait.ge [sflag:s14], $0xC8  }
0x43: {  	[sflag:s14] =	ssyncset.done $0x0  }
0x44: {  	[sflag:s14] =	ssyncadd.s32 $0xFFFFFF38  }
0x45: {  	[tilespmem:s16], [sflag:$0x1] =	stream.indirect.gather [hbm4b:s4+s15], $0x20, s3, s15, $0xb8;
	[tilespmem:$0x1A130] =	vst v63  }
0x46: {  	_ =	swait.ge [sflag:s17], $0x1900  }
0x47: {  	[sflag:s17] =	ssyncset.done $0x0  }
0x48: {  	[sflag:s17] =	ssyncadd.s32 $0xFFFFE700  }
0x49: {  	[spmem:s2] =	stream.indirect.scatter.add.f32 [tilespmem:s16], [sflag:$0x2], $0x20, s15, s15, $0xb8;
	[tilespmem:$0x1A130] =	vst v63  }
0x4a: {  	_ =	swait.ge [sflag:s14], $0x1900  }
0x4b: {  	[sflag:s14] =	ssyncset.done $0x0  }
0x4c: {  	[sflag:s14] =	ssyncadd.s32 $0xFFFFE700  }
0x4d: {  	s20 =	simm.s32 @p0 $0x1FC2;
	[bflag:$0x0] =	sbarrier.arrive $0xFFFF  }
0x4e: {  	[hbm:s7], [sflag:s20] =	dma.local @p0 [spmem:s11], $0x3020  }
0x4f: {  	s20 =	simm.s32 @p0 $0x2  }
0x50: {  	s19 =	sadd.s32 $0x1, s19;
	_ =	swait.ge @p0 [sflag:s20], $0x3020  }
0x51: {  	p1 =	sne.s32 s19, s8;
	[sflag:s20] =	ssyncset.done @p0 $0x0  }
.Ltmp1:
0x52: {  	[sflag:s20] =	ssyncadd.s32 @p0 $0xFFFFCFE0;
	s20 =	simm.s32 @!p0 $0x2;
	(pc) =	sbr.rel @p1 .LBB2_1-.Ltmp1, $4  }
0x53: {  	[hbm:s6], [sflag:s12] =	dma.local @!p0 [spmem:s18], $0x30E0  }
0x54: {  	_ =	swait.ge @!p0 [sflag:s20], $0x30E0  }
0x55: {  	[sflag:s20] =	ssyncset.done @!p0 $0x0  }
0x56: {  	[sflag:s20] =	ssyncadd.s32 @!p0 $0xFFFFCF20  }
0x57: {  	_ =	sfence.sel $0x180000  }
0x58: {  	[bflag:$0x0] =	sbarrier.arrive $0xFFFF  }
0x59: {  	p0 =	sne.s32 s0, $0x0;
	_ =	strace $0x90000047  }
0x5a: {  	s0 =	sadd.s32 @!p0 $0x100000, s1;
	[bflag:$0x2] =	sbarrier.arrive $0xFFFF  }
0x5b: {  	[sflag:s0] =	ssyncadd.tile.s32 @!p0 $0x1;
	_ =	shalt  }
.Lfunc_end2:
_tile_overlayer_lowered:
.L_overlay_start_2:
0x5c: {  	(tag) =	ssettag $0x2  }
0x5d: {  	s0 =	rddreg [dreg:$0x0];
	s2 =	stileid.u32  }
0x5e: {  	s1 =	rddreg [dreg:$0x1];
	p0 =	sne.s32 s2, $0x0  }
0x5f: {  	s3 =	rddreg [dreg:$0x2];
	[bflag:$0x3] =	sbarrier.arrive $0xFFFF;
	s2 =	simm.s32 @!p0 $0x1C02  }
0x60: {  	[timem:s3], [sflag:s2] =	dma.local @!p0 [hbm:s0], s1  }
0x61: {  	s0 =	simm.s32 @!p0 $0x2  }
0x62: {  	_ =	swait.ge @!p0 [sflag:s0], s1  }
0x63: {  	s1 =	ssub.s32 @!p0 $0x0, s1;
	[sflag:s0] =	ssyncset.done @!p0 $0x0  }
0x64: {  	[sflag:s0] =	ssyncadd.s32 @!p0 s1  }
0x65: {  	[bflag:$0x3] =	sbarrier.arrive $0xFFFF  }
0x66: {  	_ =	shalt  }

// kernel: kernel.22.cloned.1.call-start
scs
__scs_entry_jumppad:
0x0: {  	(pc) =	sbr.rel $0x88, $3  }
0x1: {  	(tag) =	ssettag $0x0;
	lr =	simm.s32 $0x1  }
0x2: {  	[smem:$0x3F8E] =	sst lr;
	_ =	strace $0xD0000000  }
0x3: {  	_ = 	snop  }
0x4: {  	_ = 	snop  }
0x5: {  	_ = 	snop  }
0x6: {  	_ = 	snop  }
0x7: {  	_ = 	snop  }
__scs_overlays_trampoline_lowered:
0x8: {  	[smem:$0x3F9D] =	sst s0  }
0x9: {  	[smem:$0x3F9E] =	sst s1  }
0xa: {  	[smem:$0x3F9F] =	sst s2  }
0xb: {  	[smem:$0x3FA0] =	sst s3  }
0xc: {  	[smem:$0x3FA1] =	sst s4  }
0xd: {  	[smem:$0x3FA2] =	sst s5  }
0xe: {  	[smem:$0x3FA3] =	sst s6  }
0xf: {  	[smem:$0x3FA4] =	sst s7  }
0x10: {  	[smem:$0x3FA5] =	sst s8  }
0x11: {  	[smem:$0x3FA6] =	sst s9;
	s0 =	simm.s32 @!p0 $0x0  }
0x12: {  	s1 =	sld [smem:$0x3F8C];
	s0 =	simm.s32 @p0 $0x1  }
0x13: {  	[smem:$0x3FA7] =	sst s0;
	s0 =	simm.s32 @!p1 $0x0  }
0x14: {  	s2 =	sld [smem:$0x3F8B];
	s0 =	simm.s32 @p1 $0x1  }
0x15: {  	[smem:$0x3FA8] =	sst s0;
	s0 =	simm.s32 @!p2 $0x0  }
0x16: {  	s3 =	sld [smem:$0x3FDB];
	s0 =	simm.s32 @p2 $0x1  }
0x17: {  	s4 =	simm.s32 $0x1BF5;
	[smem:$0x3FAA] =	sst s0  }
0x18: {  	s0 =	sld [smem:$0x3F8D];
	_ =	swait.ge [sflag:s4], $0x0  }
0x19: {  	s7 =	sld [smem:$0x3F8E]  }
0x1a: {  	s8 =	sadd.s32 $0xFFFFE003, lr  }
0x1b: {  	s9 =	sadd.s32 $0xFFFFFEF7, lr;
	s5 =	simm.s32 $0xFFFFFFFF;
	p2 =	slt.u32 s8, $0xFFFFF086  }
0x1c: {  	p1 =	slt.u32 s9, $0xF7A;
	s5 =	simm.s32 @!p2 $0x0  }
0x1d: {  	s5 =	simm.s32 @p1 $0x1;
	p0 =	seq.s32 s7, s2  }
0x1e: {  	s7 =	smul.u32 @!p0 $0xF7A, s2;
	p2 =	seq.s32 @!p0 s5, $0x0  }
0x1f: {  	s9 =	smul.u32 $0xF7A, s1;
	s8 =	simm.s32 @!p0 $0x1BF5;
	p2 =	por !p2, p0  }
0x20: {  	[sflag:s8] =	ssyncset.s32 @!p0 $0xFFFFF086;
	s6 =	sadd.s32 @!p0 s3, s7;
	s7 =	simm.s32 @!p0 $0x108  }
0x21: {  	s3 =	sadd.s32 s3, s9;
	s6 =	sadd.s32 @!p0 $0x88, s6;
	s7 =	simm.s32 @p2 $0x1082  }
0x22: {  	[simem:s7], [sflag:s8] =	dma.local @!p0 [hbm:s6], $0xF7A  }
0x23: {  	s9 =	sor.u32 $0xD0000000, s2;
	s6 =	simm.s32 $0x108;
	_ =	swait.ge @!p0 [sflag:s8], $0x0  }
0x24: {  	s3 =	sadd.s32 $0x88, s3;
	s6 =	simm.s32 @!p1 $0x1082;
	[sflag:s4] =	ssyncset.s32 $0xFFFFF086  }
0x25: {  	[simem:s6], [sflag:s4] =	dma.local [hbm:s3], $0xF7A  }
0x26: {  	[smem:$0x3F8E] =	sst s1;
	(tag) =	ssettag s2;
	_ =	strace s9  }
0x27: {  	s1 =	sld [smem:$0x3F9E]  }
0x28: {  	s2 =	sld [smem:$0x3F9F]  }
0x29: {  	s4 =	sld [smem:$0x3FA1]  }
0x2a: {  	p0 =	seq.s32 s5, $0x0;
	s5 =	sld [smem:$0x3FA2]  }
0x2b: {  	s6 =	sld [smem:$0x3FA3]  }
0x2c: {  	s7 =	sld [smem:$0x3FA4]  }
0x2d: {  	s3 =	simm.s32 $0x108;
	s8 =	sld [smem:$0x3FA5]  }
0x2e: {  	s3 =	simm.s32 @!p0 $0x1082;
	s9 =	sld [smem:$0x3FA6]  }
0x2f: {  	lr =	sadd.s32 s0, s3;
	s0 =	sld [smem:$0x3F9D]  }
0x30: {  	s3 =	sld [smem:$0x3FA0]  }
0x31: {  	[smem:$0x3FA9] =	sst s10  }
0x32: {  	s10 =	sld [smem:$0x3FA7];
	_ =	sdelay $0x3  }
0x33: {  	p0 =	seq.s32 s10, $0x1;
	s10 =	sld [smem:$0x3FA9];
	_ =	sdelay $0x3  }
0x34: {  	[smem:$0x3FA9] =	sst s10  }
0x35: {  	s10 =	sld [smem:$0x3FA8];
	_ =	sdelay $0x3  }
0x36: {  	p1 =	seq.s32 s10, $0x1;
	s10 =	sld [smem:$0x3FA9];
	_ =	sdelay $0x3  }
0x37: {  	[smem:$0x3FA9] =	sst s10  }
0x38: {  	s10 =	sld [smem:$0x3FAA]  }
0x39: {  	_ = 	snop;
	(pc) =	sbr.ind lr, $3  }
0x3a: {  	_ = 	snop  }
0x3b: {  	_ = 	snop  }
0x3c: {  	p2 =	seq.s32 s10, $0x1;
	s10 =	sld [smem:$0x3FA9]  }
0x3d: {  	_ =	shalt  }
0x3e: {  	_ =	shalt  }
0x3f: {  	_ =	shalt  }
0x40: {  	_ =	shalt  }
0x41: {  	_ =	shalt  }
0x42: {  	_ =	shalt  }
0x43: {  	_ =	shalt  }
0x44: {  	_ =	shalt  }
0x45: {  	_ =	shalt  }
0x46: {  	_ =	shalt  }
0x47: {  	_ =	shalt  }
0x48: {  	_ =	shalt  }
0x49: {  	_ =	shalt  }
0x4a: {  	_ =	shalt  }
0x4b: {  	_ =	shalt  }
0x4c: {  	_ =	shalt  }
0x4d: {  	_ =	shalt  }
0x4e: {  	_ =	shalt  }
0x4f: {  	_ =	shalt  }
0x50: {  	_ =	shalt  }
0x51: {  	_ =	shalt  }
0x52: {  	_ =	shalt  }
0x53: {  	_ =	shalt  }
0x54: {  	_ =	shalt  }
0x55: {  	_ =	shalt  }
0x56: {  	_ =	shalt  }
0x57: {  	_ =	shalt  }
0x58: {  	_ =	shalt  }
0x59: {  	_ =	shalt  }
0x5a: {  	_ =	shalt  }
0x5b: {  	_ =	shalt  }
0x5c: {  	_ =	shalt  }
0x5d: {  	_ =	shalt  }
0x5e: {  	_ =	shalt  }
0x5f: {  	_ =	shalt  }
0x60: {  	_ =	shalt  }
0x61: {  	_ =	shalt  }
0x62: {  	_ =	shalt  }
0x63: {  	_ =	shalt  }
0x64: {  	_ =	shalt  }
0x65: {  	_ =	shalt  }
0x66: {  	_ =	shalt  }
0x67: {  	_ =	shalt  }
0x68: {  	_ =	shalt  }
0x69: {  	_ =	shalt  }
0x6a: {  	_ =	shalt  }
0x6b: {  	_ =	shalt  }
0x6c: {  	_ =	shalt  }
0x6d: {  	_ =	shalt  }
0x6e: {  	_ =	shalt  }
0x6f: {  	_ =	shalt  }
0x70: {  	_ =	shalt  }
0x71: {  	_ =	shalt  }
0x72: {  	_ =	shalt  }
0x73: {  	_ =	shalt  }
0x74: {  	_ =	shalt  }
0x75: {  	_ =	shalt  }
0x76: {  	_ =	shalt  }
0x77: {  	_ =	shalt  }
0x78: {  	_ =	shalt  }
0x79: {  	_ =	shalt  }
0x7a: {  	_ =	shalt  }
0x7b: {  	_ =	shalt  }
0x7c: {  	_ =	shalt  }
0x7d: {  	_ =	shalt  }
0x7e: {  	_ =	shalt  }
0x7f: {  	_ =	shalt  }
0x80: {  	_ =	shalt  }
0x81: {  	_ =	shalt  }
0x82: {  	_ =	shalt  }
0x83: {  	_ =	shalt  }
0x84: {  	_ =	shalt  }
0x85: {  	_ =	shalt  }
0x86: {  	_ =	shalt  }
0x87: {  	_ =	shalt  }
.Lfunc_end0:
.L_simem_size_0:
called_computation.1_lowered:
.L_overlay_start_0:
0x88: {  	s2 =	sld [smem:$0x3FD9]  }
0x89: {  	s3 =	sld [smem:$0x3FFE];
	_ =	sdelay $0x1  }
0x8a: {  	s1 =	srdreg.scid  }
0x8b: {  	s0 =	sand.u32 $0x1, s1  }
0x8c: {  	s17 =	sshll.u32 s0, $0xA;
	s2 =	sadd.s32 s3, s2  }
0x8d: {  	s2 =	sadd.s32 s2, s17  }
0x8e: {  	[smem:$0x3FB5] =	sst s2  }
0x8f: {  	_ = 	snop  }
0x90: {  	(tm) =	ssettm $0x1  }
0x91: {  	s18 =	sld [smem:$0x3FFB];
	_ =	sdelay $0x3  }
0x92: {  	_ =	strace s18  }
0x93: {  	s2 =	sld [smem:$0x3FFC];
	_ =	sdelay $0x3  }
0x94: {  	_ =	strace s2  }
0x95: {  	s2 =	sld [smem:$0x3FFD];
	_ =	sdelay $0x3  }
0x96: {  	_ =	strace s2  }
0x97: {  	_ =	strace $0x8FFFFFFF  }
0x98: {  	s19 =	sld [smem:$0x3FDB];
	_ =	sdelay $0x1  }
0x99: {  	s20 =	simm.s32 $_scs_section_size  }
0x9a: {  	s4 =	simm.s32 $_size__tile_overlayer_lowered;
	s5 =	simm.s32 $_tile_overlayer_lowered  }
0x9b: {  	s6 =	simm.s32 $0x1BFF;
	s21 =	sshll.u32 s5, $0x1;
	s3 =	sadd.s32 s20, s19  }
0x9c: {  	s22 =	simm.s32 $0x0;
	s4 =	sshll.u32 s4, $0x1;
	s5 =	sadd.s32 s21, s3  }
0x9d: {  	[timem:s22], [sflag:s6] =	dma.local [hbm:s5], s4  }
0x9e: {  	_ =	swait.ge [sflag:s6], s4  }
0x9f: {  	s4 =	ssub.s32 $0x0, s4;
	[sflag:s6] =	ssyncset.done $0x0  }
0xa0: {  	[sflag:s6] =	ssyncadd.s32 s4;
	_ =	sdelay $0x1  }
0xa1: {  	s23 =	simm.s32 $0x1B8B  }
0xa2: {  	_ =	swait.ge [sflag:s23], $0x1  }
0xa3: {  	[sflag:s23] =	ssyncset.done $0x0  }
0xa4: {  	[sflag:s23] =	ssyncadd.s32 $0xFFFFFFFF  }
0xa5: {  	s4 =	sld [smem:$0x0]  }
0xa6: {  	s5 =	sand.u32 $0xFFFFFFFE, s1  }
0xa7: {  	p0 =	sne.s32 s1, s5  }
0xa8: {  	s5 =	sshll.u32 @p0 s5, $0xE  }
0xa9: {  	s5 =	sadd.s32 @p0 $0x11B8D, s5;
	s6 =	sshll.u32 @p0 s4, $0x11  }
0xaa: {  	s5 =	sor.u32 @p0 s6, s5  }
0xab: {  	[sflag:s5] =	ssyncadd.remote.s32 @p0 $0x1;
	_ =	sdelay $0x1  }
0xac: {  	s5 =	simm.s32 @p0 $0x1B8D  }
0xad: {  	_ =	swait.eq @p0 [sflag:s5], $0x1  }
0xae: {  	[sflag:s5] =	ssyncadd.s32 @p0 $0xFFFFFFFF  }
0xaf: {  	s6 =	sshll.u32 @!p0 s1, $0xE  }
0xb0: {  	s6 =	sor.u32 @!p0 $0x4000, s6;
	s5 =	simm.s32 @!p0 $0x1B8D  }
0xb1: {  	s4 =	sshll.u32 @!p0 s4, $0x11;
	s6 =	sadd.s32 @!p0 $0x11B8D, s6;
	_ =	swait.eq @!p0 [sflag:s5], $0x1  }
0xb2: {  	s4 =	sor.u32 @!p0 s4, s6;
	[sflag:s5] =	ssyncadd.s32 @!p0 $0xFFFFFFFF  }
0xb3: {  	s25 =	simm.s32 $0x1B8E;
	s24 =	sld [smem:$0x3FFE];
	[sflag:s4] =	ssyncadd.remote.s32 @!p0 $0x1  }
0xb4: {  	s26 =	simm.s32 $execute0_lowered;
	[smem:$0x3FD2] =	sst s25  }
0xb5: {  	s5 =	sshll.u32 s26, $0x1;
	_ =	strace $0x8000004C;
	[dreg:$0x1] =	wrdreg $0xFFFFFFFF  }
0xb6: {  	s28 =	simm.s32 $_size_execute0_lowered;
	s3 =	sadd.s32 s3, s5;
	[dreg:$0x0] =	wrdreg $0x0  }
0xb7: {  	s5 =	sshll.u32 s28, $0x1;
	[dreg:$0x2] =	wrdreg s3  }
0xb8: {  	[dreg:$0x3] =	wrdreg s5  }
0xb9: {  	[dreg:$0x4] =	wrdreg $0xC0  }
0xba: {  	_ =	task [dreg:s22], $0x5FFFF  }
0xbb: {  	[dreg:$0x1] =	wrdreg $0xFFFFFFFF  }
0xbc: {  	[dreg:$0x0] =	wrdreg $0x60  }
0xbd: {  	[dreg:$0x2] =	wrdreg s24  }
0xbe: {  	[dreg:$0x3] =	wrdreg $0x1A900  }
0xbf: {  	[dreg:$0x4] =	wrdreg $0x9  }
0xc0: {  	_ =	task.clear_ibuf [dreg:s22], $0x5FFFF;
	_ =	strace $0x9000004C  }
0xc1: {  	s29 =	simm.s32 $0x9;
	_ =	strace $0x8000004E  }
0xc2: {  	_ =	swait.ge [sflag:s29], $0x1  }
0xc3: {  	[sflag:s29] =	ssyncadd.s32 $0xFFFFFFFF  }
0xc4: {  	_ =	strace $0x9000004E  }
0xc5: {  	_ =	sfence  }
0xc6: {  	s30 =	sld [smem:$0x0];
	_ =	sdelay $0x2  }
0xc7: {  	s31 =	sshll.u32 s1, $0xD;
	s1 =	sshrl.u32 s1, $0x2  }
0xc8: {  	s4 =	sand.u32 $0x4000, s31;
	s1 =	sadd.s32 s1, s30  }
0xc9: {  	s0 =	sor.u32 s4, s0;
	s1 =	sshll.u32 s1, $0x11  }
0xca: {  	s0 =	sor.u32 s1, s0  }
0xcb: {  	s0 =	sadd.s32 $0x8F2B, s0  }
0xcc: {  	[sflag:s0] =	ssyncadd.remote.s32 $0x1  }
0xcd: {  	_ =	sfence.sel $0xFFFF  }
0xce: {  	[dreg:$0x0] =	wrdreg $0xFFFFFFFF;
	(pc) =	sbr.abs _section_cstart, $3  }
0xcf: {  	[dreg:$0x1] =	wrdreg $0xFFFFFFFF  }
0xd0: {  	_ =	task.clear_ibuf [dreg:s22], $0x2FFFF;
	_ =	strace $0x9FFFFFFF  }
0xd1: {  	(tm) =	ssettm $0x7FFFFFFF  }
tec
execute0_lowered:
.L_overlay_start_1:
0x0: {  	(tag) =	ssettag $0x1  }
0x1: {  	s1 =	srdreg.scid;
	s6 =	rddreg [dreg:$0x0]  }
0x2: {  	s0 =	stileid.u32;
	s2 =	rddreg [dreg:$0x1];
	s3 =	simm.s32 $0x0  }
0x3: {  	s16 =	simm.s32 $0x190;
	s17 =	simm.s32 $0x1;
	s4 =	smul.u32 $0xC350, s0  }
0x4: {  	s7 =	sand.u32 $0x1, s1;
	s1 =	rddreg [dreg:$0x2];
	s8 =	smul.u32 $0x61C00, s0  }
0x5: {  	s19 =	simm.s32 $0x0;
	[smem:$0x7FF] =	sst s3;
	s11 =	smul.u32 $0x18700, s0  }
0x6: {  	s12 =	sadd.s32 $0xCBA00, s6;
	s15 =	sadd.s32 $0x16E900, s2;
	s5 =	smul.u32 $0x61A8, s7  }
0x7: {  	p0 =	seq.s32 s0, $0xF;
	s9 =	smul.u32 $0x186A00, s7;
	s7 =	ssub.s32 $0x2, s7  }
0x8: {  	_ =	strace $0x8000004D;
	s29 =	sshrl.u32 s7, $0x1;
	s8 =	sshrl.u32 s8, $0x2  }
0x9: {  	s18 =	sadd.s32 s11, s2;
	s4 =	sadd.s32 s5, s4;
	s13 =	ssub.s32 s7, s29  }
0xa: {  	s14 =	sadd.s32 s8, s2;
	s30 =	sadd.s32 s11, s9;
	s31 =	sshrl.u32 s9, $0x3  }
0xb: {  	s11 =	sshrl.u32 @p0 s15, $0x3;
	s15 =	simm.s32 $0xC8;
	s18 =	sshrl.u32 @!p0 s18, $0x3  }
0xc: {  	s5 =	sshrl.u32 s4, $0x3;
	s4 =	sadd.s32 $0x9AC00, s6;
	s7 =	sadd.s32 s12, s31  }
0xd: {  	s8 =	smax.u32 s13, $0x1;
	s13 =	sshrl.u32 @!p0 s14, $0x3;
	s14 =	simm.s32 $0x2  }
0xe: {  	s10 =	sadd.s32 s5, s6;
	s5 =	sadd.s32 $0x35E00, s6;
	s6 =	sshrl.u32 s30, $0x3  }
0xf: {  	s7 =	sadd.s32 $0x2DD20, s7;
	s6 =	sadd.s32 s12, s6;
	s12 =	sshll.u32 @!p0 s0, $0x6  }
0x10: {  	s9 =	sadd.s32 $0x4E00, s10;
	s10 =	sadd.s32 $0x1D600, s10;
	s12 =	sor.u32 @!p0 $0x1C02, s12  }
.LBB2_1:
0x11: {  	s20 =	simm.s32 @p0 $0x1FC2  }
0x12: {  	[spmem:s11], [sflag:s20] =	dma.local @p0 [hbm:s5], $0x3020  }
0x13: {  	s20 =	simm.s32 @p0 $0x2  }
0x14: {  	_ =	swait.ge @p0 [sflag:s20], $0x3020  }
0x15: {  	[sflag:s20] =	ssyncset.done @p0 $0x0  }
0x16: {  	[sflag:s20] =	ssyncadd.s32 @p0 $0xFFFFCFE0;
	s20 =	simm.s32 @!p0 $0x2  }
0x17: {  	[spmem:s13], [sflag:s12] =	dma.local @!p0 [hbm:s5], $0x30E0  }
0x18: {  	_ =	swait.ge @!p0 [sflag:s20], $0x30E0  }
0x19: {  	[sflag:s20] =	ssyncset.done @!p0 $0x0  }
0x1a: {  	[sflag:s20] =	ssyncadd.s32 @!p0 $0xFFFFCF20  }
0x1b: {  	s30 =	sadd.s32 $0x0, s10;
	[bflag:$0x0] =	sbarrier.arrive $0xFFFF  }
0x1c: {  	[tilespmem:s3], [sflag:$0x2] =	stream.linear.gather [hbm4b:s30+s3], $0xC8, $0x38;
	[tilespmem:$0x1A130] =	vst v63  }
0x1d: {  	_ =	swait.ge [sflag:s14], $0xC8  }
0x1e: {  	[sflag:s14] =	ssyncset.done $0x0  }
0x1f: {  	s31 =	sadd.s32 $0x0, s9;
	[sflag:s14] =	ssyncadd.s32 $0xFFFFFF38  }
0x20: {  	[tilespmem:s15], [sflag:$0x2] =	stream.linear.gather [hbm4b:s31+s3], $0xC8, $0x38;
	[tilespmem:$0x1A130] =	vst v63  }
0x21: {  	_ =	swait.ge [sflag:s14], $0xC8  }
0x22: {  	[sflag:s14] =	ssyncset.done $0x0  }
0x23: {  	[sflag:s14] =	ssyncadd.s32 $0xFFFFFF38  }
0x24: {  	[tilespmem:s16], [sflag:$0x1] =	stream.indirect.gather [hbm4b:s4+s15], $0x20, s3, s15, $0xb8;
	[tilespmem:$0x1A130] =	vst v63  }
0x25: {  	_ =	swait.ge [sflag:s17], $0x1900  }
0x26: {  	[sflag:s17] =	ssyncset.done $0x0  }
0x27: {  	[sflag:s17] =	ssyncadd.s32 $0xFFFFE700  }
0x28: {  	[spmem:s2] =	stream.indirect.scatter.add.f32 [tilespmem:s16], [sflag:$0x2], $0x20, s15, s15, $0xb8;
	[tilespmem:$0x1A130] =	vst v63  }
0x29: {  	_ =	swait.ge [sflag:s14], $0x1900  }
0x2a: {  	s21 =	simm.s32 $0x32;
	s20 =	simm.s32 $0x19;
	[sflag:s14] =	ssyncset.done $0x0  }
.LBB2_2:
0x2b: {  	s22 =	sadd.s32 s20, s10  }
0x2c: {  	[sflag:s14] =	ssyncadd.s32 $0xFFFFE700;
	s23 =	smov.u32 s21;
	s24 =	sadd.s32 $0x19, s21  }
0x2d: {  	[tilespmem:s3], [sflag:$0x2] =	stream.linear.gather [hbm4b:s22+s3], $0xC8, $0x38;
	[tilespmem:$0x1A130] =	vst v63  }
0x2e: {  	p1 =	sne.s32 s21, $0xC1C;
	_ =	swait.ge [sflag:s14], $0xC8  }
0x2f: {  	[sflag:s14] =	ssyncset.done $0x0  }
0x30: {  	s21 =	sadd.s32 s20, s9;
	s20 =	smov.u32 s23;
	[sflag:s14] =	ssyncadd.s32 $0xFFFFFF38  }
0x31: {  	[tilespmem:s15], [sflag:$0x2] =	stream.linear.gather [hbm4b:s21+s3], $0xC8, $0x38;
	[tilespmem:$0x1A130] =	vst v63  }
0x32: {  	_ =	swait.ge [sflag:s14], $0xC8  }
0x33: {  	[sflag:s14] =	ssyncset.done $0x0  }
0x34: {  	[sflag:s14] =	ssyncadd.s32 $0xFFFFFF38  }
0x35: {  	[tilespmem:s16], [sflag:$0x1] =	stream.indirect.gather [hbm4b:s4+s15], $0x20, s3, s15, $0xb8;
	[tilespmem:$0x1A130] =	vst v63  }
0x36: {  	_ =	swait.ge [sflag:s17], $0x1900  }
.Ltmp0:
0x37: {  	[sflag:s17] =	ssyncset.done $0x0;
	(pc) =	sbr.rel @p1 .LBB2_2-.Ltmp0, $4  }
0x38: {  	[sflag:s17] =	ssyncadd.s32 $0xFFFFE700  }
0x39: {  	[spmem:s2] =	stream.indirect.scatter.add.f32 [tilespmem:s16], [sflag:$0x2], $0x20, s15, s15, $0xb8;
	[tilespmem:$0x1A130] =	vst v63  }
0x3a: {  	_ =	swait.ge [sflag:s14], $0x1900  }
0x3b: {  	s21 =	smov.u32 s24;
	[sflag:s14] =	ssyncset.done $0x0  }
0x3c: {  	s21 =	sadd.s32 s20, s10;
	[sflag:s14] =	ssyncadd.s32 $0xFFFFE700  }
0x3d: {  	[tilespmem:s3], [sflag:$0x2] =	stream.linear.gather [hbm4b:s21+s3], $0xC8, $0x38;
	[tilespmem:$0x1A130] =	vst v63  }
0x3e: {  	_ =	swait.ge [sflag:s14], $0xC8  }
0x3f: {  	[sflag:s14] =	ssyncset.done $0x0  }
0x40: {  	s31 =	sadd.s32 s20, s9;
	[sflag:s14] =	ssyncadd.s32 $0xFFFFFF38  }
0x41: {  	[tilespmem:s15], [sflag:$0x2] =	stream.linear.gather [hbm4b:s31+s3], $0xC8, $0x38;
	[tilespmem:$0x1A130] =	vst v63  }
0x42: {  	_ =	swait.ge [sflag:s14], $0xC8  }
0x43: {  	[sflag:s14] =	ssyncset.done $0x0  }
0x44: {  	[sflag:s14] =	ssyncadd.s32 $0xFFFFFF38  }
0x45: {  	[tilespmem:s16], [sflag:$0x1] =	stream.indirect.gather [hbm4b:s4+s15], $0x20, s3, s15, $0xb8;
	[tilespmem:$0x1A130] =	vst v63  }
0x46: {  	_ =	swait.ge [sflag:s17], $0x1900  }
0x47: {  	[sflag:s17] =	ssyncset.done $0x0  }
0x48: {  	[sflag:s17] =	ssyncadd.s32 $0xFFFFE700  }
0x49: {  	[spmem:s2] =	stream.indirect.scatter.add.f32 [tilespmem:s16], [sflag:$0x2], $0x20, s15, s15, $0xb8;
	[tilespmem:$0x1A130] =	vst v63  }
0x4a: {  	_ =	swait.ge [sflag:s14], $0x1900  }
0x4b: {  	[sflag:s14] =	ssyncset.done $0x0  }
0x4c: {  	[sflag:s14] =	ssyncadd.s32 $0xFFFFE700  }
0x4d: {  	s20 =	simm.s32 @p0 $0x1FC2;
	[bflag:$0x0] =	sbarrier.arrive $0xFFFF  }
0x4e: {  	[hbm:s7], [sflag:s20] =	dma.local @p0 [spmem:s11], $0x3020  }
0x4f: {  	s20 =	simm.s32 @p0 $0x2  }
0x50: {  	s19 =	sadd.s32 $0x1, s19;
	_ =	swait.ge @p0 [sflag:s20], $0x3020  }
0x51: {  	p1 =	sne.s32 s19, s8;
	[sflag:s20] =	ssyncset.done @p0 $0x0  }
.Ltmp1:
0x52: {  	[sflag:s20] =	ssyncadd.s32 @p0 $0xFFFFCFE0;
	s20 =	simm.s32 @!p0 $0x2;
	(pc) =	sbr.rel @p1 .LBB2_1-.Ltmp1, $4  }
0x53: {  	[hbm:s6], [sflag:s12] =	dma.local @!p0 [spmem:s18], $0x30E0  }
0x54: {  	_ =	swait.ge @!p0 [sflag:s20], $0x30E0  }
0x55: {  	[sflag:s20] =	ssyncset.done @!p0 $0x0  }
0x56: {  	[sflag:s20] =	ssyncadd.s32 @!p0 $0xFFFFCF20  }
0x57: {  	_ =	sfence.sel $0x180000  }
0x58: {  	[bflag:$0x0] =	sbarrier.arrive $0xFFFF  }
0x59: {  	p0 =	sne.s32 s0, $0x0;
	_ =	strace $0x9000004D  }
0x5a: {  	s0 =	sadd.s32 @!p0 $0x100000, s1;
	[bflag:$0x2] =	sbarrier.arrive $0xFFFF  }
0x5b: {  	[sflag:s0] =	ssyncadd.tile.s32 @!p0 $0x1;
	_ =	shalt  }
.Lfunc_end2:
_tile_overlayer_lowered:
.L_overlay_start_2:
0x5c: {  	(tag) =	ssettag $0x2  }
0x5d: {  	s0 =	rddreg [dreg:$0x0];
	s2 =	stileid.u32  }
0x5e: {  	s1 =	rddreg [dreg:$0x1];
	p0 =	sne.s32 s2, $0x0  }
0x5f: {  	s3 =	rddreg [dreg:$0x2];
	[bflag:$0x3] =	sbarrier.arrive $0xFFFF;
	s2 =	simm.s32 @!p0 $0x1C02  }
0x60: {  	[timem:s3], [sflag:s2] =	dma.local @!p0 [hbm:s0], s1  }
0x61: {  	s0 =	simm.s32 @!p0 $0x2  }
0x62: {  	_ =	swait.ge @!p0 [sflag:s0], s1  }
0x63: {  	s1 =	ssub.s32 @!p0 $0x0, s1;
	[sflag:s0] =	ssyncset.done @!p0 $0x0  }
0x64: {  	[sflag:s0] =	ssyncadd.s32 @!p0 s1  }
0x65: {  	[bflag:$0x3] =	sbarrier.arrive $0xFFFF  }
0x66: {  	_ =	shalt  }

// kernel: kernel.25.cloned.1.call-start
scs
__scs_entry_jumppad:
0x0: {  	(pc) =	sbr.rel $0x88, $3  }
0x1: {  	(tag) =	ssettag $0x0;
	lr =	simm.s32 $0x1  }
0x2: {  	[smem:$0x3F8E] =	sst lr;
	_ =	strace $0xD0000000  }
0x3: {  	_ = 	snop  }
0x4: {  	_ = 	snop  }
0x5: {  	_ = 	snop  }
0x6: {  	_ = 	snop  }
0x7: {  	_ = 	snop  }
__scs_overlays_trampoline_lowered:
0x8: {  	[smem:$0x3F9D] =	sst s0  }
0x9: {  	[smem:$0x3F9E] =	sst s1  }
0xa: {  	[smem:$0x3F9F] =	sst s2  }
0xb: {  	[smem:$0x3FA0] =	sst s3  }
0xc: {  	[smem:$0x3FA1] =	sst s4  }
0xd: {  	[smem:$0x3FA2] =	sst s5  }
0xe: {  	[smem:$0x3FA3] =	sst s6  }
0xf: {  	[smem:$0x3FA4] =	sst s7  }
0x10: {  	[smem:$0x3FA5] =	sst s8  }
0x11: {  	[smem:$0x3FA6] =	sst s9;
	s0 =	simm.s32 @!p0 $0x0  }
0x12: {  	s1 =	sld [smem:$0x3F8C];
	s0 =	simm.s32 @p0 $0x1  }
0x13: {  	[smem:$0x3FA7] =	sst s0;
	s0 =	simm.s32 @!p1 $0x0  }
0x14: {  	s2 =	sld [smem:$0x3F8B];
	s0 =	simm.s32 @p1 $0x1  }
0x15: {  	[smem:$0x3FA8] =	sst s0;
	s0 =	simm.s32 @!p2 $0x0  }
0x16: {  	s3 =	sld [smem:$0x3FDB];
	s0 =	simm.s32 @p2 $0x1  }
0x17: {  	s4 =	simm.s32 $0x1BF5;
	[smem:$0x3FAA] =	sst s0  }
0x18: {  	s0 =	sld [smem:$0x3F8D];
	_ =	swait.ge [sflag:s4], $0x0  }
0x19: {  	s7 =	sld [smem:$0x3F8E]  }
0x1a: {  	s8 =	sadd.s32 $0xFFFFE003, lr  }
0x1b: {  	s9 =	sadd.s32 $0xFFFFFEF7, lr;
	s5 =	simm.s32 $0xFFFFFFFF;
	p2 =	slt.u32 s8, $0xFFFFF086  }
0x1c: {  	p1 =	slt.u32 s9, $0xF7A;
	s5 =	simm.s32 @!p2 $0x0  }
0x1d: {  	s5 =	simm.s32 @p1 $0x1;
	p0 =	seq.s32 s7, s2  }
0x1e: {  	s7 =	smul.u32 @!p0 $0xF7A, s2;
	p2 =	seq.s32 @!p0 s5, $0x0  }
0x1f: {  	s9 =	smul.u32 $0xF7A, s1;
	s8 =	simm.s32 @!p0 $0x1BF5;
	p2 =	por !p2, p0  }
0x20: {  	[sflag:s8] =	ssyncset.s32 @!p0 $0xFFFFF086;
	s6 =	sadd.s32 @!p0 s3, s7;
	s7 =	simm.s32 @!p0 $0x108  }
0x21: {  	s3 =	sadd.s32 s3, s9;
	s6 =	sadd.s32 @!p0 $0x88, s6;
	s7 =	simm.s32 @p2 $0x1082  }
0x22: {  	[simem:s7], [sflag:s8] =	dma.local @!p0 [hbm:s6], $0xF7A  }
0x23: {  	s9 =	sor.u32 $0xD0000000, s2;
	s6 =	simm.s32 $0x108;
	_ =	swait.ge @!p0 [sflag:s8], $0x0  }
0x24: {  	s3 =	sadd.s32 $0x88, s3;
	s6 =	simm.s32 @!p1 $0x1082;
	[sflag:s4] =	ssyncset.s32 $0xFFFFF086  }
0x25: {  	[simem:s6], [sflag:s4] =	dma.local [hbm:s3], $0xF7A  }
0x26: {  	[smem:$0x3F8E] =	sst s1;
	(tag) =	ssettag s2;
	_ =	strace s9  }
0x27: {  	s1 =	sld [smem:$0x3F9E]  }
0x28: {  	s2 =	sld [smem:$0x3F9F]  }
0x29: {  	s4 =	sld [smem:$0x3FA1]  }
0x2a: {  	p0 =	seq.s32 s5, $0x0;
	s5 =	sld [smem:$0x3FA2]  }
0x2b: {  	s6 =	sld [smem:$0x3FA3]  }
0x2c: {  	s7 =	sld [smem:$0x3FA4]  }
0x2d: {  	s3 =	simm.s32 $0x108;
	s8 =	sld [smem:$0x3FA5]  }
0x2e: {  	s3 =	simm.s32 @!p0 $0x1082;
	s9 =	sld [smem:$0x3FA6]  }
0x2f: {  	lr =	sadd.s32 s0, s3;
	s0 =	sld [smem:$0x3F9D]  }
0x30: {  	s3 =	sld [smem:$0x3FA0]  }
0x31: {  	[smem:$0x3FA9] =	sst s10  }
0x32: {  	s10 =	sld [smem:$0x3FA7];
	_ =	sdelay $0x3  }
0x33: {  	p0 =	seq.s32 s10, $0x1;
	s10 =	sld [smem:$0x3FA9];
	_ =	sdelay $0x3  }
0x34: {  	[smem:$0x3FA9] =	sst s10  }
0x35: {  	s10 =	sld [smem:$0x3FA8];
	_ =	sdelay $0x3  }
0x36: {  	p1 =	seq.s32 s10, $0x1;
	s10 =	sld [smem:$0x3FA9];
	_ =	sdelay $0x3  }
0x37: {  	[smem:$0x3FA9] =	sst s10  }
0x38: {  	s10 =	sld [smem:$0x3FAA]  }
0x39: {  	_ = 	snop;
	(pc) =	sbr.ind lr, $3  }
0x3a: {  	_ = 	snop  }
0x3b: {  	_ = 	snop  }
0x3c: {  	p2 =	seq.s32 s10, $0x1;
	s10 =	sld [smem:$0x3FA9]  }
0x3d: {  	_ =	shalt  }
0x3e: {  	_ =	shalt  }
0x3f: {  	_ =	shalt  }
0x40: {  	_ =	shalt  }
0x41: {  	_ =	shalt  }
0x42: {  	_ =	shalt  }
0x43: {  	_ =	shalt  }
0x44: {  	_ =	shalt  }
0x45: {  	_ =	shalt  }
0x46: {  	_ =	shalt  }
0x47: {  	_ =	shalt  }
0x48: {  	_ =	shalt  }
0x49: {  	_ =	shalt  }
0x4a: {  	_ =	shalt  }
0x4b: {  	_ =	shalt  }
0x4c: {  	_ =	shalt  }
0x4d: {  	_ =	shalt  }
0x4e: {  	_ =	shalt  }
0x4f: {  	_ =	shalt  }
0x50: {  	_ =	shalt  }
0x51: {  	_ =	shalt  }
0x52: {  	_ =	shalt  }
0x53: {  	_ =	shalt  }
0x54: {  	_ =	shalt  }
0x55: {  	_ =	shalt  }
0x56: {  	_ =	shalt  }
0x57: {  	_ =	shalt  }
0x58: {  	_ =	shalt  }
0x59: {  	_ =	shalt  }
0x5a: {  	_ =	shalt  }
0x5b: {  	_ =	shalt  }
0x5c: {  	_ =	shalt  }
0x5d: {  	_ =	shalt  }
0x5e: {  	_ =	shalt  }
0x5f: {  	_ =	shalt  }
0x60: {  	_ =	shalt  }
0x61: {  	_ =	shalt  }
0x62: {  	_ =	shalt  }
0x63: {  	_ =	shalt  }
0x64: {  	_ =	shalt  }
0x65: {  	_ =	shalt  }
0x66: {  	_ =	shalt  }
0x67: {  	_ =	shalt  }
0x68: {  	_ =	shalt  }
0x69: {  	_ =	shalt  }
0x6a: {  	_ =	shalt  }
0x6b: {  	_ =	shalt  }
0x6c: {  	_ =	shalt  }
0x6d: {  	_ =	shalt  }
0x6e: {  	_ =	shalt  }
0x6f: {  	_ =	shalt  }
0x70: {  	_ =	shalt  }
0x71: {  	_ =	shalt  }
0x72: {  	_ =	shalt  }
0x73: {  	_ =	shalt  }
0x74: {  	_ =	shalt  }
0x75: {  	_ =	shalt  }
0x76: {  	_ =	shalt  }
0x77: {  	_ =	shalt  }
0x78: {  	_ =	shalt  }
0x79: {  	_ =	shalt  }
0x7a: {  	_ =	shalt  }
0x7b: {  	_ =	shalt  }
0x7c: {  	_ =	shalt  }
0x7d: {  	_ =	shalt  }
0x7e: {  	_ =	shalt  }
0x7f: {  	_ =	shalt  }
0x80: {  	_ =	shalt  }
0x81: {  	_ =	shalt  }
0x82: {  	_ =	shalt  }
0x83: {  	_ =	shalt  }
0x84: {  	_ =	shalt  }
0x85: {  	_ =	shalt  }
0x86: {  	_ =	shalt  }
0x87: {  	_ =	shalt  }
.Lfunc_end0:
.L_simem_size_0:
called_computation.2_lowered:
.L_overlay_start_0:
0x88: {  	s2 =	sld [smem:$0x3FD9]  }
0x89: {  	s3 =	sld [smem:$0x3FFE];
	_ =	sdelay $0x1  }
0x8a: {  	s1 =	srdreg.scid  }
0x8b: {  	s0 =	sand.u32 $0x1, s1  }
0x8c: {  	s16 =	sshll.u32 s0, $0xA;
	s2 =	sadd.s32 s3, s2  }
0x8d: {  	s2 =	sadd.s32 s2, s16  }
0x8e: {  	[smem:$0x3FB5] =	sst s2  }
0x8f: {  	_ = 	snop  }
0x90: {  	(tm) =	ssettm $0x1  }
0x91: {  	s17 =	sld [smem:$0x3FFB];
	_ =	sdelay $0x3  }
0x92: {  	_ =	strace s17  }
0x93: {  	s2 =	sld [smem:$0x3FFC];
	_ =	sdelay $0x3  }
0x94: {  	_ =	strace s2  }
0x95: {  	s2 =	sld [smem:$0x3FFD];
	_ =	sdelay $0x3  }
0x96: {  	_ =	strace s2  }
0x97: {  	_ =	strace $0x8FFFFFFF  }
0x98: {  	s18 =	sld [smem:$0x3FDB];
	_ =	sdelay $0x1  }
0x99: {  	s19 =	simm.s32 $_scs_section_size  }
0x9a: {  	s4 =	simm.s32 $_size__tile_overlayer_lowered;
	s5 =	simm.s32 $_tile_overlayer_lowered  }
0x9b: {  	s22 =	simm.s32 $0x1BFF;
	s21 =	sshll.u32 s5, $0x1;
	s2 =	sadd.s32 s19, s18  }
0x9c: {  	s6 =	simm.s32 $0x0;
	s20 =	sshll.u32 s4, $0x1;
	s4 =	sadd.s32 s21, s2  }
0x9d: {  	[timem:s6], [sflag:s22] =	dma.local [hbm:s4], s20  }
0x9e: {  	_ =	swait.ge [sflag:s22], s20  }
0x9f: {  	s3 =	ssub.s32 $0x0, s20;
	[sflag:s22] =	ssyncset.done $0x0  }
0xa0: {  	[sflag:s22] =	ssyncadd.s32 s3;
	_ =	sdelay $0x1  }
0xa1: {  	s23 =	simm.s32 $0x1B8B  }
0xa2: {  	_ =	swait.ge [sflag:s23], $0x1  }
0xa3: {  	[sflag:s23] =	ssyncset.done $0x0  }
0xa4: {  	s25 =	simm.s32 $0x1B8E;
	s24 =	sld [smem:$0x3FFE];
	[sflag:s23] =	ssyncadd.s32 $0xFFFFFFFF  }
0xa5: {  	s26 =	simm.s32 $execute0_lowered;
	[smem:$0x3FD2] =	sst s25  }
0xa6: {  	s4 =	sshll.u32 s26, $0x1;
	_ =	strace $0x80000049;
	[dreg:$0x1] =	wrdreg $0xFFFFFFFF  }
0xa7: {  	s28 =	simm.s32 $_size_execute0_lowered;
	s2 =	sadd.s32 s2, s4;
	[dreg:$0x0] =	wrdreg $0x0  }
0xa8: {  	s4 =	sshll.u32 s28, $0x1;
	[dreg:$0x2] =	wrdreg s2  }
0xa9: {  	[dreg:$0x3] =	wrdreg s4  }
0xaa: {  	[dreg:$0x4] =	wrdreg $0xC0  }
0xab: {  	_ =	task [dreg:s6], $0x5FFFF  }
0xac: {  	[dreg:$0x1] =	wrdreg $0xFFFFFFFF  }
0xad: {  	[dreg:$0x0] =	wrdreg $0x60  }
0xae: {  	[dreg:$0x2] =	wrdreg s24  }
0xaf: {  	[dreg:$0x3] =	wrdreg $0x1A900  }
0xb0: {  	[dreg:$0x4] =	wrdreg $0xA  }
0xb1: {  	_ =	task.clear_ibuf [dreg:s6], $0x5FFFF;
	_ =	strace $0x90000049  }
0xb2: {  	s29 =	simm.s32 $0xA;
	_ =	strace $0x8000004B  }
0xb3: {  	_ =	swait.ge [sflag:s29], $0x1  }
0xb4: {  	[sflag:s29] =	ssyncadd.s32 $0xFFFFFFFF  }
0xb5: {  	_ =	strace $0x9000004B  }
0xb6: {  	_ =	sfence  }
0xb7: {  	s30 =	sld [smem:$0x0];
	_ =	sdelay $0x2  }
0xb8: {  	s31 =	sshll.u32 s1, $0xD;
	s1 =	sshrl.u32 s1, $0x2  }
0xb9: {  	s3 =	sand.u32 $0x4000, s31;
	s1 =	sadd.s32 s1, s30  }
0xba: {  	s0 =	sor.u32 s3, s0;
	s1 =	sshll.u32 s1, $0x11  }
0xbb: {  	s0 =	sor.u32 s1, s0  }
0xbc: {  	s0 =	sadd.s32 $0x8F2B, s0  }
0xbd: {  	[sflag:s0] =	ssyncadd.remote.s32 $0x1  }
0xbe: {  	_ =	sfence.sel $0xFFFF  }
0xbf: {  	[dreg:$0x0] =	wrdreg $0xFFFFFFFF;
	(pc) =	sbr.abs _section_cstart, $3  }
0xc0: {  	[dreg:$0x1] =	wrdreg $0xFFFFFFFF  }
0xc1: {  	_ =	task.clear_ibuf [dreg:s6], $0x2FFFF;
	_ =	strace $0x9FFFFFFF  }
0xc2: {  	(tm) =	ssettm $0x7FFFFFFF  }
0xc3: {  	_ =	shalt  }
tec
execute0_lowered:
.L_overlay_start_1:
0x0: {  	(tag) =	ssettag $0x1  }
0x1: {  	s1 =	srdreg.scid;
	s6 =	rddreg [dreg:$0x0]  }
0x2: {  	s0 =	stileid.u32;
	s2 =	rddreg [dreg:$0x1];
	s3 =	simm.s32 $0x0  }
0x3: {  	s16 =	simm.s32 $0x190;
	s17 =	simm.s32 $0x1;
	s4 =	smul.u32 $0xC350, s0  }
0x4: {  	s7 =	sand.u32 $0x1, s1;
	s1 =	rddreg [dreg:$0x2];
	s8 =	smul.u32 $0x61C00, s0  }
0x5: {  	s19 =	simm.s32 $0x0;
	[smem:$0x7FF] =	sst s3;
	s11 =	smul.u32 $0x18700, s0  }
0x6: {  	s12 =	sadd.s32 $0x39000, s6;
	s15 =	sadd.s32 $0x16E900, s2;
	s5 =	smul.u32 $0x61A8, s7  }
0x7: {  	p0 =	seq.s32 s0, $0xF;
	s9 =	smul.u32 $0x186A00, s7;
	s7 =	ssub.s32 $0x2, s7  }
0x8: {  	_ =	strace $0x8000004A;
	s29 =	sshrl.u32 s7, $0x1;
	s8 =	sshrl.u32 s8, $0x2  }
0x9: {  	s18 =	sadd.s32 s11, s2;
	s4 =	sadd.s32 s5, s4;
	s13 =	ssub.s32 s7, s29  }
0xa: {  	s14 =	sadd.s32 s8, s2;
	s30 =	sadd.s32 s11, s9;
	s31 =	sshrl.u32 s9, $0x3  }
0xb: {  	s11 =	sshrl.u32 @p0 s15, $0x3;
	s15 =	simm.s32 $0xC8;
	s18 =	sshrl.u32 @!p0 s18, $0x3  }
0xc: {  	s5 =	sshrl.u32 s4, $0x3;
	s4 =	sadd.s32 $0x1BFC00, s6;
	s7 =	sadd.s32 s12, s31  }
0xd: {  	s8 =	smax.u32 s13, $0x1;
	s13 =	sshrl.u32 @!p0 s14, $0x3;
	s14 =	simm.s32 $0x2  }
0xe: {  	s10 =	sadd.s32 s5, s6;
	s5 =	sadd.s32 $0x35E00, s6;
	s6 =	sshrl.u32 s30, $0x3  }
0xf: {  	s7 =	sadd.s32 $0x2DD20, s7;
	s6 =	sadd.s32 s12, s6;
	s12 =	sshll.u32 @!p0 s0, $0x6  }
0x10: {  	s9 =	sadd.s32 $0x4E00, s10;
	s10 =	sadd.s32 $0x1D600, s10;
	s12 =	sor.u32 @!p0 $0x1C02, s12  }
.LBB2_1:
0x11: {  	s20 =	simm.s32 @p0 $0x1FC2  }
0x12: {  	[spmem:s11], [sflag:s20] =	dma.local @p0 [hbm:s5], $0x3020  }
0x13: {  	s20 =	simm.s32 @p0 $0x2  }
0x14: {  	_ =	swait.ge @p0 [sflag:s20], $0x3020  }
0x15: {  	[sflag:s20] =	ssyncset.done @p0 $0x0  }
0x16: {  	[sflag:s20] =	ssyncadd.s32 @p0 $0xFFFFCFE0;
	s20 =	simm.s32 @!p0 $0x2  }
0x17: {  	[spmem:s13], [sflag:s12] =	dma.local @!p0 [hbm:s5], $0x30E0  }
0x18: {  	_ =	swait.ge @!p0 [sflag:s20], $0x30E0  }
0x19: {  	[sflag:s20] =	ssyncset.done @!p0 $0x0  }
0x1a: {  	[sflag:s20] =	ssyncadd.s32 @!p0 $0xFFFFCF20  }
0x1b: {  	s30 =	sadd.s32 $0x0, s10;
	[bflag:$0x0] =	sbarrier.arrive $0xFFFF  }
0x1c: {  	[tilespmem:s3], [sflag:$0x2] =	stream.linear.gather [hbm4b:s30+s3], $0xC8, $0x38;
	[tilespmem:$0x1A130] =	vst v63  }
0x1d: {  	_ =	swait.ge [sflag:s14], $0xC8  }
0x1e: {  	[sflag:s14] =	ssyncset.done $0x0  }
0x1f: {  	s31 =	sadd.s32 $0x0, s9;
	[sflag:s14] =	ssyncadd.s32 $0xFFFFFF38  }
0x20: {  	[tilespmem:s15], [sflag:$0x2] =	stream.linear.gather [hbm4b:s31+s3], $0xC8, $0x38;
	[tilespmem:$0x1A130] =	vst v63  }
0x21: {  	_ =	swait.ge [sflag:s14], $0xC8  }
0x22: {  	[sflag:s14] =	ssyncset.done $0x0  }
0x23: {  	[sflag:s14] =	ssyncadd.s32 $0xFFFFFF38  }
0x24: {  	[tilespmem:s16], [sflag:$0x1] =	stream.indirect.gather [hbm4b:s4+s15], $0x20, s3, s15, $0xb8;
	[tilespmem:$0x1A130] =	vst v63  }
0x25: {  	_ =	swait.ge [sflag:s17], $0x1900  }
0x26: {  	[sflag:s17] =	ssyncset.done $0x0  }
0x27: {  	[sflag:s17] =	ssyncadd.s32 $0xFFFFE700  }
0x28: {  	[spmem:s2] =	stream.indirect.scatter.add.f32 [tilespmem:s16], [sflag:$0x2], $0x20, s15, s15, $0xb8;
	[tilespmem:$0x1A130] =	vst v63  }
0x29: {  	_ =	swait.ge [sflag:s14], $0x1900  }
0x2a: {  	s21 =	simm.s32 $0x32;
	s20 =	simm.s32 $0x19;
	[sflag:s14] =	ssyncset.done $0x0  }
.LBB2_2:
0x2b: {  	s22 =	sadd.s32 s20, s10  }
0x2c: {  	[sflag:s14] =	ssyncadd.s32 $0xFFFFE700;
	s23 =	smov.u32 s21;
	s24 =	sadd.s32 $0x19, s21  }
0x2d: {  	[tilespmem:s3], [sflag:$0x2] =	stream.linear.gather [hbm4b:s22+s3], $0xC8, $0x38;
	[tilespmem:$0x1A130] =	vst v63  }
0x2e: {  	p1 =	sne.s32 s21, $0xC1C;
	_ =	swait.ge [sflag:s14], $0xC8  }
0x2f: {  	[sflag:s14] =	ssyncset.done $0x0  }
0x30: {  	s21 =	sadd.s32 s20, s9;
	s20 =	smov.u32 s23;
	[sflag:s14] =	ssyncadd.s32 $0xFFFFFF38  }
0x31: {  	[tilespmem:s15], [sflag:$0x2] =	stream.linear.gather [hbm4b:s21+s3], $0xC8, $0x38;
	[tilespmem:$0x1A130] =	vst v63  }
0x32: {  	_ =	swait.ge [sflag:s14], $0xC8  }
0x33: {  	[sflag:s14] =	ssyncset.done $0x0  }
0x34: {  	[sflag:s14] =	ssyncadd.s32 $0xFFFFFF38  }
0x35: {  	[tilespmem:s16], [sflag:$0x1] =	stream.indirect.gather [hbm4b:s4+s15], $0x20, s3, s15, $0xb8;
	[tilespmem:$0x1A130] =	vst v63  }
0x36: {  	_ =	swait.ge [sflag:s17], $0x1900  }
.Ltmp0:
0x37: {  	[sflag:s17] =	ssyncset.done $0x0;
	(pc) =	sbr.rel @p1 .LBB2_2-.Ltmp0, $4  }
0x38: {  	[sflag:s17] =	ssyncadd.s32 $0xFFFFE700  }
0x39: {  	[spmem:s2] =	stream.indirect.scatter.add.f32 [tilespmem:s16], [sflag:$0x2], $0x20, s15, s15, $0xb8;
	[tilespmem:$0x1A130] =	vst v63  }
0x3a: {  	_ =	swait.ge [sflag:s14], $0x1900  }
0x3b: {  	s21 =	smov.u32 s24;
	[sflag:s14] =	ssyncset.done $0x0  }
0x3c: {  	s21 =	sadd.s32 s20, s10;
	[sflag:s14] =	ssyncadd.s32 $0xFFFFE700  }
0x3d: {  	[tilespmem:s3], [sflag:$0x2] =	stream.linear.gather [hbm4b:s21+s3], $0xC8, $0x38;
	[tilespmem:$0x1A130] =	vst v63  }
0x3e: {  	_ =	swait.ge [sflag:s14], $0xC8  }
0x3f: {  	[sflag:s14] =	ssyncset.done $0x0  }
0x40: {  	s31 =	sadd.s32 s20, s9;
	[sflag:s14] =	ssyncadd.s32 $0xFFFFFF38  }
0x41: {  	[tilespmem:s15], [sflag:$0x2] =	stream.linear.gather [hbm4b:s31+s3], $0xC8, $0x38;
	[tilespmem:$0x1A130] =	vst v63  }
0x42: {  	_ =	swait.ge [sflag:s14], $0xC8  }
0x43: {  	[sflag:s14] =	ssyncset.done $0x0  }
0x44: {  	[sflag:s14] =	ssyncadd.s32 $0xFFFFFF38  }
0x45: {  	[tilespmem:s16], [sflag:$0x1] =	stream.indirect.gather [hbm4b:s4+s15], $0x20, s3, s15, $0xb8;
	[tilespmem:$0x1A130] =	vst v63  }
0x46: {  	_ =	swait.ge [sflag:s17], $0x1900  }
0x47: {  	[sflag:s17] =	ssyncset.done $0x0  }
0x48: {  	[sflag:s17] =	ssyncadd.s32 $0xFFFFE700  }
0x49: {  	[spmem:s2] =	stream.indirect.scatter.add.f32 [tilespmem:s16], [sflag:$0x2], $0x20, s15, s15, $0xb8;
	[tilespmem:$0x1A130] =	vst v63  }
0x4a: {  	_ =	swait.ge [sflag:s14], $0x1900  }
0x4b: {  	[sflag:s14] =	ssyncset.done $0x0  }
0x4c: {  	[sflag:s14] =	ssyncadd.s32 $0xFFFFE700  }
0x4d: {  	s20 =	simm.s32 @p0 $0x1FC2;
	[bflag:$0x0] =	sbarrier.arrive $0xFFFF  }
0x4e: {  	[hbm:s7], [sflag:s20] =	dma.local @p0 [spmem:s11], $0x3020  }
0x4f: {  	s20 =	simm.s32 @p0 $0x2  }
0x50: {  	s19 =	sadd.s32 $0x1, s19;
	_ =	swait.ge @p0 [sflag:s20], $0x3020  }
0x51: {  	p1 =	sne.s32 s19, s8;
	[sflag:s20] =	ssyncset.done @p0 $0x0  }
.Ltmp1:
0x52: {  	[sflag:s20] =	ssyncadd.s32 @p0 $0xFFFFCFE0;
	s20 =	simm.s32 @!p0 $0x2;
	(pc) =	sbr.rel @p1 .LBB2_1-.Ltmp1, $4  }
0x53: {  	[hbm:s6], [sflag:s12] =	dma.local @!p0 [spmem:s18], $0x30E0  }
0x54: {  	_ =	swait.ge @!p0 [sflag:s20], $0x30E0  }
0x55: {  	[sflag:s20] =	ssyncset.done @!p0 $0x0  }
0x56: {  	[sflag:s20] =	ssyncadd.s32 @!p0 $0xFFFFCF20  }
0x57: {  	_ =	sfence.sel $0x180000  }
0x58: {  	[bflag:$0x0] =	sbarrier.arrive $0xFFFF  }
0x59: {  	p0 =	sne.s32 s0, $0x0;
	_ =	strace $0x9000004A  }
0x5a: {  	s0 =	sadd.s32 @!p0 $0x100000, s1;
	[bflag:$0x2] =	sbarrier.arrive $0xFFFF  }
0x5b: {  	[sflag:s0] =	ssyncadd.tile.s32 @!p0 $0x1;
	_ =	shalt  }
.Lfunc_end2:
_tile_overlayer_lowered:
.L_overlay_start_2:
0x5c: {  	(tag) =	ssettag $0x2  }
0x5d: {  	s0 =	rddreg [dreg:$0x0];
	s2 =	stileid.u32  }
0x5e: {  	s1 =	rddreg [dreg:$0x1];
	p0 =	sne.s32 s2, $0x0  }
0x5f: {  	s3 =	rddreg [dreg:$0x2];
	[bflag:$0x3] =	sbarrier.arrive $0xFFFF;
	s2 =	simm.s32 @!p0 $0x1C02  }
0x60: {  	[timem:s3], [sflag:s2] =	dma.local @!p0 [hbm:s0], s1  }
0x61: {  	s0 =	simm.s32 @!p0 $0x2  }
0x62: {  	_ =	swait.ge @!p0 [sflag:s0], s1  }
0x63: {  	s1 =	ssub.s32 @!p0 $0x0, s1;
	[sflag:s0] =	ssyncset.done @!p0 $0x0  }
0x64: {  	[sflag:s0] =	ssyncadd.s32 @!p0 s1  }
0x65: {  	[bflag:$0x3] =	sbarrier.arrive $0xFFFF  }
0x66: {  	_ =	shalt  }

// kernel: kernel.28.cloned.1.call-start
scs
__scs_entry_jumppad:
0x0: {  	(pc) =	sbr.rel $0x88, $3  }
0x1: {  	(tag) =	ssettag $0x0;
	lr =	simm.s32 $0x1  }
0x2: {  	[smem:$0x3F8E] =	sst lr;
	_ =	strace $0xD0000000  }
0x3: {  	_ = 	snop  }
0x4: {  	_ = 	snop  }
0x5: {  	_ = 	snop  }
0x6: {  	_ = 	snop  }
0x7: {  	_ = 	snop  }
__scs_overlays_trampoline_lowered:
0x8: {  	[smem:$0x3F9D] =	sst s0  }
0x9: {  	[smem:$0x3F9E] =	sst s1  }
0xa: {  	[smem:$0x3F9F] =	sst s2  }
0xb: {  	[smem:$0x3FA0] =	sst s3  }
0xc: {  	[smem:$0x3FA1] =	sst s4  }
0xd: {  	[smem:$0x3FA2] =	sst s5  }
0xe: {  	[smem:$0x3FA3] =	sst s6  }
0xf: {  	[smem:$0x3FA4] =	sst s7  }
0x10: {  	[smem:$0x3FA5] =	sst s8  }
0x11: {  	[smem:$0x3FA6] =	sst s9;
	s0 =	simm.s32 @!p0 $0x0  }
0x12: {  	s1 =	sld [smem:$0x3F8C];
	s0 =	simm.s32 @p0 $0x1  }
0x13: {  	[smem:$0x3FA7] =	sst s0;
	s0 =	simm.s32 @!p1 $0x0  }
0x14: {  	s2 =	sld [smem:$0x3F8B];
	s0 =	simm.s32 @p1 $0x1  }
0x15: {  	[smem:$0x3FA8] =	sst s0;
	s0 =	simm.s32 @!p2 $0x0  }
0x16: {  	s3 =	sld [smem:$0x3FDB];
	s0 =	simm.s32 @p2 $0x1  }
0x17: {  	s4 =	simm.s32 $0x1BF5;
	[smem:$0x3FAA] =	sst s0  }
0x18: {  	s0 =	sld [smem:$0x3F8D];
	_ =	swait.ge [sflag:s4], $0x0  }
0x19: {  	s7 =	sld [smem:$0x3F8E]  }
0x1a: {  	s8 =	sadd.s32 $0xFFFFE003, lr  }
0x1b: {  	s9 =	sadd.s32 $0xFFFFFEF7, lr;
	s5 =	simm.s32 $0xFFFFFFFF;
	p2 =	slt.u32 s8, $0xFFFFF086  }
0x1c: {  	p1 =	slt.u32 s9, $0xF7A;
	s5 =	simm.s32 @!p2 $0x0  }
0x1d: {  	s5 =	simm.s32 @p1 $0x1;
	p0 =	seq.s32 s7, s2  }
0x1e: {  	s7 =	smul.u32 @!p0 $0xF7A, s2;
	p2 =	seq.s32 @!p0 s5, $0x0  }
0x1f: {  	s9 =	smul.u32 $0xF7A, s1;
	s8 =	simm.s32 @!p0 $0x1BF5;
	p2 =	por !p2, p0  }
0x20: {  	[sflag:s8] =	ssyncset.s32 @!p0 $0xFFFFF086;
	s6 =	sadd.s32 @!p0 s3, s7;
	s7 =	simm.s32 @!p0 $0x108  }
0x21: {  	s3 =	sadd.s32 s3, s9;
	s6 =	sadd.s32 @!p0 $0x88, s6;
	s7 =	simm.s32 @p2 $0x1082  }
0x22: {  	[simem:s7], [sflag:s8] =	dma.local @!p0 [hbm:s6], $0xF7A  }
0x23: {  	s9 =	sor.u32 $0xD0000000, s2;
	s6 =	simm.s32 $0x108;
	_ =	swait.ge @!p0 [sflag:s8], $0x0  }
0x24: {  	s3 =	sadd.s32 $0x88, s3;
	s6 =	simm.s32 @!p1 $0x1082;
	[sflag:s4] =	ssyncset.s32 $0xFFFFF086  }
0x25: {  	[simem:s6], [sflag:s4] =	dma.local [hbm:s3], $0xF7A  }
0x26: {  	[smem:$0x3F8E] =	sst s1;
	(tag) =	ssettag s2;
	_ =	strace s9  }
0x27: {  	s1 =	sld [smem:$0x3F9E]  }
0x28: {  	s2 =	sld [smem:$0x3F9F]  }
0x29: {  	s4 =	sld [smem:$0x3FA1]  }
0x2a: {  	p0 =	seq.s32 s5, $0x0;
	s5 =	sld [smem:$0x3FA2]  }
0x2b: {  	s6 =	sld [smem:$0x3FA3]  }
0x2c: {  	s7 =	sld [smem:$0x3FA4]  }
0x2d: {  	s3 =	simm.s32 $0x108;
	s8 =	sld [smem:$0x3FA5]  }
0x2e: {  	s3 =	simm.s32 @!p0 $0x1082;
	s9 =	sld [smem:$0x3FA6]  }
0x2f: {  	lr =	sadd.s32 s0, s3;
	s0 =	sld [smem:$0x3F9D]  }
0x30: {  	s3 =	sld [smem:$0x3FA0]  }
0x31: {  	[smem:$0x3FA9] =	sst s10  }
0x32: {  	s10 =	sld [smem:$0x3FA7];
	_ =	sdelay $0x3  }
0x33: {  	p0 =	seq.s32 s10, $0x1;
	s10 =	sld [smem:$0x3FA9];
	_ =	sdelay $0x3  }
0x34: {  	[smem:$0x3FA9] =	sst s10  }
0x35: {  	s10 =	sld [smem:$0x3FA8];
	_ =	sdelay $0x3  }
0x36: {  	p1 =	seq.s32 s10, $0x1;
	s10 =	sld [smem:$0x3FA9];
	_ =	sdelay $0x3  }
0x37: {  	[smem:$0x3FA9] =	sst s10  }
0x38: {  	s10 =	sld [smem:$0x3FAA]  }
0x39: {  	_ = 	snop;
	(pc) =	sbr.ind lr, $3  }
0x3a: {  	_ = 	snop  }
0x3b: {  	_ = 	snop  }
0x3c: {  	p2 =	seq.s32 s10, $0x1;
	s10 =	sld [smem:$0x3FA9]  }
0x3d: {  	_ =	shalt  }
0x3e: {  	_ =	shalt  }
0x3f: {  	_ =	shalt  }
0x40: {  	_ =	shalt  }
0x41: {  	_ =	shalt  }
0x42: {  	_ =	shalt  }
0x43: {  	_ =	shalt  }
0x44: {  	_ =	shalt  }
0x45: {  	_ =	shalt  }
0x46: {  	_ =	shalt  }
0x47: {  	_ =	shalt  }
0x48: {  	_ =	shalt  }
0x49: {  	_ =	shalt  }
0x4a: {  	_ =	shalt  }
0x4b: {  	_ =	shalt  }
0x4c: {  	_ =	shalt  }
0x4d: {  	_ =	shalt  }
0x4e: {  	_ =	shalt  }
0x4f: {  	_ =	shalt  }
0x50: {  	_ =	shalt  }
0x51: {  	_ =	shalt  }
0x52: {  	_ =	shalt  }
0x53: {  	_ =	shalt  }
0x54: {  	_ =	shalt  }
0x55: {  	_ =	shalt  }
0x56: {  	_ =	shalt  }
0x57: {  	_ =	shalt  }
0x58: {  	_ =	shalt  }
0x59: {  	_ =	shalt  }
0x5a: {  	_ =	shalt  }
0x5b: {  	_ =	shalt  }
0x5c: {  	_ =	shalt  }
0x5d: {  	_ =	shalt  }
0x5e: {  	_ =	shalt  }
0x5f: {  	_ =	shalt  }
0x60: {  	_ =	shalt  }
0x61: {  	_ =	shalt  }
0x62: {  	_ =	shalt  }
0x63: {  	_ =	shalt  }
0x64: {  	_ =	shalt  }
0x65: {  	_ =	shalt  }
0x66: {  	_ =	shalt  }
0x67: {  	_ =	shalt  }
0x68: {  	_ =	shalt  }
0x69: {  	_ =	shalt  }
0x6a: {  	_ =	shalt  }
0x6b: {  	_ =	shalt  }
0x6c: {  	_ =	shalt  }
0x6d: {  	_ =	shalt  }
0x6e: {  	_ =	shalt  }
0x6f: {  	_ =	shalt  }
0x70: {  	_ =	shalt  }
0x71: {  	_ =	shalt  }
0x72: {  	_ =	shalt  }
0x73: {  	_ =	shalt  }
0x74: {  	_ =	shalt  }
0x75: {  	_ =	shalt  }
0x76: {  	_ =	shalt  }
0x77: {  	_ =	shalt  }
0x78: {  	_ =	shalt  }
0x79: {  	_ =	shalt  }
0x7a: {  	_ =	shalt  }
0x7b: {  	_ =	shalt  }
0x7c: {  	_ =	shalt  }
0x7d: {  	_ =	shalt  }
0x7e: {  	_ =	shalt  }
0x7f: {  	_ =	shalt  }
0x80: {  	_ =	shalt  }
0x81: {  	_ =	shalt  }
0x82: {  	_ =	shalt  }
0x83: {  	_ =	shalt  }
0x84: {  	_ =	shalt  }
0x85: {  	_ =	shalt  }
0x86: {  	_ =	shalt  }
0x87: {  	_ =	shalt  }
.Lfunc_end0:
.L_simem_size_0:
called_computation.3_lowered:
.L_overlay_start_0:
0x88: {  	s2 =	sld [smem:$0x3FD9]  }
0x89: {  	s3 =	sld [smem:$0x3FFE];
	_ =	sdelay $0x1  }
0x8a: {  	s1 =	srdreg.scid  }
0x8b: {  	s0 =	sand.u32 $0x1, s1  }
0x8c: {  	s17 =	sshll.u32 s0, $0xA;
	s2 =	sadd.s32 s3, s2  }
0x8d: {  	s2 =	sadd.s32 s2, s17  }
0x8e: {  	[smem:$0x3FB5] =	sst s2  }
0x8f: {  	_ = 	snop  }
0x90: {  	(tm) =	ssettm $0x1  }
0x91: {  	s18 =	sld [smem:$0x3FFB];
	_ =	sdelay $0x3  }
0x92: {  	_ =	strace s18  }
0x93: {  	s2 =	sld [smem:$0x3FFC];
	_ =	sdelay $0x3  }
0x94: {  	_ =	strace s2  }
0x95: {  	s2 =	sld [smem:$0x3FFD];
	_ =	sdelay $0x3  }
0x96: {  	_ =	strace s2  }
0x97: {  	_ =	strace $0x8FFFFFFF  }
0x98: {  	s19 =	sld [smem:$0x3FDB];
	_ =	sdelay $0x1  }
0x99: {  	s20 =	simm.s32 $_scs_section_size  }
0x9a: {  	s4 =	simm.s32 $_size__tile_overlayer_lowered;
	s5 =	simm.s32 $_tile_overlayer_lowered  }
0x9b: {  	s6 =	simm.s32 $0x1BFF;
	s21 =	sshll.u32 s5, $0x1;
	s3 =	sadd.s32 s20, s19  }
0x9c: {  	s22 =	simm.s32 $0x0;
	s4 =	sshll.u32 s4, $0x1;
	s5 =	sadd.s32 s21, s3  }
0x9d: {  	[timem:s22], [sflag:s6] =	dma.local [hbm:s5], s4  }
0x9e: {  	_ =	swait.ge [sflag:s6], s4  }
0x9f: {  	s4 =	ssub.s32 $0x0, s4;
	[sflag:s6] =	ssyncset.done $0x0  }
0xa0: {  	[sflag:s6] =	ssyncadd.s32 s4;
	_ =	sdelay $0x1  }
0xa1: {  	s23 =	simm.s32 $0x1B8B  }
0xa2: {  	_ =	swait.ge [sflag:s23], $0x1  }
0xa3: {  	[sflag:s23] =	ssyncset.done $0x0  }
0xa4: {  	[sflag:s23] =	ssyncadd.s32 $0xFFFFFFFF  }
0xa5: {  	s4 =	sld [smem:$0x0]  }
0xa6: {  	s5 =	sand.u32 $0xFFFFFFFE, s1  }
0xa7: {  	p0 =	sne.s32 s1, s5  }
0xa8: {  	s5 =	sshll.u32 @p0 s5, $0xE  }
0xa9: {  	s5 =	sadd.s32 @p0 $0x11B8D, s5;
	s6 =	sshll.u32 @p0 s4, $0x11  }
0xaa: {  	s5 =	sor.u32 @p0 s6, s5  }
0xab: {  	[sflag:s5] =	ssyncadd.remote.s32 @p0 $0x1;
	_ =	sdelay $0x1  }
0xac: {  	s5 =	simm.s32 @p0 $0x1B8D  }
0xad: {  	_ =	swait.eq @p0 [sflag:s5], $0x1  }
0xae: {  	[sflag:s5] =	ssyncadd.s32 @p0 $0xFFFFFFFF  }
0xaf: {  	s6 =	sshll.u32 @!p0 s1, $0xE  }
0xb0: {  	s6 =	sor.u32 @!p0 $0x4000, s6;
	s5 =	simm.s32 @!p0 $0x1B8D  }
0xb1: {  	s4 =	sshll.u32 @!p0 s4, $0x11;
	s6 =	sadd.s32 @!p0 $0x11B8D, s6;
	_ =	swait.eq @!p0 [sflag:s5], $0x1  }
0xb2: {  	s4 =	sor.u32 @!p0 s4, s6;
	[sflag:s5] =	ssyncadd.s32 @!p0 $0xFFFFFFFF  }
0xb3: {  	s25 =	simm.s32 $0x1B8E;
	s24 =	sld [smem:$0x3FFE];
	[sflag:s4] =	ssyncadd.remote.s32 @!p0 $0x1  }
0xb4: {  	s26 =	simm.s32 $execute0_lowered;
	[smem:$0x3FD2] =	sst s25  }
0xb5: {  	s5 =	sshll.u32 s26, $0x1;
	_ =	strace $0x8000004F;
	[dreg:$0x1] =	wrdreg $0xFFFFFFFF  }
0xb6: {  	s28 =	simm.s32 $_size_execute0_lowered;
	s3 =	sadd.s32 s3, s5;
	[dreg:$0x0] =	wrdreg $0x0  }
0xb7: {  	s5 =	sshll.u32 s28, $0x1;
	[dreg:$0x2] =	wrdreg s3  }
0xb8: {  	[dreg:$0x3] =	wrdreg s5  }
0xb9: {  	[dreg:$0x4] =	wrdreg $0xC0  }
0xba: {  	_ =	task [dreg:s22], $0x5FFFF  }
0xbb: {  	[dreg:$0x1] =	wrdreg $0xFFFFFFFF  }
0xbc: {  	[dreg:$0x0] =	wrdreg $0x60  }
0xbd: {  	[dreg:$0x2] =	wrdreg s24  }
0xbe: {  	[dreg:$0x3] =	wrdreg $0x1A900  }
0xbf: {  	[dreg:$0x4] =	wrdreg $0xB  }
0xc0: {  	_ =	task.clear_ibuf [dreg:s22], $0x5FFFF;
	_ =	strace $0x9000004F  }
0xc1: {  	s29 =	simm.s32 $0xB;
	_ =	strace $0x80000051  }
0xc2: {  	_ =	swait.ge [sflag:s29], $0x1  }
0xc3: {  	[sflag:s29] =	ssyncadd.s32 $0xFFFFFFFF  }
0xc4: {  	_ =	strace $0x90000051  }
0xc5: {  	_ =	sfence  }
0xc6: {  	s30 =	sld [smem:$0x0];
	_ =	sdelay $0x2  }
0xc7: {  	s31 =	sshll.u32 s1, $0xD;
	s1 =	sshrl.u32 s1, $0x2  }
0xc8: {  	s4 =	sand.u32 $0x4000, s31;
	s1 =	sadd.s32 s1, s30  }
0xc9: {  	s0 =	sor.u32 s4, s0;
	s1 =	sshll.u32 s1, $0x11  }
0xca: {  	s0 =	sor.u32 s1, s0  }
0xcb: {  	s0 =	sadd.s32 $0x8F2B, s0  }
0xcc: {  	[sflag:s0] =	ssyncadd.remote.s32 $0x1  }
0xcd: {  	_ =	sfence.sel $0xFFFF  }
0xce: {  	[dreg:$0x0] =	wrdreg $0xFFFFFFFF;
	(pc) =	sbr.abs _section_cstart, $3  }
0xcf: {  	[dreg:$0x1] =	wrdreg $0xFFFFFFFF  }
0xd0: {  	_ =	task.clear_ibuf [dreg:s22], $0x2FFFF;
	_ =	strace $0x9FFFFFFF  }
0xd1: {  	(tm) =	ssettm $0x7FFFFFFF  }
tec
execute0_lowered:
.L_overlay_start_1:
0x0: {  	(tag) =	ssettag $0x1  }
0x1: {  	s1 =	srdreg.scid;
	s6 =	rddreg [dreg:$0x0]  }
0x2: {  	s0 =	stileid.u32;
	s2 =	rddreg [dreg:$0x1];
	s3 =	simm.s32 $0x0  }
0x3: {  	s16 =	simm.s32 $0x190;
	s17 =	simm.s32 $0x1;
	s4 =	smul.u32 $0xC350, s0  }
0x4: {  	s19 =	simm.s32 $0x0;
	s7 =	sand.u32 $0x1, s1;
	s8 =	smul.u32 $0x61C00, s0  }
0x5: {  	s1 =	rddreg [dreg:$0x2];
	s11 =	smul.u32 $0x18700, s0;
	s12 =	sadd.s32 $0x1F0A00, s6  }
0x6: {  	[smem:$0x7FF] =	sst s3;
	s15 =	sadd.s32 $0x16E900, s2;
	s5 =	smul.u32 $0x61A8, s7  }
0x7: {  	p0 =	seq.s32 s0, $0xF;
	s9 =	smul.u32 $0x186A00, s7;
	s7 =	ssub.s32 $0x2, s7  }
0x8: {  	_ =	strace $0x80000050;
	s29 =	sshrl.u32 s7, $0x1;
	s8 =	sshrl.u32 s8, $0x2  }
0x9: {  	s18 =	sadd.s32 s11, s2;
	s4 =	sadd.s32 s5, s4;
	s13 =	ssub.s32 s7, s29  }
0xa: {  	s14 =	sadd.s32 s8, s2;
	s30 =	sadd.s32 s11, s9;
	s31 =	sshrl.u32 s9, $0x3  }
0xb: {  	s11 =	sshrl.u32 @p0 s15, $0x3;
	s15 =	simm.s32 $0xC8;
	s18 =	sshrl.u32 @!p0 s18, $0x3  }
0xc: {  	s5 =	sshrl.u32 s4, $0x3;
	s4 =	sadd.s32 $0x12D600, s6;
	s7 =	sadd.s32 s12, s31  }
0xd: {  	s8 =	smax.u32 s13, $0x1;
	s13 =	sshrl.u32 @!p0 s14, $0x3;
	s14 =	simm.s32 $0x2  }
0xe: {  	s10 =	sadd.s32 s5, s6;
	s5 =	sadd.s32 $0x35E00, s6;
	s6 =	sshrl.u32 s30, $0x3  }
0xf: {  	s7 =	sadd.s32 $0x2DD20, s7;
	s6 =	sadd.s32 s12, s6;
	s12 =	sshll.u32 @!p0 s0, $0x6  }
0x10: {  	s9 =	sadd.s32 $0x4E00, s10;
	s10 =	sadd.s32 $0x1D600, s10;
	s12 =	sor.u32 @!p0 $0x1C02, s12  }
.LBB2_1:
0x11: {  	s20 =	simm.s32 @p0 $0x1FC2  }
0x12: {  	[spmem:s11], [sflag:s20] =	dma.local @p0 [hbm:s5], $0x3020  }
0x13: {  	s20 =	simm.s32 @p0 $0x2  }
0x14: {  	_ =	swait.ge @p0 [sflag:s20], $0x3020  }
0x15: {  	[sflag:s20] =	ssyncset.done @p0 $0x0  }
0x16: {  	[sflag:s20] =	ssyncadd.s32 @p0 $0xFFFFCFE0;
	s20 =	simm.s32 @!p0 $0x2  }
0x17: {  	[spmem:s13], [sflag:s12] =	dma.local @!p0 [hbm:s5], $0x30E0  }
0x18: {  	_ =	swait.ge @!p0 [sflag:s20], $0x30E0  }
0x19: {  	[sflag:s20] =	ssyncset.done @!p0 $0x0  }
0x1a: {  	[sflag:s20] =	ssyncadd.s32 @!p0 $0xFFFFCF20  }
0x1b: {  	s30 =	sadd.s32 $0x0, s10;
	[bflag:$0x0] =	sbarrier.arrive $0xFFFF  }
0x1c: {  	[tilespmem:s3], [sflag:$0x2] =	stream.linear.gather [hbm4b:s30+s3], $0xC8, $0x38;
	[tilespmem:$0x1A130] =	vst v63  }
0x1d: {  	_ =	swait.ge [sflag:s14], $0xC8  }
0x1e: {  	[sflag:s14] =	ssyncset.done $0x0  }
0x1f: {  	s31 =	sadd.s32 $0x0, s9;
	[sflag:s14] =	ssyncadd.s32 $0xFFFFFF38  }
0x20: {  	[tilespmem:s15], [sflag:$0x2] =	stream.linear.gather [hbm4b:s31+s3], $0xC8, $0x38;
	[tilespmem:$0x1A130] =	vst v63  }
0x21: {  	_ =	swait.ge [sflag:s14], $0xC8  }
0x22: {  	[sflag:s14] =	ssyncset.done $0x0  }
0x23: {  	[sflag:s14] =	ssyncadd.s32 $0xFFFFFF38  }
0x24: {  	[tilespmem:s16], [sflag:$0x1] =	stream.indirect.gather [hbm4b:s4+s15], $0x20, s3, s15, $0xb8;
	[tilespmem:$0x1A130] =	vst v63  }
0x25: {  	_ =	swait.ge [sflag:s17], $0x1900  }
0x26: {  	[sflag:s17] =	ssyncset.done $0x0  }
0x27: {  	[sflag:s17] =	ssyncadd.s32 $0xFFFFE700  }
0x28: {  	[spmem:s2] =	stream.indirect.scatter.add.f32 [tilespmem:s16], [sflag:$0x2], $0x20, s15, s15, $0xb8;
	[tilespmem:$0x1A130] =	vst v63  }
0x29: {  	_ =	swait.ge [sflag:s14], $0x1900  }
0x2a: {  	s21 =	simm.s32 $0x32;
	s20 =	simm.s32 $0x19;
	[sflag:s14] =	ssyncset.done $0x0  }
.LBB2_2:
0x2b: {  	s22 =	sadd.s32 s20, s10  }
0x2c: {  	[sflag:s14] =	ssyncadd.s32 $0xFFFFE700;
	s23 =	smov.u32 s21;
	s24 =	sadd.s32 $0x19, s21  }
0x2d: {  	[tilespmem:s3], [sflag:$0x2] =	stream.linear.gather [hbm4b:s22+s3], $0xC8, $0x38;
	[tilespmem:$0x1A130] =	vst v63  }
0x2e: {  	p1 =	sne.s32 s21, $0xC1C;
	_ =	swait.ge [sflag:s14], $0xC8  }
0x2f: {  	[sflag:s14] =	ssyncset.done $0x0  }
0x30: {  	s21 =	sadd.s32 s20, s9;
	s20 =	smov.u32 s23;
	[sflag:s14] =	ssyncadd.s32 $0xFFFFFF38  }
0x31: {  	[tilespmem:s15], [sflag:$0x2] =	stream.linear.gather [hbm4b:s21+s3], $0xC8, $0x38;
	[tilespmem:$0x1A130] =	vst v63  }
0x32: {  	_ =	swait.ge [sflag:s14], $0xC8  }
0x33: {  	[sflag:s14] =	ssyncset.done $0x0  }
0x34: {  	[sflag:s14] =	ssyncadd.s32 $0xFFFFFF38  }
0x35: {  	[tilespmem:s16], [sflag:$0x1] =	stream.indirect.gather [hbm4b:s4+s15], $0x20, s3, s15, $0xb8;
	[tilespmem:$0x1A130] =	vst v63  }
0x36: {  	_ =	swait.ge [sflag:s17], $0x1900  }
.Ltmp0:
0x37: {  	[sflag:s17] =	ssyncset.done $0x0;
	(pc) =	sbr.rel @p1 .LBB2_2-.Ltmp0, $4  }
0x38: {  	[sflag:s17] =	ssyncadd.s32 $0xFFFFE700  }
0x39: {  	[spmem:s2] =	stream.indirect.scatter.add.f32 [tilespmem:s16], [sflag:$0x2], $0x20, s15, s15, $0xb8;
	[tilespmem:$0x1A130] =	vst v63  }
0x3a: {  	_ =	swait.ge [sflag:s14], $0x1900  }
0x3b: {  	s21 =	smov.u32 s24;
	[sflag:s14] =	ssyncset.done $0x0  }
0x3c: {  	s21 =	sadd.s32 s20, s10;
	[sflag:s14] =	ssyncadd.s32 $0xFFFFE700  }
0x3d: {  	[tilespmem:s3], [sflag:$0x2] =	stream.linear.gather [hbm4b:s21+s3], $0xC8, $0x38;
	[tilespmem:$0x1A130] =	vst v63  }
0x3e: {  	_ =	swait.ge [sflag:s14], $0xC8  }
0x3f: {  	[sflag:s14] =	ssyncset.done $0x0  }
0x40: {  	s31 =	sadd.s32 s20, s9;
	[sflag:s14] =	ssyncadd.s32 $0xFFFFFF38  }
0x41: {  	[tilespmem:s15], [sflag:$0x2] =	stream.linear.gather [hbm4b:s31+s3], $0xC8, $0x38;
	[tilespmem:$0x1A130] =	vst v63  }
0x42: {  	_ =	swait.ge [sflag:s14], $0xC8  }
0x43: {  	[sflag:s14] =	ssyncset.done $0x0  }
0x44: {  	[sflag:s14] =	ssyncadd.s32 $0xFFFFFF38  }
0x45: {  	[tilespmem:s16], [sflag:$0x1] =	stream.indirect.gather [hbm4b:s4+s15], $0x20, s3, s15, $0xb8;
	[tilespmem:$0x1A130] =	vst v63  }
0x46: {  	_ =	swait.ge [sflag:s17], $0x1900  }
0x47: {  	[sflag:s17] =	ssyncset.done $0x0  }
0x48: {  	[sflag:s17] =	ssyncadd.s32 $0xFFFFE700  }
0x49: {  	[spmem:s2] =	stream.indirect.scatter.add.f32 [tilespmem:s16], [sflag:$0x2], $0x20, s15, s15, $0xb8;
	[tilespmem:$0x1A130] =	vst v63  }
0x4a: {  	_ =	swait.ge [sflag:s14], $0x1900  }
0x4b: {  	[sflag:s14] =	ssyncset.done $0x0  }
0x4c: {  	[sflag:s14] =	ssyncadd.s32 $0xFFFFE700  }
0x4d: {  	s20 =	simm.s32 @p0 $0x1FC2;
	[bflag:$0x0] =	sbarrier.arrive $0xFFFF  }
0x4e: {  	[hbm:s7], [sflag:s20] =	dma.local @p0 [spmem:s11], $0x3020  }
0x4f: {  	s20 =	simm.s32 @p0 $0x2  }
0x50: {  	s19 =	sadd.s32 $0x1, s19;
	_ =	swait.ge @p0 [sflag:s20], $0x3020  }
0x51: {  	p1 =	sne.s32 s19, s8;
	[sflag:s20] =	ssyncset.done @p0 $0x0  }
.Ltmp1:
0x52: {  	[sflag:s20] =	ssyncadd.s32 @p0 $0xFFFFCFE0;
	s20 =	simm.s32 @!p0 $0x2;
	(pc) =	sbr.rel @p1 .LBB2_1-.Ltmp1, $4  }
0x53: {  	[hbm:s6], [sflag:s12] =	dma.local @!p0 [spmem:s18], $0x30E0  }
0x54: {  	_ =	swait.ge @!p0 [sflag:s20], $0x30E0  }
0x55: {  	[sflag:s20] =	ssyncset.done @!p0 $0x0  }
0x56: {  	[sflag:s20] =	ssyncadd.s32 @!p0 $0xFFFFCF20  }
0x57: {  	_ =	sfence.sel $0x180000  }
0x58: {  	[bflag:$0x0] =	sbarrier.arrive $0xFFFF  }
0x59: {  	p0 =	sne.s32 s0, $0x0;
	_ =	strace $0x90000050  }
0x5a: {  	s0 =	sadd.s32 @!p0 $0x100000, s1;
	[bflag:$0x2] =	sbarrier.arrive $0xFFFF  }
0x5b: {  	[sflag:s0] =	ssyncadd.tile.s32 @!p0 $0x1;
	_ =	shalt  }
.Lfunc_end2:
_tile_overlayer_lowered:
.L_overlay_start_2:
0x5c: {  	(tag) =	ssettag $0x2  }
0x5d: {  	s0 =	rddreg [dreg:$0x0];
	s2 =	stileid.u32  }
0x5e: {  	s1 =	rddreg [dreg:$0x1];
	p0 =	sne.s32 s2, $0x0  }
0x5f: {  	s3 =	rddreg [dreg:$0x2];
	[bflag:$0x3] =	sbarrier.arrive $0xFFFF;
	s2 =	simm.s32 @!p0 $0x1C02  }
0x60: {  	[timem:s3], [sflag:s2] =	dma.local @!p0 [hbm:s0], s1  }
0x61: {  	s0 =	simm.s32 @!p0 $0x2  }
0x62: {  	_ =	swait.ge @!p0 [sflag:s0], s1  }
0x63: {  	s1 =	ssub.s32 @!p0 $0x0, s1;
	[sflag:s0] =	ssyncset.done @!p0 $0x0  }
0x64: {  	[sflag:s0] =	ssyncadd.s32 @!p0 s1  }
0x65: {  	[bflag:$0x3] =	sbarrier.arrive $0xFFFF  }
0x66: {  	_ =	shalt  }

// kernel: kernel.31.cloned.1.call-start
scs
__scs_entry_jumppad:
0x0: {  	(pc) =	sbr.rel $0x88, $3  }
0x1: {  	(tag) =	ssettag $0x0;
	lr =	simm.s32 $0x1  }
0x2: {  	[smem:$0x3F8E] =	sst lr;
	_ =	strace $0xD0000000  }
0x3: {  	_ = 	snop  }
0x4: {  	_ = 	snop  }
0x5: {  	_ = 	snop  }
0x6: {  	_ = 	snop  }
0x7: {  	_ = 	snop  }
__scs_overlays_trampoline_lowered:
0x8: {  	[smem:$0x3F9D] =	sst s0  }
0x9: {  	[smem:$0x3F9E] =	sst s1  }
0xa: {  	[smem:$0x3F9F] =	sst s2  }
0xb: {  	[smem:$0x3FA0] =	sst s3  }
0xc: {  	[smem:$0x3FA1] =	sst s4  }
0xd: {  	[smem:$0x3FA2] =	sst s5  }
0xe: {  	[smem:$0x3FA3] =	sst s6  }
0xf: {  	[smem:$0x3FA4] =	sst s7  }
0x10: {  	[smem:$0x3FA5] =	sst s8  }
0x11: {  	[smem:$0x3FA6] =	sst s9;
	s0 =	simm.s32 @!p0 $0x0  }
0x12: {  	s1 =	sld [smem:$0x3F8C];
	s0 =	simm.s32 @p0 $0x1  }
0x13: {  	[smem:$0x3FA7] =	sst s0;
	s0 =	simm.s32 @!p1 $0x0  }
0x14: {  	s2 =	sld [smem:$0x3F8B];
	s0 =	simm.s32 @p1 $0x1  }
0x15: {  	[smem:$0x3FA8] =	sst s0;
	s0 =	simm.s32 @!p2 $0x0  }
0x16: {  	s3 =	sld [smem:$0x3FDB];
	s0 =	simm.s32 @p2 $0x1  }
0x17: {  	s4 =	simm.s32 $0x1BF5;
	[smem:$0x3FAA] =	sst s0  }
0x18: {  	s0 =	sld [smem:$0x3F8D];
	_ =	swait.ge [sflag:s4], $0x0  }
0x19: {  	s7 =	sld [smem:$0x3F8E]  }
0x1a: {  	s8 =	sadd.s32 $0xFFFFE003, lr  }
0x1b: {  	s9 =	sadd.s32 $0xFFFFFEF7, lr;
	s5 =	simm.s32 $0xFFFFFFFF;
	p2 =	slt.u32 s8, $0xFFFFF086  }
0x1c: {  	p1 =	slt.u32 s9, $0xF7A;
	s5 =	simm.s32 @!p2 $0x0  }
0x1d: {  	s5 =	simm.s32 @p1 $0x1;
	p0 =	seq.s32 s7, s2  }
0x1e: {  	s7 =	smul.u32 @!p0 $0xF7A, s2;
	p2 =	seq.s32 @!p0 s5, $0x0  }
0x1f: {  	s9 =	smul.u32 $0xF7A, s1;
	s8 =	simm.s32 @!p0 $0x1BF5;
	p2 =	por !p2, p0  }
0x20: {  	[sflag:s8] =	ssyncset.s32 @!p0 $0xFFFFF086;
	s6 =	sadd.s32 @!p0 s3, s7;
	s7 =	simm.s32 @!p0 $0x108  }
0x21: {  	s3 =	sadd.s32 s3, s9;
	s6 =	sadd.s32 @!p0 $0x88, s6;
	s7 =	simm.s32 @p2 $0x1082  }
0x22: {  	[simem:s7], [sflag:s8] =	dma.local @!p0 [hbm:s6], $0xF7A  }
0x23: {  	s9 =	sor.u32 $0xD0000000, s2;
	s6 =	simm.s32 $0x108;
	_ =	swait.ge @!p0 [sflag:s8], $0x0  }
0x24: {  	s3 =	sadd.s32 $0x88, s3;
	s6 =	simm.s32 @!p1 $0x1082;
	[sflag:s4] =	ssyncset.s32 $0xFFFFF086  }
0x25: {  	[simem:s6], [sflag:s4] =	dma.local [hbm:s3], $0xF7A  }
0x26: {  	[smem:$0x3F8E] =	sst s1;
	(tag) =	ssettag s2;
	_ =	strace s9  }
0x27: {  	s1 =	sld [smem:$0x3F9E]  }
0x28: {  	s2 =	sld [smem:$0x3F9F]  }
0x29: {  	s4 =	sld [smem:$0x3FA1]  }
0x2a: {  	p0 =	seq.s32 s5, $0x0;
	s5 =	sld [smem:$0x3FA2]  }
0x2b: {  	s6 =	sld [smem:$0x3FA3]  }
0x2c: {  	s7 =	sld [smem:$0x3FA4]  }
0x2d: {  	s3 =	simm.s32 $0x108;
	s8 =	sld [smem:$0x3FA5]  }
0x2e: {  	s3 =	simm.s32 @!p0 $0x1082;
	s9 =	sld [smem:$0x3FA6]  }
0x2f: {  	lr =	sadd.s32 s0, s3;
	s0 =	sld [smem:$0x3F9D]  }
0x30: {  	s3 =	sld [smem:$0x3FA0]  }
0x31: {  	[smem:$0x3FA9] =	sst s10  }
0x32: {  	s10 =	sld [smem:$0x3FA7];
	_ =	sdelay $0x3  }
0x33: {  	p0 =	seq.s32 s10, $0x1;
	s10 =	sld [smem:$0x3FA9];
	_ =	sdelay $0x3  }
0x34: {  	[smem:$0x3FA9] =	sst s10  }
0x35: {  	s10 =	sld [smem:$0x3FA8];
	_ =	sdelay $0x3  }
0x36: {  	p1 =	seq.s32 s10, $0x1;
	s10 =	sld [smem:$0x3FA9];
	_ =	sdelay $0x3  }
0x37: {  	[smem:$0x3FA9] =	sst s10  }
0x38: {  	s10 =	sld [smem:$0x3FAA]  }
0x39: {  	_ = 	snop;
	(pc) =	sbr.ind lr, $3  }
0x3a: {  	_ = 	snop  }
0x3b: {  	_ = 	snop  }
0x3c: {  	p2 =	seq.s32 s10, $0x1;
	s10 =	sld [smem:$0x3FA9]  }
0x3d: {  	_ =	shalt  }
0x3e: {  	_ =	shalt  }
0x3f: {  	_ =	shalt  }
0x40: {  	_ =	shalt  }
0x41: {  	_ =	shalt  }
0x42: {  	_ =	shalt  }
0x43: {  	_ =	shalt  }
0x44: {  	_ =	shalt  }
0x45: {  	_ =	shalt  }
0x46: {  	_ =	shalt  }
0x47: {  	_ =	shalt  }
0x48: {  	_ =	shalt  }
0x49: {  	_ =	shalt  }
0x4a: {  	_ =	shalt  }
0x4b: {  	_ =	shalt  }
0x4c: {  	_ =	shalt  }
0x4d: {  	_ =	shalt  }
0x4e: {  	_ =	shalt  }
0x4f: {  	_ =	shalt  }
0x50: {  	_ =	shalt  }
0x51: {  	_ =	shalt  }
0x52: {  	_ =	shalt  }
0x53: {  	_ =	shalt  }
0x54: {  	_ =	shalt  }
0x55: {  	_ =	shalt  }
0x56: {  	_ =	shalt  }
0x57: {  	_ =	shalt  }
0x58: {  	_ =	shalt  }
0x59: {  	_ =	shalt  }
0x5a: {  	_ =	shalt  }
0x5b: {  	_ =	shalt  }
0x5c: {  	_ =	shalt  }
0x5d: {  	_ =	shalt  }
0x5e: {  	_ =	shalt  }
0x5f: {  	_ =	shalt  }
0x60: {  	_ =	shalt  }
0x61: {  	_ =	shalt  }
0x62: {  	_ =	shalt  }
0x63: {  	_ =	shalt  }
0x64: {  	_ =	shalt  }
0x65: {  	_ =	shalt  }
0x66: {  	_ =	shalt  }
0x67: {  	_ =	shalt  }
0x68: {  	_ =	shalt  }
0x69: {  	_ =	shalt  }
0x6a: {  	_ =	shalt  }
0x6b: {  	_ =	shalt  }
0x6c: {  	_ =	shalt  }
0x6d: {  	_ =	shalt  }
0x6e: {  	_ =	shalt  }
0x6f: {  	_ =	shalt  }
0x70: {  	_ =	shalt  }
0x71: {  	_ =	shalt  }
0x72: {  	_ =	shalt  }
0x73: {  	_ =	shalt  }
0x74: {  	_ =	shalt  }
0x75: {  	_ =	shalt  }
0x76: {  	_ =	shalt  }
0x77: {  	_ =	shalt  }
0x78: {  	_ =	shalt  }
0x79: {  	_ =	shalt  }
0x7a: {  	_ =	shalt  }
0x7b: {  	_ =	shalt  }
0x7c: {  	_ =	shalt  }
0x7d: {  	_ =	shalt  }
0x7e: {  	_ =	shalt  }
0x7f: {  	_ =	shalt  }
0x80: {  	_ =	shalt  }
0x81: {  	_ =	shalt  }
0x82: {  	_ =	shalt  }
0x83: {  	_ =	shalt  }
0x84: {  	_ =	shalt  }
0x85: {  	_ =	shalt  }
0x86: {  	_ =	shalt  }
0x87: {  	_ =	shalt  }
.Lfunc_end0:
.L_simem_size_0:
called_computation.4_lowered:
.L_overlay_start_0:
0x88: {  	s2 =	sld [smem:$0x3FD9]  }
0x89: {  	s3 =	sld [smem:$0x3FFE];
	_ =	sdelay $0x1  }
0x8a: {  	s1 =	srdreg.scid  }
0x8b: {  	s0 =	sand.u32 $0x1, s1  }
0x8c: {  	s17 =	sshll.u32 s0, $0xA;
	s2 =	sadd.s32 s3, s2  }
0x8d: {  	s2 =	sadd.s32 s2, s17  }
0x8e: {  	[smem:$0x3FB5] =	sst s2  }
0x8f: {  	_ = 	snop  }
0x90: {  	(tm) =	ssettm $0x1  }
0x91: {  	s18 =	sld [smem:$0x3FFB];
	_ =	sdelay $0x3  }
0x92: {  	_ =	strace s18  }
0x93: {  	s2 =	sld [smem:$0x3FFC];
	_ =	sdelay $0x3  }
0x94: {  	_ =	strace s2  }
0x95: {  	s2 =	sld [smem:$0x3FFD];
	_ =	sdelay $0x3  }
0x96: {  	_ =	strace s2  }
0x97: {  	_ =	strace $0x8FFFFFFF  }
0x98: {  	s19 =	sld [smem:$0x3FDB];
	_ =	sdelay $0x1  }
0x99: {  	s20 =	simm.s32 $_scs_section_size  }
0x9a: {  	s4 =	simm.s32 $_size__tile_overlayer_lowered;
	s5 =	simm.s32 $_tile_overlayer_lowered  }
0x9b: {  	s6 =	simm.s32 $0x1BFF;
	s21 =	sshll.u32 s5, $0x1;
	s3 =	sadd.s32 s20, s19  }
0x9c: {  	s22 =	simm.s32 $0x0;
	s4 =	sshll.u32 s4, $0x1;
	s5 =	sadd.s32 s21, s3  }
0x9d: {  	[timem:s22], [sflag:s6] =	dma.local [hbm:s5], s4  }
0x9e: {  	_ =	swait.ge [sflag:s6], s4  }
0x9f: {  	s4 =	ssub.s32 $0x0, s4;
	[sflag:s6] =	ssyncset.done $0x0  }
0xa0: {  	[sflag:s6] =	ssyncadd.s32 s4;
	_ =	sdelay $0x1  }
0xa1: {  	s23 =	simm.s32 $0x1B8B  }
0xa2: {  	_ =	swait.ge [sflag:s23], $0x1  }
0xa3: {  	[sflag:s23] =	ssyncset.done $0x0  }
0xa4: {  	[sflag:s23] =	ssyncadd.s32 $0xFFFFFFFF  }
0xa5: {  	s4 =	sld [smem:$0x0]  }
0xa6: {  	s5 =	sand.u32 $0xFFFFFFFE, s1  }
0xa7: {  	p0 =	sne.s32 s1, s5  }
0xa8: {  	s5 =	sshll.u32 @p0 s5, $0xE  }
0xa9: {  	s5 =	sadd.s32 @p0 $0x11B8D, s5;
	s6 =	sshll.u32 @p0 s4, $0x11  }
0xaa: {  	s5 =	sor.u32 @p0 s6, s5  }
0xab: {  	[sflag:s5] =	ssyncadd.remote.s32 @p0 $0x1;
	_ =	sdelay $0x1  }
0xac: {  	s5 =	simm.s32 @p0 $0x1B8D  }
0xad: {  	_ =	swait.eq @p0 [sflag:s5], $0x1  }
0xae: {  	[sflag:s5] =	ssyncadd.s32 @p0 $0xFFFFFFFF  }
0xaf: {  	s6 =	sshll.u32 @!p0 s1, $0xE  }
0xb0: {  	s6 =	sor.u32 @!p0 $0x4000, s6;
	s5 =	simm.s32 @!p0 $0x1B8D  }
0xb1: {  	s4 =	sshll.u32 @!p0 s4, $0x11;
	s6 =	sadd.s32 @!p0 $0x11B8D, s6;
	_ =	swait.eq @!p0 [sflag:s5], $0x1  }
0xb2: {  	s4 =	sor.u32 @!p0 s4, s6;
	[sflag:s5] =	ssyncadd.s32 @!p0 $0xFFFFFFFF  }
0xb3: {  	s25 =	simm.s32 $0x1B8E;
	s24 =	sld [smem:$0x3FFE];
	[sflag:s4] =	ssyncadd.remote.s32 @!p0 $0x1  }
0xb4: {  	s26 =	simm.s32 $execute0_lowered;
	[smem:$0x3FD2] =	sst s25  }
0xb5: {  	s5 =	sshll.u32 s26, $0x1;
	_ =	strace $0x80000058;
	[dreg:$0x1] =	wrdreg $0xFFFFFFFF  }
0xb6: {  	s28 =	simm.s32 $_size_execute0_lowered;
	s3 =	sadd.s32 s3, s5;
	[dreg:$0x0] =	wrdreg $0x0  }
0xb7: {  	s5 =	sshll.u32 s28, $0x1;
	[dreg:$0x2] =	wrdreg s3  }
0xb8: {  	[dreg:$0x3] =	wrdreg s5  }
0xb9: {  	[dreg:$0x4] =	wrdreg $0xC0  }
0xba: {  	_ =	task [dreg:s22], $0x5FFFF  }
0xbb: {  	[dreg:$0x1] =	wrdreg $0xFFFFFFFF  }
0xbc: {  	[dreg:$0x0] =	wrdreg $0x60  }
0xbd: {  	[dreg:$0x2] =	wrdreg s24  }
0xbe: {  	[dreg:$0x3] =	wrdreg $0x1A900  }
0xbf: {  	[dreg:$0x4] =	wrdreg $0x9  }
0xc0: {  	_ =	task.clear_ibuf [dreg:s22], $0x5FFFF;
	_ =	strace $0x90000058  }
0xc1: {  	s29 =	simm.s32 $0x9;
	_ =	strace $0x8000005A  }
0xc2: {  	_ =	swait.ge [sflag:s29], $0x1  }
0xc3: {  	[sflag:s29] =	ssyncadd.s32 $0xFFFFFFFF  }
0xc4: {  	_ =	strace $0x9000005A  }
0xc5: {  	_ =	sfence  }
0xc6: {  	s30 =	sld [smem:$0x0];
	_ =	sdelay $0x2  }
0xc7: {  	s31 =	sshll.u32 s1, $0xD;
	s1 =	sshrl.u32 s1, $0x2  }
0xc8: {  	s4 =	sand.u32 $0x4000, s31;
	s1 =	sadd.s32 s1, s30  }
0xc9: {  	s0 =	sor.u32 s4, s0;
	s1 =	sshll.u32 s1, $0x11  }
0xca: {  	s0 =	sor.u32 s1, s0  }
0xcb: {  	s0 =	sadd.s32 $0x8F2B, s0  }
0xcc: {  	[sflag:s0] =	ssyncadd.remote.s32 $0x1  }
0xcd: {  	_ =	sfence.sel $0xFFFF  }
0xce: {  	[dreg:$0x0] =	wrdreg $0xFFFFFFFF;
	(pc) =	sbr.abs _section_cstart, $3  }
0xcf: {  	[dreg:$0x1] =	wrdreg $0xFFFFFFFF  }
0xd0: {  	_ =	task.clear_ibuf [dreg:s22], $0x2FFFF;
	_ =	strace $0x9FFFFFFF  }
0xd1: {  	(tm) =	ssettm $0x7FFFFFFF  }
tec
execute0_lowered:
.L_overlay_start_1:
0x0: {  	(tag) =	ssettag $0x1  }
0x1: {  	s1 =	srdreg.scid;
	s6 =	rddreg [dreg:$0x0]  }
0x2: {  	s0 =	stileid.u32;
	s2 =	rddreg [dreg:$0x1];
	s3 =	simm.s32 $0x0  }
0x3: {  	s16 =	simm.s32 $0x190;
	s17 =	simm.s32 $0x1;
	s4 =	smul.u32 $0xC350, s0  }
0x4: {  	s19 =	simm.s32 $0x0;
	s7 =	sand.u32 $0x1, s1;
	s8 =	smul.u32 $0x61C00, s0  }
0x5: {  	s1 =	rddreg [dreg:$0x2];
	s11 =	smul.u32 $0x18700, s0;
	s12 =	sadd.s32 $0x1F0C00, s6  }
0x6: {  	[smem:$0x7FF] =	sst s3;
	s15 =	sadd.s32 $0x16E900, s2;
	s5 =	smul.u32 $0x61A8, s7  }
0x7: {  	p0 =	seq.s32 s0, $0xF;
	s9 =	smul.u32 $0x186A00, s7;
	s7 =	ssub.s32 $0x2, s7  }
0x8: {  	_ =	strace $0x80000059;
	s29 =	sshrl.u32 s7, $0x1;
	s8 =	sshrl.u32 s8, $0x2  }
0x9: {  	s18 =	sadd.s32 s11, s2;
	s4 =	sadd.s32 s5, s4;
	s13 =	ssub.s32 s7, s29  }
0xa: {  	s14 =	sadd.s32 s8, s2;
	s30 =	sadd.s32 s11, s9;
	s31 =	sshrl.u32 s9, $0x3  }
0xb: {  	s11 =	sshrl.u32 @p0 s15, $0x3;
	s15 =	simm.s32 $0xC8;
	s18 =	sshrl.u32 @!p0 s18, $0x3  }
0xc: {  	s5 =	sshrl.u32 s4, $0x3;
	s4 =	sadd.s32 $0x377600, s6;
	s7 =	sadd.s32 s12, s31  }
0xd: {  	s8 =	smax.u32 s13, $0x1;
	s13 =	sshrl.u32 @!p0 s14, $0x3;
	s14 =	simm.s32 $0x2  }
0xe: {  	s10 =	sadd.s32 s5, s6;
	s5 =	sadd.s32 $0x35E00, s6;
	s6 =	sshrl.u32 s30, $0x3  }
0xf: {  	s7 =	sadd.s32 $0x2DD20, s7;
	s6 =	sadd.s32 s12, s6;
	s12 =	sshll.u32 @!p0 s0, $0x6  }
0x10: {  	s9 =	sadd.s32 $0x4E00, s10;
	s10 =	sadd.s32 $0x1D600, s10;
	s12 =	sor.u32 @!p0 $0x1C02, s12  }
.LBB2_1:
0x11: {  	s20 =	simm.s32 @p0 $0x1FC2  }
0x12: {  	[spmem:s11], [sflag:s20] =	dma.local @p0 [hbm:s5], $0x3020  }
0x13: {  	s20 =	simm.s32 @p0 $0x2  }
0x14: {  	_ =	swait.ge @p0 [sflag:s20], $0x3020  }
0x15: {  	[sflag:s20] =	ssyncset.done @p0 $0x0  }
0x16: {  	[sflag:s20] =	ssyncadd.s32 @p0 $0xFFFFCFE0;
	s20 =	simm.s32 @!p0 $0x2  }
0x17: {  	[spmem:s13], [sflag:s12] =	dma.local @!p0 [hbm:s5], $0x30E0  }
0x18: {  	_ =	swait.ge @!p0 [sflag:s20], $0x30E0  }
0x19: {  	[sflag:s20] =	ssyncset.done @!p0 $0x0  }
0x1a: {  	[sflag:s20] =	ssyncadd.s32 @!p0 $0xFFFFCF20  }
0x1b: {  	s30 =	sadd.s32 $0x0, s10;
	[bflag:$0x0] =	sbarrier.arrive $0xFFFF  }
0x1c: {  	[tilespmem:s3], [sflag:$0x2] =	stream.linear.gather [hbm4b:s30+s3], $0xC8, $0x38;
	[tilespmem:$0x1A130] =	vst v63  }
0x1d: {  	_ =	swait.ge [sflag:s14], $0xC8  }
0x1e: {  	[sflag:s14] =	ssyncset.done $0x0  }
0x1f: {  	s31 =	sadd.s32 $0x0, s9;
	[sflag:s14] =	ssyncadd.s32 $0xFFFFFF38  }
0x20: {  	[tilespmem:s15], [sflag:$0x2] =	stream.linear.gather [hbm4b:s31+s3], $0xC8, $0x38;
	[tilespmem:$0x1A130] =	vst v63  }
0x21: {  	_ =	swait.ge [sflag:s14], $0xC8  }
0x22: {  	[sflag:s14] =	ssyncset.done $0x0  }
0x23: {  	[sflag:s14] =	ssyncadd.s32 $0xFFFFFF38  }
0x24: {  	[tilespmem:s16], [sflag:$0x1] =	stream.indirect.gather [hbm4b:s4+s15], $0x20, s3, s15, $0xb8;
	[tilespmem:$0x1A130] =	vst v63  }
0x25: {  	_ =	swait.ge [sflag:s17], $0x1900  }
0x26: {  	[sflag:s17] =	ssyncset.done $0x0  }
0x27: {  	[sflag:s17] =	ssyncadd.s32 $0xFFFFE700  }
0x28: {  	[spmem:s2] =	stream.indirect.scatter.add.f32 [tilespmem:s16], [sflag:$0x2], $0x20, s15, s15, $0xb8;
	[tilespmem:$0x1A130] =	vst v63  }
0x29: {  	_ =	swait.ge [sflag:s14], $0x1900  }
0x2a: {  	s21 =	simm.s32 $0x32;
	s20 =	simm.s32 $0x19;
	[sflag:s14] =	ssyncset.done $0x0  }
.LBB2_2:
0x2b: {  	s22 =	sadd.s32 s20, s10  }
0x2c: {  	[sflag:s14] =	ssyncadd.s32 $0xFFFFE700;
	s23 =	smov.u32 s21;
	s24 =	sadd.s32 $0x19, s21  }
0x2d: {  	[tilespmem:s3], [sflag:$0x2] =	stream.linear.gather [hbm4b:s22+s3], $0xC8, $0x38;
	[tilespmem:$0x1A130] =	vst v63  }
0x2e: {  	p1 =	sne.s32 s21, $0xC1C;
	_ =	swait.ge [sflag:s14], $0xC8  }
0x2f: {  	[sflag:s14] =	ssyncset.done $0x0  }
0x30: {  	s21 =	sadd.s32 s20, s9;
	s20 =	smov.u32 s23;
	[sflag:s14] =	ssyncadd.s32 $0xFFFFFF38  }
0x31: {  	[tilespmem:s15], [sflag:$0x2] =	stream.linear.gather [hbm4b:s21+s3], $0xC8, $0x38;
	[tilespmem:$0x1A130] =	vst v63  }
0x32: {  	_ =	swait.ge [sflag:s14], $0xC8  }
0x33: {  	[sflag:s14] =	ssyncset.done $0x0  }
0x34: {  	[sflag:s14] =	ssyncadd.s32 $0xFFFFFF38  }
0x35: {  	[tilespmem:s16], [sflag:$0x1] =	stream.indirect.gather [hbm4b:s4+s15], $0x20, s3, s15, $0xb8;
	[tilespmem:$0x1A130] =	vst v63  }
0x36: {  	_ =	swait.ge [sflag:s17], $0x1900  }
.Ltmp0:
0x37: {  	[sflag:s17] =	ssyncset.done $0x0;
	(pc) =	sbr.rel @p1 .LBB2_2-.Ltmp0, $4  }
0x38: {  	[sflag:s17] =	ssyncadd.s32 $0xFFFFE700  }
0x39: {  	[spmem:s2] =	stream.indirect.scatter.add.f32 [tilespmem:s16], [sflag:$0x2], $0x20, s15, s15, $0xb8;
	[tilespmem:$0x1A130] =	vst v63  }
0x3a: {  	_ =	swait.ge [sflag:s14], $0x1900  }
0x3b: {  	s21 =	smov.u32 s24;
	[sflag:s14] =	ssyncset.done $0x0  }
0x3c: {  	s21 =	sadd.s32 s20, s10;
	[sflag:s14] =	ssyncadd.s32 $0xFFFFE700  }
0x3d: {  	[tilespmem:s3], [sflag:$0x2] =	stream.linear.gather [hbm4b:s21+s3], $0xC8, $0x38;
	[tilespmem:$0x1A130] =	vst v63  }
0x3e: {  	_ =	swait.ge [sflag:s14], $0xC8  }
0x3f: {  	[sflag:s14] =	ssyncset.done $0x0  }
0x40: {  	s31 =	sadd.s32 s20, s9;
	[sflag:s14] =	ssyncadd.s32 $0xFFFFFF38  }
0x41: {  	[tilespmem:s15], [sflag:$0x2] =	stream.linear.gather [hbm4b:s31+s3], $0xC8, $0x38;
	[tilespmem:$0x1A130] =	vst v63  }
0x42: {  	_ =	swait.ge [sflag:s14], $0xC8  }
0x43: {  	[sflag:s14] =	ssyncset.done $0x0  }
0x44: {  	[sflag:s14] =	ssyncadd.s32 $0xFFFFFF38  }
0x45: {  	[tilespmem:s16], [sflag:$0x1] =	stream.indirect.gather [hbm4b:s4+s15], $0x20, s3, s15, $0xb8;
	[tilespmem:$0x1A130] =	vst v63  }
0x46: {  	_ =	swait.ge [sflag:s17], $0x1900  }
0x47: {  	[sflag:s17] =	ssyncset.done $0x0  }
0x48: {  	[sflag:s17] =	ssyncadd.s32 $0xFFFFE700  }
0x49: {  	[spmem:s2] =	stream.indirect.scatter.add.f32 [tilespmem:s16], [sflag:$0x2], $0x20, s15, s15, $0xb8;
	[tilespmem:$0x1A130] =	vst v63  }
0x4a: {  	_ =	swait.ge [sflag:s14], $0x1900  }
0x4b: {  	[sflag:s14] =	ssyncset.done $0x0  }
0x4c: {  	[sflag:s14] =	ssyncadd.s32 $0xFFFFE700  }
0x4d: {  	s20 =	simm.s32 @p0 $0x1FC2;
	[bflag:$0x0] =	sbarrier.arrive $0xFFFF  }
0x4e: {  	[hbm:s7], [sflag:s20] =	dma.local @p0 [spmem:s11], $0x3020  }
0x4f: {  	s20 =	simm.s32 @p0 $0x2  }
0x50: {  	s19 =	sadd.s32 $0x1, s19;
	_ =	swait.ge @p0 [sflag:s20], $0x3020  }
0x51: {  	p1 =	sne.s32 s19, s8;
	[sflag:s20] =	ssyncset.done @p0 $0x0  }
.Ltmp1:
0x52: {  	[sflag:s20] =	ssyncadd.s32 @p0 $0xFFFFCFE0;
	s20 =	simm.s32 @!p0 $0x2;
	(pc) =	sbr.rel @p1 .LBB2_1-.Ltmp1, $4  }
0x53: {  	[hbm:s6], [sflag:s12] =	dma.local @!p0 [spmem:s18], $0x30E0  }
0x54: {  	_ =	swait.ge @!p0 [sflag:s20], $0x30E0  }
0x55: {  	[sflag:s20] =	ssyncset.done @!p0 $0x0  }
0x56: {  	[sflag:s20] =	ssyncadd.s32 @!p0 $0xFFFFCF20  }
0x57: {  	_ =	sfence.sel $0x180000  }
0x58: {  	[bflag:$0x0] =	sbarrier.arrive $0xFFFF  }
0x59: {  	p0 =	sne.s32 s0, $0x0;
	_ =	strace $0x90000059  }
0x5a: {  	s0 =	sadd.s32 @!p0 $0x100000, s1;
	[bflag:$0x2] =	sbarrier.arrive $0xFFFF  }
0x5b: {  	[sflag:s0] =	ssyncadd.tile.s32 @!p0 $0x1;
	_ =	shalt  }
.Lfunc_end2:
_tile_overlayer_lowered:
.L_overlay_start_2:
0x5c: {  	(tag) =	ssettag $0x2  }
0x5d: {  	s0 =	rddreg [dreg:$0x0];
	s2 =	stileid.u32  }
0x5e: {  	s1 =	rddreg [dreg:$0x1];
	p0 =	sne.s32 s2, $0x0  }
0x5f: {  	s3 =	rddreg [dreg:$0x2];
	[bflag:$0x3] =	sbarrier.arrive $0xFFFF;
	s2 =	simm.s32 @!p0 $0x1C02  }
0x60: {  	[timem:s3], [sflag:s2] =	dma.local @!p0 [hbm:s0], s1  }
0x61: {  	s0 =	simm.s32 @!p0 $0x2  }
0x62: {  	_ =	swait.ge @!p0 [sflag:s0], s1  }
0x63: {  	s1 =	ssub.s32 @!p0 $0x0, s1;
	[sflag:s0] =	ssyncset.done @!p0 $0x0  }
0x64: {  	[sflag:s0] =	ssyncadd.s32 @!p0 s1  }
0x65: {  	[bflag:$0x3] =	sbarrier.arrive $0xFFFF  }
0x66: {  	_ =	shalt  }

// kernel: kernel.34.cloned.1.call-start
scs
__scs_entry_jumppad:
0x0: {  	(pc) =	sbr.rel $0x88, $3  }
0x1: {  	(tag) =	ssettag $0x0;
	lr =	simm.s32 $0x1  }
0x2: {  	[smem:$0x3F8E] =	sst lr;
	_ =	strace $0xD0000000  }
0x3: {  	_ = 	snop  }
0x4: {  	_ = 	snop  }
0x5: {  	_ = 	snop  }
0x6: {  	_ = 	snop  }
0x7: {  	_ = 	snop  }
__scs_overlays_trampoline_lowered:
0x8: {  	[smem:$0x3F9D] =	sst s0  }
0x9: {  	[smem:$0x3F9E] =	sst s1  }
0xa: {  	[smem:$0x3F9F] =	sst s2  }
0xb: {  	[smem:$0x3FA0] =	sst s3  }
0xc: {  	[smem:$0x3FA1] =	sst s4  }
0xd: {  	[smem:$0x3FA2] =	sst s5  }
0xe: {  	[smem:$0x3FA3] =	sst s6  }
0xf: {  	[smem:$0x3FA4] =	sst s7  }
0x10: {  	[smem:$0x3FA5] =	sst s8  }
0x11: {  	[smem:$0x3FA6] =	sst s9;
	s0 =	simm.s32 @!p0 $0x0  }
0x12: {  	s1 =	sld [smem:$0x3F8C];
	s0 =	simm.s32 @p0 $0x1  }
0x13: {  	[smem:$0x3FA7] =	sst s0;
	s0 =	simm.s32 @!p1 $0x0  }
0x14: {  	s2 =	sld [smem:$0x3F8B];
	s0 =	simm.s32 @p1 $0x1  }
0x15: {  	[smem:$0x3FA8] =	sst s0;
	s0 =	simm.s32 @!p2 $0x0  }
0x16: {  	s3 =	sld [smem:$0x3FDB];
	s0 =	simm.s32 @p2 $0x1  }
0x17: {  	s4 =	simm.s32 $0x1BF5;
	[smem:$0x3FAA] =	sst s0  }
0x18: {  	s0 =	sld [smem:$0x3F8D];
	_ =	swait.ge [sflag:s4], $0x0  }
0x19: {  	s7 =	sld [smem:$0x3F8E]  }
0x1a: {  	s8 =	sadd.s32 $0xFFFFE003, lr  }
0x1b: {  	s9 =	sadd.s32 $0xFFFFFEF7, lr;
	s5 =	simm.s32 $0xFFFFFFFF;
	p2 =	slt.u32 s8, $0xFFFFF086  }
0x1c: {  	p1 =	slt.u32 s9, $0xF7A;
	s5 =	simm.s32 @!p2 $0x0  }
0x1d: {  	s5 =	simm.s32 @p1 $0x1;
	p0 =	seq.s32 s7, s2  }
0x1e: {  	s7 =	smul.u32 @!p0 $0xF7A, s2;
	p2 =	seq.s32 @!p0 s5, $0x0  }
0x1f: {  	s9 =	smul.u32 $0xF7A, s1;
	s8 =	simm.s32 @!p0 $0x1BF5;
	p2 =	por !p2, p0  }
0x20: {  	[sflag:s8] =	ssyncset.s32 @!p0 $0xFFFFF086;
	s6 =	sadd.s32 @!p0 s3, s7;
	s7 =	simm.s32 @!p0 $0x108  }
0x21: {  	s3 =	sadd.s32 s3, s9;
	s6 =	sadd.s32 @!p0 $0x88, s6;
	s7 =	simm.s32 @p2 $0x1082  }
0x22: {  	[simem:s7], [sflag:s8] =	dma.local @!p0 [hbm:s6], $0xF7A  }
0x23: {  	s9 =	sor.u32 $0xD0000000, s2;
	s6 =	simm.s32 $0x108;
	_ =	swait.ge @!p0 [sflag:s8], $0x0  }
0x24: {  	s3 =	sadd.s32 $0x88, s3;
	s6 =	simm.s32 @!p1 $0x1082;
	[sflag:s4] =	ssyncset.s32 $0xFFFFF086  }
0x25: {  	[simem:s6], [sflag:s4] =	dma.local [hbm:s3], $0xF7A  }
0x26: {  	[smem:$0x3F8E] =	sst s1;
	(tag) =	ssettag s2;
	_ =	strace s9  }
0x27: {  	s1 =	sld [smem:$0x3F9E]  }
0x28: {  	s2 =	sld [smem:$0x3F9F]  }
0x29: {  	s4 =	sld [smem:$0x3FA1]  }
0x2a: {  	p0 =	seq.s32 s5, $0x0;
	s5 =	sld [smem:$0x3FA2]  }
0x2b: {  	s6 =	sld [smem:$0x3FA3]  }
0x2c: {  	s7 =	sld [smem:$0x3FA4]  }
0x2d: {  	s3 =	simm.s32 $0x108;
	s8 =	sld [smem:$0x3FA5]  }
0x2e: {  	s3 =	simm.s32 @!p0 $0x1082;
	s9 =	sld [smem:$0x3FA6]  }
0x2f: {  	lr =	sadd.s32 s0, s3;
	s0 =	sld [smem:$0x3F9D]  }
0x30: {  	s3 =	sld [smem:$0x3FA0]  }
0x31: {  	[smem:$0x3FA9] =	sst s10  }
0x32: {  	s10 =	sld [smem:$0x3FA7];
	_ =	sdelay $0x3  }
0x33: {  	p0 =	seq.s32 s10, $0x1;
	s10 =	sld [smem:$0x3FA9];
	_ =	sdelay $0x3  }
0x34: {  	[smem:$0x3FA9] =	sst s10  }
0x35: {  	s10 =	sld [smem:$0x3FA8];
	_ =	sdelay $0x3  }
0x36: {  	p1 =	seq.s32 s10, $0x1;
	s10 =	sld [smem:$0x3FA9];
	_ =	sdelay $0x3  }
0x37: {  	[smem:$0x3FA9] =	sst s10  }
0x38: {  	s10 =	sld [smem:$0x3FAA]  }
0x39: {  	_ = 	snop;
	(pc) =	sbr.ind lr, $3  }
0x3a: {  	_ = 	snop  }
0x3b: {  	_ = 	snop  }
0x3c: {  	p2 =	seq.s32 s10, $0x1;
	s10 =	sld [smem:$0x3FA9]  }
0x3d: {  	_ =	shalt  }
0x3e: {  	_ =	shalt  }
0x3f: {  	_ =	shalt  }
0x40: {  	_ =	shalt  }
0x41: {  	_ =	shalt  }
0x42: {  	_ =	shalt  }
0x43: {  	_ =	shalt  }
0x44: {  	_ =	shalt  }
0x45: {  	_ =	shalt  }
0x46: {  	_ =	shalt  }
0x47: {  	_ =	shalt  }
0x48: {  	_ =	shalt  }
0x49: {  	_ =	shalt  }
0x4a: {  	_ =	shalt  }
0x4b: {  	_ =	shalt  }
0x4c: {  	_ =	shalt  }
0x4d: {  	_ =	shalt  }
0x4e: {  	_ =	shalt  }
0x4f: {  	_ =	shalt  }
0x50: {  	_ =	shalt  }
0x51: {  	_ =	shalt  }
0x52: {  	_ =	shalt  }
0x53: {  	_ =	shalt  }
0x54: {  	_ =	shalt  }
0x55: {  	_ =	shalt  }
0x56: {  	_ =	shalt  }
0x57: {  	_ =	shalt  }
0x58: {  	_ =	shalt  }
0x59: {  	_ =	shalt  }
0x5a: {  	_ =	shalt  }
0x5b: {  	_ =	shalt  }
0x5c: {  	_ =	shalt  }
0x5d: {  	_ =	shalt  }
0x5e: {  	_ =	shalt  }
0x5f: {  	_ =	shalt  }
0x60: {  	_ =	shalt  }
0x61: {  	_ =	shalt  }
0x62: {  	_ =	shalt  }
0x63: {  	_ =	shalt  }
0x64: {  	_ =	shalt  }
0x65: {  	_ =	shalt  }
0x66: {  	_ =	shalt  }
0x67: {  	_ =	shalt  }
0x68: {  	_ =	shalt  }
0x69: {  	_ =	shalt  }
0x6a: {  	_ =	shalt  }
0x6b: {  	_ =	shalt  }
0x6c: {  	_ =	shalt  }
0x6d: {  	_ =	shalt  }
0x6e: {  	_ =	shalt  }
0x6f: {  	_ =	shalt  }
0x70: {  	_ =	shalt  }
0x71: {  	_ =	shalt  }
0x72: {  	_ =	shalt  }
0x73: {  	_ =	shalt  }
0x74: {  	_ =	shalt  }
0x75: {  	_ =	shalt  }
0x76: {  	_ =	shalt  }
0x77: {  	_ =	shalt  }
0x78: {  	_ =	shalt  }
0x79: {  	_ =	shalt  }
0x7a: {  	_ =	shalt  }
0x7b: {  	_ =	shalt  }
0x7c: {  	_ =	shalt  }
0x7d: {  	_ =	shalt  }
0x7e: {  	_ =	shalt  }
0x7f: {  	_ =	shalt  }
0x80: {  	_ =	shalt  }
0x81: {  	_ =	shalt  }
0x82: {  	_ =	shalt  }
0x83: {  	_ =	shalt  }
0x84: {  	_ =	shalt  }
0x85: {  	_ =	shalt  }
0x86: {  	_ =	shalt  }
0x87: {  	_ =	shalt  }
.Lfunc_end0:
.L_simem_size_0:
called_computation.5_lowered:
.L_overlay_start_0:
0x88: {  	s2 =	sld [smem:$0x3FD9]  }
0x89: {  	s3 =	sld [smem:$0x3FFE];
	_ =	sdelay $0x1  }
0x8a: {  	s1 =	srdreg.scid  }
0x8b: {  	s0 =	sand.u32 $0x1, s1  }
0x8c: {  	s17 =	sshll.u32 s0, $0xA;
	s2 =	sadd.s32 s3, s2  }
0x8d: {  	s2 =	sadd.s32 s2, s17  }
0x8e: {  	[smem:$0x3FB5] =	sst s2  }
0x8f: {  	_ = 	snop  }
0x90: {  	(tm) =	ssettm $0x1  }
0x91: {  	s18 =	sld [smem:$0x3FFB];
	_ =	sdelay $0x3  }
0x92: {  	_ =	strace s18  }
0x93: {  	s2 =	sld [smem:$0x3FFC];
	_ =	sdelay $0x3  }
0x94: {  	_ =	strace s2  }
0x95: {  	s2 =	sld [smem:$0x3FFD];
	_ =	sdelay $0x3  }
0x96: {  	_ =	strace s2  }
0x97: {  	_ =	strace $0x8FFFFFFF  }
0x98: {  	s19 =	sld [smem:$0x3FDB];
	_ =	sdelay $0x1  }
0x99: {  	s20 =	simm.s32 $_scs_section_size  }
0x9a: {  	s4 =	simm.s32 $_size__tile_overlayer_lowered;
	s5 =	simm.s32 $_tile_overlayer_lowered  }
0x9b: {  	s6 =	simm.s32 $0x1BFF;
	s21 =	sshll.u32 s5, $0x1;
	s3 =	sadd.s32 s20, s19  }
0x9c: {  	s22 =	simm.s32 $0x0;
	s4 =	sshll.u32 s4, $0x1;
	s5 =	sadd.s32 s21, s3  }
0x9d: {  	[timem:s22], [sflag:s6] =	dma.local [hbm:s5], s4  }
0x9e: {  	_ =	swait.ge [sflag:s6], s4  }
0x9f: {  	s4 =	ssub.s32 $0x0, s4;
	[sflag:s6] =	ssyncset.done $0x0  }
0xa0: {  	[sflag:s6] =	ssyncadd.s32 s4;
	_ =	sdelay $0x1  }
0xa1: {  	s23 =	simm.s32 $0x1B8B  }
0xa2: {  	_ =	swait.ge [sflag:s23], $0x1  }
0xa3: {  	[sflag:s23] =	ssyncset.done $0x0  }
0xa4: {  	[sflag:s23] =	ssyncadd.s32 $0xFFFFFFFF  }
0xa5: {  	s4 =	sld [smem:$0x0]  }
0xa6: {  	s5 =	sand.u32 $0xFFFFFFFE, s1  }
0xa7: {  	p0 =	sne.s32 s1, s5  }
0xa8: {  	s5 =	sshll.u32 @p0 s5, $0xE  }
0xa9: {  	s5 =	sadd.s32 @p0 $0x11B8D, s5;
	s6 =	sshll.u32 @p0 s4, $0x11  }
0xaa: {  	s5 =	sor.u32 @p0 s6, s5  }
0xab: {  	[sflag:s5] =	ssyncadd.remote.s32 @p0 $0x1;
	_ =	sdelay $0x1  }
0xac: {  	s5 =	simm.s32 @p0 $0x1B8D  }
0xad: {  	_ =	swait.eq @p0 [sflag:s5], $0x1  }
0xae: {  	[sflag:s5] =	ssyncadd.s32 @p0 $0xFFFFFFFF  }
0xaf: {  	s6 =	sshll.u32 @!p0 s1, $0xE  }
0xb0: {  	s6 =	sor.u32 @!p0 $0x4000, s6;
	s5 =	simm.s32 @!p0 $0x1B8D  }
0xb1: {  	s4 =	sshll.u32 @!p0 s4, $0x11;
	s6 =	sadd.s32 @!p0 $0x11B8D, s6;
	_ =	swait.eq @!p0 [sflag:s5], $0x1  }
0xb2: {  	s4 =	sor.u32 @!p0 s4, s6;
	[sflag:s5] =	ssyncadd.s32 @!p0 $0xFFFFFFFF  }
0xb3: {  	s25 =	simm.s32 $0x1B8E;
	s24 =	sld [smem:$0x3FFE];
	[sflag:s4] =	ssyncadd.remote.s32 @!p0 $0x1  }
0xb4: {  	s26 =	simm.s32 $execute0_lowered;
	[smem:$0x3FD2] =	sst s25  }
0xb5: {  	s5 =	sshll.u32 s26, $0x1;
	_ =	strace $0x80000055;
	[dreg:$0x1] =	wrdreg $0xFFFFFFFF  }
0xb6: {  	s28 =	simm.s32 $_size_execute0_lowered;
	s3 =	sadd.s32 s3, s5;
	[dreg:$0x0] =	wrdreg $0x0  }
0xb7: {  	s5 =	sshll.u32 s28, $0x1;
	[dreg:$0x2] =	wrdreg s3  }
0xb8: {  	[dreg:$0x3] =	wrdreg s5  }
0xb9: {  	[dreg:$0x4] =	wrdreg $0xC0  }
0xba: {  	_ =	task [dreg:s22], $0x5FFFF  }
0xbb: {  	[dreg:$0x1] =	wrdreg $0xFFFFFFFF  }
0xbc: {  	[dreg:$0x0] =	wrdreg $0x60  }
0xbd: {  	[dreg:$0x2] =	wrdreg s24  }
0xbe: {  	[dreg:$0x3] =	wrdreg $0x1A900  }
0xbf: {  	[dreg:$0x4] =	wrdreg $0xA  }
0xc0: {  	_ =	task.clear_ibuf [dreg:s22], $0x5FFFF;
	_ =	strace $0x90000055  }
0xc1: {  	s29 =	simm.s32 $0xA;
	_ =	strace $0x80000057  }
0xc2: {  	_ =	swait.ge [sflag:s29], $0x1  }
0xc3: {  	[sflag:s29] =	ssyncadd.s32 $0xFFFFFFFF  }
0xc4: {  	_ =	strace $0x90000057  }
0xc5: {  	_ =	sfence  }
0xc6: {  	s30 =	sld [smem:$0x0];
	_ =	sdelay $0x2  }
0xc7: {  	s31 =	sshll.u32 s1, $0xD;
	s1 =	sshrl.u32 s1, $0x2  }
0xc8: {  	s4 =	sand.u32 $0x4000, s31;
	s1 =	sadd.s32 s1, s30  }
0xc9: {  	s0 =	sor.u32 s4, s0;
	s1 =	sshll.u32 s1, $0x11  }
0xca: {  	s0 =	sor.u32 s1, s0  }
0xcb: {  	s0 =	sadd.s32 $0x8F2B, s0  }
0xcc: {  	[sflag:s0] =	ssyncadd.remote.s32 $0x1  }
0xcd: {  	_ =	sfence.sel $0xFFFF  }
0xce: {  	[dreg:$0x0] =	wrdreg $0xFFFFFFFF;
	(pc) =	sbr.abs _section_cstart, $3  }
0xcf: {  	[dreg:$0x1] =	wrdreg $0xFFFFFFFF  }
0xd0: {  	_ =	task.clear_ibuf [dreg:s22], $0x2FFFF;
	_ =	strace $0x9FFFFFFF  }
0xd1: {  	(tm) =	ssettm $0x7FFFFFFF  }
tec
execute0_lowered:
.L_overlay_start_1:
0x0: {  	(tag) =	ssettag $0x1  }
0x1: {  	s1 =	srdreg.scid;
	s6 =	rddreg [dreg:$0x0]  }
0x2: {  	s0 =	stileid.u32;
	s2 =	rddreg [dreg:$0x1];
	s3 =	simm.s32 $0x0  }
0x3: {  	s16 =	simm.s32 $0x190;
	s17 =	simm.s32 $0x1;
	s4 =	smul.u32 $0xC350, s0  }
0x4: {  	s7 =	sand.u32 $0x1, s1;
	s1 =	rddreg [dreg:$0x2];
	s8 =	smul.u32 $0x61C00, s0  }
0x5: {  	s19 =	simm.s32 $0x0;
	[smem:$0x7FF] =	sst s3;
	s11 =	smul.u32 $0x18700, s0  }
0x6: {  	s12 =	sadd.s32 $0x18F000, s6;
	s15 =	sadd.s32 $0x16E900, s2;
	s5 =	smul.u32 $0x61A8, s7  }
0x7: {  	p0 =	seq.s32 s0, $0xF;
	s9 =	smul.u32 $0x186A00, s7;
	s7 =	ssub.s32 $0x2, s7  }
0x8: {  	_ =	strace $0x80000056;
	s29 =	sshrl.u32 s7, $0x1;
	s8 =	sshrl.u32 s8, $0x2  }
0x9: {  	s18 =	sadd.s32 s11, s2;
	s4 =	sadd.s32 s5, s4;
	s13 =	ssub.s32 s7, s29  }
0xa: {  	s14 =	sadd.s32 s8, s2;
	s30 =	sadd.s32 s11, s9;
	s31 =	sshrl.u32 s9, $0x3  }
0xb: {  	s11 =	sshrl.u32 @p0 s15, $0x3;
	s15 =	simm.s32 $0xC8;
	s18 =	sshrl.u32 @!p0 s18, $0x3  }
0xc: {  	s5 =	sshrl.u32 s4, $0x3;
	s4 =	sadd.s32 $0x15E200, s6;
	s7 =	sadd.s32 s12, s31  }
0xd: {  	s8 =	smax.u32 s13, $0x1;
	s13 =	sshrl.u32 @!p0 s14, $0x3;
	s14 =	simm.s32 $0x2  }
0xe: {  	s10 =	sadd.s32 s5, s6;
	s5 =	sadd.s32 $0x35E00, s6;
	s6 =	sshrl.u32 s30, $0x3  }
0xf: {  	s7 =	sadd.s32 $0x2DD20, s7;
	s6 =	sadd.s32 s12, s6;
	s12 =	sshll.u32 @!p0 s0, $0x6  }
0x10: {  	s9 =	sadd.s32 $0x4E00, s10;
	s10 =	sadd.s32 $0x1D600, s10;
	s12 =	sor.u32 @!p0 $0x1C02, s12  }
.LBB2_1:
0x11: {  	s20 =	simm.s32 @p0 $0x1FC2  }
0x12: {  	[spmem:s11], [sflag:s20] =	dma.local @p0 [hbm:s5], $0x3020  }
0x13: {  	s20 =	simm.s32 @p0 $0x2  }
0x14: {  	_ =	swait.ge @p0 [sflag:s20], $0x3020  }
0x15: {  	[sflag:s20] =	ssyncset.done @p0 $0x0  }
0x16: {  	[sflag:s20] =	ssyncadd.s32 @p0 $0xFFFFCFE0;
	s20 =	simm.s32 @!p0 $0x2  }
0x17: {  	[spmem:s13], [sflag:s12] =	dma.local @!p0 [hbm:s5], $0x30E0  }
0x18: {  	_ =	swait.ge @!p0 [sflag:s20], $0x30E0  }
0x19: {  	[sflag:s20] =	ssyncset.done @!p0 $0x0  }
0x1a: {  	[sflag:s20] =	ssyncadd.s32 @!p0 $0xFFFFCF20  }
0x1b: {  	s30 =	sadd.s32 $0x0, s10;
	[bflag:$0x0] =	sbarrier.arrive $0xFFFF  }
0x1c: {  	[tilespmem:s3], [sflag:$0x2] =	stream.linear.gather [hbm4b:s30+s3], $0xC8, $0x38;
	[tilespmem:$0x1A130] =	vst v63  }
0x1d: {  	_ =	swait.ge [sflag:s14], $0xC8  }
0x1e: {  	[sflag:s14] =	ssyncset.done $0x0  }
0x1f: {  	s31 =	sadd.s32 $0x0, s9;
	[sflag:s14] =	ssyncadd.s32 $0xFFFFFF38  }
0x20: {  	[tilespmem:s15], [sflag:$0x2] =	stream.linear.gather [hbm4b:s31+s3], $0xC8, $0x38;
	[tilespmem:$0x1A130] =	vst v63  }
0x21: {  	_ =	swait.ge [sflag:s14], $0xC8  }
0x22: {  	[sflag:s14] =	ssyncset.done $0x0  }
0x23: {  	[sflag:s14] =	ssyncadd.s32 $0xFFFFFF38  }
0x24: {  	[tilespmem:s16], [sflag:$0x1] =	stream.indirect.gather [hbm4b:s4+s15], $0x20, s3, s15, $0xb8;
	[tilespmem:$0x1A130] =	vst v63  }
0x25: {  	_ =	swait.ge [sflag:s17], $0x1900  }
0x26: {  	[sflag:s17] =	ssyncset.done $0x0  }
0x27: {  	[sflag:s17] =	ssyncadd.s32 $0xFFFFE700  }
0x28: {  	[spmem:s2] =	stream.indirect.scatter.add.f32 [tilespmem:s16], [sflag:$0x2], $0x20, s15, s15, $0xb8;
	[tilespmem:$0x1A130] =	vst v63  }
0x29: {  	_ =	swait.ge [sflag:s14], $0x1900  }
0x2a: {  	s21 =	simm.s32 $0x32;
	s20 =	simm.s32 $0x19;
	[sflag:s14] =	ssyncset.done $0x0  }
.LBB2_2:
0x2b: {  	s22 =	sadd.s32 s20, s10  }
0x2c: {  	[sflag:s14] =	ssyncadd.s32 $0xFFFFE700;
	s23 =	smov.u32 s21;
	s24 =	sadd.s32 $0x19, s21  }
0x2d: {  	[tilespmem:s3], [sflag:$0x2] =	stream.linear.gather [hbm4b:s22+s3], $0xC8, $0x38;
	[tilespmem:$0x1A130] =	vst v63  }
0x2e: {  	p1 =	sne.s32 s21, $0xC1C;
	_ =	swait.ge [sflag:s14], $0xC8  }
0x2f: {  	[sflag:s14] =	ssyncset.done $0x0  }
0x30: {  	s21 =	sadd.s32 s20, s9;
	s20 =	smov.u32 s23;
	[sflag:s14] =	ssyncadd.s32 $0xFFFFFF38  }
0x31: {  	[tilespmem:s15], [sflag:$0x2] =	stream.linear.gather [hbm4b:s21+s3], $0xC8, $0x38;
	[tilespmem:$0x1A130] =	vst v63  }
0x32: {  	_ =	swait.ge [sflag:s14], $0xC8  }
0x33: {  	[sflag:s14] =	ssyncset.done $0x0  }
0x34: {  	[sflag:s14] =	ssyncadd.s32 $0xFFFFFF38  }
0x35: {  	[tilespmem:s16], [sflag:$0x1] =	stream.indirect.gather [hbm4b:s4+s15], $0x20, s3, s15, $0xb8;
	[tilespmem:$0x1A130] =	vst v63  }
0x36: {  	_ =	swait.ge [sflag:s17], $0x1900  }
.Ltmp0:
0x37: {  	[sflag:s17] =	ssyncset.done $0x0;
	(pc) =	sbr.rel @p1 .LBB2_2-.Ltmp0, $4  }
0x38: {  	[sflag:s17] =	ssyncadd.s32 $0xFFFFE700  }
0x39: {  	[spmem:s2] =	stream.indirect.scatter.add.f32 [tilespmem:s16], [sflag:$0x2], $0x20, s15, s15, $0xb8;
	[tilespmem:$0x1A130] =	vst v63  }
0x3a: {  	_ =	swait.ge [sflag:s14], $0x1900  }
0x3b: {  	s21 =	smov.u32 s24;
	[sflag:s14] =	ssyncset.done $0x0  }
0x3c: {  	s21 =	sadd.s32 s20, s10;
	[sflag:s14] =	ssyncadd.s32 $0xFFFFE700  }
0x3d: {  	[tilespmem:s3], [sflag:$0x2] =	stream.linear.gather [hbm4b:s21+s3], $0xC8, $0x38;
	[tilespmem:$0x1A130] =	vst v63  }
0x3e: {  	_ =	swait.ge [sflag:s14], $0xC8  }
0x3f: {  	[sflag:s14] =	ssyncset.done $0x0  }
0x40: {  	s31 =	sadd.s32 s20, s9;
	[sflag:s14] =	ssyncadd.s32 $0xFFFFFF38  }
0x41: {  	[tilespmem:s15], [sflag:$0x2] =	stream.linear.gather [hbm4b:s31+s3], $0xC8, $0x38;
	[tilespmem:$0x1A130] =	vst v63  }
0x42: {  	_ =	swait.ge [sflag:s14], $0xC8  }
0x43: {  	[sflag:s14] =	ssyncset.done $0x0  }
0x44: {  	[sflag:s14] =	ssyncadd.s32 $0xFFFFFF38  }
0x45: {  	[tilespmem:s16], [sflag:$0x1] =	stream.indirect.gather [hbm4b:s4+s15], $0x20, s3, s15, $0xb8;
	[tilespmem:$0x1A130] =	vst v63  }
0x46: {  	_ =	swait.ge [sflag:s17], $0x1900  }
0x47: {  	[sflag:s17] =	ssyncset.done $0x0  }
0x48: {  	[sflag:s17] =	ssyncadd.s32 $0xFFFFE700  }
0x49: {  	[spmem:s2] =	stream.indirect.scatter.add.f32 [tilespmem:s16], [sflag:$0x2], $0x20, s15, s15, $0xb8;
	[tilespmem:$0x1A130] =	vst v63  }
0x4a: {  	_ =	swait.ge [sflag:s14], $0x1900  }
0x4b: {  	[sflag:s14] =	ssyncset.done $0x0  }
0x4c: {  	[sflag:s14] =	ssyncadd.s32 $0xFFFFE700  }
0x4d: {  	s20 =	simm.s32 @p0 $0x1FC2;
	[bflag:$0x0] =	sbarrier.arrive $0xFFFF  }
0x4e: {  	[hbm:s7], [sflag:s20] =	dma.local @p0 [spmem:s11], $0x3020  }
0x4f: {  	s20 =	simm.s32 @p0 $0x2  }
0x50: {  	s19 =	sadd.s32 $0x1, s19;
	_ =	swait.ge @p0 [sflag:s20], $0x3020  }
0x51: {  	p1 =	sne.s32 s19, s8;
	[sflag:s20] =	ssyncset.done @p0 $0x0  }
.Ltmp1:
0x52: {  	[sflag:s20] =	ssyncadd.s32 @p0 $0xFFFFCFE0;
	s20 =	simm.s32 @!p0 $0x2;
	(pc) =	sbr.rel @p1 .LBB2_1-.Ltmp1, $4  }
0x53: {  	[hbm:s6], [sflag:s12] =	dma.local @!p0 [spmem:s18], $0x30E0  }
0x54: {  	_ =	swait.ge @!p0 [sflag:s20], $0x30E0  }
0x55: {  	[sflag:s20] =	ssyncset.done @!p0 $0x0  }
0x56: {  	[sflag:s20] =	ssyncadd.s32 @!p0 $0xFFFFCF20  }
0x57: {  	_ =	sfence.sel $0x180000  }
0x58: {  	[bflag:$0x0] =	sbarrier.arrive $0xFFFF  }
0x59: {  	p0 =	sne.s32 s0, $0x0;
	_ =	strace $0x90000056  }
0x5a: {  	s0 =	sadd.s32 @!p0 $0x100000, s1;
	[bflag:$0x2] =	sbarrier.arrive $0xFFFF  }
0x5b: {  	[sflag:s0] =	ssyncadd.tile.s32 @!p0 $0x1;
	_ =	shalt  }
.Lfunc_end2:
_tile_overlayer_lowered:
.L_overlay_start_2:
0x5c: {  	(tag) =	ssettag $0x2  }
0x5d: {  	s0 =	rddreg [dreg:$0x0];
	s2 =	stileid.u32  }
0x5e: {  	s1 =	rddreg [dreg:$0x1];
	p0 =	sne.s32 s2, $0x0  }
0x5f: {  	s3 =	rddreg [dreg:$0x2];
	[bflag:$0x3] =	sbarrier.arrive $0xFFFF;
	s2 =	simm.s32 @!p0 $0x1C02  }
0x60: {  	[timem:s3], [sflag:s2] =	dma.local @!p0 [hbm:s0], s1  }
0x61: {  	s0 =	simm.s32 @!p0 $0x2  }
0x62: {  	_ =	swait.ge @!p0 [sflag:s0], s1  }
0x63: {  	s1 =	ssub.s32 @!p0 $0x0, s1;
	[sflag:s0] =	ssyncset.done @!p0 $0x0  }
0x64: {  	[sflag:s0] =	ssyncadd.s32 @!p0 s1  }
0x65: {  	[bflag:$0x3] =	sbarrier.arrive $0xFFFF  }
0x66: {  	_ =	shalt  }

// kernel: kernel.37.cloned.1.call-start
scs
__scs_entry_jumppad:
0x0: {  	(pc) =	sbr.rel $0x88, $3  }
0x1: {  	(tag) =	ssettag $0x0;
	lr =	simm.s32 $0x1  }
0x2: {  	[smem:$0x3F8E] =	sst lr;
	_ =	strace $0xD0000000  }
0x3: {  	_ = 	snop  }
0x4: {  	_ = 	snop  }
0x5: {  	_ = 	snop  }
0x6: {  	_ = 	snop  }
0x7: {  	_ = 	snop  }
__scs_overlays_trampoline_lowered:
0x8: {  	[smem:$0x3F9D] =	sst s0  }
0x9: {  	[smem:$0x3F9E] =	sst s1  }
0xa: {  	[smem:$0x3F9F] =	sst s2  }
0xb: {  	[smem:$0x3FA0] =	sst s3  }
0xc: {  	[smem:$0x3FA1] =	sst s4  }
0xd: {  	[smem:$0x3FA2] =	sst s5  }
0xe: {  	[smem:$0x3FA3] =	sst s6  }
0xf: {  	[smem:$0x3FA4] =	sst s7  }
0x10: {  	[smem:$0x3FA5] =	sst s8  }
0x11: {  	[smem:$0x3FA6] =	sst s9;
	s0 =	simm.s32 @!p0 $0x0  }
0x12: {  	s1 =	sld [smem:$0x3F8C];
	s0 =	simm.s32 @p0 $0x1  }
0x13: {  	[smem:$0x3FA7] =	sst s0;
	s0 =	simm.s32 @!p1 $0x0  }
0x14: {  	s2 =	sld [smem:$0x3F8B];
	s0 =	simm.s32 @p1 $0x1  }
0x15: {  	[smem:$0x3FA8] =	sst s0;
	s0 =	simm.s32 @!p2 $0x0  }
0x16: {  	s3 =	sld [smem:$0x3FDB];
	s0 =	simm.s32 @p2 $0x1  }
0x17: {  	s4 =	simm.s32 $0x1BF5;
	[smem:$0x3FAA] =	sst s0  }
0x18: {  	s0 =	sld [smem:$0x3F8D];
	_ =	swait.ge [sflag:s4], $0x0  }
0x19: {  	s7 =	sld [smem:$0x3F8E]  }
0x1a: {  	s8 =	sadd.s32 $0xFFFFE003, lr  }
0x1b: {  	s9 =	sadd.s32 $0xFFFFFEF7, lr;
	s5 =	simm.s32 $0xFFFFFFFF;
	p2 =	slt.u32 s8, $0xFFFFF086  }
0x1c: {  	p1 =	slt.u32 s9, $0xF7A;
	s5 =	simm.s32 @!p2 $0x0  }
0x1d: {  	s5 =	simm.s32 @p1 $0x1;
	p0 =	seq.s32 s7, s2  }
0x1e: {  	s7 =	smul.u32 @!p0 $0xF7A, s2;
	p2 =	seq.s32 @!p0 s5, $0x0  }
0x1f: {  	s9 =	smul.u32 $0xF7A, s1;
	s8 =	simm.s32 @!p0 $0x1BF5;
	p2 =	por !p2, p0  }
0x20: {  	[sflag:s8] =	ssyncset.s32 @!p0 $0xFFFFF086;
	s6 =	sadd.s32 @!p0 s3, s7;
	s7 =	simm.s32 @!p0 $0x108  }
0x21: {  	s3 =	sadd.s32 s3, s9;
	s6 =	sadd.s32 @!p0 $0x88, s6;
	s7 =	simm.s32 @p2 $0x1082  }
0x22: {  	[simem:s7], [sflag:s8] =	dma.local @!p0 [hbm:s6], $0xF7A  }
0x23: {  	s9 =	sor.u32 $0xD0000000, s2;
	s6 =	simm.s32 $0x108;
	_ =	swait.ge @!p0 [sflag:s8], $0x0  }
0x24: {  	s3 =	sadd.s32 $0x88, s3;
	s6 =	simm.s32 @!p1 $0x1082;
	[sflag:s4] =	ssyncset.s32 $0xFFFFF086  }
0x25: {  	[simem:s6], [sflag:s4] =	dma.local [hbm:s3], $0xF7A  }
0x26: {  	[smem:$0x3F8E] =	sst s1;
	(tag) =	ssettag s2;
	_ =	strace s9  }
0x27: {  	s1 =	sld [smem:$0x3F9E]  }
0x28: {  	s2 =	sld [smem:$0x3F9F]  }
0x29: {  	s4 =	sld [smem:$0x3FA1]  }
0x2a: {  	p0 =	seq.s32 s5, $0x0;
	s5 =	sld [smem:$0x3FA2]  }
0x2b: {  	s6 =	sld [smem:$0x3FA3]  }
0x2c: {  	s7 =	sld [smem:$0x3FA4]  }
0x2d: {  	s3 =	simm.s32 $0x108;
	s8 =	sld [smem:$0x3FA5]  }
0x2e: {  	s3 =	simm.s32 @!p0 $0x1082;
	s9 =	sld [smem:$0x3FA6]  }
0x2f: {  	lr =	sadd.s32 s0, s3;
	s0 =	sld [smem:$0x3F9D]  }
0x30: {  	s3 =	sld [smem:$0x3FA0]  }
0x31: {  	[smem:$0x3FA9] =	sst s10  }
0x32: {  	s10 =	sld [smem:$0x3FA7];
	_ =	sdelay $0x3  }
0x33: {  	p0 =	seq.s32 s10, $0x1;
	s10 =	sld [smem:$0x3FA9];
	_ =	sdelay $0x3  }
0x34: {  	[smem:$0x3FA9] =	sst s10  }
0x35: {  	s10 =	sld [smem:$0x3FA8];
	_ =	sdelay $0x3  }
0x36: {  	p1 =	seq.s32 s10, $0x1;
	s10 =	sld [smem:$0x3FA9];
	_ =	sdelay $0x3  }
0x37: {  	[smem:$0x3FA9] =	sst s10  }
0x38: {  	s10 =	sld [smem:$0x3FAA]  }
0x39: {  	_ = 	snop;
	(pc) =	sbr.ind lr, $3  }
0x3a: {  	_ = 	snop  }
0x3b: {  	_ = 	snop  }
0x3c: {  	p2 =	seq.s32 s10, $0x1;
	s10 =	sld [smem:$0x3FA9]  }
0x3d: {  	_ =	shalt  }
0x3e: {  	_ =	shalt  }
0x3f: {  	_ =	shalt  }
0x40: {  	_ =	shalt  }
0x41: {  	_ =	shalt  }
0x42: {  	_ =	shalt  }
0x43: {  	_ =	shalt  }
0x44: {  	_ =	shalt  }
0x45: {  	_ =	shalt  }
0x46: {  	_ =	shalt  }
0x47: {  	_ =	shalt  }
0x48: {  	_ =	shalt  }
0x49: {  	_ =	shalt  }
0x4a: {  	_ =	shalt  }
0x4b: {  	_ =	shalt  }
0x4c: {  	_ =	shalt  }
0x4d: {  	_ =	shalt  }
0x4e: {  	_ =	shalt  }
0x4f: {  	_ =	shalt  }
0x50: {  	_ =	shalt  }
0x51: {  	_ =	shalt  }
0x52: {  	_ =	shalt  }
0x53: {  	_ =	shalt  }
0x54: {  	_ =	shalt  }
0x55: {  	_ =	shalt  }
0x56: {  	_ =	shalt  }
0x57: {  	_ =	shalt  }
0x58: {  	_ =	shalt  }
0x59: {  	_ =	shalt  }
0x5a: {  	_ =	shalt  }
0x5b: {  	_ =	shalt  }
0x5c: {  	_ =	shalt  }
0x5d: {  	_ =	shalt  }
0x5e: {  	_ =	shalt  }
0x5f: {  	_ =	shalt  }
0x60: {  	_ =	shalt  }
0x61: {  	_ =	shalt  }
0x62: {  	_ =	shalt  }
0x63: {  	_ =	shalt  }
0x64: {  	_ =	shalt  }
0x65: {  	_ =	shalt  }
0x66: {  	_ =	shalt  }
0x67: {  	_ =	shalt  }
0x68: {  	_ =	shalt  }
0x69: {  	_ =	shalt  }
0x6a: {  	_ =	shalt  }
0x6b: {  	_ =	shalt  }
0x6c: {  	_ =	shalt  }
0x6d: {  	_ =	shalt  }
0x6e: {  	_ =	shalt  }
0x6f: {  	_ =	shalt  }
0x70: {  	_ =	shalt  }
0x71: {  	_ =	shalt  }
0x72: {  	_ =	shalt  }
0x73: {  	_ =	shalt  }
0x74: {  	_ =	shalt  }
0x75: {  	_ =	shalt  }
0x76: {  	_ =	shalt  }
0x77: {  	_ =	shalt  }
0x78: {  	_ =	shalt  }
0x79: {  	_ =	shalt  }
0x7a: {  	_ =	shalt  }
0x7b: {  	_ =	shalt  }
0x7c: {  	_ =	shalt  }
0x7d: {  	_ =	shalt  }
0x7e: {  	_ =	shalt  }
0x7f: {  	_ =	shalt  }
0x80: {  	_ =	shalt  }
0x81: {  	_ =	shalt  }
0x82: {  	_ =	shalt  }
0x83: {  	_ =	shalt  }
0x84: {  	_ =	shalt  }
0x85: {  	_ =	shalt  }
0x86: {  	_ =	shalt  }
0x87: {  	_ =	shalt  }
.Lfunc_end0:
.L_simem_size_0:
called_computation.6_lowered:
.L_overlay_start_0:
0x88: {  	s2 =	sld [smem:$0x3FD9]  }
0x89: {  	s3 =	sld [smem:$0x3FFE];
	_ =	sdelay $0x1  }
0x8a: {  	s1 =	srdreg.scid  }
0x8b: {  	s0 =	sand.u32 $0x1, s1  }
0x8c: {  	s16 =	sshll.u32 s0, $0xA;
	s2 =	sadd.s32 s3, s2  }
0x8d: {  	s2 =	sadd.s32 s2, s16  }
0x8e: {  	[smem:$0x3FB5] =	sst s2  }
0x8f: {  	_ = 	snop  }
0x90: {  	(tm) =	ssettm $0x1  }
0x91: {  	s17 =	sld [smem:$0x3FFB];
	_ =	sdelay $0x3  }
0x92: {  	_ =	strace s17  }
0x93: {  	s2 =	sld [smem:$0x3FFC];
	_ =	sdelay $0x3  }
0x94: {  	_ =	strace s2  }
0x95: {  	s2 =	sld [smem:$0x3FFD];
	_ =	sdelay $0x3  }
0x96: {  	_ =	strace s2  }
0x97: {  	_ =	strace $0x8FFFFFFF  }
0x98: {  	s18 =	sld [smem:$0x3FDB];
	_ =	sdelay $0x1  }
0x99: {  	s19 =	simm.s32 $_scs_section_size  }
0x9a: {  	s4 =	simm.s32 $_size__tile_overlayer_lowered;
	s5 =	simm.s32 $_tile_overlayer_lowered  }
0x9b: {  	s22 =	simm.s32 $0x1BFF;
	s21 =	sshll.u32 s5, $0x1;
	s2 =	sadd.s32 s19, s18  }
0x9c: {  	s6 =	simm.s32 $0x0;
	s20 =	sshll.u32 s4, $0x1;
	s4 =	sadd.s32 s21, s2  }
0x9d: {  	[timem:s6], [sflag:s22] =	dma.local [hbm:s4], s20  }
0x9e: {  	_ =	swait.ge [sflag:s22], s20  }
0x9f: {  	s3 =	ssub.s32 $0x0, s20;
	[sflag:s22] =	ssyncset.done $0x0  }
0xa0: {  	[sflag:s22] =	ssyncadd.s32 s3;
	_ =	sdelay $0x1  }
0xa1: {  	s23 =	simm.s32 $0x1B8B  }
0xa2: {  	_ =	swait.ge [sflag:s23], $0x1  }
0xa3: {  	[sflag:s23] =	ssyncset.done $0x0  }
0xa4: {  	s25 =	simm.s32 $0x1B8E;
	s24 =	sld [smem:$0x3FFE];
	[sflag:s23] =	ssyncadd.s32 $0xFFFFFFFF  }
0xa5: {  	s26 =	simm.s32 $execute0_lowered;
	[smem:$0x3FD2] =	sst s25  }
0xa6: {  	s4 =	sshll.u32 s26, $0x1;
	_ =	strace $0x80000052;
	[dreg:$0x1] =	wrdreg $0xFFFFFFFF  }
0xa7: {  	s28 =	simm.s32 $_size_execute0_lowered;
	s2 =	sadd.s32 s2, s4;
	[dreg:$0x0] =	wrdreg $0x0  }
0xa8: {  	s4 =	sshll.u32 s28, $0x1;
	[dreg:$0x2] =	wrdreg s2  }
0xa9: {  	[dreg:$0x3] =	wrdreg s4  }
0xaa: {  	[dreg:$0x4] =	wrdreg $0xC0  }
0xab: {  	_ =	task [dreg:s6], $0x5FFFF  }
0xac: {  	[dreg:$0x1] =	wrdreg $0xFFFFFFFF  }
0xad: {  	[dreg:$0x0] =	wrdreg $0x60  }
0xae: {  	[dreg:$0x2] =	wrdreg s24  }
0xaf: {  	[dreg:$0x3] =	wrdreg $0x1A900  }
0xb0: {  	[dreg:$0x4] =	wrdreg $0xB  }
0xb1: {  	_ =	task.clear_ibuf [dreg:s6], $0x5FFFF;
	_ =	strace $0x90000052  }
0xb2: {  	s29 =	simm.s32 $0xB;
	_ =	strace $0x80000054  }
0xb3: {  	_ =	swait.ge [sflag:s29], $0x1  }
0xb4: {  	[sflag:s29] =	ssyncadd.s32 $0xFFFFFFFF  }
0xb5: {  	_ =	strace $0x90000054  }
0xb6: {  	_ =	sfence  }
0xb7: {  	s30 =	sld [smem:$0x0];
	_ =	sdelay $0x2  }
0xb8: {  	s31 =	sshll.u32 s1, $0xD;
	s1 =	sshrl.u32 s1, $0x2  }
0xb9: {  	s3 =	sand.u32 $0x4000, s31;
	s1 =	sadd.s32 s1, s30  }
0xba: {  	s0 =	sor.u32 s3, s0;
	s1 =	sshll.u32 s1, $0x11  }
0xbb: {  	s0 =	sor.u32 s1, s0  }
0xbc: {  	s0 =	sadd.s32 $0x8F2B, s0  }
0xbd: {  	[sflag:s0] =	ssyncadd.remote.s32 $0x1  }
0xbe: {  	_ =	sfence.sel $0xFFFF  }
0xbf: {  	[dreg:$0x0] =	wrdreg $0xFFFFFFFF;
	(pc) =	sbr.abs _section_cstart, $3  }
0xc0: {  	[dreg:$0x1] =	wrdreg $0xFFFFFFFF  }
0xc1: {  	_ =	task.clear_ibuf [dreg:s6], $0x2FFFF;
	_ =	strace $0x9FFFFFFF  }
0xc2: {  	(tm) =	ssettm $0x7FFFFFFF  }
0xc3: {  	_ =	shalt  }
tec
execute0_lowered:
.L_overlay_start_1:
0x0: {  	(tag) =	ssettag $0x1  }
0x1: {  	s1 =	srdreg.scid;
	s6 =	rddreg [dreg:$0x0]  }
0x2: {  	s0 =	stileid.u32;
	s2 =	rddreg [dreg:$0x1];
	s3 =	simm.s32 $0x0  }
0x3: {  	s16 =	simm.s32 $0x190;
	s17 =	simm.s32 $0x1;
	s4 =	smul.u32 $0xC350, s0  }
0x4: {  	s7 =	sand.u32 $0x1, s1;
	s1 =	rddreg [dreg:$0x2];
	s8 =	smul.u32 $0x61C00, s0  }
0x5: {  	s19 =	simm.s32 $0x0;
	[smem:$0x7FF] =	sst s3;
	s11 =	smul.u32 $0x18700, s0  }
0x6: {  	s12 =	sadd.s32 $0xFC600, s6;
	s15 =	sadd.s32 $0x16E900, s2;
	s5 =	smul.u32 $0x61A8, s7  }
0x7: {  	p0 =	seq.s32 s0, $0xF;
	s9 =	smul.u32 $0x186A00, s7;
	s7 =	ssub.s32 $0x2, s7  }
0x8: {  	_ =	strace $0x80000053;
	s29 =	sshrl.u32 s7, $0x1;
	s8 =	sshrl.u32 s8, $0x2  }
0x9: {  	s18 =	sadd.s32 s11, s2;
	s4 =	sadd.s32 s5, s4;
	s13 =	ssub.s32 s7, s29  }
0xa: {  	s14 =	sadd.s32 s8, s2;
	s30 =	sadd.s32 s11, s9;
	s31 =	sshrl.u32 s9, $0x3  }
0xb: {  	s11 =	sshrl.u32 @p0 s15, $0x3;
	s15 =	simm.s32 $0xC8;
	s18 =	sshrl.u32 @!p0 s18, $0x3  }
0xc: {  	s5 =	sshrl.u32 s4, $0x3;
	s4 =	sadd.s32 $0x346800, s6;
	s7 =	sadd.s32 s12, s31  }
0xd: {  	s8 =	smax.u32 s13, $0x1;
	s13 =	sshrl.u32 @!p0 s14, $0x3;
	s14 =	simm.s32 $0x2  }
0xe: {  	s10 =	sadd.s32 s5, s6;
	s5 =	sadd.s32 $0x35E00, s6;
	s6 =	sshrl.u32 s30, $0x3  }
0xf: {  	s7 =	sadd.s32 $0x2DD20, s7;
	s6 =	sadd.s32 s12, s6;
	s12 =	sshll.u32 @!p0 s0, $0x6  }
0x10: {  	s9 =	sadd.s32 $0x4E00, s10;
	s10 =	sadd.s32 $0x1D600, s10;
	s12 =	sor.u32 @!p0 $0x1C02, s12  }
.LBB2_1:
0x11: {  	s20 =	simm.s32 @p0 $0x1FC2  }
0x12: {  	[spmem:s11], [sflag:s20] =	dma.local @p0 [hbm:s5], $0x3020  }
0x13: {  	s20 =	simm.s32 @p0 $0x2  }
0x14: {  	_ =	swait.ge @p0 [sflag:s20], $0x3020  }
0x15: {  	[sflag:s20] =	ssyncset.done @p0 $0x0  }
0x16: {  	[sflag:s20] =	ssyncadd.s32 @p0 $0xFFFFCFE0;
	s20 =	simm.s32 @!p0 $0x2  }
0x17: {  	[spmem:s13], [sflag:s12] =	dma.local @!p0 [hbm:s5], $0x30E0  }
0x18: {  	_ =	swait.ge @!p0 [sflag:s20], $0x30E0  }
0x19: {  	[sflag:s20] =	ssyncset.done @!p0 $0x0  }
0x1a: {  	[sflag:s20] =	ssyncadd.s32 @!p0 $0xFFFFCF20  }
0x1b: {  	s30 =	sadd.s32 $0x0, s10;
	[bflag:$0x0] =	sbarrier.arrive $0xFFFF  }
0x1c: {  	[tilespmem:s3], [sflag:$0x2] =	stream.linear.gather [hbm4b:s30+s3], $0xC8, $0x38;
	[tilespmem:$0x1A130] =	vst v63  }
0x1d: {  	_ =	swait.ge [sflag:s14], $0xC8  }
0x1e: {  	[sflag:s14] =	ssyncset.done $0x0  }
0x1f: {  	s31 =	sadd.s32 $0x0, s9;
	[sflag:s14] =	ssyncadd.s32 $0xFFFFFF38  }
0x20: {  	[tilespmem:s15], [sflag:$0x2] =	stream.linear.gather [hbm4b:s31+s3], $0xC8, $0x38;
	[tilespmem:$0x1A130] =	vst v63  }
0x21: {  	_ =	swait.ge [sflag:s14], $0xC8  }
0x22: {  	[sflag:s14] =	ssyncset.done $0x0  }
0x23: {  	[sflag:s14] =	ssyncadd.s32 $0xFFFFFF38  }
0x24: {  	[tilespmem:s16], [sflag:$0x1] =	stream.indirect.gather [hbm4b:s4+s15], $0x20, s3, s15, $0xb8;
	[tilespmem:$0x1A130] =	vst v63  }
0x25: {  	_ =	swait.ge [sflag:s17], $0x1900  }
0x26: {  	[sflag:s17] =	ssyncset.done $0x0  }
0x27: {  	[sflag:s17] =	ssyncadd.s32 $0xFFFFE700  }
0x28: {  	[spmem:s2] =	stream.indirect.scatter.add.f32 [tilespmem:s16], [sflag:$0x2], $0x20, s15, s15, $0xb8;
	[tilespmem:$0x1A130] =	vst v63  }
0x29: {  	_ =	swait.ge [sflag:s14], $0x1900  }
0x2a: {  	s21 =	simm.s32 $0x32;
	s20 =	simm.s32 $0x19;
	[sflag:s14] =	ssyncset.done $0x0  }
.LBB2_2:
0x2b: {  	s22 =	sadd.s32 s20, s10  }
0x2c: {  	[sflag:s14] =	ssyncadd.s32 $0xFFFFE700;
	s23 =	smov.u32 s21;
	s24 =	sadd.s32 $0x19, s21  }
0x2d: {  	[tilespmem:s3], [sflag:$0x2] =	stream.linear.gather [hbm4b:s22+s3], $0xC8, $0x38;
	[tilespmem:$0x1A130] =	vst v63  }
0x2e: {  	p1 =	sne.s32 s21, $0xC1C;
	_ =	swait.ge [sflag:s14], $0xC8  }
0x2f: {  	[sflag:s14] =	ssyncset.done $0x0  }
0x30: {  	s21 =	sadd.s32 s20, s9;
	s20 =	smov.u32 s23;
	[sflag:s14] =	ssyncadd.s32 $0xFFFFFF38  }
0x31: {  	[tilespmem:s15], [sflag:$0x2] =	stream.linear.gather [hbm4b:s21+s3], $0xC8, $0x38;
	[tilespmem:$0x1A130] =	vst v63  }
0x32: {  	_ =	swait.ge [sflag:s14], $0xC8  }
0x33: {  	[sflag:s14] =	ssyncset.done $0x0  }
0x34: {  	[sflag:s14] =	ssyncadd.s32 $0xFFFFFF38  }
0x35: {  	[tilespmem:s16], [sflag:$0x1] =	stream.indirect.gather [hbm4b:s4+s15], $0x20, s3, s15, $0xb8;
	[tilespmem:$0x1A130] =	vst v63  }
0x36: {  	_ =	swait.ge [sflag:s17], $0x1900  }
.Ltmp0:
0x37: {  	[sflag:s17] =	ssyncset.done $0x0;
	(pc) =	sbr.rel @p1 .LBB2_2-.Ltmp0, $4  }
0x38: {  	[sflag:s17] =	ssyncadd.s32 $0xFFFFE700  }
0x39: {  	[spmem:s2] =	stream.indirect.scatter.add.f32 [tilespmem:s16], [sflag:$0x2], $0x20, s15, s15, $0xb8;
	[tilespmem:$0x1A130] =	vst v63  }
0x3a: {  	_ =	swait.ge [sflag:s14], $0x1900  }
0x3b: {  	s21 =	smov.u32 s24;
	[sflag:s14] =	ssyncset.done $0x0  }
0x3c: {  	s21 =	sadd.s32 s20, s10;
	[sflag:s14] =	ssyncadd.s32 $0xFFFFE700  }
0x3d: {  	[tilespmem:s3], [sflag:$0x2] =	stream.linear.gather [hbm4b:s21+s3], $0xC8, $0x38;
	[tilespmem:$0x1A130] =	vst v63  }
0x3e: {  	_ =	swait.ge [sflag:s14], $0xC8  }
0x3f: {  	[sflag:s14] =	ssyncset.done $0x0  }
0x40: {  	s31 =	sadd.s32 s20, s9;
	[sflag:s14] =	ssyncadd.s32 $0xFFFFFF38  }
0x41: {  	[tilespmem:s15], [sflag:$0x2] =	stream.linear.gather [hbm4b:s31+s3], $0xC8, $0x38;
	[tilespmem:$0x1A130] =	vst v63  }
0x42: {  	_ =	swait.ge [sflag:s14], $0xC8  }
0x43: {  	[sflag:s14] =	ssyncset.done $0x0  }
0x44: {  	[sflag:s14] =	ssyncadd.s32 $0xFFFFFF38  }
0x45: {  	[tilespmem:s16], [sflag:$0x1] =	stream.indirect.gather [hbm4b:s4+s15], $0x20, s3, s15, $0xb8;
	[tilespmem:$0x1A130] =	vst v63  }
0x46: {  	_ =	swait.ge [sflag:s17], $0x1900  }
0x47: {  	[sflag:s17] =	ssyncset.done $0x0  }
0x48: {  	[sflag:s17] =	ssyncadd.s32 $0xFFFFE700  }
0x49: {  	[spmem:s2] =	stream.indirect.scatter.add.f32 [tilespmem:s16], [sflag:$0x2], $0x20, s15, s15, $0xb8;
	[tilespmem:$0x1A130] =	vst v63  }
0x4a: {  	_ =	swait.ge [sflag:s14], $0x1900  }
0x4b: {  	[sflag:s14] =	ssyncset.done $0x0  }
0x4c: {  	[sflag:s14] =	ssyncadd.s32 $0xFFFFE700  }
0x4d: {  	s20 =	simm.s32 @p0 $0x1FC2;
	[bflag:$0x0] =	sbarrier.arrive $0xFFFF  }
0x4e: {  	[hbm:s7], [sflag:s20] =	dma.local @p0 [spmem:s11], $0x3020  }
0x4f: {  	s20 =	simm.s32 @p0 $0x2  }
0x50: {  	s19 =	sadd.s32 $0x1, s19;
	_ =	swait.ge @p0 [sflag:s20], $0x3020  }
0x51: {  	p1 =	sne.s32 s19, s8;
	[sflag:s20] =	ssyncset.done @p0 $0x0  }
.Ltmp1:
0x52: {  	[sflag:s20] =	ssyncadd.s32 @p0 $0xFFFFCFE0;
	s20 =	simm.s32 @!p0 $0x2;
	(pc) =	sbr.rel @p1 .LBB2_1-.Ltmp1, $4  }
0x53: {  	[hbm:s6], [sflag:s12] =	dma.local @!p0 [spmem:s18], $0x30E0  }
0x54: {  	_ =	swait.ge @!p0 [sflag:s20], $0x30E0  }
0x55: {  	[sflag:s20] =	ssyncset.done @!p0 $0x0  }
0x56: {  	[sflag:s20] =	ssyncadd.s32 @!p0 $0xFFFFCF20  }
0x57: {  	_ =	sfence.sel $0x180000  }
0x58: {  	[bflag:$0x0] =	sbarrier.arrive $0xFFFF  }
0x59: {  	p0 =	sne.s32 s0, $0x0;
	_ =	strace $0x90000053  }
0x5a: {  	s0 =	sadd.s32 @!p0 $0x100000, s1;
	[bflag:$0x2] =	sbarrier.arrive $0xFFFF  }
0x5b: {  	[sflag:s0] =	ssyncadd.tile.s32 @!p0 $0x1;
	_ =	shalt  }
.Lfunc_end2:
_tile_overlayer_lowered:
.L_overlay_start_2:
0x5c: {  	(tag) =	ssettag $0x2  }
0x5d: {  	s0 =	rddreg [dreg:$0x0];
	s2 =	stileid.u32  }
0x5e: {  	s1 =	rddreg [dreg:$0x1];
	p0 =	sne.s32 s2, $0x0  }
0x5f: {  	s3 =	rddreg [dreg:$0x2];
	[bflag:$0x3] =	sbarrier.arrive $0xFFFF;
	s2 =	simm.s32 @!p0 $0x1C02  }
0x60: {  	[timem:s3], [sflag:s2] =	dma.local @!p0 [hbm:s0], s1  }
0x61: {  	s0 =	simm.s32 @!p0 $0x2  }
0x62: {  	_ =	swait.ge @!p0 [sflag:s0], s1  }
0x63: {  	s1 =	ssub.s32 @!p0 $0x0, s1;
	[sflag:s0] =	ssyncset.done @!p0 $0x0  }
0x64: {  	[sflag:s0] =	ssyncadd.s32 @!p0 s1  }
0x65: {  	[bflag:$0x3] =	sbarrier.arrive $0xFFFF  }
0x66: {  	_ =	shalt  }

// kernel: kernel.40.cloned.1.call-start
scs
__scs_entry_jumppad:
0x0: {  	(pc) =	sbr.rel $0x88, $3  }
0x1: {  	(tag) =	ssettag $0x0;
	lr =	simm.s32 $0x1  }
0x2: {  	[smem:$0x3F8E] =	sst lr;
	_ =	strace $0xD0000000  }
0x3: {  	_ = 	snop  }
0x4: {  	_ = 	snop  }
0x5: {  	_ = 	snop  }
0x6: {  	_ = 	snop  }
0x7: {  	_ = 	snop  }
__scs_overlays_trampoline_lowered:
0x8: {  	[smem:$0x3F9D] =	sst s0  }
0x9: {  	[smem:$0x3F9E] =	sst s1  }
0xa: {  	[smem:$0x3F9F] =	sst s2  }
0xb: {  	[smem:$0x3FA0] =	sst s3  }
0xc: {  	[smem:$0x3FA1] =	sst s4  }
0xd: {  	[smem:$0x3FA2] =	sst s5  }
0xe: {  	[smem:$0x3FA3] =	sst s6  }
0xf: {  	[smem:$0x3FA4] =	sst s7  }
0x10: {  	[smem:$0x3FA5] =	sst s8  }
0x11: {  	[smem:$0x3FA6] =	sst s9;
	s0 =	simm.s32 @!p0 $0x0  }
0x12: {  	s1 =	sld [smem:$0x3F8C];
	s0 =	simm.s32 @p0 $0x1  }
0x13: {  	[smem:$0x3FA7] =	sst s0;
	s0 =	simm.s32 @!p1 $0x0  }
0x14: {  	s2 =	sld [smem:$0x3F8B];
	s0 =	simm.s32 @p1 $0x1  }
0x15: {  	[smem:$0x3FA8] =	sst s0;
	s0 =	simm.s32 @!p2 $0x0  }
0x16: {  	s3 =	sld [smem:$0x3FDB];
	s0 =	simm.s32 @p2 $0x1  }
0x17: {  	s4 =	simm.s32 $0x1BF5;
	[smem:$0x3FAA] =	sst s0  }
0x18: {  	s0 =	sld [smem:$0x3F8D];
	_ =	swait.ge [sflag:s4], $0x0  }
0x19: {  	s7 =	sld [smem:$0x3F8E]  }
0x1a: {  	s8 =	sadd.s32 $0xFFFFE003, lr  }
0x1b: {  	s9 =	sadd.s32 $0xFFFFFEF7, lr;
	s5 =	simm.s32 $0xFFFFFFFF;
	p2 =	slt.u32 s8, $0xFFFFF086  }
0x1c: {  	p1 =	slt.u32 s9, $0xF7A;
	s5 =	simm.s32 @!p2 $0x0  }
0x1d: {  	s5 =	simm.s32 @p1 $0x1;
	p0 =	seq.s32 s7, s2  }
0x1e: {  	s7 =	smul.u32 @!p0 $0xF7A, s2;
	p2 =	seq.s32 @!p0 s5, $0x0  }
0x1f: {  	s9 =	smul.u32 $0xF7A, s1;
	s8 =	simm.s32 @!p0 $0x1BF5;
	p2 =	por !p2, p0  }
0x20: {  	[sflag:s8] =	ssyncset.s32 @!p0 $0xFFFFF086;
	s6 =	sadd.s32 @!p0 s3, s7;
	s7 =	simm.s32 @!p0 $0x108  }
0x21: {  	s3 =	sadd.s32 s3, s9;
	s6 =	sadd.s32 @!p0 $0x88, s6;
	s7 =	simm.s32 @p2 $0x1082  }
0x22: {  	[simem:s7], [sflag:s8] =	dma.local @!p0 [hbm:s6], $0xF7A  }
0x23: {  	s9 =	sor.u32 $0xD0000000, s2;
	s6 =	simm.s32 $0x108;
	_ =	swait.ge @!p0 [sflag:s8], $0x0  }
0x24: {  	s3 =	sadd.s32 $0x88, s3;
	s6 =	simm.s32 @!p1 $0x1082;
	[sflag:s4] =	ssyncset.s32 $0xFFFFF086  }
0x25: {  	[simem:s6], [sflag:s4] =	dma.local [hbm:s3], $0xF7A  }
0x26: {  	[smem:$0x3F8E] =	sst s1;
	(tag) =	ssettag s2;
	_ =	strace s9  }
0x27: {  	s1 =	sld [smem:$0x3F9E]  }
0x28: {  	s2 =	sld [smem:$0x3F9F]  }
0x29: {  	s4 =	sld [smem:$0x3FA1]  }
0x2a: {  	p0 =	seq.s32 s5, $0x0;
	s5 =	sld [smem:$0x3FA2]  }
0x2b: {  	s6 =	sld [smem:$0x3FA3]  }
0x2c: {  	s7 =	sld [smem:$0x3FA4]  }
0x2d: {  	s3 =	simm.s32 $0x108;
	s8 =	sld [smem:$0x3FA5]  }
0x2e: {  	s3 =	simm.s32 @!p0 $0x1082;
	s9 =	sld [smem:$0x3FA6]  }
0x2f: {  	lr =	sadd.s32 s0, s3;
	s0 =	sld [smem:$0x3F9D]  }
0x30: {  	s3 =	sld [smem:$0x3FA0]  }
0x31: {  	[smem:$0x3FA9] =	sst s10  }
0x32: {  	s10 =	sld [smem:$0x3FA7];
	_ =	sdelay $0x3  }
0x33: {  	p0 =	seq.s32 s10, $0x1;
	s10 =	sld [smem:$0x3FA9];
	_ =	sdelay $0x3  }
0x34: {  	[smem:$0x3FA9] =	sst s10  }
0x35: {  	s10 =	sld [smem:$0x3FA8];
	_ =	sdelay $0x3  }
0x36: {  	p1 =	seq.s32 s10, $0x1;
	s10 =	sld [smem:$0x3FA9];
	_ =	sdelay $0x3  }
0x37: {  	[smem:$0x3FA9] =	sst s10  }
0x38: {  	s10 =	sld [smem:$0x3FAA]  }
0x39: {  	_ = 	snop;
	(pc) =	sbr.ind lr, $3  }
0x3a: {  	_ = 	snop  }
0x3b: {  	_ = 	snop  }
0x3c: {  	p2 =	seq.s32 s10, $0x1;
	s10 =	sld [smem:$0x3FA9]  }
0x3d: {  	_ =	shalt  }
0x3e: {  	_ =	shalt  }
0x3f: {  	_ =	shalt  }
0x40: {  	_ =	shalt  }
0x41: {  	_ =	shalt  }
0x42: {  	_ =	shalt  }
0x43: {  	_ =	shalt  }
0x44: {  	_ =	shalt  }
0x45: {  	_ =	shalt  }
0x46: {  	_ =	shalt  }
0x47: {  	_ =	shalt  }
0x48: {  	_ =	shalt  }
0x49: {  	_ =	shalt  }
0x4a: {  	_ =	shalt  }
0x4b: {  	_ =	shalt  }
0x4c: {  	_ =	shalt  }
0x4d: {  	_ =	shalt  }
0x4e: {  	_ =	shalt  }
0x4f: {  	_ =	shalt  }
0x50: {  	_ =	shalt  }
0x51: {  	_ =	shalt  }
0x52: {  	_ =	shalt  }
0x53: {  	_ =	shalt  }
0x54: {  	_ =	shalt  }
0x55: {  	_ =	shalt  }
0x56: {  	_ =	shalt  }
0x57: {  	_ =	shalt  }
0x58: {  	_ =	shalt  }
0x59: {  	_ =	shalt  }
0x5a: {  	_ =	shalt  }
0x5b: {  	_ =	shalt  }
0x5c: {  	_ =	shalt  }
0x5d: {  	_ =	shalt  }
0x5e: {  	_ =	shalt  }
0x5f: {  	_ =	shalt  }
0x60: {  	_ =	shalt  }
0x61: {  	_ =	shalt  }
0x62: {  	_ =	shalt  }
0x63: {  	_ =	shalt  }
0x64: {  	_ =	shalt  }
0x65: {  	_ =	shalt  }
0x66: {  	_ =	shalt  }
0x67: {  	_ =	shalt  }
0x68: {  	_ =	shalt  }
0x69: {  	_ =	shalt  }
0x6a: {  	_ =	shalt  }
0x6b: {  	_ =	shalt  }
0x6c: {  	_ =	shalt  }
0x6d: {  	_ =	shalt  }
0x6e: {  	_ =	shalt  }
0x6f: {  	_ =	shalt  }
0x70: {  	_ =	shalt  }
0x71: {  	_ =	shalt  }
0x72: {  	_ =	shalt  }
0x73: {  	_ =	shalt  }
0x74: {  	_ =	shalt  }
0x75: {  	_ =	shalt  }
0x76: {  	_ =	shalt  }
0x77: {  	_ =	shalt  }
0x78: {  	_ =	shalt  }
0x79: {  	_ =	shalt  }
0x7a: {  	_ =	shalt  }
0x7b: {  	_ =	shalt  }
0x7c: {  	_ =	shalt  }
0x7d: {  	_ =	shalt  }
0x7e: {  	_ =	shalt  }
0x7f: {  	_ =	shalt  }
0x80: {  	_ =	shalt  }
0x81: {  	_ =	shalt  }
0x82: {  	_ =	shalt  }
0x83: {  	_ =	shalt  }
0x84: {  	_ =	shalt  }
0x85: {  	_ =	shalt  }
0x86: {  	_ =	shalt  }
0x87: {  	_ =	shalt  }
.Lfunc_end0:
.L_simem_size_0:
called_computation.7_lowered:
.L_overlay_start_0:
0x88: {  	s2 =	sld [smem:$0x3FD9]  }
0x89: {  	s3 =	sld [smem:$0x3FFE];
	_ =	sdelay $0x1  }
0x8a: {  	s1 =	srdreg.scid  }
0x8b: {  	s0 =	sand.u32 $0x1, s1  }
0x8c: {  	s17 =	sshll.u32 s0, $0xA;
	s2 =	sadd.s32 s3, s2  }
0x8d: {  	s2 =	sadd.s32 s2, s17  }
0x8e: {  	[smem:$0x3FB5] =	sst s2  }
0x8f: {  	_ = 	snop  }
0x90: {  	(tm) =	ssettm $0x1  }
0x91: {  	s18 =	sld [smem:$0x3FFB];
	_ =	sdelay $0x3  }
0x92: {  	_ =	strace s18  }
0x93: {  	s2 =	sld [smem:$0x3FFC];
	_ =	sdelay $0x3  }
0x94: {  	_ =	strace s2  }
0x95: {  	s2 =	sld [smem:$0x3FFD];
	_ =	sdelay $0x3  }
0x96: {  	_ =	strace s2  }
0x97: {  	_ =	strace $0x8FFFFFFF  }
0x98: {  	s19 =	sld [smem:$0x3FDB];
	_ =	sdelay $0x1  }
0x99: {  	s20 =	simm.s32 $_scs_section_size  }
0x9a: {  	s4 =	simm.s32 $_size__tile_overlayer_lowered;
	s5 =	simm.s32 $_tile_overlayer_lowered  }
0x9b: {  	s6 =	simm.s32 $0x1BFF;
	s21 =	sshll.u32 s5, $0x1;
	s3 =	sadd.s32 s20, s19  }
0x9c: {  	s22 =	simm.s32 $0x0;
	s4 =	sshll.u32 s4, $0x1;
	s5 =	sadd.s32 s21, s3  }
0x9d: {  	[timem:s22], [sflag:s6] =	dma.local [hbm:s5], s4  }
0x9e: {  	_ =	swait.ge [sflag:s6], s4  }
0x9f: {  	s4 =	ssub.s32 $0x0, s4;
	[sflag:s6] =	ssyncset.done $0x0  }
0xa0: {  	[sflag:s6] =	ssyncadd.s32 s4;
	_ =	sdelay $0x1  }
0xa1: {  	s23 =	simm.s32 $0x1B8B  }
0xa2: {  	_ =	swait.ge [sflag:s23], $0x1  }
0xa3: {  	[sflag:s23] =	ssyncset.done $0x0  }
0xa4: {  	[sflag:s23] =	ssyncadd.s32 $0xFFFFFFFF  }
0xa5: {  	s4 =	sld [smem:$0x0]  }
0xa6: {  	s5 =	sand.u32 $0xFFFFFFFE, s1  }
0xa7: {  	p0 =	sne.s32 s1, s5  }
0xa8: {  	s5 =	sshll.u32 @p0 s5, $0xE  }
0xa9: {  	s5 =	sadd.s32 @p0 $0x11B8D, s5;
	s6 =	sshll.u32 @p0 s4, $0x11  }
0xaa: {  	s5 =	sor.u32 @p0 s6, s5  }
0xab: {  	[sflag:s5] =	ssyncadd.remote.s32 @p0 $0x1;
	_ =	sdelay $0x1  }
0xac: {  	s5 =	simm.s32 @p0 $0x1B8D  }
0xad: {  	_ =	swait.eq @p0 [sflag:s5], $0x1  }
0xae: {  	[sflag:s5] =	ssyncadd.s32 @p0 $0xFFFFFFFF  }
0xaf: {  	s6 =	sshll.u32 @!p0 s1, $0xE  }
0xb0: {  	s6 =	sor.u32 @!p0 $0x4000, s6;
	s5 =	simm.s32 @!p0 $0x1B8D  }
0xb1: {  	s4 =	sshll.u32 @!p0 s4, $0x11;
	s6 =	sadd.s32 @!p0 $0x11B8D, s6;
	_ =	swait.eq @!p0 [sflag:s5], $0x1  }
0xb2: {  	s4 =	sor.u32 @!p0 s4, s6;
	[sflag:s5] =	ssyncadd.s32 @!p0 $0xFFFFFFFF  }
0xb3: {  	s25 =	simm.s32 $0x1B8E;
	s24 =	sld [smem:$0x3FFE];
	[sflag:s4] =	ssyncadd.remote.s32 @!p0 $0x1  }
0xb4: {  	s26 =	simm.s32 $execute0_lowered;
	[smem:$0x3FD2] =	sst s25  }
0xb5: {  	s5 =	sshll.u32 s26, $0x1;
	_ =	strace $0x8000005B;
	[dreg:$0x1] =	wrdreg $0xFFFFFFFF  }
0xb6: {  	s28 =	simm.s32 $_size_execute0_lowered;
	s3 =	sadd.s32 s3, s5;
	[dreg:$0x0] =	wrdreg $0x0  }
0xb7: {  	s5 =	sshll.u32 s28, $0x1;
	[dreg:$0x2] =	wrdreg s3  }
0xb8: {  	[dreg:$0x3] =	wrdreg s5  }
0xb9: {  	[dreg:$0x4] =	wrdreg $0xC0  }
0xba: {  	_ =	task [dreg:s22], $0x5FFFF  }
0xbb: {  	[dreg:$0x1] =	wrdreg $0xFFFFFFFF  }
0xbc: {  	[dreg:$0x0] =	wrdreg $0x60  }
0xbd: {  	[dreg:$0x2] =	wrdreg s24  }
0xbe: {  	[dreg:$0x3] =	wrdreg $0x1A900  }
0xbf: {  	[dreg:$0x4] =	wrdreg $0xC  }
0xc0: {  	_ =	task.clear_ibuf [dreg:s22], $0x5FFFF;
	_ =	strace $0x9000005B  }
0xc1: {  	s29 =	simm.s32 $0xC;
	_ =	strace $0x8000005D  }
0xc2: {  	_ =	swait.ge [sflag:s29], $0x1  }
0xc3: {  	[sflag:s29] =	ssyncadd.s32 $0xFFFFFFFF  }
0xc4: {  	_ =	strace $0x9000005D  }
0xc5: {  	_ =	sfence  }
0xc6: {  	s30 =	sld [smem:$0x0];
	_ =	sdelay $0x2  }
0xc7: {  	s31 =	sshll.u32 s1, $0xD;
	s1 =	sshrl.u32 s1, $0x2  }
0xc8: {  	s4 =	sand.u32 $0x4000, s31;
	s1 =	sadd.s32 s1, s30  }
0xc9: {  	s0 =	sor.u32 s4, s0;
	s1 =	sshll.u32 s1, $0x11  }
0xca: {  	s0 =	sor.u32 s1, s0  }
0xcb: {  	s0 =	sadd.s32 $0x8F2B, s0  }
0xcc: {  	[sflag:s0] =	ssyncadd.remote.s32 $0x1  }
0xcd: {  	_ =	sfence.sel $0xFFFF  }
0xce: {  	[dreg:$0x0] =	wrdreg $0xFFFFFFFF;
	(pc) =	sbr.abs _section_cstart, $3  }
0xcf: {  	[dreg:$0x1] =	wrdreg $0xFFFFFFFF  }
0xd0: {  	_ =	task.clear_ibuf [dreg:s22], $0x2FFFF;
	_ =	strace $0x9FFFFFFF  }
0xd1: {  	(tm) =	ssettm $0x7FFFFFFF  }
tec
execute0_lowered:
.L_overlay_start_1:
0x0: {  	(tag) =	ssettag $0x1  }
0x1: {  	s1 =	srdreg.scid;
	s6 =	rddreg [dreg:$0x0]  }
0x2: {  	s0 =	stileid.u32;
	s2 =	rddreg [dreg:$0x1];
	s3 =	simm.s32 $0x0  }
0x3: {  	s16 =	simm.s32 $0x190;
	s17 =	simm.s32 $0x1;
	s4 =	smul.u32 $0xC350, s0  }
0x4: {  	s19 =	simm.s32 $0x0;
	s7 =	sand.u32 $0x1, s1;
	s8 =	smul.u32 $0x61C00, s0  }
0x5: {  	s1 =	rddreg [dreg:$0x2];
	s11 =	smul.u32 $0x18700, s0;
	s12 =	sadd.s32 $0x283600, s6  }
0x6: {  	[smem:$0x7FF] =	sst s3;
	s15 =	sadd.s32 $0x16E900, s2;
	s5 =	smul.u32 $0x61A8, s7  }
0x7: {  	p0 =	seq.s32 s0, $0xF;
	s9 =	smul.u32 $0x186A00, s7;
	s7 =	ssub.s32 $0x2, s7  }
0x8: {  	_ =	strace $0x8000005C;
	s29 =	sshrl.u32 s7, $0x1;
	s8 =	sshrl.u32 s8, $0x2  }
0x9: {  	s18 =	sadd.s32 s11, s2;
	s4 =	sadd.s32 s5, s4;
	s13 =	ssub.s32 s7, s29  }
0xa: {  	s14 =	sadd.s32 s8, s2;
	s30 =	sadd.s32 s11, s9;
	s31 =	sshrl.u32 s9, $0x3  }
0xb: {  	s11 =	sshrl.u32 @p0 s15, $0x3;
	s15 =	simm.s32 $0xC8;
	s18 =	sshrl.u32 @!p0 s18, $0x3  }
0xc: {  	s5 =	sshrl.u32 s4, $0x3;
	s4 =	sadd.s32 $0x252800, s6;
	s7 =	sadd.s32 s12, s31  }
0xd: {  	s8 =	smax.u32 s13, $0x1;
	s13 =	sshrl.u32 @!p0 s14, $0x3;
	s14 =	simm.s32 $0x2  }
0xe: {  	s10 =	sadd.s32 s5, s6;
	s5 =	sadd.s32 $0x35E00, s6;
	s6 =	sshrl.u32 s30, $0x3  }
0xf: {  	s7 =	sadd.s32 $0x2DD20, s7;
	s6 =	sadd.s32 s12, s6;
	s12 =	sshll.u32 @!p0 s0, $0x6  }
0x10: {  	s9 =	sadd.s32 $0x4E00, s10;
	s10 =	sadd.s32 $0x1D600, s10;
	s12 =	sor.u32 @!p0 $0x1C02, s12  }
.LBB2_1:
0x11: {  	s20 =	simm.s32 @p0 $0x1FC2  }
0x12: {  	[spmem:s11], [sflag:s20] =	dma.local @p0 [hbm:s5], $0x3020  }
0x13: {  	s20 =	simm.s32 @p0 $0x2  }
0x14: {  	_ =	swait.ge @p0 [sflag:s20], $0x3020  }
0x15: {  	[sflag:s20] =	ssyncset.done @p0 $0x0  }
0x16: {  	[sflag:s20] =	ssyncadd.s32 @p0 $0xFFFFCFE0;
	s20 =	simm.s32 @!p0 $0x2  }
0x17: {  	[spmem:s13], [sflag:s12] =	dma.local @!p0 [hbm:s5], $0x30E0  }
0x18: {  	_ =	swait.ge @!p0 [sflag:s20], $0x30E0  }
0x19: {  	[sflag:s20] =	ssyncset.done @!p0 $0x0  }
0x1a: {  	[sflag:s20] =	ssyncadd.s32 @!p0 $0xFFFFCF20  }
0x1b: {  	s30 =	sadd.s32 $0x0, s10;
	[bflag:$0x0] =	sbarrier.arrive $0xFFFF  }
0x1c: {  	[tilespmem:s3], [sflag:$0x2] =	stream.linear.gather [hbm4b:s30+s3], $0xC8, $0x38;
	[tilespmem:$0x1A130] =	vst v63  }
0x1d: {  	_ =	swait.ge [sflag:s14], $0xC8  }
0x1e: {  	[sflag:s14] =	ssyncset.done $0x0  }
0x1f: {  	s31 =	sadd.s32 $0x0, s9;
	[sflag:s14] =	ssyncadd.s32 $0xFFFFFF38  }
0x20: {  	[tilespmem:s15], [sflag:$0x2] =	stream.linear.gather [hbm4b:s31+s3], $0xC8, $0x38;
	[tilespmem:$0x1A130] =	vst v63  }
0x21: {  	_ =	swait.ge [sflag:s14], $0xC8  }
0x22: {  	[sflag:s14] =	ssyncset.done $0x0  }
0x23: {  	[sflag:s14] =	ssyncadd.s32 $0xFFFFFF38  }
0x24: {  	[tilespmem:s16], [sflag:$0x1] =	stream.indirect.gather [hbm4b:s4+s15], $0x20, s3, s15, $0xb8;
	[tilespmem:$0x1A130] =	vst v63  }
0x25: {  	_ =	swait.ge [sflag:s17], $0x1900  }
0x26: {  	[sflag:s17] =	ssyncset.done $0x0  }
0x27: {  	[sflag:s17] =	ssyncadd.s32 $0xFFFFE700  }
0x28: {  	[spmem:s2] =	stream.indirect.scatter.add.f32 [tilespmem:s16], [sflag:$0x2], $0x20, s15, s15, $0xb8;
	[tilespmem:$0x1A130] =	vst v63  }
0x29: {  	_ =	swait.ge [sflag:s14], $0x1900  }
0x2a: {  	s21 =	simm.s32 $0x32;
	s20 =	simm.s32 $0x19;
	[sflag:s14] =	ssyncset.done $0x0  }
.LBB2_2:
0x2b: {  	s22 =	sadd.s32 s20, s10  }
0x2c: {  	[sflag:s14] =	ssyncadd.s32 $0xFFFFE700;
	s23 =	smov.u32 s21;
	s24 =	sadd.s32 $0x19, s21  }
0x2d: {  	[tilespmem:s3], [sflag:$0x2] =	stream.linear.gather [hbm4b:s22+s3], $0xC8, $0x38;
	[tilespmem:$0x1A130] =	vst v63  }
0x2e: {  	p1 =	sne.s32 s21, $0xC1C;
	_ =	swait.ge [sflag:s14], $0xC8  }
0x2f: {  	[sflag:s14] =	ssyncset.done $0x0  }
0x30: {  	s21 =	sadd.s32 s20, s9;
	s20 =	smov.u32 s23;
	[sflag:s14] =	ssyncadd.s32 $0xFFFFFF38  }
0x31: {  	[tilespmem:s15], [sflag:$0x2] =	stream.linear.gather [hbm4b:s21+s3], $0xC8, $0x38;
	[tilespmem:$0x1A130] =	vst v63  }
0x32: {  	_ =	swait.ge [sflag:s14], $0xC8  }
0x33: {  	[sflag:s14] =	ssyncset.done $0x0  }
0x34: {  	[sflag:s14] =	ssyncadd.s32 $0xFFFFFF38  }
0x35: {  	[tilespmem:s16], [sflag:$0x1] =	stream.indirect.gather [hbm4b:s4+s15], $0x20, s3, s15, $0xb8;
	[tilespmem:$0x1A130] =	vst v63  }
0x36: {  	_ =	swait.ge [sflag:s17], $0x1900  }
.Ltmp0:
0x37: {  	[sflag:s17] =	ssyncset.done $0x0;
	(pc) =	sbr.rel @p1 .LBB2_2-.Ltmp0, $4  }
0x38: {  	[sflag:s17] =	ssyncadd.s32 $0xFFFFE700  }
0x39: {  	[spmem:s2] =	stream.indirect.scatter.add.f32 [tilespmem:s16], [sflag:$0x2], $0x20, s15, s15, $0xb8;
	[tilespmem:$0x1A130] =	vst v63  }
0x3a: {  	_ =	swait.ge [sflag:s14], $0x1900  }
0x3b: {  	s21 =	smov.u32 s24;
	[sflag:s14] =	ssyncset.done $0x0  }
0x3c: {  	s21 =	sadd.s32 s20, s10;
	[sflag:s14] =	ssyncadd.s32 $0xFFFFE700  }
0x3d: {  	[tilespmem:s3], [sflag:$0x2] =	stream.linear.gather [hbm4b:s21+s3], $0xC8, $0x38;
	[tilespmem:$0x1A130] =	vst v63  }
0x3e: {  	_ =	swait.ge [sflag:s14], $0xC8  }
0x3f: {  	[sflag:s14] =	ssyncset.done $0x0  }
0x40: {  	s31 =	sadd.s32 s20, s9;
	[sflag:s14] =	ssyncadd.s32 $0xFFFFFF38  }
0x41: {  	[tilespmem:s15], [sflag:$0x2] =	stream.linear.gather [hbm4b:s31+s3], $0xC8, $0x38;
	[tilespmem:$0x1A130] =	vst v63  }
0x42: {  	_ =	swait.ge [sflag:s14], $0xC8  }
0x43: {  	[sflag:s14] =	ssyncset.done $0x0  }
0x44: {  	[sflag:s14] =	ssyncadd.s32 $0xFFFFFF38  }
0x45: {  	[tilespmem:s16], [sflag:$0x1] =	stream.indirect.gather [hbm4b:s4+s15], $0x20, s3, s15, $0xb8;
	[tilespmem:$0x1A130] =	vst v63  }
0x46: {  	_ =	swait.ge [sflag:s17], $0x1900  }
0x47: {  	[sflag:s17] =	ssyncset.done $0x0  }
0x48: {  	[sflag:s17] =	ssyncadd.s32 $0xFFFFE700  }
0x49: {  	[spmem:s2] =	stream.indirect.scatter.add.f32 [tilespmem:s16], [sflag:$0x2], $0x20, s15, s15, $0xb8;
	[tilespmem:$0x1A130] =	vst v63  }
0x4a: {  	_ =	swait.ge [sflag:s14], $0x1900  }
0x4b: {  	[sflag:s14] =	ssyncset.done $0x0  }
0x4c: {  	[sflag:s14] =	ssyncadd.s32 $0xFFFFE700  }
0x4d: {  	s20 =	simm.s32 @p0 $0x1FC2;
	[bflag:$0x0] =	sbarrier.arrive $0xFFFF  }
0x4e: {  	[hbm:s7], [sflag:s20] =	dma.local @p0 [spmem:s11], $0x3020  }
0x4f: {  	s20 =	simm.s32 @p0 $0x2  }
0x50: {  	s19 =	sadd.s32 $0x1, s19;
	_ =	swait.ge @p0 [sflag:s20], $0x3020  }
0x51: {  	p1 =	sne.s32 s19, s8;
	[sflag:s20] =	ssyncset.done @p0 $0x0  }
.Ltmp1:
0x52: {  	[sflag:s20] =	ssyncadd.s32 @p0 $0xFFFFCFE0;
	s20 =	simm.s32 @!p0 $0x2;
	(pc) =	sbr.rel @p1 .LBB2_1-.Ltmp1, $4  }
0x53: {  	[hbm:s6], [sflag:s12] =	dma.local @!p0 [spmem:s18], $0x30E0  }
0x54: {  	_ =	swait.ge @!p0 [sflag:s20], $0x30E0  }
0x55: {  	[sflag:s20] =	ssyncset.done @!p0 $0x0  }
0x56: {  	[sflag:s20] =	ssyncadd.s32 @!p0 $0xFFFFCF20  }
0x57: {  	_ =	sfence.sel $0x180000  }
0x58: {  	[bflag:$0x0] =	sbarrier.arrive $0xFFFF  }
0x59: {  	p0 =	sne.s32 s0, $0x0;
	_ =	strace $0x9000005C  }
0x5a: {  	s0 =	sadd.s32 @!p0 $0x100000, s1;
	[bflag:$0x2] =	sbarrier.arrive $0xFFFF  }
0x5b: {  	[sflag:s0] =	ssyncadd.tile.s32 @!p0 $0x1;
	_ =	shalt  }
.Lfunc_end2:
_tile_overlayer_lowered:
.L_overlay_start_2:
0x5c: {  	(tag) =	ssettag $0x2  }
0x5d: {  	s0 =	rddreg [dreg:$0x0];
	s2 =	stileid.u32  }
0x5e: {  	s1 =	rddreg [dreg:$0x1];
	p0 =	sne.s32 s2, $0x0  }
0x5f: {  	s3 =	rddreg [dreg:$0x2];
	[bflag:$0x3] =	sbarrier.arrive $0xFFFF;
	s2 =	simm.s32 @!p0 $0x1C02  }
0x60: {  	[timem:s3], [sflag:s2] =	dma.local @!p0 [hbm:s0], s1  }
0x61: {  	s0 =	simm.s32 @!p0 $0x2  }
0x62: {  	_ =	swait.ge @!p0 [sflag:s0], s1  }
0x63: {  	s1 =	ssub.s32 @!p0 $0x0, s1;
	[sflag:s0] =	ssyncset.done @!p0 $0x0  }
0x64: {  	[sflag:s0] =	ssyncadd.s32 @!p0 s1  }
0x65: {  	[bflag:$0x3] =	sbarrier.arrive $0xFFFF  }
0x66: {  	_ =	shalt  }

// kernel: kernel.43.cloned.1.call-start
scs
__scs_entry_jumppad:
0x0: {  	(pc) =	sbr.rel $0x88, $3  }
0x1: {  	(tag) =	ssettag $0x0;
	lr =	simm.s32 $0x1  }
0x2: {  	[smem:$0x3F8E] =	sst lr;
	_ =	strace $0xD0000000  }
0x3: {  	_ = 	snop  }
0x4: {  	_ = 	snop  }
0x5: {  	_ = 	snop  }
0x6: {  	_ = 	snop  }
0x7: {  	_ = 	snop  }
__scs_overlays_trampoline_lowered:
0x8: {  	[smem:$0x3F9D] =	sst s0  }
0x9: {  	[smem:$0x3F9E] =	sst s1  }
0xa: {  	[smem:$0x3F9F] =	sst s2  }
0xb: {  	[smem:$0x3FA0] =	sst s3  }
0xc: {  	[smem:$0x3FA1] =	sst s4  }
0xd: {  	[smem:$0x3FA2] =	sst s5  }
0xe: {  	[smem:$0x3FA3] =	sst s6  }
0xf: {  	[smem:$0x3FA4] =	sst s7  }
0x10: {  	[smem:$0x3FA5] =	sst s8  }
0x11: {  	[smem:$0x3FA6] =	sst s9;
	s0 =	simm.s32 @!p0 $0x0  }
0x12: {  	s1 =	sld [smem:$0x3F8C];
	s0 =	simm.s32 @p0 $0x1  }
0x13: {  	[smem:$0x3FA7] =	sst s0;
	s0 =	simm.s32 @!p1 $0x0  }
0x14: {  	s2 =	sld [smem:$0x3F8B];
	s0 =	simm.s32 @p1 $0x1  }
0x15: {  	[smem:$0x3FA8] =	sst s0;
	s0 =	simm.s32 @!p2 $0x0  }
0x16: {  	s3 =	sld [smem:$0x3FDB];
	s0 =	simm.s32 @p2 $0x1  }
0x17: {  	s4 =	simm.s32 $0x1BF5;
	[smem:$0x3FAA] =	sst s0  }
0x18: {  	s0 =	sld [smem:$0x3F8D];
	_ =	swait.ge [sflag:s4], $0x0  }
0x19: {  	s7 =	sld [smem:$0x3F8E]  }
0x1a: {  	s8 =	sadd.s32 $0xFFFFE003, lr  }
0x1b: {  	s9 =	sadd.s32 $0xFFFFFEF7, lr;
	s5 =	simm.s32 $0xFFFFFFFF;
	p2 =	slt.u32 s8, $0xFFFFF086  }
0x1c: {  	p1 =	slt.u32 s9, $0xF7A;
	s5 =	simm.s32 @!p2 $0x0  }
0x1d: {  	s5 =	simm.s32 @p1 $0x1;
	p0 =	seq.s32 s7, s2  }
0x1e: {  	s7 =	smul.u32 @!p0 $0xF7A, s2;
	p2 =	seq.s32 @!p0 s5, $0x0  }
0x1f: {  	s9 =	smul.u32 $0xF7A, s1;
	s8 =	simm.s32 @!p0 $0x1BF5;
	p2 =	por !p2, p0  }
0x20: {  	[sflag:s8] =	ssyncset.s32 @!p0 $0xFFFFF086;
	s6 =	sadd.s32 @!p0 s3, s7;
	s7 =	simm.s32 @!p0 $0x108  }
0x21: {  	s3 =	sadd.s32 s3, s9;
	s6 =	sadd.s32 @!p0 $0x88, s6;
	s7 =	simm.s32 @p2 $0x1082  }
0x22: {  	[simem:s7], [sflag:s8] =	dma.local @!p0 [hbm:s6], $0xF7A  }
0x23: {  	s9 =	sor.u32 $0xD0000000, s2;
	s6 =	simm.s32 $0x108;
	_ =	swait.ge @!p0 [sflag:s8], $0x0  }
0x24: {  	s3 =	sadd.s32 $0x88, s3;
	s6 =	simm.s32 @!p1 $0x1082;
	[sflag:s4] =	ssyncset.s32 $0xFFFFF086  }
0x25: {  	[simem:s6], [sflag:s4] =	dma.local [hbm:s3], $0xF7A  }
0x26: {  	[smem:$0x3F8E] =	sst s1;
	(tag) =	ssettag s2;
	_ =	strace s9  }
0x27: {  	s1 =	sld [smem:$0x3F9E]  }
0x28: {  	s2 =	sld [smem:$0x3F9F]  }
0x29: {  	s4 =	sld [smem:$0x3FA1]  }
0x2a: {  	p0 =	seq.s32 s5, $0x0;
	s5 =	sld [smem:$0x3FA2]  }
0x2b: {  	s6 =	sld [smem:$0x3FA3]  }
0x2c: {  	s7 =	sld [smem:$0x3FA4]  }
0x2d: {  	s3 =	simm.s32 $0x108;
	s8 =	sld [smem:$0x3FA5]  }
0x2e: {  	s3 =	simm.s32 @!p0 $0x1082;
	s9 =	sld [smem:$0x3FA6]  }
0x2f: {  	lr =	sadd.s32 s0, s3;
	s0 =	sld [smem:$0x3F9D]  }
0x30: {  	s3 =	sld [smem:$0x3FA0]  }
0x31: {  	[smem:$0x3FA9] =	sst s10  }
0x32: {  	s10 =	sld [smem:$0x3FA7];
	_ =	sdelay $0x3  }
0x33: {  	p0 =	seq.s32 s10, $0x1;
	s10 =	sld [smem:$0x3FA9];
	_ =	sdelay $0x3  }
0x34: {  	[smem:$0x3FA9] =	sst s10  }
0x35: {  	s10 =	sld [smem:$0x3FA8];
	_ =	sdelay $0x3  }
0x36: {  	p1 =	seq.s32 s10, $0x1;
	s10 =	sld [smem:$0x3FA9];
	_ =	sdelay $0x3  }
0x37: {  	[smem:$0x3FA9] =	sst s10  }
0x38: {  	s10 =	sld [smem:$0x3FAA]  }
0x39: {  	_ = 	snop;
	(pc) =	sbr.ind lr, $3  }
0x3a: {  	_ = 	snop  }
0x3b: {  	_ = 	snop  }
0x3c: {  	p2 =	seq.s32 s10, $0x1;
	s10 =	sld [smem:$0x3FA9]  }
0x3d: {  	_ =	shalt  }
0x3e: {  	_ =	shalt  }
0x3f: {  	_ =	shalt  }
0x40: {  	_ =	shalt  }
0x41: {  	_ =	shalt  }
0x42: {  	_ =	shalt  }
0x43: {  	_ =	shalt  }
0x44: {  	_ =	shalt  }
0x45: {  	_ =	shalt  }
0x46: {  	_ =	shalt  }
0x47: {  	_ =	shalt  }
0x48: {  	_ =	shalt  }
0x49: {  	_ =	shalt  }
0x4a: {  	_ =	shalt  }
0x4b: {  	_ =	shalt  }
0x4c: {  	_ =	shalt  }
0x4d: {  	_ =	shalt  }
0x4e: {  	_ =	shalt  }
0x4f: {  	_ =	shalt  }
0x50: {  	_ =	shalt  }
0x51: {  	_ =	shalt  }
0x52: {  	_ =	shalt  }
0x53: {  	_ =	shalt  }
0x54: {  	_ =	shalt  }
0x55: {  	_ =	shalt  }
0x56: {  	_ =	shalt  }
0x57: {  	_ =	shalt  }
0x58: {  	_ =	shalt  }
0x59: {  	_ =	shalt  }
0x5a: {  	_ =	shalt  }
0x5b: {  	_ =	shalt  }
0x5c: {  	_ =	shalt  }
0x5d: {  	_ =	shalt  }
0x5e: {  	_ =	shalt  }
0x5f: {  	_ =	shalt  }
0x60: {  	_ =	shalt  }
0x61: {  	_ =	shalt  }
0x62: {  	_ =	shalt  }
0x63: {  	_ =	shalt  }
0x64: {  	_ =	shalt  }
0x65: {  	_ =	shalt  }
0x66: {  	_ =	shalt  }
0x67: {  	_ =	shalt  }
0x68: {  	_ =	shalt  }
0x69: {  	_ =	shalt  }
0x6a: {  	_ =	shalt  }
0x6b: {  	_ =	shalt  }
0x6c: {  	_ =	shalt  }
0x6d: {  	_ =	shalt  }
0x6e: {  	_ =	shalt  }
0x6f: {  	_ =	shalt  }
0x70: {  	_ =	shalt  }
0x71: {  	_ =	shalt  }
0x72: {  	_ =	shalt  }
0x73: {  	_ =	shalt  }
0x74: {  	_ =	shalt  }
0x75: {  	_ =	shalt  }
0x76: {  	_ =	shalt  }
0x77: {  	_ =	shalt  }
0x78: {  	_ =	shalt  }
0x79: {  	_ =	shalt  }
0x7a: {  	_ =	shalt  }
0x7b: {  	_ =	shalt  }
0x7c: {  	_ =	shalt  }
0x7d: {  	_ =	shalt  }
0x7e: {  	_ =	shalt  }
0x7f: {  	_ =	shalt  }
0x80: {  	_ =	shalt  }
0x81: {  	_ =	shalt  }
0x82: {  	_ =	shalt  }
0x83: {  	_ =	shalt  }
0x84: {  	_ =	shalt  }
0x85: {  	_ =	shalt  }
0x86: {  	_ =	shalt  }
0x87: {  	_ =	shalt  }
.Lfunc_end0:
.L_simem_size_0:
called_computation.8_lowered:
.L_overlay_start_0:
0x88: {  	s2 =	sld [smem:$0x3FD9]  }
0x89: {  	s3 =	sld [smem:$0x3FFE];
	_ =	sdelay $0x1  }
0x8a: {  	s1 =	srdreg.scid  }
0x8b: {  	s0 =	sand.u32 $0x1, s1  }
0x8c: {  	s16 =	sshll.u32 s0, $0xA;
	s2 =	sadd.s32 s3, s2  }
0x8d: {  	s2 =	sadd.s32 s2, s16  }
0x8e: {  	[smem:$0x3FB5] =	sst s2  }
0x8f: {  	_ = 	snop  }
0x90: {  	(tm) =	ssettm $0x1  }
0x91: {  	s17 =	sld [smem:$0x3FFB];
	_ =	sdelay $0x3  }
0x92: {  	_ =	strace s17  }
0x93: {  	s2 =	sld [smem:$0x3FFC];
	_ =	sdelay $0x3  }
0x94: {  	_ =	strace s2  }
0x95: {  	s2 =	sld [smem:$0x3FFD];
	_ =	sdelay $0x3  }
0x96: {  	_ =	strace s2  }
0x97: {  	_ =	strace $0x8FFFFFFF  }
0x98: {  	s18 =	sld [smem:$0x3FDB];
	_ =	sdelay $0x1  }
0x99: {  	s19 =	simm.s32 $_scs_section_size  }
0x9a: {  	s4 =	simm.s32 $_size__tile_overlayer_lowered;
	s5 =	simm.s32 $_tile_overlayer_lowered  }
0x9b: {  	s22 =	simm.s32 $0x1BFF;
	s21 =	sshll.u32 s5, $0x1;
	s2 =	sadd.s32 s19, s18  }
0x9c: {  	s6 =	simm.s32 $0x0;
	s20 =	sshll.u32 s4, $0x1;
	s4 =	sadd.s32 s21, s2  }
0x9d: {  	[timem:s6], [sflag:s22] =	dma.local [hbm:s4], s20  }
0x9e: {  	_ =	swait.ge [sflag:s22], s20  }
0x9f: {  	s3 =	ssub.s32 $0x0, s20;
	[sflag:s22] =	ssyncset.done $0x0  }
0xa0: {  	[sflag:s22] =	ssyncadd.s32 s3;
	_ =	sdelay $0x1  }
0xa1: {  	s23 =	simm.s32 $0x1B8B  }
0xa2: {  	_ =	swait.ge [sflag:s23], $0x1  }
0xa3: {  	[sflag:s23] =	ssyncset.done $0x0  }
0xa4: {  	s25 =	simm.s32 $0x1B8E;
	s24 =	sld [smem:$0x3FFE];
	[sflag:s23] =	ssyncadd.s32 $0xFFFFFFFF  }
0xa5: {  	s26 =	simm.s32 $execute0_lowered;
	[smem:$0x3FD2] =	sst s25  }
0xa6: {  	s4 =	sshll.u32 s26, $0x1;
	_ =	strace $0x8000005E;
	[dreg:$0x1] =	wrdreg $0xFFFFFFFF  }
0xa7: {  	s28 =	simm.s32 $_size_execute0_lowered;
	s2 =	sadd.s32 s2, s4;
	[dreg:$0x0] =	wrdreg $0x0  }
0xa8: {  	s4 =	sshll.u32 s28, $0x1;
	[dreg:$0x2] =	wrdreg s2  }
0xa9: {  	[dreg:$0x3] =	wrdreg s4  }
0xaa: {  	[dreg:$0x4] =	wrdreg $0xC0  }
0xab: {  	_ =	task [dreg:s6], $0x5FFFF  }
0xac: {  	[dreg:$0x1] =	wrdreg $0xFFFFFFFF  }
0xad: {  	[dreg:$0x0] =	wrdreg $0x60  }
0xae: {  	[dreg:$0x2] =	wrdreg s24  }
0xaf: {  	[dreg:$0x3] =	wrdreg $0x1A900  }
0xb0: {  	[dreg:$0x4] =	wrdreg $0x9  }
0xb1: {  	_ =	task.clear_ibuf [dreg:s6], $0x5FFFF;
	_ =	strace $0x9000005E  }
0xb2: {  	s29 =	simm.s32 $0x9;
	_ =	strace $0x80000060  }
0xb3: {  	_ =	swait.ge [sflag:s29], $0x1  }
0xb4: {  	[sflag:s29] =	ssyncadd.s32 $0xFFFFFFFF  }
0xb5: {  	_ =	strace $0x90000060  }
0xb6: {  	_ =	sfence  }
0xb7: {  	s30 =	sld [smem:$0x0];
	_ =	sdelay $0x2  }
0xb8: {  	s31 =	sshll.u32 s1, $0xD;
	s1 =	sshrl.u32 s1, $0x2  }
0xb9: {  	s3 =	sand.u32 $0x4000, s31;
	s1 =	sadd.s32 s1, s30  }
0xba: {  	s0 =	sor.u32 s3, s0;
	s1 =	sshll.u32 s1, $0x11  }
0xbb: {  	s0 =	sor.u32 s1, s0  }
0xbc: {  	s0 =	sadd.s32 $0x8F2B, s0  }
0xbd: {  	[sflag:s0] =	ssyncadd.remote.s32 $0x1  }
0xbe: {  	_ =	sfence.sel $0xFFFF  }
0xbf: {  	[dreg:$0x0] =	wrdreg $0xFFFFFFFF;
	(pc) =	sbr.abs _section_cstart, $3  }
0xc0: {  	[dreg:$0x1] =	wrdreg $0xFFFFFFFF  }
0xc1: {  	_ =	task.clear_ibuf [dreg:s6], $0x2FFFF;
	_ =	strace $0x9FFFFFFF  }
0xc2: {  	(tm) =	ssettm $0x7FFFFFFF  }
0xc3: {  	_ =	shalt  }
tec
execute0_lowered:
.L_overlay_start_1:
0x0: {  	(tag) =	ssettag $0x1  }
0x1: {  	s1 =	srdreg.scid;
	s6 =	rddreg [dreg:$0x0]  }
0x2: {  	s0 =	stileid.u32;
	s2 =	rddreg [dreg:$0x1];
	s3 =	simm.s32 $0x0  }
0x3: {  	s16 =	simm.s32 $0x190;
	s17 =	simm.s32 $0x1;
	s4 =	smul.u32 $0xC350, s0  }
0x4: {  	s7 =	sand.u32 $0x1, s1;
	s1 =	rddreg [dreg:$0x2];
	s8 =	smul.u32 $0x61C00, s0  }
0x5: {  	s19 =	simm.s32 $0x0;
	[smem:$0x7FF] =	sst s3;
	s11 =	smul.u32 $0x18700, s0  }
0x6: {  	s12 =	sadd.s32 $0x39000, s6;
	s15 =	sadd.s32 $0x16E900, s2;
	s5 =	smul.u32 $0x61A8, s7  }
0x7: {  	p0 =	seq.s32 s0, $0xF;
	s9 =	smul.u32 $0x186A00, s7;
	s7 =	ssub.s32 $0x2, s7  }
0x8: {  	_ =	strace $0x8000005F;
	s29 =	sshrl.u32 s7, $0x1;
	s8 =	sshrl.u32 s8, $0x2  }
0x9: {  	s18 =	sadd.s32 s11, s2;
	s4 =	sadd.s32 s5, s4;
	s13 =	ssub.s32 s7, s29  }
0xa: {  	s14 =	sadd.s32 s8, s2;
	s30 =	sadd.s32 s11, s9;
	s31 =	sshrl.u32 s9, $0x3  }
0xb: {  	s11 =	sshrl.u32 @p0 s15, $0x3;
	s15 =	simm.s32 $0xC8;
	s18 =	sshrl.u32 @!p0 s18, $0x3  }
0xc: {  	s5 =	sshrl.u32 s4, $0x3;
	s4 =	sadd.s32 $0x1BFC00, s6;
	s7 =	sadd.s32 s12, s31  }
0xd: {  	s8 =	smax.u32 s13, $0x1;
	s13 =	sshrl.u32 @!p0 s14, $0x3;
	s14 =	simm.s32 $0x2  }
0xe: {  	s10 =	sadd.s32 s5, s6;
	s5 =	sadd.s32 $0x35E00, s6;
	s6 =	sshrl.u32 s30, $0x3  }
0xf: {  	s7 =	sadd.s32 $0x2DD20, s7;
	s6 =	sadd.s32 s12, s6;
	s12 =	sshll.u32 @!p0 s0, $0x6  }
0x10: {  	s9 =	sadd.s32 $0x4E00, s10;
	s10 =	sadd.s32 $0x1D600, s10;
	s12 =	sor.u32 @!p0 $0x1C02, s12  }
.LBB2_1:
0x11: {  	s20 =	simm.s32 @p0 $0x1FC2  }
0x12: {  	[spmem:s11], [sflag:s20] =	dma.local @p0 [hbm:s5], $0x3020  }
0x13: {  	s20 =	simm.s32 @p0 $0x2  }
0x14: {  	_ =	swait.ge @p0 [sflag:s20], $0x3020  }
0x15: {  	[sflag:s20] =	ssyncset.done @p0 $0x0  }
0x16: {  	[sflag:s20] =	ssyncadd.s32 @p0 $0xFFFFCFE0;
	s20 =	simm.s32 @!p0 $0x2  }
0x17: {  	[spmem:s13], [sflag:s12] =	dma.local @!p0 [hbm:s5], $0x30E0  }
0x18: {  	_ =	swait.ge @!p0 [sflag:s20], $0x30E0  }
0x19: {  	[sflag:s20] =	ssyncset.done @!p0 $0x0  }
0x1a: {  	[sflag:s20] =	ssyncadd.s32 @!p0 $0xFFFFCF20  }
0x1b: {  	s30 =	sadd.s32 $0x0, s10;
	[bflag:$0x0] =	sbarrier.arrive $0xFFFF  }
0x1c: {  	[tilespmem:s3], [sflag:$0x2] =	stream.linear.gather [hbm4b:s30+s3], $0xC8, $0x38;
	[tilespmem:$0x1A130] =	vst v63  }
0x1d: {  	_ =	swait.ge [sflag:s14], $0xC8  }
0x1e: {  	[sflag:s14] =	ssyncset.done $0x0  }
0x1f: {  	s31 =	sadd.s32 $0x0, s9;
	[sflag:s14] =	ssyncadd.s32 $0xFFFFFF38  }
0x20: {  	[tilespmem:s15], [sflag:$0x2] =	stream.linear.gather [hbm4b:s31+s3], $0xC8, $0x38;
	[tilespmem:$0x1A130] =	vst v63  }
0x21: {  	_ =	swait.ge [sflag:s14], $0xC8  }
0x22: {  	[sflag:s14] =	ssyncset.done $0x0  }
0x23: {  	[sflag:s14] =	ssyncadd.s32 $0xFFFFFF38  }
0x24: {  	[tilespmem:s16], [sflag:$0x1] =	stream.indirect.gather [hbm4b:s4+s15], $0x20, s3, s15, $0xb8;
	[tilespmem:$0x1A130] =	vst v63  }
0x25: {  	_ =	swait.ge [sflag:s17], $0x1900  }
0x26: {  	[sflag:s17] =	ssyncset.done $0x0  }
0x27: {  	[sflag:s17] =	ssyncadd.s32 $0xFFFFE700  }
0x28: {  	[spmem:s2] =	stream.indirect.scatter.add.f32 [tilespmem:s16], [sflag:$0x2], $0x20, s15, s15, $0xb8;
	[tilespmem:$0x1A130] =	vst v63  }
0x29: {  	_ =	swait.ge [sflag:s14], $0x1900  }
0x2a: {  	s21 =	simm.s32 $0x32;
	s20 =	simm.s32 $0x19;
	[sflag:s14] =	ssyncset.done $0x0  }
.LBB2_2:
0x2b: {  	s22 =	sadd.s32 s20, s10  }
0x2c: {  	[sflag:s14] =	ssyncadd.s32 $0xFFFFE700;
	s23 =	smov.u32 s21;
	s24 =	sadd.s32 $0x19, s21  }
0x2d: {  	[tilespmem:s3], [sflag:$0x2] =	stream.linear.gather [hbm4b:s22+s3], $0xC8, $0x38;
	[tilespmem:$0x1A130] =	vst v63  }
0x2e: {  	p1 =	sne.s32 s21, $0xC1C;
	_ =	swait.ge [sflag:s14], $0xC8  }
0x2f: {  	[sflag:s14] =	ssyncset.done $0x0  }
0x30: {  	s21 =	sadd.s32 s20, s9;
	s20 =	smov.u32 s23;
	[sflag:s14] =	ssyncadd.s32 $0xFFFFFF38  }
0x31: {  	[tilespmem:s15], [sflag:$0x2] =	stream.linear.gather [hbm4b:s21+s3], $0xC8, $0x38;
	[tilespmem:$0x1A130] =	vst v63  }
0x32: {  	_ =	swait.ge [sflag:s14], $0xC8  }
0x33: {  	[sflag:s14] =	ssyncset.done $0x0  }
0x34: {  	[sflag:s14] =	ssyncadd.s32 $0xFFFFFF38  }
0x35: {  	[tilespmem:s16], [sflag:$0x1] =	stream.indirect.gather [hbm4b:s4+s15], $0x20, s3, s15, $0xb8;
	[tilespmem:$0x1A130] =	vst v63  }
0x36: {  	_ =	swait.ge [sflag:s17], $0x1900  }
.Ltmp0:
0x37: {  	[sflag:s17] =	ssyncset.done $0x0;
	(pc) =	sbr.rel @p1 .LBB2_2-.Ltmp0, $4  }
0x38: {  	[sflag:s17] =	ssyncadd.s32 $0xFFFFE700  }
0x39: {  	[spmem:s2] =	stream.indirect.scatter.add.f32 [tilespmem:s16], [sflag:$0x2], $0x20, s15, s15, $0xb8;
	[tilespmem:$0x1A130] =	vst v63  }
0x3a: {  	_ =	swait.ge [sflag:s14], $0x1900  }
0x3b: {  	s21 =	smov.u32 s24;
	[sflag:s14] =	ssyncset.done $0x0  }
0x3c: {  	s21 =	sadd.s32 s20, s10;
	[sflag:s14] =	ssyncadd.s32 $0xFFFFE700  }
0x3d: {  	[tilespmem:s3], [sflag:$0x2] =	stream.linear.gather [hbm4b:s21+s3], $0xC8, $0x38;
	[tilespmem:$0x1A130] =	vst v63  }
0x3e: {  	_ =	swait.ge [sflag:s14], $0xC8  }
0x3f: {  	[sflag:s14] =	ssyncset.done $0x0  }
0x40: {  	s31 =	sadd.s32 s20, s9;
	[sflag:s14] =	ssyncadd.s32 $0xFFFFFF38  }
0x41: {  	[tilespmem:s15], [sflag:$0x2] =	stream.linear.gather [hbm4b:s31+s3], $0xC8, $0x38;
	[tilespmem:$0x1A130] =	vst v63  }
0x42: {  	_ =	swait.ge [sflag:s14], $0xC8  }
0x43: {  	[sflag:s14] =	ssyncset.done $0x0  }
0x44: {  	[sflag:s14] =	ssyncadd.s32 $0xFFFFFF38  }
0x45: {  	[tilespmem:s16], [sflag:$0x1] =	stream.indirect.gather [hbm4b:s4+s15], $0x20, s3, s15, $0xb8;
	[tilespmem:$0x1A130] =	vst v63  }
0x46: {  	_ =	swait.ge [sflag:s17], $0x1900  }
0x47: {  	[sflag:s17] =	ssyncset.done $0x0  }
0x48: {  	[sflag:s17] =	ssyncadd.s32 $0xFFFFE700  }
0x49: {  	[spmem:s2] =	stream.indirect.scatter.add.f32 [tilespmem:s16], [sflag:$0x2], $0x20, s15, s15, $0xb8;
	[tilespmem:$0x1A130] =	vst v63  }
0x4a: {  	_ =	swait.ge [sflag:s14], $0x1900  }
0x4b: {  	[sflag:s14] =	ssyncset.done $0x0  }
0x4c: {  	[sflag:s14] =	ssyncadd.s32 $0xFFFFE700  }
0x4d: {  	s20 =	simm.s32 @p0 $0x1FC2;
	[bflag:$0x0] =	sbarrier.arrive $0xFFFF  }
0x4e: {  	[hbm:s7], [sflag:s20] =	dma.local @p0 [spmem:s11], $0x3020  }
0x4f: {  	s20 =	simm.s32 @p0 $0x2  }
0x50: {  	s19 =	sadd.s32 $0x1, s19;
	_ =	swait.ge @p0 [sflag:s20], $0x3020  }
0x51: {  	p1 =	sne.s32 s19, s8;
	[sflag:s20] =	ssyncset.done @p0 $0x0  }
.Ltmp1:
0x52: {  	[sflag:s20] =	ssyncadd.s32 @p0 $0xFFFFCFE0;
	s20 =	simm.s32 @!p0 $0x2;
	(pc) =	sbr.rel @p1 .LBB2_1-.Ltmp1, $4  }
0x53: {  	[hbm:s6], [sflag:s12] =	dma.local @!p0 [spmem:s18], $0x30E0  }
0x54: {  	_ =	swait.ge @!p0 [sflag:s20], $0x30E0  }
0x55: {  	[sflag:s20] =	ssyncset.done @!p0 $0x0  }
0x56: {  	[sflag:s20] =	ssyncadd.s32 @!p0 $0xFFFFCF20  }
0x57: {  	_ =	sfence.sel $0x180000  }
0x58: {  	[bflag:$0x0] =	sbarrier.arrive $0xFFFF  }
0x59: {  	p0 =	sne.s32 s0, $0x0;
	_ =	strace $0x9000005F  }
0x5a: {  	s0 =	sadd.s32 @!p0 $0x100000, s1;
	[bflag:$0x2] =	sbarrier.arrive $0xFFFF  }
0x5b: {  	[sflag:s0] =	ssyncadd.tile.s32 @!p0 $0x1;
	_ =	shalt  }
.Lfunc_end2:
_tile_overlayer_lowered:
.L_overlay_start_2:
0x5c: {  	(tag) =	ssettag $0x2  }
0x5d: {  	s0 =	rddreg [dreg:$0x0];
	s2 =	stileid.u32  }
0x5e: {  	s1 =	rddreg [dreg:$0x1];
	p0 =	sne.s32 s2, $0x0  }
0x5f: {  	s3 =	rddreg [dreg:$0x2];
	[bflag:$0x3] =	sbarrier.arrive $0xFFFF;
	s2 =	simm.s32 @!p0 $0x1C02  }
0x60: {  	[timem:s3], [sflag:s2] =	dma.local @!p0 [hbm:s0], s1  }
0x61: {  	s0 =	simm.s32 @!p0 $0x2  }
0x62: {  	_ =	swait.ge @!p0 [sflag:s0], s1  }
0x63: {  	s1 =	ssub.s32 @!p0 $0x0, s1;
	[sflag:s0] =	ssyncset.done @!p0 $0x0  }
0x64: {  	[sflag:s0] =	ssyncadd.s32 @!p0 s1  }
0x65: {  	[bflag:$0x3] =	sbarrier.arrive $0xFFFF  }
0x66: {  	_ =	shalt  }

// kernel: kernel.46.cloned.1.call-start
scs
__scs_entry_jumppad:
0x0: {  	(pc) =	sbr.rel $0x88, $3  }
0x1: {  	(tag) =	ssettag $0x0;
	lr =	simm.s32 $0x1  }
0x2: {  	[smem:$0x3F8E] =	sst lr;
	_ =	strace $0xD0000000  }
0x3: {  	_ = 	snop  }
0x4: {  	_ = 	snop  }
0x5: {  	_ = 	snop  }
0x6: {  	_ = 	snop  }
0x7: {  	_ = 	snop  }
__scs_overlays_trampoline_lowered:
0x8: {  	[smem:$0x3F9D] =	sst s0  }
0x9: {  	[smem:$0x3F9E] =	sst s1  }
0xa: {  	[smem:$0x3F9F] =	sst s2  }
0xb: {  	[smem:$0x3FA0] =	sst s3  }
0xc: {  	[smem:$0x3FA1] =	sst s4  }
0xd: {  	[smem:$0x3FA2] =	sst s5  }
0xe: {  	[smem:$0x3FA3] =	sst s6  }
0xf: {  	[smem:$0x3FA4] =	sst s7  }
0x10: {  	[smem:$0x3FA5] =	sst s8  }
0x11: {  	[smem:$0x3FA6] =	sst s9;
	s0 =	simm.s32 @!p0 $0x0  }
0x12: {  	s1 =	sld [smem:$0x3F8C];
	s0 =	simm.s32 @p0 $0x1  }
0x13: {  	[smem:$0x3FA7] =	sst s0;
	s0 =	simm.s32 @!p1 $0x0  }
0x14: {  	s2 =	sld [smem:$0x3F8B];
	s0 =	simm.s32 @p1 $0x1  }
0x15: {  	[smem:$0x3FA8] =	sst s0;
	s0 =	simm.s32 @!p2 $0x0  }
0x16: {  	s3 =	sld [smem:$0x3FDB];
	s0 =	simm.s32 @p2 $0x1  }
0x17: {  	s4 =	simm.s32 $0x1BF5;
	[smem:$0x3FAA] =	sst s0  }
0x18: {  	s0 =	sld [smem:$0x3F8D];
	_ =	swait.ge [sflag:s4], $0x0  }
0x19: {  	s7 =	sld [smem:$0x3F8E]  }
0x1a: {  	s8 =	sadd.s32 $0xFFFFE003, lr  }
0x1b: {  	s9 =	sadd.s32 $0xFFFFFEF7, lr;
	s5 =	simm.s32 $0xFFFFFFFF;
	p2 =	slt.u32 s8, $0xFFFFF086  }
0x1c: {  	p1 =	slt.u32 s9, $0xF7A;
	s5 =	simm.s32 @!p2 $0x0  }
0x1d: {  	s5 =	simm.s32 @p1 $0x1;
	p0 =	seq.s32 s7, s2  }
0x1e: {  	s7 =	smul.u32 @!p0 $0xF7A, s2;
	p2 =	seq.s32 @!p0 s5, $0x0  }
0x1f: {  	s9 =	smul.u32 $0xF7A, s1;
	s8 =	simm.s32 @!p0 $0x1BF5;
	p2 =	por !p2, p0  }
0x20: {  	[sflag:s8] =	ssyncset.s32 @!p0 $0xFFFFF086;
	s6 =	sadd.s32 @!p0 s3, s7;
	s7 =	simm.s32 @!p0 $0x108  }
0x21: {  	s3 =	sadd.s32 s3, s9;
	s6 =	sadd.s32 @!p0 $0x88, s6;
	s7 =	simm.s32 @p2 $0x1082  }
0x22: {  	[simem:s7], [sflag:s8] =	dma.local @!p0 [hbm:s6], $0xF7A  }
0x23: {  	s9 =	sor.u32 $0xD0000000, s2;
	s6 =	simm.s32 $0x108;
	_ =	swait.ge @!p0 [sflag:s8], $0x0  }
0x24: {  	s3 =	sadd.s32 $0x88, s3;
	s6 =	simm.s32 @!p1 $0x1082;
	[sflag:s4] =	ssyncset.s32 $0xFFFFF086  }
0x25: {  	[simem:s6], [sflag:s4] =	dma.local [hbm:s3], $0xF7A  }
0x26: {  	[smem:$0x3F8E] =	sst s1;
	(tag) =	ssettag s2;
	_ =	strace s9  }
0x27: {  	s1 =	sld [smem:$0x3F9E]  }
0x28: {  	s2 =	sld [smem:$0x3F9F]  }
0x29: {  	s4 =	sld [smem:$0x3FA1]  }
0x2a: {  	p0 =	seq.s32 s5, $0x0;
	s5 =	sld [smem:$0x3FA2]  }
0x2b: {  	s6 =	sld [smem:$0x3FA3]  }
0x2c: {  	s7 =	sld [smem:$0x3FA4]  }
0x2d: {  	s3 =	simm.s32 $0x108;
	s8 =	sld [smem:$0x3FA5]  }
0x2e: {  	s3 =	simm.s32 @!p0 $0x1082;
	s9 =	sld [smem:$0x3FA6]  }
0x2f: {  	lr =	sadd.s32 s0, s3;
	s0 =	sld [smem:$0x3F9D]  }
0x30: {  	s3 =	sld [smem:$0x3FA0]  }
0x31: {  	[smem:$0x3FA9] =	sst s10  }
0x32: {  	s10 =	sld [smem:$0x3FA7];
	_ =	sdelay $0x3  }
0x33: {  	p0 =	seq.s32 s10, $0x1;
	s10 =	sld [smem:$0x3FA9];
	_ =	sdelay $0x3  }
0x34: {  	[smem:$0x3FA9] =	sst s10  }
0x35: {  	s10 =	sld [smem:$0x3FA8];
	_ =	sdelay $0x3  }
0x36: {  	p1 =	seq.s32 s10, $0x1;
	s10 =	sld [smem:$0x3FA9];
	_ =	sdelay $0x3  }
0x37: {  	[smem:$0x3FA9] =	sst s10  }
0x38: {  	s10 =	sld [smem:$0x3FAA]  }
0x39: {  	_ = 	snop;
	(pc) =	sbr.ind lr, $3  }
0x3a: {  	_ = 	snop  }
0x3b: {  	_ = 	snop  }
0x3c: {  	p2 =	seq.s32 s10, $0x1;
	s10 =	sld [smem:$0x3FA9]  }
0x3d: {  	_ =	shalt  }
0x3e: {  	_ =	shalt  }
0x3f: {  	_ =	shalt  }
0x40: {  	_ =	shalt  }
0x41: {  	_ =	shalt  }
0x42: {  	_ =	shalt  }
0x43: {  	_ =	shalt  }
0x44: {  	_ =	shalt  }
0x45: {  	_ =	shalt  }
0x46: {  	_ =	shalt  }
0x47: {  	_ =	shalt  }
0x48: {  	_ =	shalt  }
0x49: {  	_ =	shalt  }
0x4a: {  	_ =	shalt  }
0x4b: {  	_ =	shalt  }
0x4c: {  	_ =	shalt  }
0x4d: {  	_ =	shalt  }
0x4e: {  	_ =	shalt  }
0x4f: {  	_ =	shalt  }
0x50: {  	_ =	shalt  }
0x51: {  	_ =	shalt  }
0x52: {  	_ =	shalt  }
0x53: {  	_ =	shalt  }
0x54: {  	_ =	shalt  }
0x55: {  	_ =	shalt  }
0x56: {  	_ =	shalt  }
0x57: {  	_ =	shalt  }
0x58: {  	_ =	shalt  }
0x59: {  	_ =	shalt  }
0x5a: {  	_ =	shalt  }
0x5b: {  	_ =	shalt  }
0x5c: {  	_ =	shalt  }
0x5d: {  	_ =	shalt  }
0x5e: {  	_ =	shalt  }
0x5f: {  	_ =	shalt  }
0x60: {  	_ =	shalt  }
0x61: {  	_ =	shalt  }
0x62: {  	_ =	shalt  }
0x63: {  	_ =	shalt  }
0x64: {  	_ =	shalt  }
0x65: {  	_ =	shalt  }
0x66: {  	_ =	shalt  }
0x67: {  	_ =	shalt  }
0x68: {  	_ =	shalt  }
0x69: {  	_ =	shalt  }
0x6a: {  	_ =	shalt  }
0x6b: {  	_ =	shalt  }
0x6c: {  	_ =	shalt  }
0x6d: {  	_ =	shalt  }
0x6e: {  	_ =	shalt  }
0x6f: {  	_ =	shalt  }
0x70: {  	_ =	shalt  }
0x71: {  	_ =	shalt  }
0x72: {  	_ =	shalt  }
0x73: {  	_ =	shalt  }
0x74: {  	_ =	shalt  }
0x75: {  	_ =	shalt  }
0x76: {  	_ =	shalt  }
0x77: {  	_ =	shalt  }
0x78: {  	_ =	shalt  }
0x79: {  	_ =	shalt  }
0x7a: {  	_ =	shalt  }
0x7b: {  	_ =	shalt  }
0x7c: {  	_ =	shalt  }
0x7d: {  	_ =	shalt  }
0x7e: {  	_ =	shalt  }
0x7f: {  	_ =	shalt  }
0x80: {  	_ =	shalt  }
0x81: {  	_ =	shalt  }
0x82: {  	_ =	shalt  }
0x83: {  	_ =	shalt  }
0x84: {  	_ =	shalt  }
0x85: {  	_ =	shalt  }
0x86: {  	_ =	shalt  }
0x87: {  	_ =	shalt  }
.Lfunc_end0:
.L_simem_size_0:
called_computation.9_lowered:
.L_overlay_start_0:
0x88: {  	s2 =	sld [smem:$0x3FD9]  }
0x89: {  	s3 =	sld [smem:$0x3FFE];
	_ =	sdelay $0x1  }
0x8a: {  	s1 =	srdreg.scid  }
0x8b: {  	s0 =	sand.u32 $0x1, s1  }
0x8c: {  	s17 =	sshll.u32 s0, $0xA;
	s2 =	sadd.s32 s3, s2  }
0x8d: {  	s2 =	sadd.s32 s2, s17  }
0x8e: {  	[smem:$0x3FB5] =	sst s2  }
0x8f: {  	_ = 	snop  }
0x90: {  	(tm) =	ssettm $0x1  }
0x91: {  	s18 =	sld [smem:$0x3FFB];
	_ =	sdelay $0x3  }
0x92: {  	_ =	strace s18  }
0x93: {  	s2 =	sld [smem:$0x3FFC];
	_ =	sdelay $0x3  }
0x94: {  	_ =	strace s2  }
0x95: {  	s2 =	sld [smem:$0x3FFD];
	_ =	sdelay $0x3  }
0x96: {  	_ =	strace s2  }
0x97: {  	_ =	strace $0x8FFFFFFF  }
0x98: {  	s19 =	sld [smem:$0x3FDB];
	_ =	sdelay $0x1  }
0x99: {  	s20 =	simm.s32 $_scs_section_size  }
0x9a: {  	s4 =	simm.s32 $_size__tile_overlayer_lowered;
	s5 =	simm.s32 $_tile_overlayer_lowered  }
0x9b: {  	s6 =	simm.s32 $0x1BFF;
	s21 =	sshll.u32 s5, $0x1;
	s3 =	sadd.s32 s20, s19  }
0x9c: {  	s22 =	simm.s32 $0x0;
	s4 =	sshll.u32 s4, $0x1;
	s5 =	sadd.s32 s21, s3  }
0x9d: {  	[timem:s22], [sflag:s6] =	dma.local [hbm:s5], s4  }
0x9e: {  	_ =	swait.ge [sflag:s6], s4  }
0x9f: {  	s4 =	ssub.s32 $0x0, s4;
	[sflag:s6] =	ssyncset.done $0x0  }
0xa0: {  	[sflag:s6] =	ssyncadd.s32 s4;
	_ =	sdelay $0x1  }
0xa1: {  	s23 =	simm.s32 $0x1B8B  }
0xa2: {  	_ =	swait.ge [sflag:s23], $0x1  }
0xa3: {  	[sflag:s23] =	ssyncset.done $0x0  }
0xa4: {  	[sflag:s23] =	ssyncadd.s32 $0xFFFFFFFF  }
0xa5: {  	s4 =	sld [smem:$0x0]  }
0xa6: {  	s5 =	sand.u32 $0xFFFFFFFE, s1  }
0xa7: {  	p0 =	sne.s32 s1, s5  }
0xa8: {  	s5 =	sshll.u32 @p0 s5, $0xE  }
0xa9: {  	s5 =	sadd.s32 @p0 $0x11B8D, s5;
	s6 =	sshll.u32 @p0 s4, $0x11  }
0xaa: {  	s5 =	sor.u32 @p0 s6, s5  }
0xab: {  	[sflag:s5] =	ssyncadd.remote.s32 @p0 $0x1;
	_ =	sdelay $0x1  }
0xac: {  	s5 =	simm.s32 @p0 $0x1B8D  }
0xad: {  	_ =	swait.eq @p0 [sflag:s5], $0x1  }
0xae: {  	[sflag:s5] =	ssyncadd.s32 @p0 $0xFFFFFFFF  }
0xaf: {  	s6 =	sshll.u32 @!p0 s1, $0xE  }
0xb0: {  	s6 =	sor.u32 @!p0 $0x4000, s6;
	s5 =	simm.s32 @!p0 $0x1B8D  }
0xb1: {  	s4 =	sshll.u32 @!p0 s4, $0x11;
	s6 =	sadd.s32 @!p0 $0x11B8D, s6;
	_ =	swait.eq @!p0 [sflag:s5], $0x1  }
0xb2: {  	s4 =	sor.u32 @!p0 s4, s6;
	[sflag:s5] =	ssyncadd.s32 @!p0 $0xFFFFFFFF  }
0xb3: {  	s25 =	simm.s32 $0x1B8E;
	s24 =	sld [smem:$0x3FFE];
	[sflag:s4] =	ssyncadd.remote.s32 @!p0 $0x1  }
0xb4: {  	s26 =	simm.s32 $execute0_lowered;
	[smem:$0x3FD2] =	sst s25  }
0xb5: {  	s5 =	sshll.u32 s26, $0x1;
	_ =	strace $0x80000061;
	[dreg:$0x1] =	wrdreg $0xFFFFFFFF  }
0xb6: {  	s28 =	simm.s32 $_size_execute0_lowered;
	s3 =	sadd.s32 s3, s5;
	[dreg:$0x0] =	wrdreg $0x0  }
0xb7: {  	s5 =	sshll.u32 s28, $0x1;
	[dreg:$0x2] =	wrdreg s3  }
0xb8: {  	[dreg:$0x3] =	wrdreg s5  }
0xb9: {  	[dreg:$0x4] =	wrdreg $0xC0  }
0xba: {  	_ =	task [dreg:s22], $0x5FFFF  }
0xbb: {  	[dreg:$0x1] =	wrdreg $0xFFFFFFFF  }
0xbc: {  	[dreg:$0x0] =	wrdreg $0x60  }
0xbd: {  	[dreg:$0x2] =	wrdreg s24  }
0xbe: {  	[dreg:$0x3] =	wrdreg $0x1A900  }
0xbf: {  	[dreg:$0x4] =	wrdreg $0xA  }
0xc0: {  	_ =	task.clear_ibuf [dreg:s22], $0x5FFFF;
	_ =	strace $0x90000061  }
0xc1: {  	s29 =	simm.s32 $0xA;
	_ =	strace $0x80000063  }
0xc2: {  	_ =	swait.ge [sflag:s29], $0x1  }
0xc3: {  	[sflag:s29] =	ssyncadd.s32 $0xFFFFFFFF  }
0xc4: {  	_ =	strace $0x90000063  }
0xc5: {  	_ =	sfence  }
0xc6: {  	s30 =	sld [smem:$0x0];
	_ =	sdelay $0x2  }
0xc7: {  	s31 =	sshll.u32 s1, $0xD;
	s1 =	sshrl.u32 s1, $0x2  }
0xc8: {  	s4 =	sand.u32 $0x4000, s31;
	s1 =	sadd.s32 s1, s30  }
0xc9: {  	s0 =	sor.u32 s4, s0;
	s1 =	sshll.u32 s1, $0x11  }
0xca: {  	s0 =	sor.u32 s1, s0  }
0xcb: {  	s0 =	sadd.s32 $0x8F2B, s0  }
0xcc: {  	[sflag:s0] =	ssyncadd.remote.s32 $0x1  }
0xcd: {  	_ =	sfence.sel $0xFFFF  }
0xce: {  	[dreg:$0x0] =	wrdreg $0xFFFFFFFF;
	(pc) =	sbr.abs _section_cstart, $3  }
0xcf: {  	[dreg:$0x1] =	wrdreg $0xFFFFFFFF  }
0xd0: {  	_ =	task.clear_ibuf [dreg:s22], $0x2FFFF;
	_ =	strace $0x9FFFFFFF  }
0xd1: {  	(tm) =	ssettm $0x7FFFFFFF  }
tec
execute0_lowered:
.L_overlay_start_1:
0x0: {  	(tag) =	ssettag $0x1  }
0x1: {  	s1 =	srdreg.scid;
	s6 =	rddreg [dreg:$0x0]  }
0x2: {  	s0 =	stileid.u32;
	s2 =	rddreg [dreg:$0x1];
	s3 =	simm.s32 $0x0  }
0x3: {  	s16 =	simm.s32 $0x190;
	s17 =	simm.s32 $0x1;
	s4 =	smul.u32 $0xC350, s0  }
0x4: {  	s19 =	simm.s32 $0x0;
	s7 =	sand.u32 $0x1, s1;
	s8 =	smul.u32 $0x61C00, s0  }
0x5: {  	s1 =	rddreg [dreg:$0x2];
	s11 =	smul.u32 $0x18700, s0;
	s12 =	sadd.s32 $0x1F0A00, s6  }
0x6: {  	[smem:$0x7FF] =	sst s3;
	s15 =	sadd.s32 $0x16E900, s2;
	s5 =	smul.u32 $0x61A8, s7  }
0x7: {  	p0 =	seq.s32 s0, $0xF;
	s9 =	smul.u32 $0x186A00, s7;
	s7 =	ssub.s32 $0x2, s7  }
0x8: {  	_ =	strace $0x80000062;
	s29 =	sshrl.u32 s7, $0x1;
	s8 =	sshrl.u32 s8, $0x2  }
0x9: {  	s18 =	sadd.s32 s11, s2;
	s4 =	sadd.s32 s5, s4;
	s13 =	ssub.s32 s7, s29  }
0xa: {  	s14 =	sadd.s32 s8, s2;
	s30 =	sadd.s32 s11, s9;
	s31 =	sshrl.u32 s9, $0x3  }
0xb: {  	s11 =	sshrl.u32 @p0 s15, $0x3;
	s15 =	simm.s32 $0xC8;
	s18 =	sshrl.u32 @!p0 s18, $0x3  }
0xc: {  	s5 =	sshrl.u32 s4, $0x3;
	s4 =	sadd.s32 $0x9AC00, s6;
	s7 =	sadd.s32 s12, s31  }
0xd: {  	s8 =	smax.u32 s13, $0x1;
	s13 =	sshrl.u32 @!p0 s14, $0x3;
	s14 =	simm.s32 $0x2  }
0xe: {  	s10 =	sadd.s32 s5, s6;
	s5 =	sadd.s32 $0x35E00, s6;
	s6 =	sshrl.u32 s30, $0x3  }
0xf: {  	s7 =	sadd.s32 $0x2DD20, s7;
	s6 =	sadd.s32 s12, s6;
	s12 =	sshll.u32 @!p0 s0, $0x6  }
0x10: {  	s9 =	sadd.s32 $0x4E00, s10;
	s10 =	sadd.s32 $0x1D600, s10;
	s12 =	sor.u32 @!p0 $0x1C02, s12  }
.LBB2_1:
0x11: {  	s20 =	simm.s32 @p0 $0x1FC2  }
0x12: {  	[spmem:s11], [sflag:s20] =	dma.local @p0 [hbm:s5], $0x3020  }
0x13: {  	s20 =	simm.s32 @p0 $0x2  }
0x14: {  	_ =	swait.ge @p0 [sflag:s20], $0x3020  }
0x15: {  	[sflag:s20] =	ssyncset.done @p0 $0x0  }
0x16: {  	[sflag:s20] =	ssyncadd.s32 @p0 $0xFFFFCFE0;
	s20 =	simm.s32 @!p0 $0x2  }
0x17: {  	[spmem:s13], [sflag:s12] =	dma.local @!p0 [hbm:s5], $0x30E0  }
0x18: {  	_ =	swait.ge @!p0 [sflag:s20], $0x30E0  }
0x19: {  	[sflag:s20] =	ssyncset.done @!p0 $0x0  }
0x1a: {  	[sflag:s20] =	ssyncadd.s32 @!p0 $0xFFFFCF20  }
0x1b: {  	s30 =	sadd.s32 $0x0, s10;
	[bflag:$0x0] =	sbarrier.arrive $0xFFFF  }
0x1c: {  	[tilespmem:s3], [sflag:$0x2] =	stream.linear.gather [hbm4b:s30+s3], $0xC8, $0x38;
	[tilespmem:$0x1A130] =	vst v63  }
0x1d: {  	_ =	swait.ge [sflag:s14], $0xC8  }
0x1e: {  	[sflag:s14] =	ssyncset.done $0x0  }
0x1f: {  	s31 =	sadd.s32 $0x0, s9;
	[sflag:s14] =	ssyncadd.s32 $0xFFFFFF38  }
0x20: {  	[tilespmem:s15], [sflag:$0x2] =	stream.linear.gather [hbm4b:s31+s3], $0xC8, $0x38;
	[tilespmem:$0x1A130] =	vst v63  }
0x21: {  	_ =	swait.ge [sflag:s14], $0xC8  }
0x22: {  	[sflag:s14] =	ssyncset.done $0x0  }
0x23: {  	[sflag:s14] =	ssyncadd.s32 $0xFFFFFF38  }
0x24: {  	[tilespmem:s16], [sflag:$0x1] =	stream.indirect.gather [hbm4b:s4+s15], $0x20, s3, s15, $0xb8;
	[tilespmem:$0x1A130] =	vst v63  }
0x25: {  	_ =	swait.ge [sflag:s17], $0x1900  }
0x26: {  	[sflag:s17] =	ssyncset.done $0x0  }
0x27: {  	[sflag:s17] =	ssyncadd.s32 $0xFFFFE700  }
0x28: {  	[spmem:s2] =	stream.indirect.scatter.add.f32 [tilespmem:s16], [sflag:$0x2], $0x20, s15, s15, $0xb8;
	[tilespmem:$0x1A130] =	vst v63  }
0x29: {  	_ =	swait.ge [sflag:s14], $0x1900  }
0x2a: {  	s21 =	simm.s32 $0x32;
	s20 =	simm.s32 $0x19;
	[sflag:s14] =	ssyncset.done $0x0  }
.LBB2_2:
0x2b: {  	s22 =	sadd.s32 s20, s10  }
0x2c: {  	[sflag:s14] =	ssyncadd.s32 $0xFFFFE700;
	s23 =	smov.u32 s21;
	s24 =	sadd.s32 $0x19, s21  }
0x2d: {  	[tilespmem:s3], [sflag:$0x2] =	stream.linear.gather [hbm4b:s22+s3], $0xC8, $0x38;
	[tilespmem:$0x1A130] =	vst v63  }
0x2e: {  	p1 =	sne.s32 s21, $0xC1C;
	_ =	swait.ge [sflag:s14], $0xC8  }
0x2f: {  	[sflag:s14] =	ssyncset.done $0x0  }
0x30: {  	s21 =	sadd.s32 s20, s9;
	s20 =	smov.u32 s23;
	[sflag:s14] =	ssyncadd.s32 $0xFFFFFF38  }
0x31: {  	[tilespmem:s15], [sflag:$0x2] =	stream.linear.gather [hbm4b:s21+s3], $0xC8, $0x38;
	[tilespmem:$0x1A130] =	vst v63  }
0x32: {  	_ =	swait.ge [sflag:s14], $0xC8  }
0x33: {  	[sflag:s14] =	ssyncset.done $0x0  }
0x34: {  	[sflag:s14] =	ssyncadd.s32 $0xFFFFFF38  }
0x35: {  	[tilespmem:s16], [sflag:$0x1] =	stream.indirect.gather [hbm4b:s4+s15], $0x20, s3, s15, $0xb8;
	[tilespmem:$0x1A130] =	vst v63  }
0x36: {  	_ =	swait.ge [sflag:s17], $0x1900  }
.Ltmp0:
0x37: {  	[sflag:s17] =	ssyncset.done $0x0;
	(pc) =	sbr.rel @p1 .LBB2_2-.Ltmp0, $4  }
0x38: {  	[sflag:s17] =	ssyncadd.s32 $0xFFFFE700  }
0x39: {  	[spmem:s2] =	stream.indirect.scatter.add.f32 [tilespmem:s16], [sflag:$0x2], $0x20, s15, s15, $0xb8;
	[tilespmem:$0x1A130] =	vst v63  }
0x3a: {  	_ =	swait.ge [sflag:s14], $0x1900  }
0x3b: {  	s21 =	smov.u32 s24;
	[sflag:s14] =	ssyncset.done $0x0  }
0x3c: {  	s21 =	sadd.s32 s20, s10;
	[sflag:s14] =	ssyncadd.s32 $0xFFFFE700  }
0x3d: {  	[tilespmem:s3], [sflag:$0x2] =	stream.linear.gather [hbm4b:s21+s3], $0xC8, $0x38;
	[tilespmem:$0x1A130] =	vst v63  }
0x3e: {  	_ =	swait.ge [sflag:s14], $0xC8  }
0x3f: {  	[sflag:s14] =	ssyncset.done $0x0  }
0x40: {  	s31 =	sadd.s32 s20, s9;
	[sflag:s14] =	ssyncadd.s32 $0xFFFFFF38  }
0x41: {  	[tilespmem:s15], [sflag:$0x2] =	stream.linear.gather [hbm4b:s31+s3], $0xC8, $0x38;
	[tilespmem:$0x1A130] =	vst v63  }
0x42: {  	_ =	swait.ge [sflag:s14], $0xC8  }
0x43: {  	[sflag:s14] =	ssyncset.done $0x0  }
0x44: {  	[sflag:s14] =	ssyncadd.s32 $0xFFFFFF38  }
0x45: {  	[tilespmem:s16], [sflag:$0x1] =	stream.indirect.gather [hbm4b:s4+s15], $0x20, s3, s15, $0xb8;
	[tilespmem:$0x1A130] =	vst v63  }
0x46: {  	_ =	swait.ge [sflag:s17], $0x1900  }
0x47: {  	[sflag:s17] =	ssyncset.done $0x0  }
0x48: {  	[sflag:s17] =	ssyncadd.s32 $0xFFFFE700  }
0x49: {  	[spmem:s2] =	stream.indirect.scatter.add.f32 [tilespmem:s16], [sflag:$0x2], $0x20, s15, s15, $0xb8;
	[tilespmem:$0x1A130] =	vst v63  }
0x4a: {  	_ =	swait.ge [sflag:s14], $0x1900  }
0x4b: {  	[sflag:s14] =	ssyncset.done $0x0  }
0x4c: {  	[sflag:s14] =	ssyncadd.s32 $0xFFFFE700  }
0x4d: {  	s20 =	simm.s32 @p0 $0x1FC2;
	[bflag:$0x0] =	sbarrier.arrive $0xFFFF  }
0x4e: {  	[hbm:s7], [sflag:s20] =	dma.local @p0 [spmem:s11], $0x3020  }
0x4f: {  	s20 =	simm.s32 @p0 $0x2  }
0x50: {  	s19 =	sadd.s32 $0x1, s19;
	_ =	swait.ge @p0 [sflag:s20], $0x3020  }
0x51: {  	p1 =	sne.s32 s19, s8;
	[sflag:s20] =	ssyncset.done @p0 $0x0  }
.Ltmp1:
0x52: {  	[sflag:s20] =	ssyncadd.s32 @p0 $0xFFFFCFE0;
	s20 =	simm.s32 @!p0 $0x2;
	(pc) =	sbr.rel @p1 .LBB2_1-.Ltmp1, $4  }
0x53: {  	[hbm:s6], [sflag:s12] =	dma.local @!p0 [spmem:s18], $0x30E0  }
0x54: {  	_ =	swait.ge @!p0 [sflag:s20], $0x30E0  }
0x55: {  	[sflag:s20] =	ssyncset.done @!p0 $0x0  }
0x56: {  	[sflag:s20] =	ssyncadd.s32 @!p0 $0xFFFFCF20  }
0x57: {  	_ =	sfence.sel $0x180000  }
0x58: {  	[bflag:$0x0] =	sbarrier.arrive $0xFFFF  }
0x59: {  	p0 =	sne.s32 s0, $0x0;
	_ =	strace $0x90000062  }
0x5a: {  	s0 =	sadd.s32 @!p0 $0x100000, s1;
	[bflag:$0x2] =	sbarrier.arrive $0xFFFF  }
0x5b: {  	[sflag:s0] =	ssyncadd.tile.s32 @!p0 $0x1;
	_ =	shalt  }
.Lfunc_end2:
_tile_overlayer_lowered:
.L_overlay_start_2:
0x5c: {  	(tag) =	ssettag $0x2  }
0x5d: {  	s0 =	rddreg [dreg:$0x0];
	s2 =	stileid.u32  }
0x5e: {  	s1 =	rddreg [dreg:$0x1];
	p0 =	sne.s32 s2, $0x0  }
0x5f: {  	s3 =	rddreg [dreg:$0x2];
	[bflag:$0x3] =	sbarrier.arrive $0xFFFF;
	s2 =	simm.s32 @!p0 $0x1C02  }
0x60: {  	[timem:s3], [sflag:s2] =	dma.local @!p0 [hbm:s0], s1  }
0x61: {  	s0 =	simm.s32 @!p0 $0x2  }
0x62: {  	_ =	swait.ge @!p0 [sflag:s0], s1  }
0x63: {  	s1 =	ssub.s32 @!p0 $0x0, s1;
	[sflag:s0] =	ssyncset.done @!p0 $0x0  }
0x64: {  	[sflag:s0] =	ssyncadd.s32 @!p0 s1  }
0x65: {  	[bflag:$0x3] =	sbarrier.arrive $0xFFFF  }
0x66: {  	_ =	shalt  }

// kernel: kernel.49.cloned.1.call-start
scs
__scs_entry_jumppad:
0x0: {  	(pc) =	sbr.rel $0x88, $3  }
0x1: {  	(tag) =	ssettag $0x0;
	lr =	simm.s32 $0x1  }
0x2: {  	[smem:$0x3F8E] =	sst lr;
	_ =	strace $0xD0000000  }
0x3: {  	_ = 	snop  }
0x4: {  	_ = 	snop  }
0x5: {  	_ = 	snop  }
0x6: {  	_ = 	snop  }
0x7: {  	_ = 	snop  }
__scs_overlays_trampoline_lowered:
0x8: {  	[smem:$0x3F9D] =	sst s0  }
0x9: {  	[smem:$0x3F9E] =	sst s1  }
0xa: {  	[smem:$0x3F9F] =	sst s2  }
0xb: {  	[smem:$0x3FA0] =	sst s3  }
0xc: {  	[smem:$0x3FA1] =	sst s4  }
0xd: {  	[smem:$0x3FA2] =	sst s5  }
0xe: {  	[smem:$0x3FA3] =	sst s6  }
0xf: {  	[smem:$0x3FA4] =	sst s7  }
0x10: {  	[smem:$0x3FA5] =	sst s8  }
0x11: {  	[smem:$0x3FA6] =	sst s9;
	s0 =	simm.s32 @!p0 $0x0  }
0x12: {  	s1 =	sld [smem:$0x3F8C];
	s0 =	simm.s32 @p0 $0x1  }
0x13: {  	[smem:$0x3FA7] =	sst s0;
	s0 =	simm.s32 @!p1 $0x0  }
0x14: {  	s2 =	sld [smem:$0x3F8B];
	s0 =	simm.s32 @p1 $0x1  }
0x15: {  	[smem:$0x3FA8] =	sst s0;
	s0 =	simm.s32 @!p2 $0x0  }
0x16: {  	s3 =	sld [smem:$0x3FDB];
	s0 =	simm.s32 @p2 $0x1  }
0x17: {  	s4 =	simm.s32 $0x1BF5;
	[smem:$0x3FAA] =	sst s0  }
0x18: {  	s0 =	sld [smem:$0x3F8D];
	_ =	swait.ge [sflag:s4], $0x0  }
0x19: {  	s7 =	sld [smem:$0x3F8E]  }
0x1a: {  	s8 =	sadd.s32 $0xFFFFE003, lr  }
0x1b: {  	s9 =	sadd.s32 $0xFFFFFEF7, lr;
	s5 =	simm.s32 $0xFFFFFFFF;
	p2 =	slt.u32 s8, $0xFFFFF086  }
0x1c: {  	p1 =	slt.u32 s9, $0xF7A;
	s5 =	simm.s32 @!p2 $0x0  }
0x1d: {  	s5 =	simm.s32 @p1 $0x1;
	p0 =	seq.s32 s7, s2  }
0x1e: {  	s7 =	smul.u32 @!p0 $0xF7A, s2;
	p2 =	seq.s32 @!p0 s5, $0x0  }
0x1f: {  	s9 =	smul.u32 $0xF7A, s1;
	s8 =	simm.s32 @!p0 $0x1BF5;
	p2 =	por !p2, p0  }
0x20: {  	[sflag:s8] =	ssyncset.s32 @!p0 $0xFFFFF086;
	s6 =	sadd.s32 @!p0 s3, s7;
	s7 =	simm.s32 @!p0 $0x108  }
0x21: {  	s3 =	sadd.s32 s3, s9;
	s6 =	sadd.s32 @!p0 $0x88, s6;
	s7 =	simm.s32 @p2 $0x1082  }
0x22: {  	[simem:s7], [sflag:s8] =	dma.local @!p0 [hbm:s6], $0xF7A  }
0x23: {  	s9 =	sor.u32 $0xD0000000, s2;
	s6 =	simm.s32 $0x108;
	_ =	swait.ge @!p0 [sflag:s8], $0x0  }
0x24: {  	s3 =	sadd.s32 $0x88, s3;
	s6 =	simm.s32 @!p1 $0x1082;
	[sflag:s4] =	ssyncset.s32 $0xFFFFF086  }
0x25: {  	[simem:s6], [sflag:s4] =	dma.local [hbm:s3], $0xF7A  }
0x26: {  	[smem:$0x3F8E] =	sst s1;
	(tag) =	ssettag s2;
	_ =	strace s9  }
0x27: {  	s1 =	sld [smem:$0x3F9E]  }
0x28: {  	s2 =	sld [smem:$0x3F9F]  }
0x29: {  	s4 =	sld [smem:$0x3FA1]  }
0x2a: {  	p0 =	seq.s32 s5, $0x0;
	s5 =	sld [smem:$0x3FA2]  }
0x2b: {  	s6 =	sld [smem:$0x3FA3]  }
0x2c: {  	s7 =	sld [smem:$0x3FA4]  }
0x2d: {  	s3 =	simm.s32 $0x108;
	s8 =	sld [smem:$0x3FA5]  }
0x2e: {  	s3 =	simm.s32 @!p0 $0x1082;
	s9 =	sld [smem:$0x3FA6]  }
0x2f: {  	lr =	sadd.s32 s0, s3;
	s0 =	sld [smem:$0x3F9D]  }
0x30: {  	s3 =	sld [smem:$0x3FA0]  }
0x31: {  	[smem:$0x3FA9] =	sst s10  }
0x32: {  	s10 =	sld [smem:$0x3FA7];
	_ =	sdelay $0x3  }
0x33: {  	p0 =	seq.s32 s10, $0x1;
	s10 =	sld [smem:$0x3FA9];
	_ =	sdelay $0x3  }
0x34: {  	[smem:$0x3FA9] =	sst s10  }
0x35: {  	s10 =	sld [smem:$0x3FA8];
	_ =	sdelay $0x3  }
0x36: {  	p1 =	seq.s32 s10, $0x1;
	s10 =	sld [smem:$0x3FA9];
	_ =	sdelay $0x3  }
0x37: {  	[smem:$0x3FA9] =	sst s10  }
0x38: {  	s10 =	sld [smem:$0x3FAA]  }
0x39: {  	_ = 	snop;
	(pc) =	sbr.ind lr, $3  }
0x3a: {  	_ = 	snop  }
0x3b: {  	_ = 	snop  }
0x3c: {  	p2 =	seq.s32 s10, $0x1;
	s10 =	sld [smem:$0x3FA9]  }
0x3d: {  	_ =	shalt  }
0x3e: {  	_ =	shalt  }
0x3f: {  	_ =	shalt  }
0x40: {  	_ =	shalt  }
0x41: {  	_ =	shalt  }
0x42: {  	_ =	shalt  }
0x43: {  	_ =	shalt  }
0x44: {  	_ =	shalt  }
0x45: {  	_ =	shalt  }
0x46: {  	_ =	shalt  }
0x47: {  	_ =	shalt  }
0x48: {  	_ =	shalt  }
0x49: {  	_ =	shalt  }
0x4a: {  	_ =	shalt  }
0x4b: {  	_ =	shalt  }
0x4c: {  	_ =	shalt  }
0x4d: {  	_ =	shalt  }
0x4e: {  	_ =	shalt  }
0x4f: {  	_ =	shalt  }
0x50: {  	_ =	shalt  }
0x51: {  	_ =	shalt  }
0x52: {  	_ =	shalt  }
0x53: {  	_ =	shalt  }
0x54: {  	_ =	shalt  }
0x55: {  	_ =	shalt  }
0x56: {  	_ =	shalt  }
0x57: {  	_ =	shalt  }
0x58: {  	_ =	shalt  }
0x59: {  	_ =	shalt  }
0x5a: {  	_ =	shalt  }
0x5b: {  	_ =	shalt  }
0x5c: {  	_ =	shalt  }
0x5d: {  	_ =	shalt  }
0x5e: {  	_ =	shalt  }
0x5f: {  	_ =	shalt  }
0x60: {  	_ =	shalt  }
0x61: {  	_ =	shalt  }
0x62: {  	_ =	shalt  }
0x63: {  	_ =	shalt  }
0x64: {  	_ =	shalt  }
0x65: {  	_ =	shalt  }
0x66: {  	_ =	shalt  }
0x67: {  	_ =	shalt  }
0x68: {  	_ =	shalt  }
0x69: {  	_ =	shalt  }
0x6a: {  	_ =	shalt  }
0x6b: {  	_ =	shalt  }
0x6c: {  	_ =	shalt  }
0x6d: {  	_ =	shalt  }
0x6e: {  	_ =	shalt  }
0x6f: {  	_ =	shalt  }
0x70: {  	_ =	shalt  }
0x71: {  	_ =	shalt  }
0x72: {  	_ =	shalt  }
0x73: {  	_ =	shalt  }
0x74: {  	_ =	shalt  }
0x75: {  	_ =	shalt  }
0x76: {  	_ =	shalt  }
0x77: {  	_ =	shalt  }
0x78: {  	_ =	shalt  }
0x79: {  	_ =	shalt  }
0x7a: {  	_ =	shalt  }
0x7b: {  	_ =	shalt  }
0x7c: {  	_ =	shalt  }
0x7d: {  	_ =	shalt  }
0x7e: {  	_ =	shalt  }
0x7f: {  	_ =	shalt  }
0x80: {  	_ =	shalt  }
0x81: {  	_ =	shalt  }
0x82: {  	_ =	shalt  }
0x83: {  	_ =	shalt  }
0x84: {  	_ =	shalt  }
0x85: {  	_ =	shalt  }
0x86: {  	_ =	shalt  }
0x87: {  	_ =	shalt  }
.Lfunc_end0:
.L_simem_size_0:
called_computation.10_lowered:
.L_overlay_start_0:
0x88: {  	s2 =	sld [smem:$0x3FD9]  }
0x89: {  	s3 =	sld [smem:$0x3FFE];
	_ =	sdelay $0x1  }
0x8a: {  	s1 =	srdreg.scid  }
0x8b: {  	s0 =	sand.u32 $0x1, s1  }
0x8c: {  	s16 =	sshll.u32 s0, $0xA;
	s2 =	sadd.s32 s3, s2  }
0x8d: {  	s2 =	sadd.s32 s2, s16  }
0x8e: {  	[smem:$0x3FB5] =	sst s2  }
0x8f: {  	_ = 	snop  }
0x90: {  	(tm) =	ssettm $0x1  }
0x91: {  	s17 =	sld [smem:$0x3FFB];
	_ =	sdelay $0x3  }
0x92: {  	_ =	strace s17  }
0x93: {  	s2 =	sld [smem:$0x3FFC];
	_ =	sdelay $0x3  }
0x94: {  	_ =	strace s2  }
0x95: {  	s2 =	sld [smem:$0x3FFD];
	_ =	sdelay $0x3  }
0x96: {  	_ =	strace s2  }
0x97: {  	_ =	strace $0x8FFFFFFF  }
0x98: {  	s18 =	sld [smem:$0x3FDB];
	_ =	sdelay $0x1  }
0x99: {  	s19 =	simm.s32 $_scs_section_size  }
0x9a: {  	s4 =	simm.s32 $_size__tile_overlayer_lowered;
	s5 =	simm.s32 $_tile_overlayer_lowered  }
0x9b: {  	s22 =	simm.s32 $0x1BFF;
	s21 =	sshll.u32 s5, $0x1;
	s2 =	sadd.s32 s19, s18  }
0x9c: {  	s6 =	simm.s32 $0x0;
	s20 =	sshll.u32 s4, $0x1;
	s4 =	sadd.s32 s21, s2  }
0x9d: {  	[timem:s6], [sflag:s22] =	dma.local [hbm:s4], s20  }
0x9e: {  	_ =	swait.ge [sflag:s22], s20  }
0x9f: {  	s3 =	ssub.s32 $0x0, s20;
	[sflag:s22] =	ssyncset.done $0x0  }
0xa0: {  	[sflag:s22] =	ssyncadd.s32 s3;
	_ =	sdelay $0x1  }
0xa1: {  	s23 =	simm.s32 $0x1B8B  }
0xa2: {  	_ =	swait.ge [sflag:s23], $0x1  }
0xa3: {  	[sflag:s23] =	ssyncset.done $0x0  }
0xa4: {  	s25 =	simm.s32 $0x1B8E;
	s24 =	sld [smem:$0x3FFE];
	[sflag:s23] =	ssyncadd.s32 $0xFFFFFFFF  }
0xa5: {  	s26 =	simm.s32 $execute0_lowered;
	[smem:$0x3FD2] =	sst s25  }
0xa6: {  	s4 =	sshll.u32 s26, $0x1;
	_ =	strace $0x80000064;
	[dreg:$0x1] =	wrdreg $0xFFFFFFFF  }
0xa7: {  	s28 =	simm.s32 $_size_execute0_lowered;
	s2 =	sadd.s32 s2, s4;
	[dreg:$0x0] =	wrdreg $0x0  }
0xa8: {  	s4 =	sshll.u32 s28, $0x1;
	[dreg:$0x2] =	wrdreg s2  }
0xa9: {  	[dreg:$0x3] =	wrdreg s4  }
0xaa: {  	[dreg:$0x4] =	wrdreg $0xC0  }
0xab: {  	_ =	task [dreg:s6], $0x5FFFF  }
0xac: {  	[dreg:$0x1] =	wrdreg $0xFFFFFFFF  }
0xad: {  	[dreg:$0x0] =	wrdreg $0x60  }
0xae: {  	[dreg:$0x2] =	wrdreg s24  }
0xaf: {  	[dreg:$0x3] =	wrdreg $0x1A900  }
0xb0: {  	[dreg:$0x4] =	wrdreg $0x9  }
0xb1: {  	_ =	task.clear_ibuf [dreg:s6], $0x5FFFF;
	_ =	strace $0x90000064  }
0xb2: {  	s29 =	simm.s32 $0x9;
	_ =	strace $0x80000066  }
0xb3: {  	_ =	swait.ge [sflag:s29], $0x1  }
0xb4: {  	[sflag:s29] =	ssyncadd.s32 $0xFFFFFFFF  }
0xb5: {  	_ =	strace $0x90000066  }
0xb6: {  	_ =	sfence  }
0xb7: {  	s30 =	sld [smem:$0x0];
	_ =	sdelay $0x2  }
0xb8: {  	s31 =	sshll.u32 s1, $0xD;
	s1 =	sshrl.u32 s1, $0x2  }
0xb9: {  	s3 =	sand.u32 $0x4000, s31;
	s1 =	sadd.s32 s1, s30  }
0xba: {  	s0 =	sor.u32 s3, s0;
	s1 =	sshll.u32 s1, $0x11  }
0xbb: {  	s0 =	sor.u32 s1, s0  }
0xbc: {  	s0 =	sadd.s32 $0x8F2B, s0  }
0xbd: {  	[sflag:s0] =	ssyncadd.remote.s32 $0x1  }
0xbe: {  	_ =	sfence.sel $0xFFFF  }
0xbf: {  	[dreg:$0x0] =	wrdreg $0xFFFFFFFF;
	(pc) =	sbr.abs _section_cstart, $3  }
0xc0: {  	[dreg:$0x1] =	wrdreg $0xFFFFFFFF  }
0xc1: {  	_ =	task.clear_ibuf [dreg:s6], $0x2FFFF;
	_ =	strace $0x9FFFFFFF  }
0xc2: {  	(tm) =	ssettm $0x7FFFFFFF  }
0xc3: {  	_ =	shalt  }
tec
execute0_lowered:
.L_overlay_start_1:
0x0: {  	(tag) =	ssettag $0x1  }
0x1: {  	s1 =	srdreg.scid;
	s6 =	rddreg [dreg:$0x0]  }
0x2: {  	s0 =	stileid.u32;
	s2 =	rddreg [dreg:$0x1];
	s3 =	simm.s32 $0x0  }
0x3: {  	s16 =	simm.s32 $0x190;
	s17 =	simm.s32 $0x1;
	s4 =	smul.u32 $0xC350, s0  }
0x4: {  	s19 =	simm.s32 $0x0;
	s7 =	sand.u32 $0x1, s1;
	s8 =	smul.u32 $0x61C00, s0  }
0x5: {  	s1 =	rddreg [dreg:$0x2];
	s11 =	smul.u32 $0x18700, s0;
	s12 =	sadd.s32 $0x12D400, s6  }
0x6: {  	[smem:$0x7FF] =	sst s3;
	s15 =	sadd.s32 $0x16E900, s2;
	s5 =	smul.u32 $0x61A8, s7  }
0x7: {  	p0 =	seq.s32 s0, $0xF;
	s9 =	smul.u32 $0x186A00, s7;
	s7 =	ssub.s32 $0x2, s7  }
0x8: {  	_ =	strace $0x80000065;
	s29 =	sshrl.u32 s7, $0x1;
	s8 =	sshrl.u32 s8, $0x2  }
0x9: {  	s18 =	sadd.s32 s11, s2;
	s4 =	sadd.s32 s5, s4;
	s13 =	ssub.s32 s7, s29  }
0xa: {  	s14 =	sadd.s32 s8, s2;
	s30 =	sadd.s32 s11, s9;
	s31 =	sshrl.u32 s9, $0x3  }
0xb: {  	s11 =	sshrl.u32 @p0 s15, $0x3;
	s15 =	simm.s32 $0xC8;
	s18 =	sshrl.u32 @!p0 s18, $0x3  }
0xc: {  	s5 =	sshrl.u32 s4, $0x3;
	s4 =	sadd.s32 $0xFC600, s6;
	s7 =	sadd.s32 s12, s31  }
0xd: {  	s8 =	smax.u32 s13, $0x1;
	s13 =	sshrl.u32 @!p0 s14, $0x3;
	s14 =	simm.s32 $0x2  }
0xe: {  	s10 =	sadd.s32 s5, s6;
	s5 =	sadd.s32 $0x35E00, s6;
	s6 =	sshrl.u32 s30, $0x3  }
0xf: {  	s7 =	sadd.s32 $0x2DD20, s7;
	s6 =	sadd.s32 s12, s6;
	s12 =	sshll.u32 @!p0 s0, $0x6  }
0x10: {  	s9 =	sadd.s32 $0x4E00, s10;
	s10 =	sadd.s32 $0x1D600, s10;
	s12 =	sor.u32 @!p0 $0x1C02, s12  }
.LBB2_1:
0x11: {  	s20 =	simm.s32 @p0 $0x1FC2  }
0x12: {  	[spmem:s11], [sflag:s20] =	dma.local @p0 [hbm:s5], $0x3020  }
0x13: {  	s20 =	simm.s32 @p0 $0x2  }
0x14: {  	_ =	swait.ge @p0 [sflag:s20], $0x3020  }
0x15: {  	[sflag:s20] =	ssyncset.done @p0 $0x0  }
0x16: {  	[sflag:s20] =	ssyncadd.s32 @p0 $0xFFFFCFE0;
	s20 =	simm.s32 @!p0 $0x2  }
0x17: {  	[spmem:s13], [sflag:s12] =	dma.local @!p0 [hbm:s5], $0x30E0  }
0x18: {  	_ =	swait.ge @!p0 [sflag:s20], $0x30E0  }
0x19: {  	[sflag:s20] =	ssyncset.done @!p0 $0x0  }
0x1a: {  	[sflag:s20] =	ssyncadd.s32 @!p0 $0xFFFFCF20  }
0x1b: {  	s30 =	sadd.s32 $0x0, s10;
	[bflag:$0x0] =	sbarrier.arrive $0xFFFF  }
0x1c: {  	[tilespmem:s3], [sflag:$0x2] =	stream.linear.gather [hbm4b:s30+s3], $0xC8, $0x38;
	[tilespmem:$0x1A130] =	vst v63  }
0x1d: {  	_ =	swait.ge [sflag:s14], $0xC8  }
0x1e: {  	[sflag:s14] =	ssyncset.done $0x0  }
0x1f: {  	s31 =	sadd.s32 $0x0, s9;
	[sflag:s14] =	ssyncadd.s32 $0xFFFFFF38  }
0x20: {  	[tilespmem:s15], [sflag:$0x2] =	stream.linear.gather [hbm4b:s31+s3], $0xC8, $0x38;
	[tilespmem:$0x1A130] =	vst v63  }
0x21: {  	_ =	swait.ge [sflag:s14], $0xC8  }
0x22: {  	[sflag:s14] =	ssyncset.done $0x0  }
0x23: {  	[sflag:s14] =	ssyncadd.s32 $0xFFFFFF38  }
0x24: {  	[tilespmem:s16], [sflag:$0x1] =	stream.indirect.gather [hbm4b:s4+s15], $0x20, s3, s15, $0xb8;
	[tilespmem:$0x1A130] =	vst v63  }
0x25: {  	_ =	swait.ge [sflag:s17], $0x1900  }
0x26: {  	[sflag:s17] =	ssyncset.done $0x0  }
0x27: {  	[sflag:s17] =	ssyncadd.s32 $0xFFFFE700  }
0x28: {  	[spmem:s2] =	stream.indirect.scatter.add.f32 [tilespmem:s16], [sflag:$0x2], $0x20, s15, s15, $0xb8;
	[tilespmem:$0x1A130] =	vst v63  }
0x29: {  	_ =	swait.ge [sflag:s14], $0x1900  }
0x2a: {  	s21 =	simm.s32 $0x32;
	s20 =	simm.s32 $0x19;
	[sflag:s14] =	ssyncset.done $0x0  }
.LBB2_2:
0x2b: {  	s22 =	sadd.s32 s20, s10  }
0x2c: {  	[sflag:s14] =	ssyncadd.s32 $0xFFFFE700;
	s23 =	smov.u32 s21;
	s24 =	sadd.s32 $0x19, s21  }
0x2d: {  	[tilespmem:s3], [sflag:$0x2] =	stream.linear.gather [hbm4b:s22+s3], $0xC8, $0x38;
	[tilespmem:$0x1A130] =	vst v63  }
0x2e: {  	p1 =	sne.s32 s21, $0xC1C;
	_ =	swait.ge [sflag:s14], $0xC8  }
0x2f: {  	[sflag:s14] =	ssyncset.done $0x0  }
0x30: {  	s21 =	sadd.s32 s20, s9;
	s20 =	smov.u32 s23;
	[sflag:s14] =	ssyncadd.s32 $0xFFFFFF38  }
0x31: {  	[tilespmem:s15], [sflag:$0x2] =	stream.linear.gather [hbm4b:s21+s3], $0xC8, $0x38;
	[tilespmem:$0x1A130] =	vst v63  }
0x32: {  	_ =	swait.ge [sflag:s14], $0xC8  }
0x33: {  	[sflag:s14] =	ssyncset.done $0x0  }
0x34: {  	[sflag:s14] =	ssyncadd.s32 $0xFFFFFF38  }
0x35: {  	[tilespmem:s16], [sflag:$0x1] =	stream.indirect.gather [hbm4b:s4+s15], $0x20, s3, s15, $0xb8;
	[tilespmem:$0x1A130] =	vst v63  }
0x36: {  	_ =	swait.ge [sflag:s17], $0x1900  }
.Ltmp0:
0x37: {  	[sflag:s17] =	ssyncset.done $0x0;
	(pc) =	sbr.rel @p1 .LBB2_2-.Ltmp0, $4  }
0x38: {  	[sflag:s17] =	ssyncadd.s32 $0xFFFFE700  }
0x39: {  	[spmem:s2] =	stream.indirect.scatter.add.f32 [tilespmem:s16], [sflag:$0x2], $0x20, s15, s15, $0xb8;
	[tilespmem:$0x1A130] =	vst v63  }
0x3a: {  	_ =	swait.ge [sflag:s14], $0x1900  }
0x3b: {  	s21 =	smov.u32 s24;
	[sflag:s14] =	ssyncset.done $0x0  }
0x3c: {  	s21 =	sadd.s32 s20, s10;
	[sflag:s14] =	ssyncadd.s32 $0xFFFFE700  }
0x3d: {  	[tilespmem:s3], [sflag:$0x2] =	stream.linear.gather [hbm4b:s21+s3], $0xC8, $0x38;
	[tilespmem:$0x1A130] =	vst v63  }
0x3e: {  	_ =	swait.ge [sflag:s14], $0xC8  }
0x3f: {  	[sflag:s14] =	ssyncset.done $0x0  }
0x40: {  	s31 =	sadd.s32 s20, s9;
	[sflag:s14] =	ssyncadd.s32 $0xFFFFFF38  }
0x41: {  	[tilespmem:s15], [sflag:$0x2] =	stream.linear.gather [hbm4b:s31+s3], $0xC8, $0x38;
	[tilespmem:$0x1A130] =	vst v63  }
0x42: {  	_ =	swait.ge [sflag:s14], $0xC8  }
0x43: {  	[sflag:s14] =	ssyncset.done $0x0  }
0x44: {  	[sflag:s14] =	ssyncadd.s32 $0xFFFFFF38  }
0x45: {  	[tilespmem:s16], [sflag:$0x1] =	stream.indirect.gather [hbm4b:s4+s15], $0x20, s3, s15, $0xb8;
	[tilespmem:$0x1A130] =	vst v63  }
0x46: {  	_ =	swait.ge [sflag:s17], $0x1900  }
0x47: {  	[sflag:s17] =	ssyncset.done $0x0  }
0x48: {  	[sflag:s17] =	ssyncadd.s32 $0xFFFFE700  }
0x49: {  	[spmem:s2] =	stream.indirect.scatter.add.f32 [tilespmem:s16], [sflag:$0x2], $0x20, s15, s15, $0xb8;
	[tilespmem:$0x1A130] =	vst v63  }
0x4a: {  	_ =	swait.ge [sflag:s14], $0x1900  }
0x4b: {  	[sflag:s14] =	ssyncset.done $0x0  }
0x4c: {  	[sflag:s14] =	ssyncadd.s32 $0xFFFFE700  }
0x4d: {  	s20 =	simm.s32 @p0 $0x1FC2;
	[bflag:$0x0] =	sbarrier.arrive $0xFFFF  }
0x4e: {  	[hbm:s7], [sflag:s20] =	dma.local @p0 [spmem:s11], $0x3020  }
0x4f: {  	s20 =	simm.s32 @p0 $0x2  }
0x50: {  	s19 =	sadd.s32 $0x1, s19;
	_ =	swait.ge @p0 [sflag:s20], $0x3020  }
0x51: {  	p1 =	sne.s32 s19, s8;
	[sflag:s20] =	ssyncset.done @p0 $0x0  }
.Ltmp1:
0x52: {  	[sflag:s20] =	ssyncadd.s32 @p0 $0xFFFFCFE0;
	s20 =	simm.s32 @!p0 $0x2;
	(pc) =	sbr.rel @p1 .LBB2_1-.Ltmp1, $4  }
0x53: {  	[hbm:s6], [sflag:s12] =	dma.local @!p0 [spmem:s18], $0x30E0  }
0x54: {  	_ =	swait.ge @!p0 [sflag:s20], $0x30E0  }
0x55: {  	[sflag:s20] =	ssyncset.done @!p0 $0x0  }
0x56: {  	[sflag:s20] =	ssyncadd.s32 @!p0 $0xFFFFCF20  }
0x57: {  	_ =	sfence.sel $0x180000  }
0x58: {  	[bflag:$0x0] =	sbarrier.arrive $0xFFFF  }
0x59: {  	p0 =	sne.s32 s0, $0x0;
	_ =	strace $0x90000065  }
0x5a: {  	s0 =	sadd.s32 @!p0 $0x100000, s1;
	[bflag:$0x2] =	sbarrier.arrive $0xFFFF  }
0x5b: {  	[sflag:s0] =	ssyncadd.tile.s32 @!p0 $0x1;
	_ =	shalt  }
.Lfunc_end2:
_tile_overlayer_lowered:
.L_overlay_start_2:
0x5c: {  	(tag) =	ssettag $0x2  }
0x5d: {  	s0 =	rddreg [dreg:$0x0];
	s2 =	stileid.u32  }
0x5e: {  	s1 =	rddreg [dreg:$0x1];
	p0 =	sne.s32 s2, $0x0  }
0x5f: {  	s3 =	rddreg [dreg:$0x2];
	[bflag:$0x3] =	sbarrier.arrive $0xFFFF;
	s2 =	simm.s32 @!p0 $0x1C02  }
0x60: {  	[timem:s3], [sflag:s2] =	dma.local @!p0 [hbm:s0], s1  }
0x61: {  	s0 =	simm.s32 @!p0 $0x2  }
0x62: {  	_ =	swait.ge @!p0 [sflag:s0], s1  }
0x63: {  	s1 =	ssub.s32 @!p0 $0x0, s1;
	[sflag:s0] =	ssyncset.done @!p0 $0x0  }
0x64: {  	[sflag:s0] =	ssyncadd.s32 @!p0 s1  }
0x65: {  	[bflag:$0x3] =	sbarrier.arrive $0xFFFF  }
0x66: {  	_ =	shalt  }

</sc_bundles>
